<compile_context>
chip_gen: v7x
topology: tpu7x:2x2x1
jax: 0.10.2.dev20260603
libtpu: 0.0.44.dev20260713+nightly
codegen_flags: <defaults>
</compile_context>

<pallas_src>
import functools

import jax
import jax.numpy as jnp
from jax import lax
from jax.experimental import pallas as pl
from jax.experimental.pallas import tpu as pltpu
from jax.experimental.pallas import tpu_sc as plsc

VOCAB = 1000000
D = 32
B = 16384
L = 200
NCLS = 4

NC, NS = 2, 16
NW = NC * NS
BAGS_PER_W = B // NW
NB = 16
NCHUNK = BAGS_PER_W // NB
IDX_ROWS = NB * L // 128


def _tc_project(emb1d, wbig):
    def body(x_ref, w_ref, o_ref):
        x = x_ref[...].reshape(o_ref.shape[0], 256)
        o_ref[...] = jnp.dot(x, w_ref[...], preferred_element_type=jnp.float32)

    rows = VOCAB // 8
    blk = 5000
    return pl.pallas_call(
        body,
        grid=(rows // blk,),
        in_specs=[
            pl.BlockSpec((blk * 256,), lambda i: (i,)),
            pl.BlockSpec((256, 128), lambda i: (0, 0)),
        ],
        out_specs=pl.BlockSpec((blk, 128), lambda i: (i, 0)),
        out_shape=jax.ShapeDtypeStruct((rows, 128), jnp.float32),
    )(emb1d, wbig)


def _sc_bagsum(text_flat, table, bias16):
    mesh = plsc.VectorSubcoreMesh(core_axis_name="c", subcore_axis_name="s")

    @functools.partial(
        pl.kernel,
        mesh=mesh,
        out_type=jax.ShapeDtypeStruct((B * NCLS,), jnp.float32),
        scratch_types=[
            pltpu.VMEM((NB * L,), jnp.int32),
            pltpu.VMEM((NB * L,), jnp.int32),
            pltpu.VMEM((NB * L, 16), jnp.float32),
            pltpu.VMEM((NB * L, 16), jnp.float32),
            pltpu.VMEM((NB, 16), jnp.float32),
            pltpu.VMEM((NB * NCLS,), jnp.float32),
            pltpu.VMEM((16,), jnp.float32),
            pltpu.SemaphoreType.DMA,
            pltpu.SemaphoreType.DMA,
        ],
        compiler_params=pltpu.CompilerParams(
            use_tc_tiling_on_sc=False, needs_layout_passes=False),
    )
    def k(text_hbm, table_hbm, bias_hbm, out_hbm,
          idx0_v, idx1_v, rows0_v, rows1_v, pacc_v, out_v, bias_v,
          sem0, sem1):
        wid = lax.axis_index("s") * NC + lax.axis_index("c")
        pltpu.sync_copy(bias_hbm, bias_v)
        lane = lax.iota(jnp.int32, 16)
        div4 = lane // 4
        mod4 = lane % 4

        def issue(g, idx_v, rows_v, sem):
            bag0 = wid * BAGS_PER_W + g * NB
            pltpu.sync_copy(text_hbm.at[pl.ds(bag0 * L, NB * L)], idx_v)
            for kk in range(IDX_ROWS):
                pltpu.async_copy(
                    table_hbm.at[idx_v.at[pl.ds(kk * 128, 128)]],
                    rows_v.at[pl.ds(kk * 128, 128)],
                    sem,
                )

        def drain(idx_v, rows_v, sem):
            for kk in range(IDX_ROWS):
                pltpu.make_async_copy(
                    table_hbm.at[idx_v.at[pl.ds(kk * 128, 128)]],
                    rows_v.at[pl.ds(kk * 128, 128)],
                    sem,
                ).wait()

        def reduce(g, rows_v):
            bag0 = wid * BAGS_PER_W + g * NB
            for i in range(NB):
                def body(k2, acc):
                    r0 = i * L + k2 * 8 + div4
                    a = plsc.load_gather(rows_v, [r0, mod4])
                    b = plsc.load_gather(rows_v, [r0 + 4, mod4])
                    return acc + a + b
                acc = lax.fori_loop(0, L // 8, body,
                                    jnp.zeros((16,), jnp.float32))
                pacc_v[i, :] = acc
            for q in range(NB // 4):
                r = 4 * q + div4
                s = (plsc.load_gather(pacc_v, [r, mod4])
                     + plsc.load_gather(pacc_v, [r, mod4 + 4])
                     + plsc.load_gather(pacc_v, [r, mod4 + 8])
                     + plsc.load_gather(pacc_v, [r, mod4 + 12]))
                out_v[pl.ds(q * 16, 16)] = s + bias_v[...]
            pltpu.sync_copy(out_v, out_hbm.at[pl.ds(bag0 * NCLS, NB * NCLS)])

        issue(0, idx0_v, rows0_v, sem0)

        @pl.loop(0, NCHUNK // 2)
        def _(t):
            a = 2 * t
            issue(a + 1, idx1_v, rows1_v, sem1)
            drain(idx0_v, rows0_v, sem0)
            reduce(a, rows0_v)

            @pl.when(t < NCHUNK // 2 - 1)
            def _():
                issue(a + 2, idx0_v, rows0_v, sem0)

            drain(idx1_v, rows1_v, sem1)
            reduce(a + 1, rows1_v)

    return k(text_flat, table, bias16)


def kernel(text, emb_table, fc_w, fc_b):
    text_flat = text.astype(jnp.int32).reshape(B * L)
    w16 = jnp.pad((fc_w.T / jnp.float32(L)).astype(jnp.float32),
                  ((0, 0), (0, 16 - NCLS)))
    wbig = jnp.kron(jnp.eye(8, dtype=jnp.float32), w16)
    table = _tc_project(emb_table.reshape(VOCAB * D), wbig).reshape(VOCAB, 16)
    bias16 = jnp.tile(fc_b.astype(jnp.float32), 4)
    out_flat = _sc_bagsum(text_flat, table, bias16)
    return out_flat.reshape(B, NCLS)

# --- scband reference (transcript-rebuilt; emitter-appended) ---
"""Pipeline reference for scband-text-sentiment-32607391711374 (READ-ONLY COPY).

The authoritative reference and input builder live on the scoring server;
editing this copy changes nothing except your own understanding.
"""

import jax, jax.numpy as jnp
import numpy as np

VOCAB = 1000000
EMBED_DIM = 32
NUM_CLASS = 4
BATCH = 16384
HIST = 200

def setup_inputs(seed: int = 0) -> dict:
    key = jax.random.key(seed)
    k_text, k_emb, k_w = jax.random.split(key, 3)
    text = jax.random.randint(k_text, (BATCH, HIST), 0, VOCAB, dtype=jnp.int64 if jax.config.jax_enable_x64 else jnp.int32)
    # EmbeddingBag weight initialized uniform(-0.5, 0.5)
    emb_table = jax.random.uniform(k_emb, (VOCAB, EMBED_DIM), dtype=jnp.float32, minval=-0.5, maxval=0.5)
    fc_w = jax.random.uniform(k_w, (NUM_CLASS, EMBED_DIM), dtype=jnp.float32, minval=-0.5, maxval=0.5)
    fc_b = jnp.zeros((NUM_CLASS,), dtype=jnp.float32)
    return {"text": text, "emb_table": emb_table, "fc_w": fc_w, "fc_b": fc_b}

def reference(text, emb_table, fc_w, fc_b):
    # nn.EmbeddingBag default mode='mean': gather then mean over bag (axis=1)
    gathered = jnp.take(emb_table, text, axis=0)        # [B, L, D]
    embedded = jnp.mean(gathered, axis=1)               # [B, D]
    out = embedded @ fc_w.T + fc_b                      # [B, num_class]
    return out

if __name__ == "__main__":
    import jax
    _d = setup_inputs()
    print(jax.jit(kernel)(*tuple(_d.values())))

</pallas_src>

<mosaic_0001>
#map = affine_map<(d0, d1) -> (0)>
#map1 = affine_map<(d0, d1) -> (0, 0)>
module attributes {stable_mosaic.version = 14 : i64} {
  func.func @k(%arg0: i32, %arg1: i32, %arg2: memref<3276800xi32, #tpu.memory_space<hbm>>, %arg3: memref<1000000x16xf32, #tpu.memory_space<hbm>>, %arg4: memref<16xf32, #tpu.memory_space<hbm>>, %arg5: memref<65536xf32, #tpu.memory_space<hbm>>, %arg6: memref<3200xi32, #tpu.memory_space<vmem>>, %arg7: memref<3200xi32, #tpu.memory_space<vmem>>, %arg8: memref<3200x16xf32, #tpu.memory_space<vmem>>, %arg9: memref<3200x16xf32, #tpu.memory_space<vmem>>, %arg10: memref<16x16xf32, #tpu.memory_space<vmem>>, %arg11: memref<64xf32, #tpu.memory_space<vmem>>, %arg12: memref<16xf32, #tpu.memory_space<vmem>>, %arg13: memref<!tpu.dma_semaphore, #tpu.memory_space<semaphore_mem>>, %arg14: memref<!tpu.dma_semaphore, #tpu.memory_space<semaphore_mem>>) attributes {dimension_semantics = [#tpu.dimension_semantics<core_parallel>, #tpu.dimension_semantics<subcore_parallel>], iteration_bounds = array<i64: 2, 16>, scalar_prefetch = 0 : i64, scratch_operands = 9 : i64, tpu.core_type = #tpu.core_type<sc_vector_subcore>, window_params = [{transform_indices = #map}, {transform_indices = #map1}, {transform_indices = #map}, {transform_indices = #map}]} {
    %mul3A = arith.constant 2 : i32
    %mul3A_0 = arith.muli %arg1, %mul3A : i32
    %add3A = arith.addi %mul3A_0, %arg0 : i32
    "tpu.region"() ({
      %run_scoped3A = tpu.sem_alloc : memref<!tpu.dma_semaphore, #tpu.memory_space<semaphore_mem>>
      tpu.enqueue_dma source(%arg4 : memref<16xf32, #tpu.memory_space<hbm>>) target(%arg12 : memref<16xf32, #tpu.memory_space<vmem>>) target_semaphore(%run_scoped3A : memref<!tpu.dma_semaphore, #tpu.memory_space<semaphore_mem>>)
      tpu.wait_dma2 semaphore(%run_scoped3A : memref<!tpu.dma_semaphore, #tpu.memory_space<semaphore_mem>>) src(%arg4 : memref<16xf32, #tpu.memory_space<hbm>>) dst(%arg12 : memref<16xf32, #tpu.memory_space<vmem>>)
      tpu.yield
    }) : () -> ()
    %iota3A = tpu.iota {dimensions = array<i32: 0>} : vector<16xi32>
    %jit3A = arith.constant 4 : i32
    %div3A = vector.broadcast %jit3A : i32 to vector<16xi32>
    %div3A_1 = arith.divsi %iota3A, %div3A : vector<16xi32>
    %sign3A = arith.constant 0 : i32
    %sign3A_2 = vector.broadcast %sign3A : i32 to vector<16xi32>
    %sign3A_3 = arith.cmpi sgt, %iota3A, %sign3A_2 : vector<16xi32>
    %sign3A_4 = arith.extui %sign3A_3 : vector<16xi1> to vector<16xi32>
    %sign3A_5 = arith.constant 0 : i32
    %sign3A_6 = vector.broadcast %sign3A_5 : i32 to vector<16xi32>
    %sign3A_7 = arith.cmpi slt, %iota3A, %sign3A_6 : vector<16xi32>
    %sign3A_8 = arith.extui %sign3A_7 : vector<16xi1> to vector<16xi32>
    %sign3A_9 = arith.subi %sign3A_4, %sign3A_8 : vector<16xi32>
    %sign3A_10 = arith.constant 0 : i32
    %sign3A_11 = arith.cmpi sgt, %jit3A, %sign3A_10 : i32
    %sign3A_12 = arith.extui %sign3A_11 : i1 to i32
    %sign3A_13 = arith.constant 0 : i32
    %sign3A_14 = arith.cmpi slt, %jit3A, %sign3A_13 : i32
    %sign3A_15 = arith.extui %sign3A_14 : i1 to i32
    %sign3A_16 = arith.subi %sign3A_12, %sign3A_15 : i32
    %ne3A = vector.broadcast %sign3A_16 : i32 to vector<16xi32>
    %ne3A_17 = arith.cmpi ne, %sign3A_9, %ne3A : vector<16xi32>
    %rem3A = vector.broadcast %jit3A : i32 to vector<16xi32>
    %rem3A_18 = arith.remsi %iota3A, %rem3A : vector<16xi32>
    %ne3A_19 = arith.constant 0 : i32
    %ne3A_20 = vector.broadcast %ne3A_19 : i32 to vector<16xi32>
    %ne3A_21 = arith.cmpi ne, %rem3A_18, %ne3A_20 : vector<16xi32>
    %and3A = arith.andi %ne3A_17, %ne3A_21 : vector<16xi1>
    %sub3A = arith.constant 1 : i32
    %sub3A_22 = vector.broadcast %sub3A : i32 to vector<16xi32>
    %sub3A_23 = arith.subi %div3A_1, %sub3A_22 : vector<16xi32>
    %select_n3A = arith.select %and3A, %sub3A_23, %div3A_1 : vector<16xi1>, vector<16xi32>
    %jit3A_24 = arith.constant 4 : i32
    %eq3A = arith.constant 0 : i32
    %eq3A_25 = arith.cmpi eq, %jit3A_24, %eq3A : i32
    %jit3A_26 = arith.constant 1 : i32
    %select_n3A_27 = arith.select %eq3A_25, %jit3A_26, %jit3A_24 : i32
    %rem3A_28 = vector.broadcast %select_n3A_27 : i32 to vector<16xi32>
    %rem3A_29 = arith.remsi %iota3A, %rem3A_28 : vector<16xi32>
    %ne3A_30 = arith.constant 0 : i32
    %ne3A_31 = vector.broadcast %ne3A_30 : i32 to vector<16xi32>
    %ne3A_32 = arith.cmpi ne, %rem3A_29, %ne3A_31 : vector<16xi32>
    %lt3A = arith.constant 0 : i32
    %lt3A_33 = vector.broadcast %lt3A : i32 to vector<16xi32>
    %lt3A_34 = arith.cmpi slt, %rem3A_29, %lt3A_33 : vector<16xi32>
    %lt3A_35 = arith.constant 0 : i32
    %lt3A_36 = arith.cmpi slt, %select_n3A_27, %lt3A_35 : i32
    %ne3A_37 = vector.broadcast %lt3A_36 : i1 to vector<16xi1>
    %ne3A_38 = vector.broadcast %ne3A_37 : vector<16xi1> to vector<16xi1>
    %ne3A_39 = arith.xori %lt3A_34, %ne3A_38 : vector<16xi1>
    %and3A_40 = arith.andi %ne3A_39, %ne3A_32 : vector<16xi1>
    %add3A_41 = vector.broadcast %select_n3A_27 : i32 to vector<16xi32>
    %add3A_42 = arith.addi %rem3A_29, %add3A_41 : vector<16xi32>
    %select_n3A_43 = arith.select %and3A_40, %add3A_42, %rem3A_29 : vector<16xi1>, vector<16xi32>
    %mul3A_44 = arith.constant 512 : i32
    %mul3A_45 = arith.muli %add3A, %mul3A_44 : i32
    %add3A_46 = arith.constant 0 : i32
    %add3A_47 = arith.addi %mul3A_45, %add3A_46 : i32
    %mul3A_48 = arith.constant 200 : i32
    %mul3A_49 = arith.muli %add3A_47, %mul3A_48 : i32
    "tpu.region"() ({
      %run_scoped3A = tpu.sem_alloc : memref<!tpu.dma_semaphore, #tpu.memory_space<semaphore_mem>>
      %dma_start3A_253 = tpu.memref_slice %arg2[%mul3A_49] : memref<3276800xi32, #tpu.memory_space<hbm>> -> memref<3200xi32, #tpu.memory_space<hbm>>
      %dma_start3A_254 = tpu.memref_slice %arg2[%mul3A_49] : memref<3276800xi32, #tpu.memory_space<hbm>> -> memref<3200xi32, #tpu.memory_space<hbm>>
      tpu.enqueue_dma source(%dma_start3A_254 : memref<3200xi32, #tpu.memory_space<hbm>>) target(%arg6 : memref<3200xi32, #tpu.memory_space<vmem>>) target_semaphore(%run_scoped3A : memref<!tpu.dma_semaphore, #tpu.memory_space<semaphore_mem>>)
      %dma_wait3A = tpu.memref_slice %arg2[%mul3A_49] : memref<3276800xi32, #tpu.memory_space<hbm>> -> memref<3200xi32, #tpu.memory_space<hbm>>
      %dma_wait3A_255 = tpu.memref_slice %arg2[%mul3A_49] : memref<3276800xi32, #tpu.memory_space<hbm>> -> memref<3200xi32, #tpu.memory_space<hbm>>
      tpu.wait_dma2 semaphore(%run_scoped3A : memref<!tpu.dma_semaphore, #tpu.memory_space<semaphore_mem>>) src(%dma_wait3A_255 : memref<3200xi32, #tpu.memory_space<hbm>>) dst(%arg6 : memref<3200xi32, #tpu.memory_space<vmem>>)
      tpu.yield
    }) : () -> ()
    %dma_start3A = arith.constant 0 : i32
    %dma_start3A_50 = arith.constant 0 : i32
    %dma_start3A_51 = tpu.memref_slice %arg8[%dma_start3A, %dma_start3A_50] : memref<3200x16xf32, #tpu.memory_space<vmem>> -> memref<128x16xf32, #tpu.memory_space<vmem>>
    %dma_start3A_52 = arith.constant 0 : i32
    %dma_start3A_53 = tpu.memref_slice %arg6[%dma_start3A_52] : memref<3200xi32, #tpu.memory_space<vmem>> -> memref<128xi32, #tpu.memory_space<vmem>>
    %dma_start3A_54 = arith.constant 0 : i32
    %dma_start3A_55 = arith.constant 0 : i32
    %dma_start3A_56 = tpu.memref_slice %arg3[%dma_start3A_54, %dma_start3A_55] : memref<1000000x16xf32, #tpu.memory_space<hbm>> -> memref<1000000x16xf32, #tpu.memory_space<hbm>>
    tpu.enqueue_indirect_dma source(%dma_start3A_56 : memref<1000000x16xf32, #tpu.memory_space<hbm>>) target(%dma_start3A_51 : memref<128x16xf32, #tpu.memory_space<vmem>>) offsets(%dma_start3A_53 : memref<128xi32, #tpu.memory_space<vmem>>) semaphore(%arg13 : memref<!tpu.dma_semaphore, #tpu.memory_space<semaphore_mem>>)
    %dma_start3A_57 = arith.constant 128 : i32
    %dma_start3A_58 = arith.constant 0 : i32
    %dma_start3A_59 = tpu.memref_slice %arg8[%dma_start3A_57, %dma_start3A_58] : memref<3200x16xf32, #tpu.memory_space<vmem>> -> memref<128x16xf32, #tpu.memory_space<vmem>>
    %dma_start3A_60 = arith.constant 128 : i32
    %dma_start3A_61 = tpu.memref_slice %arg6[%dma_start3A_60] : memref<3200xi32, #tpu.memory_space<vmem>> -> memref<128xi32, #tpu.memory_space<vmem>>
    %dma_start3A_62 = arith.constant 0 : i32
    %dma_start3A_63 = arith.constant 0 : i32
    %dma_start3A_64 = tpu.memref_slice %arg3[%dma_start3A_62, %dma_start3A_63] : memref<1000000x16xf32, #tpu.memory_space<hbm>> -> memref<1000000x16xf32, #tpu.memory_space<hbm>>
    tpu.enqueue_indirect_dma source(%dma_start3A_64 : memref<1000000x16xf32, #tpu.memory_space<hbm>>) target(%dma_start3A_59 : memref<128x16xf32, #tpu.memory_space<vmem>>) offsets(%dma_start3A_61 : memref<128xi32, #tpu.memory_space<vmem>>) semaphore(%arg13 : memref<!tpu.dma_semaphore, #tpu.memory_space<semaphore_mem>>)
    %dma_start3A_65 = arith.constant 256 : i32
    %dma_start3A_66 = arith.constant 0 : i32
    %dma_start3A_67 = tpu.memref_slice %arg8[%dma_start3A_65, %dma_start3A_66] : memref<3200x16xf32, #tpu.memory_space<vmem>> -> memref<128x16xf32, #tpu.memory_space<vmem>>
    %dma_start3A_68 = arith.constant 256 : i32
    %dma_start3A_69 = tpu.memref_slice %arg6[%dma_start3A_68] : memref<3200xi32, #tpu.memory_space<vmem>> -> memref<128xi32, #tpu.memory_space<vmem>>
    %dma_start3A_70 = arith.constant 0 : i32
    %dma_start3A_71 = arith.constant 0 : i32
    %dma_start3A_72 = tpu.memref_slice %arg3[%dma_start3A_70, %dma_start3A_71] : memref<1000000x16xf32, #tpu.memory_space<hbm>> -> memref<1000000x16xf32, #tpu.memory_space<hbm>>
    tpu.enqueue_indirect_dma source(%dma_start3A_72 : memref<1000000x16xf32, #tpu.memory_space<hbm>>) target(%dma_start3A_67 : memref<128x16xf32, #tpu.memory_space<vmem>>) offsets(%dma_start3A_69 : memref<128xi32, #tpu.memory_space<vmem>>) semaphore(%arg13 : memref<!tpu.dma_semaphore, #tpu.memory_space<semaphore_mem>>)
    %dma_start3A_73 = arith.constant 384 : i32
    %dma_start3A_74 = arith.constant 0 : i32
    %dma_start3A_75 = tpu.memref_slice %arg8[%dma_start3A_73, %dma_start3A_74] : memref<3200x16xf32, #tpu.memory_space<vmem>> -> memref<128x16xf32, #tpu.memory_space<vmem>>
    %dma_start3A_76 = arith.constant 384 : i32
    %dma_start3A_77 = tpu.memref_slice %arg6[%dma_start3A_76] : memref<3200xi32, #tpu.memory_space<vmem>> -> memref<128xi32, #tpu.memory_space<vmem>>
    %dma_start3A_78 = arith.constant 0 : i32
    %dma_start3A_79 = arith.constant 0 : i32
    %dma_start3A_80 = tpu.memref_slice %arg3[%dma_start3A_78, %dma_start3A_79] : memref<1000000x16xf32, #tpu.memory_space<hbm>> -> memref<1000000x16xf32, #tpu.memory_space<hbm>>
    tpu.enqueue_indirect_dma source(%dma_start3A_80 : memref<1000000x16xf32, #tpu.memory_space<hbm>>) target(%dma_start3A_75 : memref<128x16xf32, #tpu.memory_space<vmem>>) offsets(%dma_start3A_77 : memref<128xi32, #tpu.memory_space<vmem>>) semaphore(%arg13 : memref<!tpu.dma_semaphore, #tpu.memory_space<semaphore_mem>>)
    %dma_start3A_81 = arith.constant 512 : i32
    %dma_start3A_82 = arith.constant 0 : i32
    %dma_start3A_83 = tpu.memref_slice %arg8[%dma_start3A_81, %dma_start3A_82] : memref<3200x16xf32, #tpu.memory_space<vmem>> -> memref<128x16xf32, #tpu.memory_space<vmem>>
    %dma_start3A_84 = arith.constant 512 : i32
    %dma_start3A_85 = tpu.memref_slice %arg6[%dma_start3A_84] : memref<3200xi32, #tpu.memory_space<vmem>> -> memref<128xi32, #tpu.memory_space<vmem>>
    %dma_start3A_86 = arith.constant 0 : i32
    %dma_start3A_87 = arith.constant 0 : i32
    %dma_start3A_88 = tpu.memref_slice %arg3[%dma_start3A_86, %dma_start3A_87] : memref<1000000x16xf32, #tpu.memory_space<hbm>> -> memref<1000000x16xf32, #tpu.memory_space<hbm>>
    tpu.enqueue_indirect_dma source(%dma_start3A_88 : memref<1000000x16xf32, #tpu.memory_space<hbm>>) target(%dma_start3A_83 : memref<128x16xf32, #tpu.memory_space<vmem>>) offsets(%dma_start3A_85 : memref<128xi32, #tpu.memory_space<vmem>>) semaphore(%arg13 : memref<!tpu.dma_semaphore, #tpu.memory_space<semaphore_mem>>)
    %dma_start3A_89 = arith.constant 640 : i32
    %dma_start3A_90 = arith.constant 0 : i32
    %dma_start3A_91 = tpu.memref_slice %arg8[%dma_start3A_89, %dma_start3A_90] : memref<3200x16xf32, #tpu.memory_space<vmem>> -> memref<128x16xf32, #tpu.memory_space<vmem>>
    %dma_start3A_92 = arith.constant 640 : i32
    %dma_start3A_93 = tpu.memref_slice %arg6[%dma_start3A_92] : memref<3200xi32, #tpu.memory_space<vmem>> -> memref<128xi32, #tpu.memory_space<vmem>>
    %dma_start3A_94 = arith.constant 0 : i32
    %dma_start3A_95 = arith.constant 0 : i32
    %dma_start3A_96 = tpu.memref_slice %arg3[%dma_start3A_94, %dma_start3A_95] : memref<1000000x16xf32, #tpu.memory_space<hbm>> -> memref<1000000x16xf32, #tpu.memory_space<hbm>>
    tpu.enqueue_indirect_dma source(%dma_start3A_96 : memref<1000000x16xf32, #tpu.memory_space<hbm>>) target(%dma_start3A_91 : memref<128x16xf32, #tpu.memory_space<vmem>>) offsets(%dma_start3A_93 : memref<128xi32, #tpu.memory_space<vmem>>) semaphore(%arg13 : memref<!tpu.dma_semaphore, #tpu.memory_space<semaphore_mem>>)
    %dma_start3A_97 = arith.constant 768 : i32
    %dma_start3A_98 = arith.constant 0 : i32
    %dma_start3A_99 = tpu.memref_slice %arg8[%dma_start3A_97, %dma_start3A_98] : memref<3200x16xf32, #tpu.memory_space<vmem>> -> memref<128x16xf32, #tpu.memory_space<vmem>>
    %dma_start3A_100 = arith.constant 768 : i32
    %dma_start3A_101 = tpu.memref_slice %arg6[%dma_start3A_100] : memref<3200xi32, #tpu.memory_space<vmem>> -> memref<128xi32, #tpu.memory_space<vmem>>
    %dma_start3A_102 = arith.constant 0 : i32
    %dma_start3A_103 = arith.constant 0 : i32
    %dma_start3A_104 = tpu.memref_slice %arg3[%dma_start3A_102, %dma_start3A_103] : memref<1000000x16xf32, #tpu.memory_space<hbm>> -> memref<1000000x16xf32, #tpu.memory_space<hbm>>
    tpu.enqueue_indirect_dma source(%dma_start3A_104 : memref<1000000x16xf32, #tpu.memory_space<hbm>>) target(%dma_start3A_99 : memref<128x16xf32, #tpu.memory_space<vmem>>) offsets(%dma_start3A_101 : memref<128xi32, #tpu.memory_space<vmem>>) semaphore(%arg13 : memref<!tpu.dma_semaphore, #tpu.memory_space<semaphore_mem>>)
    %dma_start3A_105 = arith.constant 896 : i32
    %dma_start3A_106 = arith.constant 0 : i32
    %dma_start3A_107 = tpu.memref_slice %arg8[%dma_start3A_105, %dma_start3A_106] : memref<3200x16xf32, #tpu.memory_space<vmem>> -> memref<128x16xf32, #tpu.memory_space<vmem>>
    %dma_start3A_108 = arith.constant 896 : i32
    %dma_start3A_109 = tpu.memref_slice %arg6[%dma_start3A_108] : memref<3200xi32, #tpu.memory_space<vmem>> -> memref<128xi32, #tpu.memory_space<vmem>>
    %dma_start3A_110 = arith.constant 0 : i32
    %dma_start3A_111 = arith.constant 0 : i32
    %dma_start3A_112 = tpu.memref_slice %arg3[%dma_start3A_110, %dma_start3A_111] : memref<1000000x16xf32, #tpu.memory_space<hbm>> -> memref<1000000x16xf32, #tpu.memory_space<hbm>>
    tpu.enqueue_indirect_dma source(%dma_start3A_112 : memref<1000000x16xf32, #tpu.memory_space<hbm>>) target(%dma_start3A_107 : memref<128x16xf32, #tpu.memory_space<vmem>>) offsets(%dma_start3A_109 : memref<128xi32, #tpu.memory_space<vmem>>) semaphore(%arg13 : memref<!tpu.dma_semaphore, #tpu.memory_space<semaphore_mem>>)
    %dma_start3A_113 = arith.constant 1024 : i32
    %dma_start3A_114 = arith.constant 0 : i32
    %dma_start3A_115 = tpu.memref_slice %arg8[%dma_start3A_113, %dma_start3A_114] : memref<3200x16xf32, #tpu.memory_space<vmem>> -> memref<128x16xf32, #tpu.memory_space<vmem>>
    %dma_start3A_116 = arith.constant 1024 : i32
    %dma_start3A_117 = tpu.memref_slice %arg6[%dma_start3A_116] : memref<3200xi32, #tpu.memory_space<vmem>> -> memref<128xi32, #tpu.memory_space<vmem>>
    %dma_start3A_118 = arith.constant 0 : i32
    %dma_start3A_119 = arith.constant 0 : i32
    %dma_start3A_120 = tpu.memref_slice %arg3[%dma_start3A_118, %dma_start3A_119] : memref<1000000x16xf32, #tpu.memory_space<hbm>> -> memref<1000000x16xf32, #tpu.memory_space<hbm>>
    tpu.enqueue_indirect_dma source(%dma_start3A_120 : memref<1000000x16xf32, #tpu.memory_space<hbm>>) target(%dma_start3A_115 : memref<128x16xf32, #tpu.memory_space<vmem>>) offsets(%dma_start3A_117 : memref<128xi32, #tpu.memory_space<vmem>>) semaphore(%arg13 : memref<!tpu.dma_semaphore, #tpu.memory_space<semaphore_mem>>)
    %dma_start3A_121 = arith.constant 1152 : i32
    %dma_start3A_122 = arith.constant 0 : i32
    %dma_start3A_123 = tpu.memref_slice %arg8[%dma_start3A_121, %dma_start3A_122] : memref<3200x16xf32, #tpu.memory_space<vmem>> -> memref<128x16xf32, #tpu.memory_space<vmem>>
    %dma_start3A_124 = arith.constant 1152 : i32
    %dma_start3A_125 = tpu.memref_slice %arg6[%dma_start3A_124] : memref<3200xi32, #tpu.memory_space<vmem>> -> memref<128xi32, #tpu.memory_space<vmem>>
    %dma_start3A_126 = arith.constant 0 : i32
    %dma_start3A_127 = arith.constant 0 : i32
    %dma_start3A_128 = tpu.memref_slice %arg3[%dma_start3A_126, %dma_start3A_127] : memref<1000000x16xf32, #tpu.memory_space<hbm>> -> memref<1000000x16xf32, #tpu.memory_space<hbm>>
    tpu.enqueue_indirect_dma source(%dma_start3A_128 : memref<1000000x16xf32, #tpu.memory_space<hbm>>) target(%dma_start3A_123 : memref<128x16xf32, #tpu.memory_space<vmem>>) offsets(%dma_start3A_125 : memref<128xi32, #tpu.memory_space<vmem>>) semaphore(%arg13 : memref<!tpu.dma_semaphore, #tpu.memory_space<semaphore_mem>>)
    %dma_start3A_129 = arith.constant 1280 : i32
    %dma_start3A_130 = arith.constant 0 : i32
    %dma_start3A_131 = tpu.memref_slice %arg8[%dma_start3A_129, %dma_start3A_130] : memref<3200x16xf32, #tpu.memory_space<vmem>> -> memref<128x16xf32, #tpu.memory_space<vmem>>
    %dma_start3A_132 = arith.constant 1280 : i32
    %dma_start3A_133 = tpu.memref_slice %arg6[%dma_start3A_132] : memref<3200xi32, #tpu.memory_space<vmem>> -> memref<128xi32, #tpu.memory_space<vmem>>
    %dma_start3A_134 = arith.constant 0 : i32
    %dma_start3A_135 = arith.constant 0 : i32
    %dma_start3A_136 = tpu.memref_slice %arg3[%dma_start3A_134, %dma_start3A_135] : memref<1000000x16xf32, #tpu.memory_space<hbm>> -> memref<1000000x16xf32, #tpu.memory_space<hbm>>
    tpu.enqueue_indirect_dma source(%dma_start3A_136 : memref<1000000x16xf32, #tpu.memory_space<hbm>>) target(%dma_start3A_131 : memref<128x16xf32, #tpu.memory_space<vmem>>) offsets(%dma_start3A_133 : memref<128xi32, #tpu.memory_space<vmem>>) semaphore(%arg13 : memref<!tpu.dma_semaphore, #tpu.memory_space<semaphore_mem>>)
    %dma_start3A_137 = arith.constant 1408 : i32
    %dma_start3A_138 = arith.constant 0 : i32
    %dma_start3A_139 = tpu.memref_slice %arg8[%dma_start3A_137, %dma_start3A_138] : memref<3200x16xf32, #tpu.memory_space<vmem>> -> memref<128x16xf32, #tpu.memory_space<vmem>>
    %dma_start3A_140 = arith.constant 1408 : i32
    %dma_start3A_141 = tpu.memref_slice %arg6[%dma_start3A_140] : memref<3200xi32, #tpu.memory_space<vmem>> -> memref<128xi32, #tpu.memory_space<vmem>>
    %dma_start3A_142 = arith.constant 0 : i32
    %dma_start3A_143 = arith.constant 0 : i32
    %dma_start3A_144 = tpu.memref_slice %arg3[%dma_start3A_142, %dma_start3A_143] : memref<1000000x16xf32, #tpu.memory_space<hbm>> -> memref<1000000x16xf32, #tpu.memory_space<hbm>>
    tpu.enqueue_indirect_dma source(%dma_start3A_144 : memref<1000000x16xf32, #tpu.memory_space<hbm>>) target(%dma_start3A_139 : memref<128x16xf32, #tpu.memory_space<vmem>>) offsets(%dma_start3A_141 : memref<128xi32, #tpu.memory_space<vmem>>) semaphore(%arg13 : memref<!tpu.dma_semaphore, #tpu.memory_space<semaphore_mem>>)
    %dma_start3A_145 = arith.constant 1536 : i32
    %dma_start3A_146 = arith.constant 0 : i32
    %dma_start3A_147 = tpu.memref_slice %arg8[%dma_start3A_145, %dma_start3A_146] : memref<3200x16xf32, #tpu.memory_space<vmem>> -> memref<128x16xf32, #tpu.memory_space<vmem>>
    %dma_start3A_148 = arith.constant 1536 : i32
    %dma_start3A_149 = tpu.memref_slice %arg6[%dma_start3A_148] : memref<3200xi32, #tpu.memory_space<vmem>> -> memref<128xi32, #tpu.memory_space<vmem>>
    %dma_start3A_150 = arith.constant 0 : i32
    %dma_start3A_151 = arith.constant 0 : i32
    %dma_start3A_152 = tpu.memref_slice %arg3[%dma_start3A_150, %dma_start3A_151] : memref<1000000x16xf32, #tpu.memory_space<hbm>> -> memref<1000000x16xf32, #tpu.memory_space<hbm>>
    tpu.enqueue_indirect_dma source(%dma_start3A_152 : memref<1000000x16xf32, #tpu.memory_space<hbm>>) target(%dma_start3A_147 : memref<128x16xf32, #tpu.memory_space<vmem>>) offsets(%dma_start3A_149 : memref<128xi32, #tpu.memory_space<vmem>>) semaphore(%arg13 : memref<!tpu.dma_semaphore, #tpu.memory_space<semaphore_mem>>)
    %dma_start3A_153 = arith.constant 1664 : i32
    %dma_start3A_154 = arith.constant 0 : i32
    %dma_start3A_155 = tpu.memref_slice %arg8[%dma_start3A_153, %dma_start3A_154] : memref<3200x16xf32, #tpu.memory_space<vmem>> -> memref<128x16xf32, #tpu.memory_space<vmem>>
    %dma_start3A_156 = arith.constant 1664 : i32
    %dma_start3A_157 = tpu.memref_slice %arg6[%dma_start3A_156] : memref<3200xi32, #tpu.memory_space<vmem>> -> memref<128xi32, #tpu.memory_space<vmem>>
    %dma_start3A_158 = arith.constant 0 : i32
    %dma_start3A_159 = arith.constant 0 : i32
    %dma_start3A_160 = tpu.memref_slice %arg3[%dma_start3A_158, %dma_start3A_159] : memref<1000000x16xf32, #tpu.memory_space<hbm>> -> memref<1000000x16xf32, #tpu.memory_space<hbm>>
    tpu.enqueue_indirect_dma source(%dma_start3A_160 : memref<1000000x16xf32, #tpu.memory_space<hbm>>) target(%dma_start3A_155 : memref<128x16xf32, #tpu.memory_space<vmem>>) offsets(%dma_start3A_157 : memref<128xi32, #tpu.memory_space<vmem>>) semaphore(%arg13 : memref<!tpu.dma_semaphore, #tpu.memory_space<semaphore_mem>>)
    %dma_start3A_161 = arith.constant 1792 : i32
    %dma_start3A_162 = arith.constant 0 : i32
    %dma_start3A_163 = tpu.memref_slice %arg8[%dma_start3A_161, %dma_start3A_162] : memref<3200x16xf32, #tpu.memory_space<vmem>> -> memref<128x16xf32, #tpu.memory_space<vmem>>
    %dma_start3A_164 = arith.constant 1792 : i32
    %dma_start3A_165 = tpu.memref_slice %arg6[%dma_start3A_164] : memref<3200xi32, #tpu.memory_space<vmem>> -> memref<128xi32, #tpu.memory_space<vmem>>
    %dma_start3A_166 = arith.constant 0 : i32
    %dma_start3A_167 = arith.constant 0 : i32
    %dma_start3A_168 = tpu.memref_slice %arg3[%dma_start3A_166, %dma_start3A_167] : memref<1000000x16xf32, #tpu.memory_space<hbm>> -> memref<1000000x16xf32, #tpu.memory_space<hbm>>
    tpu.enqueue_indirect_dma source(%dma_start3A_168 : memref<1000000x16xf32, #tpu.memory_space<hbm>>) target(%dma_start3A_163 : memref<128x16xf32, #tpu.memory_space<vmem>>) offsets(%dma_start3A_165 : memref<128xi32, #tpu.memory_space<vmem>>) semaphore(%arg13 : memref<!tpu.dma_semaphore, #tpu.memory_space<semaphore_mem>>)
    %dma_start3A_169 = arith.constant 1920 : i32
    %dma_start3A_170 = arith.constant 0 : i32
    %dma_start3A_171 = tpu.memref_slice %arg8[%dma_start3A_169, %dma_start3A_170] : memref<3200x16xf32, #tpu.memory_space<vmem>> -> memref<128x16xf32, #tpu.memory_space<vmem>>
    %dma_start3A_172 = arith.constant 1920 : i32
    %dma_start3A_173 = tpu.memref_slice %arg6[%dma_start3A_172] : memref<3200xi32, #tpu.memory_space<vmem>> -> memref<128xi32, #tpu.memory_space<vmem>>
    %dma_start3A_174 = arith.constant 0 : i32
    %dma_start3A_175 = arith.constant 0 : i32
    %dma_start3A_176 = tpu.memref_slice %arg3[%dma_start3A_174, %dma_start3A_175] : memref<1000000x16xf32, #tpu.memory_space<hbm>> -> memref<1000000x16xf32, #tpu.memory_space<hbm>>
    tpu.enqueue_indirect_dma source(%dma_start3A_176 : memref<1000000x16xf32, #tpu.memory_space<hbm>>) target(%dma_start3A_171 : memref<128x16xf32, #tpu.memory_space<vmem>>) offsets(%dma_start3A_173 : memref<128xi32, #tpu.memory_space<vmem>>) semaphore(%arg13 : memref<!tpu.dma_semaphore, #tpu.memory_space<semaphore_mem>>)
    %dma_start3A_177 = arith.constant 2048 : i32
    %dma_start3A_178 = arith.constant 0 : i32
    %dma_start3A_179 = tpu.memref_slice %arg8[%dma_start3A_177, %dma_start3A_178] : memref<3200x16xf32, #tpu.memory_space<vmem>> -> memref<128x16xf32, #tpu.memory_space<vmem>>
    %dma_start3A_180 = arith.constant 2048 : i32
    %dma_start3A_181 = tpu.memref_slice %arg6[%dma_start3A_180] : memref<3200xi32, #tpu.memory_space<vmem>> -> memref<128xi32, #tpu.memory_space<vmem>>
    %dma_start3A_182 = arith.constant 0 : i32
    %dma_start3A_183 = arith.constant 0 : i32
    %dma_start3A_184 = tpu.memref_slice %arg3[%dma_start3A_182, %dma_start3A_183] : memref<1000000x16xf32, #tpu.memory_space<hbm>> -> memref<1000000x16xf32, #tpu.memory_space<hbm>>
    tpu.enqueue_indirect_dma source(%dma_start3A_184 : memref<1000000x16xf32, #tpu.memory_space<hbm>>) target(%dma_start3A_179 : memref<128x16xf32, #tpu.memory_space<vmem>>) offsets(%dma_start3A_181 : memref<128xi32, #tpu.memory_space<vmem>>) semaphore(%arg13 : memref<!tpu.dma_semaphore, #tpu.memory_space<semaphore_mem>>)
    %dma_start3A_185 = arith.constant 2176 : i32
    %dma_start3A_186 = arith.constant 0 : i32
    %dma_start3A_187 = tpu.memref_slice %arg8[%dma_start3A_185, %dma_start3A_186] : memref<3200x16xf32, #tpu.memory_space<vmem>> -> memref<128x16xf32, #tpu.memory_space<vmem>>
    %dma_start3A_188 = arith.constant 2176 : i32
    %dma_start3A_189 = tpu.memref_slice %arg6[%dma_start3A_188] : memref<3200xi32, #tpu.memory_space<vmem>> -> memref<128xi32, #tpu.memory_space<vmem>>
    %dma_start3A_190 = arith.constant 0 : i32
    %dma_start3A_191 = arith.constant 0 : i32
    %dma_start3A_192 = tpu.memref_slice %arg3[%dma_start3A_190, %dma_start3A_191] : memref<1000000x16xf32, #tpu.memory_space<hbm>> -> memref<1000000x16xf32, #tpu.memory_space<hbm>>
    tpu.enqueue_indirect_dma source(%dma_start3A_192 : memref<1000000x16xf32, #tpu.memory_space<hbm>>) target(%dma_start3A_187 : memref<128x16xf32, #tpu.memory_space<vmem>>) offsets(%dma_start3A_189 : memref<128xi32, #tpu.memory_space<vmem>>) semaphore(%arg13 : memref<!tpu.dma_semaphore, #tpu.memory_space<semaphore_mem>>)
    %dma_start3A_193 = arith.constant 2304 : i32
    %dma_start3A_194 = arith.constant 0 : i32
    %dma_start3A_195 = tpu.memref_slice %arg8[%dma_start3A_193, %dma_start3A_194] : memref<3200x16xf32, #tpu.memory_space<vmem>> -> memref<128x16xf32, #tpu.memory_space<vmem>>
    %dma_start3A_196 = arith.constant 2304 : i32
    %dma_start3A_197 = tpu.memref_slice %arg6[%dma_start3A_196] : memref<3200xi32, #tpu.memory_space<vmem>> -> memref<128xi32, #tpu.memory_space<vmem>>
    %dma_start3A_198 = arith.constant 0 : i32
    %dma_start3A_199 = arith.constant 0 : i32
    %dma_start3A_200 = tpu.memref_slice %arg3[%dma_start3A_198, %dma_start3A_199] : memref<1000000x16xf32, #tpu.memory_space<hbm>> -> memref<1000000x16xf32, #tpu.memory_space<hbm>>
    tpu.enqueue_indirect_dma source(%dma_start3A_200 : memref<1000000x16xf32, #tpu.memory_space<hbm>>) target(%dma_start3A_195 : memref<128x16xf32, #tpu.memory_space<vmem>>) offsets(%dma_start3A_197 : memref<128xi32, #tpu.memory_space<vmem>>) semaphore(%arg13 : memref<!tpu.dma_semaphore, #tpu.memory_space<semaphore_mem>>)
    %dma_start3A_201 = arith.constant 2432 : i32
    %dma_start3A_202 = arith.constant 0 : i32
    %dma_start3A_203 = tpu.memref_slice %arg8[%dma_start3A_201, %dma_start3A_202] : memref<3200x16xf32, #tpu.memory_space<vmem>> -> memref<128x16xf32, #tpu.memory_space<vmem>>
    %dma_start3A_204 = arith.constant 2432 : i32
    %dma_start3A_205 = tpu.memref_slice %arg6[%dma_start3A_204] : memref<3200xi32, #tpu.memory_space<vmem>> -> memref<128xi32, #tpu.memory_space<vmem>>
    %dma_start3A_206 = arith.constant 0 : i32
    %dma_start3A_207 = arith.constant 0 : i32
    %dma_start3A_208 = tpu.memref_slice %arg3[%dma_start3A_206, %dma_start3A_207] : memref<1000000x16xf32, #tpu.memory_space<hbm>> -> memref<1000000x16xf32, #tpu.memory_space<hbm>>
    tpu.enqueue_indirect_dma source(%dma_start3A_208 : memref<1000000x16xf32, #tpu.memory_space<hbm>>) target(%dma_start3A_203 : memref<128x16xf32, #tpu.memory_space<vmem>>) offsets(%dma_start3A_205 : memref<128xi32, #tpu.memory_space<vmem>>) semaphore(%arg13 : memref<!tpu.dma_semaphore, #tpu.memory_space<semaphore_mem>>)
    %dma_start3A_209 = arith.constant 2560 : i32
    %dma_start3A_210 = arith.constant 0 : i32
    %dma_start3A_211 = tpu.memref_slice %arg8[%dma_start3A_209, %dma_start3A_210] : memref<3200x16xf32, #tpu.memory_space<vmem>> -> memref<128x16xf32, #tpu.memory_space<vmem>>
    %dma_start3A_212 = arith.constant 2560 : i32
    %dma_start3A_213 = tpu.memref_slice %arg6[%dma_start3A_212] : memref<3200xi32, #tpu.memory_space<vmem>> -> memref<128xi32, #tpu.memory_space<vmem>>
    %dma_start3A_214 = arith.constant 0 : i32
    %dma_start3A_215 = arith.constant 0 : i32
    %dma_start3A_216 = tpu.memref_slice %arg3[%dma_start3A_214, %dma_start3A_215] : memref<1000000x16xf32, #tpu.memory_space<hbm>> -> memref<1000000x16xf32, #tpu.memory_space<hbm>>
    tpu.enqueue_indirect_dma source(%dma_start3A_216 : memref<1000000x16xf32, #tpu.memory_space<hbm>>) target(%dma_start3A_211 : memref<128x16xf32, #tpu.memory_space<vmem>>) offsets(%dma_start3A_213 : memref<128xi32, #tpu.memory_space<vmem>>) semaphore(%arg13 : memref<!tpu.dma_semaphore, #tpu.memory_space<semaphore_mem>>)
    %dma_start3A_217 = arith.constant 2688 : i32
    %dma_start3A_218 = arith.constant 0 : i32
    %dma_start3A_219 = tpu.memref_slice %arg8[%dma_start3A_217, %dma_start3A_218] : memref<3200x16xf32, #tpu.memory_space<vmem>> -> memref<128x16xf32, #tpu.memory_space<vmem>>
    %dma_start3A_220 = arith.constant 2688 : i32
    %dma_start3A_221 = tpu.memref_slice %arg6[%dma_start3A_220] : memref<3200xi32, #tpu.memory_space<vmem>> -> memref<128xi32, #tpu.memory_space<vmem>>
    %dma_start3A_222 = arith.constant 0 : i32
    %dma_start3A_223 = arith.constant 0 : i32
    %dma_start3A_224 = tpu.memref_slice %arg3[%dma_start3A_222, %dma_start3A_223] : memref<1000000x16xf32, #tpu.memory_space<hbm>> -> memref<1000000x16xf32, #tpu.memory_space<hbm>>
    tpu.enqueue_indirect_dma source(%dma_start3A_224 : memref<1000000x16xf32, #tpu.memory_space<hbm>>) target(%dma_start3A_219 : memref<128x16xf32, #tpu.memory_space<vmem>>) offsets(%dma_start3A_221 : memref<128xi32, #tpu.memory_space<vmem>>) semaphore(%arg13 : memref<!tpu.dma_semaphore, #tpu.memory_space<semaphore_mem>>)
    %dma_start3A_225 = arith.constant 2816 : i32
    %dma_start3A_226 = arith.constant 0 : i32
    %dma_start3A_227 = tpu.memref_slice %arg8[%dma_start3A_225, %dma_start3A_226] : memref<3200x16xf32, #tpu.memory_space<vmem>> -> memref<128x16xf32, #tpu.memory_space<vmem>>
    %dma_start3A_228 = arith.constant 2816 : i32
    %dma_start3A_229 = tpu.memref_slice %arg6[%dma_start3A_228] : memref<3200xi32, #tpu.memory_space<vmem>> -> memref<128xi32, #tpu.memory_space<vmem>>
    %dma_start3A_230 = arith.constant 0 : i32
    %dma_start3A_231 = arith.constant 0 : i32
    %dma_start3A_232 = tpu.memref_slice %arg3[%dma_start3A_230, %dma_start3A_231] : memref<1000000x16xf32, #tpu.memory_space<hbm>> -> memref<1000000x16xf32, #tpu.memory_space<hbm>>
    tpu.enqueue_indirect_dma source(%dma_start3A_232 : memref<1000000x16xf32, #tpu.memory_space<hbm>>) target(%dma_start3A_227 : memref<128x16xf32, #tpu.memory_space<vmem>>) offsets(%dma_start3A_229 : memref<128xi32, #tpu.memory_space<vmem>>) semaphore(%arg13 : memref<!tpu.dma_semaphore, #tpu.memory_space<semaphore_mem>>)
    %dma_start3A_233 = arith.constant 2944 : i32
    %dma_start3A_234 = arith.constant 0 : i32
    %dma_start3A_235 = tpu.memref_slice %arg8[%dma_start3A_233, %dma_start3A_234] : memref<3200x16xf32, #tpu.memory_space<vmem>> -> memref<128x16xf32, #tpu.memory_space<vmem>>
    %dma_start3A_236 = arith.constant 2944 : i32
    %dma_start3A_237 = tpu.memref_slice %arg6[%dma_start3A_236] : memref<3200xi32, #tpu.memory_space<vmem>> -> memref<128xi32, #tpu.memory_space<vmem>>
    %dma_start3A_238 = arith.constant 0 : i32
    %dma_start3A_239 = arith.constant 0 : i32
    %dma_start3A_240 = tpu.memref_slice %arg3[%dma_start3A_238, %dma_start3A_239] : memref<1000000x16xf32, #tpu.memory_space<hbm>> -> memref<1000000x16xf32, #tpu.memory_space<hbm>>
    tpu.enqueue_indirect_dma source(%dma_start3A_240 : memref<1000000x16xf32, #tpu.memory_space<hbm>>) target(%dma_start3A_235 : memref<128x16xf32, #tpu.memory_space<vmem>>) offsets(%dma_start3A_237 : memref<128xi32, #tpu.memory_space<vmem>>) semaphore(%arg13 : memref<!tpu.dma_semaphore, #tpu.memory_space<semaphore_mem>>)
    %dma_start3A_241 = arith.constant 3072 : i32
    %dma_start3A_242 = arith.constant 0 : i32
    %dma_start3A_243 = tpu.memref_slice %arg8[%dma_start3A_241, %dma_start3A_242] : memref<3200x16xf32, #tpu.memory_space<vmem>> -> memref<128x16xf32, #tpu.memory_space<vmem>>
    %dma_start3A_244 = arith.constant 3072 : i32
    %dma_start3A_245 = tpu.memref_slice %arg6[%dma_start3A_244] : memref<3200xi32, #tpu.memory_space<vmem>> -> memref<128xi32, #tpu.memory_space<vmem>>
    %dma_start3A_246 = arith.constant 0 : i32
    %dma_start3A_247 = arith.constant 0 : i32
    %dma_start3A_248 = tpu.memref_slice %arg3[%dma_start3A_246, %dma_start3A_247] : memref<1000000x16xf32, #tpu.memory_space<hbm>> -> memref<1000000x16xf32, #tpu.memory_space<hbm>>
    tpu.enqueue_indirect_dma source(%dma_start3A_248 : memref<1000000x16xf32, #tpu.memory_space<hbm>>) target(%dma_start3A_243 : memref<128x16xf32, #tpu.memory_space<vmem>>) offsets(%dma_start3A_245 : memref<128xi32, #tpu.memory_space<vmem>>) semaphore(%arg13 : memref<!tpu.dma_semaphore, #tpu.memory_space<semaphore_mem>>)
    %scan3A = arith.constant 0 : i32
    %scan3A_249 = arith.constant 16 : i32
    %scan3A_250 = arith.addi %scan3A, %scan3A_249 : i32
    %scan3A_251 = arith.constant 1 : i32
    scf.for %scan3A_253 = %scan3A to %scan3A_250 step %scan3A_251  : i32 {
      %mul3A_254 = arith.constant 1 : i32
      %mul3A_255 = arith.muli %scan3A_253, %mul3A_254 : i32
      %add3A_256 = arith.constant 0 : i32
      %add3A_257 = arith.addi %add3A_256, %mul3A_255 : i32
      %mul3A_258 = arith.constant 2 : i32
      %mul3A_259 = arith.muli %mul3A_258, %add3A_257 : i32
      %add3A_260 = arith.constant 1 : i32
      %add3A_261 = arith.addi %mul3A_259, %add3A_260 : i32
      %mul3A_262 = arith.constant 512 : i32
      %mul3A_263 = arith.muli %add3A, %mul3A_262 : i32
      %mul3A_264 = arith.constant 16 : i32
      %mul3A_265 = arith.muli %add3A_261, %mul3A_264 : i32
      %add3A_266 = arith.addi %mul3A_263, %mul3A_265 : i32
      %mul3A_267 = arith.constant 200 : i32
      %mul3A_268 = arith.muli %add3A_266, %mul3A_267 : i32
      "tpu.region"() ({
        %run_scoped3A = tpu.sem_alloc : memref<!tpu.dma_semaphore, #tpu.memory_space<semaphore_mem>>
        %dma_start3A_1459 = tpu.memref_slice %arg2[%mul3A_268] : memref<3276800xi32, #tpu.memory_space<hbm>> -> memref<3200xi32, #tpu.memory_space<hbm>>
        %dma_start3A_1460 = tpu.memref_slice %arg2[%mul3A_268] : memref<3276800xi32, #tpu.memory_space<hbm>> -> memref<3200xi32, #tpu.memory_space<hbm>>
        tpu.enqueue_dma source(%dma_start3A_1460 : memref<3200xi32, #tpu.memory_space<hbm>>) target(%arg7 : memref<3200xi32, #tpu.memory_space<vmem>>) target_semaphore(%run_scoped3A : memref<!tpu.dma_semaphore, #tpu.memory_space<semaphore_mem>>)
        %dma_wait3A_1461 = tpu.memref_slice %arg2[%mul3A_268] : memref<3276800xi32, #tpu.memory_space<hbm>> -> memref<3200xi32, #tpu.memory_space<hbm>>
        %dma_wait3A_1462 = tpu.memref_slice %arg2[%mul3A_268] : memref<3276800xi32, #tpu.memory_space<hbm>> -> memref<3200xi32, #tpu.memory_space<hbm>>
        tpu.wait_dma2 semaphore(%run_scoped3A : memref<!tpu.dma_semaphore, #tpu.memory_space<semaphore_mem>>) src(%dma_wait3A_1462 : memref<3200xi32, #tpu.memory_space<hbm>>) dst(%arg7 : memref<3200xi32, #tpu.memory_space<vmem>>)
        tpu.yield
      }) : () -> ()
      %dma_start3A_269 = arith.constant 0 : i32
      %dma_start3A_270 = arith.constant 0 : i32
      %dma_start3A_271 = tpu.memref_slice %arg9[%dma_start3A_269, %dma_start3A_270] : memref<3200x16xf32, #tpu.memory_space<vmem>> -> memref<128x16xf32, #tpu.memory_space<vmem>>
      %dma_start3A_272 = arith.constant 0 : i32
      %dma_start3A_273 = tpu.memref_slice %arg7[%dma_start3A_272] : memref<3200xi32, #tpu.memory_space<vmem>> -> memref<128xi32, #tpu.memory_space<vmem>>
      %dma_start3A_274 = arith.constant 0 : i32
      %dma_start3A_275 = arith.constant 0 : i32
      %dma_start3A_276 = tpu.memref_slice %arg3[%dma_start3A_274, %dma_start3A_275] : memref<1000000x16xf32, #tpu.memory_space<hbm>> -> memref<1000000x16xf32, #tpu.memory_space<hbm>>
      tpu.enqueue_indirect_dma source(%dma_start3A_276 : memref<1000000x16xf32, #tpu.memory_space<hbm>>) target(%dma_start3A_271 : memref<128x16xf32, #tpu.memory_space<vmem>>) offsets(%dma_start3A_273 : memref<128xi32, #tpu.memory_space<vmem>>) semaphore(%arg14 : memref<!tpu.dma_semaphore, #tpu.memory_space<semaphore_mem>>)
      %dma_start3A_277 = arith.constant 128 : i32
      %dma_start3A_278 = arith.constant 0 : i32
      %dma_start3A_279 = tpu.memref_slice %arg9[%dma_start3A_277, %dma_start3A_278] : memref<3200x16xf32, #tpu.memory_space<vmem>> -> memref<128x16xf32, #tpu.memory_space<vmem>>
      %dma_start3A_280 = arith.constant 128 : i32
      %dma_start3A_281 = tpu.memref_slice %arg7[%dma_start3A_280] : memref<3200xi32, #tpu.memory_space<vmem>> -> memref<128xi32, #tpu.memory_space<vmem>>
      %dma_start3A_282 = arith.constant 0 : i32
      %dma_start3A_283 = arith.constant 0 : i32
      %dma_start3A_284 = tpu.memref_slice %arg3[%dma_start3A_282, %dma_start3A_283] : memref<1000000x16xf32, #tpu.memory_space<hbm>> -> memref<1000000x16xf32, #tpu.memory_space<hbm>>
      tpu.enqueue_indirect_dma source(%dma_start3A_284 : memref<1000000x16xf32, #tpu.memory_space<hbm>>) target(%dma_start3A_279 : memref<128x16xf32, #tpu.memory_space<vmem>>) offsets(%dma_start3A_281 : memref<128xi32, #tpu.memory_space<vmem>>) semaphore(%arg14 : memref<!tpu.dma_semaphore, #tpu.memory_space<semaphore_mem>>)
      %dma_start3A_285 = arith.constant 256 : i32
      %dma_start3A_286 = arith.constant 0 : i32
      %dma_start3A_287 = tpu.memref_slice %arg9[%dma_start3A_285, %dma_start3A_286] : memref<3200x16xf32, #tpu.memory_space<vmem>> -> memref<128x16xf32, #tpu.memory_space<vmem>>
      %dma_start3A_288 = arith.constant 256 : i32
      %dma_start3A_289 = tpu.memref_slice %arg7[%dma_start3A_288] : memref<3200xi32, #tpu.memory_space<vmem>> -> memref<128xi32, #tpu.memory_space<vmem>>
      %dma_start3A_290 = arith.constant 0 : i32
      %dma_start3A_291 = arith.constant 0 : i32
      %dma_start3A_292 = tpu.memref_slice %arg3[%dma_start3A_290, %dma_start3A_291] : memref<1000000x16xf32, #tpu.memory_space<hbm>> -> memref<1000000x16xf32, #tpu.memory_space<hbm>>
      tpu.enqueue_indirect_dma source(%dma_start3A_292 : memref<1000000x16xf32, #tpu.memory_space<hbm>>) target(%dma_start3A_287 : memref<128x16xf32, #tpu.memory_space<vmem>>) offsets(%dma_start3A_289 : memref<128xi32, #tpu.memory_space<vmem>>) semaphore(%arg14 : memref<!tpu.dma_semaphore, #tpu.memory_space<semaphore_mem>>)
      %dma_start3A_293 = arith.constant 384 : i32
      %dma_start3A_294 = arith.constant 0 : i32
      %dma_start3A_295 = tpu.memref_slice %arg9[%dma_start3A_293, %dma_start3A_294] : memref<3200x16xf32, #tpu.memory_space<vmem>> -> memref<128x16xf32, #tpu.memory_space<vmem>>
      %dma_start3A_296 = arith.constant 384 : i32
      %dma_start3A_297 = tpu.memref_slice %arg7[%dma_start3A_296] : memref<3200xi32, #tpu.memory_space<vmem>> -> memref<128xi32, #tpu.memory_space<vmem>>
      %dma_start3A_298 = arith.constant 0 : i32
      %dma_start3A_299 = arith.constant 0 : i32
      %dma_start3A_300 = tpu.memref_slice %arg3[%dma_start3A_298, %dma_start3A_299] : memref<1000000x16xf32, #tpu.memory_space<hbm>> -> memref<1000000x16xf32, #tpu.memory_space<hbm>>
      tpu.enqueue_indirect_dma source(%dma_start3A_300 : memref<1000000x16xf32, #tpu.memory_space<hbm>>) target(%dma_start3A_295 : memref<128x16xf32, #tpu.memory_space<vmem>>) offsets(%dma_start3A_297 : memref<128xi32, #tpu.memory_space<vmem>>) semaphore(%arg14 : memref<!tpu.dma_semaphore, #tpu.memory_space<semaphore_mem>>)
      %dma_start3A_301 = arith.constant 512 : i32
      %dma_start3A_302 = arith.constant 0 : i32
      %dma_start3A_303 = tpu.memref_slice %arg9[%dma_start3A_301, %dma_start3A_302] : memref<3200x16xf32, #tpu.memory_space<vmem>> -> memref<128x16xf32, #tpu.memory_space<vmem>>
      %dma_start3A_304 = arith.constant 512 : i32
      %dma_start3A_305 = tpu.memref_slice %arg7[%dma_start3A_304] : memref<3200xi32, #tpu.memory_space<vmem>> -> memref<128xi32, #tpu.memory_space<vmem>>
      %dma_start3A_306 = arith.constant 0 : i32
      %dma_start3A_307 = arith.constant 0 : i32
      %dma_start3A_308 = tpu.memref_slice %arg3[%dma_start3A_306, %dma_start3A_307] : memref<1000000x16xf32, #tpu.memory_space<hbm>> -> memref<1000000x16xf32, #tpu.memory_space<hbm>>
      tpu.enqueue_indirect_dma source(%dma_start3A_308 : memref<1000000x16xf32, #tpu.memory_space<hbm>>) target(%dma_start3A_303 : memref<128x16xf32, #tpu.memory_space<vmem>>) offsets(%dma_start3A_305 : memref<128xi32, #tpu.memory_space<vmem>>) semaphore(%arg14 : memref<!tpu.dma_semaphore, #tpu.memory_space<semaphore_mem>>)
      %dma_start3A_309 = arith.constant 640 : i32
      %dma_start3A_310 = arith.constant 0 : i32
      %dma_start3A_311 = tpu.memref_slice %arg9[%dma_start3A_309, %dma_start3A_310] : memref<3200x16xf32, #tpu.memory_space<vmem>> -> memref<128x16xf32, #tpu.memory_space<vmem>>
      %dma_start3A_312 = arith.constant 640 : i32
      %dma_start3A_313 = tpu.memref_slice %arg7[%dma_start3A_312] : memref<3200xi32, #tpu.memory_space<vmem>> -> memref<128xi32, #tpu.memory_space<vmem>>
      %dma_start3A_314 = arith.constant 0 : i32
      %dma_start3A_315 = arith.constant 0 : i32
      %dma_start3A_316 = tpu.memref_slice %arg3[%dma_start3A_314, %dma_start3A_315] : memref<1000000x16xf32, #tpu.memory_space<hbm>> -> memref<1000000x16xf32, #tpu.memory_space<hbm>>
      tpu.enqueue_indirect_dma source(%dma_start3A_316 : memref<1000000x16xf32, #tpu.memory_space<hbm>>) target(%dma_start3A_311 : memref<128x16xf32, #tpu.memory_space<vmem>>) offsets(%dma_start3A_313 : memref<128xi32, #tpu.memory_space<vmem>>) semaphore(%arg14 : memref<!tpu.dma_semaphore, #tpu.memory_space<semaphore_mem>>)
      %dma_start3A_317 = arith.constant 768 : i32
      %dma_start3A_318 = arith.constant 0 : i32
      %dma_start3A_319 = tpu.memref_slice %arg9[%dma_start3A_317, %dma_start3A_318] : memref<3200x16xf32, #tpu.memory_space<vmem>> -> memref<128x16xf32, #tpu.memory_space<vmem>>
      %dma_start3A_320 = arith.constant 768 : i32
      %dma_start3A_321 = tpu.memref_slice %arg7[%dma_start3A_320] : memref<3200xi32, #tpu.memory_space<vmem>> -> memref<128xi32, #tpu.memory_space<vmem>>
      %dma_start3A_322 = arith.constant 0 : i32
      %dma_start3A_323 = arith.constant 0 : i32
      %dma_start3A_324 = tpu.memref_slice %arg3[%dma_start3A_322, %dma_start3A_323] : memref<1000000x16xf32, #tpu.memory_space<hbm>> -> memref<1000000x16xf32, #tpu.memory_space<hbm>>
      tpu.enqueue_indirect_dma source(%dma_start3A_324 : memref<1000000x16xf32, #tpu.memory_space<hbm>>) target(%dma_start3A_319 : memref<128x16xf32, #tpu.memory_space<vmem>>) offsets(%dma_start3A_321 : memref<128xi32, #tpu.memory_space<vmem>>) semaphore(%arg14 : memref<!tpu.dma_semaphore, #tpu.memory_space<semaphore_mem>>)
      %dma_start3A_325 = arith.constant 896 : i32
      %dma_start3A_326 = arith.constant 0 : i32
      %dma_start3A_327 = tpu.memref_slice %arg9[%dma_start3A_325, %dma_start3A_326] : memref<3200x16xf32, #tpu.memory_space<vmem>> -> memref<128x16xf32, #tpu.memory_space<vmem>>
      %dma_start3A_328 = arith.constant 896 : i32
      %dma_start3A_329 = tpu.memref_slice %arg7[%dma_start3A_328] : memref<3200xi32, #tpu.memory_space<vmem>> -> memref<128xi32, #tpu.memory_space<vmem>>
      %dma_start3A_330 = arith.constant 0 : i32
      %dma_start3A_331 = arith.constant 0 : i32
      %dma_start3A_332 = tpu.memref_slice %arg3[%dma_start3A_330, %dma_start3A_331] : memref<1000000x16xf32, #tpu.memory_space<hbm>> -> memref<1000000x16xf32, #tpu.memory_space<hbm>>
      tpu.enqueue_indirect_dma source(%dma_start3A_332 : memref<1000000x16xf32, #tpu.memory_space<hbm>>) target(%dma_start3A_327 : memref<128x16xf32, #tpu.memory_space<vmem>>) offsets(%dma_start3A_329 : memref<128xi32, #tpu.memory_space<vmem>>) semaphore(%arg14 : memref<!tpu.dma_semaphore, #tpu.memory_space<semaphore_mem>>)
      %dma_start3A_333 = arith.constant 1024 : i32
      %dma_start3A_334 = arith.constant 0 : i32
      %dma_start3A_335 = tpu.memref_slice %arg9[%dma_start3A_333, %dma_start3A_334] : memref<3200x16xf32, #tpu.memory_space<vmem>> -> memref<128x16xf32, #tpu.memory_space<vmem>>
      %dma_start3A_336 = arith.constant 1024 : i32
      %dma_start3A_337 = tpu.memref_slice %arg7[%dma_start3A_336] : memref<3200xi32, #tpu.memory_space<vmem>> -> memref<128xi32, #tpu.memory_space<vmem>>
      %dma_start3A_338 = arith.constant 0 : i32
      %dma_start3A_339 = arith.constant 0 : i32
      %dma_start3A_340 = tpu.memref_slice %arg3[%dma_start3A_338, %dma_start3A_339] : memref<1000000x16xf32, #tpu.memory_space<hbm>> -> memref<1000000x16xf32, #tpu.memory_space<hbm>>
      tpu.enqueue_indirect_dma source(%dma_start3A_340 : memref<1000000x16xf32, #tpu.memory_space<hbm>>) target(%dma_start3A_335 : memref<128x16xf32, #tpu.memory_space<vmem>>) offsets(%dma_start3A_337 : memref<128xi32, #tpu.memory_space<vmem>>) semaphore(%arg14 : memref<!tpu.dma_semaphore, #tpu.memory_space<semaphore_mem>>)
      %dma_start3A_341 = arith.constant 1152 : i32
      %dma_start3A_342 = arith.constant 0 : i32
      %dma_start3A_343 = tpu.memref_slice %arg9[%dma_start3A_341, %dma_start3A_342] : memref<3200x16xf32, #tpu.memory_space<vmem>> -> memref<128x16xf32, #tpu.memory_space<vmem>>
      %dma_start3A_344 = arith.constant 1152 : i32
      %dma_start3A_345 = tpu.memref_slice %arg7[%dma_start3A_344] : memref<3200xi32, #tpu.memory_space<vmem>> -> memref<128xi32, #tpu.memory_space<vmem>>
      %dma_start3A_346 = arith.constant 0 : i32
      %dma_start3A_347 = arith.constant 0 : i32
      %dma_start3A_348 = tpu.memref_slice %arg3[%dma_start3A_346, %dma_start3A_347] : memref<1000000x16xf32, #tpu.memory_space<hbm>> -> memref<1000000x16xf32, #tpu.memory_space<hbm>>
      tpu.enqueue_indirect_dma source(%dma_start3A_348 : memref<1000000x16xf32, #tpu.memory_space<hbm>>) target(%dma_start3A_343 : memref<128x16xf32, #tpu.memory_space<vmem>>) offsets(%dma_start3A_345 : memref<128xi32, #tpu.memory_space<vmem>>) semaphore(%arg14 : memref<!tpu.dma_semaphore, #tpu.memory_space<semaphore_mem>>)
      %dma_start3A_349 = arith.constant 1280 : i32
      %dma_start3A_350 = arith.constant 0 : i32
      %dma_start3A_351 = tpu.memref_slice %arg9[%dma_start3A_349, %dma_start3A_350] : memref<3200x16xf32, #tpu.memory_space<vmem>> -> memref<128x16xf32, #tpu.memory_space<vmem>>
      %dma_start3A_352 = arith.constant 1280 : i32
      %dma_start3A_353 = tpu.memref_slice %arg7[%dma_start3A_352] : memref<3200xi32, #tpu.memory_space<vmem>> -> memref<128xi32, #tpu.memory_space<vmem>>
      %dma_start3A_354 = arith.constant 0 : i32
      %dma_start3A_355 = arith.constant 0 : i32
      %dma_start3A_356 = tpu.memref_slice %arg3[%dma_start3A_354, %dma_start3A_355] : memref<1000000x16xf32, #tpu.memory_space<hbm>> -> memref<1000000x16xf32, #tpu.memory_space<hbm>>
      tpu.enqueue_indirect_dma source(%dma_start3A_356 : memref<1000000x16xf32, #tpu.memory_space<hbm>>) target(%dma_start3A_351 : memref<128x16xf32, #tpu.memory_space<vmem>>) offsets(%dma_start3A_353 : memref<128xi32, #tpu.memory_space<vmem>>) semaphore(%arg14 : memref<!tpu.dma_semaphore, #tpu.memory_space<semaphore_mem>>)
      %dma_start3A_357 = arith.constant 1408 : i32
      %dma_start3A_358 = arith.constant 0 : i32
      %dma_start3A_359 = tpu.memref_slice %arg9[%dma_start3A_357, %dma_start3A_358] : memref<3200x16xf32, #tpu.memory_space<vmem>> -> memref<128x16xf32, #tpu.memory_space<vmem>>
      %dma_start3A_360 = arith.constant 1408 : i32
      %dma_start3A_361 = tpu.memref_slice %arg7[%dma_start3A_360] : memref<3200xi32, #tpu.memory_space<vmem>> -> memref<128xi32, #tpu.memory_space<vmem>>
      %dma_start3A_362 = arith.constant 0 : i32
      %dma_start3A_363 = arith.constant 0 : i32
      %dma_start3A_364 = tpu.memref_slice %arg3[%dma_start3A_362, %dma_start3A_363] : memref<1000000x16xf32, #tpu.memory_space<hbm>> -> memref<1000000x16xf32, #tpu.memory_space<hbm>>
      tpu.enqueue_indirect_dma source(%dma_start3A_364 : memref<1000000x16xf32, #tpu.memory_space<hbm>>) target(%dma_start3A_359 : memref<128x16xf32, #tpu.memory_space<vmem>>) offsets(%dma_start3A_361 : memref<128xi32, #tpu.memory_space<vmem>>) semaphore(%arg14 : memref<!tpu.dma_semaphore, #tpu.memory_space<semaphore_mem>>)
      %dma_start3A_365 = arith.constant 1536 : i32
      %dma_start3A_366 = arith.constant 0 : i32
      %dma_start3A_367 = tpu.memref_slice %arg9[%dma_start3A_365, %dma_start3A_366] : memref<3200x16xf32, #tpu.memory_space<vmem>> -> memref<128x16xf32, #tpu.memory_space<vmem>>
      %dma_start3A_368 = arith.constant 1536 : i32
      %dma_start3A_369 = tpu.memref_slice %arg7[%dma_start3A_368] : memref<3200xi32, #tpu.memory_space<vmem>> -> memref<128xi32, #tpu.memory_space<vmem>>
      %dma_start3A_370 = arith.constant 0 : i32
      %dma_start3A_371 = arith.constant 0 : i32
      %dma_start3A_372 = tpu.memref_slice %arg3[%dma_start3A_370, %dma_start3A_371] : memref<1000000x16xf32, #tpu.memory_space<hbm>> -> memref<1000000x16xf32, #tpu.memory_space<hbm>>
      tpu.enqueue_indirect_dma source(%dma_start3A_372 : memref<1000000x16xf32, #tpu.memory_space<hbm>>) target(%dma_start3A_367 : memref<128x16xf32, #tpu.memory_space<vmem>>) offsets(%dma_start3A_369 : memref<128xi32, #tpu.memory_space<vmem>>) semaphore(%arg14 : memref<!tpu.dma_semaphore, #tpu.memory_space<semaphore_mem>>)
      %dma_start3A_373 = arith.constant 1664 : i32
      %dma_start3A_374 = arith.constant 0 : i32
      %dma_start3A_375 = tpu.memref_slice %arg9[%dma_start3A_373, %dma_start3A_374] : memref<3200x16xf32, #tpu.memory_space<vmem>> -> memref<128x16xf32, #tpu.memory_space<vmem>>
      %dma_start3A_376 = arith.constant 1664 : i32
      %dma_start3A_377 = tpu.memref_slice %arg7[%dma_start3A_376] : memref<3200xi32, #tpu.memory_space<vmem>> -> memref<128xi32, #tpu.memory_space<vmem>>
      %dma_start3A_378 = arith.constant 0 : i32
      %dma_start3A_379 = arith.constant 0 : i32
      %dma_start3A_380 = tpu.memref_slice %arg3[%dma_start3A_378, %dma_start3A_379] : memref<1000000x16xf32, #tpu.memory_space<hbm>> -> memref<1000000x16xf32, #tpu.memory_space<hbm>>
      tpu.enqueue_indirect_dma source(%dma_start3A_380 : memref<1000000x16xf32, #tpu.memory_space<hbm>>) target(%dma_start3A_375 : memref<128x16xf32, #tpu.memory_space<vmem>>) offsets(%dma_start3A_377 : memref<128xi32, #tpu.memory_space<vmem>>) semaphore(%arg14 : memref<!tpu.dma_semaphore, #tpu.memory_space<semaphore_mem>>)
      %dma_start3A_381 = arith.constant 1792 : i32
      %dma_start3A_382 = arith.constant 0 : i32
      %dma_start3A_383 = tpu.memref_slice %arg9[%dma_start3A_381, %dma_start3A_382] : memref<3200x16xf32, #tpu.memory_space<vmem>> -> memref<128x16xf32, #tpu.memory_space<vmem>>
      %dma_start3A_384 = arith.constant 1792 : i32
      %dma_start3A_385 = tpu.memref_slice %arg7[%dma_start3A_384] : memref<3200xi32, #tpu.memory_space<vmem>> -> memref<128xi32, #tpu.memory_space<vmem>>
      %dma_start3A_386 = arith.constant 0 : i32
      %dma_start3A_387 = arith.constant 0 : i32
      %dma_start3A_388 = tpu.memref_slice %arg3[%dma_start3A_386, %dma_start3A_387] : memref<1000000x16xf32, #tpu.memory_space<hbm>> -> memref<1000000x16xf32, #tpu.memory_space<hbm>>
      tpu.enqueue_indirect_dma source(%dma_start3A_388 : memref<1000000x16xf32, #tpu.memory_space<hbm>>) target(%dma_start3A_383 : memref<128x16xf32, #tpu.memory_space<vmem>>) offsets(%dma_start3A_385 : memref<128xi32, #tpu.memory_space<vmem>>) semaphore(%arg14 : memref<!tpu.dma_semaphore, #tpu.memory_space<semaphore_mem>>)
      %dma_start3A_389 = arith.constant 1920 : i32
      %dma_start3A_390 = arith.constant 0 : i32
      %dma_start3A_391 = tpu.memref_slice %arg9[%dma_start3A_389, %dma_start3A_390] : memref<3200x16xf32, #tpu.memory_space<vmem>> -> memref<128x16xf32, #tpu.memory_space<vmem>>
      %dma_start3A_392 = arith.constant 1920 : i32
      %dma_start3A_393 = tpu.memref_slice %arg7[%dma_start3A_392] : memref<3200xi32, #tpu.memory_space<vmem>> -> memref<128xi32, #tpu.memory_space<vmem>>
      %dma_start3A_394 = arith.constant 0 : i32
      %dma_start3A_395 = arith.constant 0 : i32
      %dma_start3A_396 = tpu.memref_slice %arg3[%dma_start3A_394, %dma_start3A_395] : memref<1000000x16xf32, #tpu.memory_space<hbm>> -> memref<1000000x16xf32, #tpu.memory_space<hbm>>
      tpu.enqueue_indirect_dma source(%dma_start3A_396 : memref<1000000x16xf32, #tpu.memory_space<hbm>>) target(%dma_start3A_391 : memref<128x16xf32, #tpu.memory_space<vmem>>) offsets(%dma_start3A_393 : memref<128xi32, #tpu.memory_space<vmem>>) semaphore(%arg14 : memref<!tpu.dma_semaphore, #tpu.memory_space<semaphore_mem>>)
      %dma_start3A_397 = arith.constant 2048 : i32
      %dma_start3A_398 = arith.constant 0 : i32
      %dma_start3A_399 = tpu.memref_slice %arg9[%dma_start3A_397, %dma_start3A_398] : memref<3200x16xf32, #tpu.memory_space<vmem>> -> memref<128x16xf32, #tpu.memory_space<vmem>>
      %dma_start3A_400 = arith.constant 2048 : i32
      %dma_start3A_401 = tpu.memref_slice %arg7[%dma_start3A_400] : memref<3200xi32, #tpu.memory_space<vmem>> -> memref<128xi32, #tpu.memory_space<vmem>>
      %dma_start3A_402 = arith.constant 0 : i32
      %dma_start3A_403 = arith.constant 0 : i32
      %dma_start3A_404 = tpu.memref_slice %arg3[%dma_start3A_402, %dma_start3A_403] : memref<1000000x16xf32, #tpu.memory_space<hbm>> -> memref<1000000x16xf32, #tpu.memory_space<hbm>>
      tpu.enqueue_indirect_dma source(%dma_start3A_404 : memref<1000000x16xf32, #tpu.memory_space<hbm>>) target(%dma_start3A_399 : memref<128x16xf32, #tpu.memory_space<vmem>>) offsets(%dma_start3A_401 : memref<128xi32, #tpu.memory_space<vmem>>) semaphore(%arg14 : memref<!tpu.dma_semaphore, #tpu.memory_space<semaphore_mem>>)
      %dma_start3A_405 = arith.constant 2176 : i32
      %dma_start3A_406 = arith.constant 0 : i32
      %dma_start3A_407 = tpu.memref_slice %arg9[%dma_start3A_405, %dma_start3A_406] : memref<3200x16xf32, #tpu.memory_space<vmem>> -> memref<128x16xf32, #tpu.memory_space<vmem>>
      %dma_start3A_408 = arith.constant 2176 : i32
      %dma_start3A_409 = tpu.memref_slice %arg7[%dma_start3A_408] : memref<3200xi32, #tpu.memory_space<vmem>> -> memref<128xi32, #tpu.memory_space<vmem>>
      %dma_start3A_410 = arith.constant 0 : i32
      %dma_start3A_411 = arith.constant 0 : i32
      %dma_start3A_412 = tpu.memref_slice %arg3[%dma_start3A_410, %dma_start3A_411] : memref<1000000x16xf32, #tpu.memory_space<hbm>> -> memref<1000000x16xf32, #tpu.memory_space<hbm>>
      tpu.enqueue_indirect_dma source(%dma_start3A_412 : memref<1000000x16xf32, #tpu.memory_space<hbm>>) target(%dma_start3A_407 : memref<128x16xf32, #tpu.memory_space<vmem>>) offsets(%dma_start3A_409 : memref<128xi32, #tpu.memory_space<vmem>>) semaphore(%arg14 : memref<!tpu.dma_semaphore, #tpu.memory_space<semaphore_mem>>)
      %dma_start3A_413 = arith.constant 2304 : i32
      %dma_start3A_414 = arith.constant 0 : i32
      %dma_start3A_415 = tpu.memref_slice %arg9[%dma_start3A_413, %dma_start3A_414] : memref<3200x16xf32, #tpu.memory_space<vmem>> -> memref<128x16xf32, #tpu.memory_space<vmem>>
      %dma_start3A_416 = arith.constant 2304 : i32
      %dma_start3A_417 = tpu.memref_slice %arg7[%dma_start3A_416] : memref<3200xi32, #tpu.memory_space<vmem>> -> memref<128xi32, #tpu.memory_space<vmem>>
      %dma_start3A_418 = arith.constant 0 : i32
      %dma_start3A_419 = arith.constant 0 : i32
      %dma_start3A_420 = tpu.memref_slice %arg3[%dma_start3A_418, %dma_start3A_419] : memref<1000000x16xf32, #tpu.memory_space<hbm>> -> memref<1000000x16xf32, #tpu.memory_space<hbm>>
      tpu.enqueue_indirect_dma source(%dma_start3A_420 : memref<1000000x16xf32, #tpu.memory_space<hbm>>) target(%dma_start3A_415 : memref<128x16xf32, #tpu.memory_space<vmem>>) offsets(%dma_start3A_417 : memref<128xi32, #tpu.memory_space<vmem>>) semaphore(%arg14 : memref<!tpu.dma_semaphore, #tpu.memory_space<semaphore_mem>>)
      %dma_start3A_421 = arith.constant 2432 : i32
      %dma_start3A_422 = arith.constant 0 : i32
      %dma_start3A_423 = tpu.memref_slice %arg9[%dma_start3A_421, %dma_start3A_422] : memref<3200x16xf32, #tpu.memory_space<vmem>> -> memref<128x16xf32, #tpu.memory_space<vmem>>
      %dma_start3A_424 = arith.constant 2432 : i32
      %dma_start3A_425 = tpu.memref_slice %arg7[%dma_start3A_424] : memref<3200xi32, #tpu.memory_space<vmem>> -> memref<128xi32, #tpu.memory_space<vmem>>
      %dma_start3A_426 = arith.constant 0 : i32
      %dma_start3A_427 = arith.constant 0 : i32
      %dma_start3A_428 = tpu.memref_slice %arg3[%dma_start3A_426, %dma_start3A_427] : memref<1000000x16xf32, #tpu.memory_space<hbm>> -> memref<1000000x16xf32, #tpu.memory_space<hbm>>
      tpu.enqueue_indirect_dma source(%dma_start3A_428 : memref<1000000x16xf32, #tpu.memory_space<hbm>>) target(%dma_start3A_423 : memref<128x16xf32, #tpu.memory_space<vmem>>) offsets(%dma_start3A_425 : memref<128xi32, #tpu.memory_space<vmem>>) semaphore(%arg14 : memref<!tpu.dma_semaphore, #tpu.memory_space<semaphore_mem>>)
      %dma_start3A_429 = arith.constant 2560 : i32
      %dma_start3A_430 = arith.constant 0 : i32
      %dma_start3A_431 = tpu.memref_slice %arg9[%dma_start3A_429, %dma_start3A_430] : memref<3200x16xf32, #tpu.memory_space<vmem>> -> memref<128x16xf32, #tpu.memory_space<vmem>>
      %dma_start3A_432 = arith.constant 2560 : i32
      %dma_start3A_433 = tpu.memref_slice %arg7[%dma_start3A_432] : memref<3200xi32, #tpu.memory_space<vmem>> -> memref<128xi32, #tpu.memory_space<vmem>>
      %dma_start3A_434 = arith.constant 0 : i32
      %dma_start3A_435 = arith.constant 0 : i32
      %dma_start3A_436 = tpu.memref_slice %arg3[%dma_start3A_434, %dma_start3A_435] : memref<1000000x16xf32, #tpu.memory_space<hbm>> -> memref<1000000x16xf32, #tpu.memory_space<hbm>>
      tpu.enqueue_indirect_dma source(%dma_start3A_436 : memref<1000000x16xf32, #tpu.memory_space<hbm>>) target(%dma_start3A_431 : memref<128x16xf32, #tpu.memory_space<vmem>>) offsets(%dma_start3A_433 : memref<128xi32, #tpu.memory_space<vmem>>) semaphore(%arg14 : memref<!tpu.dma_semaphore, #tpu.memory_space<semaphore_mem>>)
      %dma_start3A_437 = arith.constant 2688 : i32
      %dma_start3A_438 = arith.constant 0 : i32
      %dma_start3A_439 = tpu.memref_slice %arg9[%dma_start3A_437, %dma_start3A_438] : memref<3200x16xf32, #tpu.memory_space<vmem>> -> memref<128x16xf32, #tpu.memory_space<vmem>>
      %dma_start3A_440 = arith.constant 2688 : i32
      %dma_start3A_441 = tpu.memref_slice %arg7[%dma_start3A_440] : memref<3200xi32, #tpu.memory_space<vmem>> -> memref<128xi32, #tpu.memory_space<vmem>>
      %dma_start3A_442 = arith.constant 0 : i32
      %dma_start3A_443 = arith.constant 0 : i32
      %dma_start3A_444 = tpu.memref_slice %arg3[%dma_start3A_442, %dma_start3A_443] : memref<1000000x16xf32, #tpu.memory_space<hbm>> -> memref<1000000x16xf32, #tpu.memory_space<hbm>>
      tpu.enqueue_indirect_dma source(%dma_start3A_444 : memref<1000000x16xf32, #tpu.memory_space<hbm>>) target(%dma_start3A_439 : memref<128x16xf32, #tpu.memory_space<vmem>>) offsets(%dma_start3A_441 : memref<128xi32, #tpu.memory_space<vmem>>) semaphore(%arg14 : memref<!tpu.dma_semaphore, #tpu.memory_space<semaphore_mem>>)
      %dma_start3A_445 = arith.constant 2816 : i32
      %dma_start3A_446 = arith.constant 0 : i32
      %dma_start3A_447 = tpu.memref_slice %arg9[%dma_start3A_445, %dma_start3A_446] : memref<3200x16xf32, #tpu.memory_space<vmem>> -> memref<128x16xf32, #tpu.memory_space<vmem>>
      %dma_start3A_448 = arith.constant 2816 : i32
      %dma_start3A_449 = tpu.memref_slice %arg7[%dma_start3A_448] : memref<3200xi32, #tpu.memory_space<vmem>> -> memref<128xi32, #tpu.memory_space<vmem>>
      %dma_start3A_450 = arith.constant 0 : i32
      %dma_start3A_451 = arith.constant 0 : i32
      %dma_start3A_452 = tpu.memref_slice %arg3[%dma_start3A_450, %dma_start3A_451] : memref<1000000x16xf32, #tpu.memory_space<hbm>> -> memref<1000000x16xf32, #tpu.memory_space<hbm>>
      tpu.enqueue_indirect_dma source(%dma_start3A_452 : memref<1000000x16xf32, #tpu.memory_space<hbm>>) target(%dma_start3A_447 : memref<128x16xf32, #tpu.memory_space<vmem>>) offsets(%dma_start3A_449 : memref<128xi32, #tpu.memory_space<vmem>>) semaphore(%arg14 : memref<!tpu.dma_semaphore, #tpu.memory_space<semaphore_mem>>)
      %dma_start3A_453 = arith.constant 2944 : i32
      %dma_start3A_454 = arith.constant 0 : i32
      %dma_start3A_455 = tpu.memref_slice %arg9[%dma_start3A_453, %dma_start3A_454] : memref<3200x16xf32, #tpu.memory_space<vmem>> -> memref<128x16xf32, #tpu.memory_space<vmem>>
      %dma_start3A_456 = arith.constant 2944 : i32
      %dma_start3A_457 = tpu.memref_slice %arg7[%dma_start3A_456] : memref<3200xi32, #tpu.memory_space<vmem>> -> memref<128xi32, #tpu.memory_space<vmem>>
      %dma_start3A_458 = arith.constant 0 : i32
      %dma_start3A_459 = arith.constant 0 : i32
      %dma_start3A_460 = tpu.memref_slice %arg3[%dma_start3A_458, %dma_start3A_459] : memref<1000000x16xf32, #tpu.memory_space<hbm>> -> memref<1000000x16xf32, #tpu.memory_space<hbm>>
      tpu.enqueue_indirect_dma source(%dma_start3A_460 : memref<1000000x16xf32, #tpu.memory_space<hbm>>) target(%dma_start3A_455 : memref<128x16xf32, #tpu.memory_space<vmem>>) offsets(%dma_start3A_457 : memref<128xi32, #tpu.memory_space<vmem>>) semaphore(%arg14 : memref<!tpu.dma_semaphore, #tpu.memory_space<semaphore_mem>>)
      %dma_start3A_461 = arith.constant 3072 : i32
      %dma_start3A_462 = arith.constant 0 : i32
      %dma_start3A_463 = tpu.memref_slice %arg9[%dma_start3A_461, %dma_start3A_462] : memref<3200x16xf32, #tpu.memory_space<vmem>> -> memref<128x16xf32, #tpu.memory_space<vmem>>
      %dma_start3A_464 = arith.constant 3072 : i32
      %dma_start3A_465 = tpu.memref_slice %arg7[%dma_start3A_464] : memref<3200xi32, #tpu.memory_space<vmem>> -> memref<128xi32, #tpu.memory_space<vmem>>
      %dma_start3A_466 = arith.constant 0 : i32
      %dma_start3A_467 = arith.constant 0 : i32
      %dma_start3A_468 = tpu.memref_slice %arg3[%dma_start3A_466, %dma_start3A_467] : memref<1000000x16xf32, #tpu.memory_space<hbm>> -> memref<1000000x16xf32, #tpu.memory_space<hbm>>
      tpu.enqueue_indirect_dma source(%dma_start3A_468 : memref<1000000x16xf32, #tpu.memory_space<hbm>>) target(%dma_start3A_463 : memref<128x16xf32, #tpu.memory_space<vmem>>) offsets(%dma_start3A_465 : memref<128xi32, #tpu.memory_space<vmem>>) semaphore(%arg14 : memref<!tpu.dma_semaphore, #tpu.memory_space<semaphore_mem>>)
      %dma_wait3A = arith.constant 0 : i32
      %dma_wait3A_469 = arith.constant 0 : i32
      %dma_wait3A_470 = tpu.memref_slice %arg8[%dma_wait3A, %dma_wait3A_469] : memref<3200x16xf32, #tpu.memory_space<vmem>> -> memref<128x16xf32, #tpu.memory_space<vmem>>
      %dma_wait3A_471 = arith.constant 0 : i32
      %dma_wait3A_472 = tpu.memref_slice %arg6[%dma_wait3A_471] : memref<3200xi32, #tpu.memory_space<vmem>> -> memref<128xi32, #tpu.memory_space<vmem>>
      %dma_wait3A_473 = arith.constant 0 : i32
      %dma_wait3A_474 = arith.constant 0 : i32
      %dma_wait3A_475 = tpu.memref_slice %arg3[%dma_wait3A_473, %dma_wait3A_474] : memref<1000000x16xf32, #tpu.memory_space<hbm>> -> memref<1000000x16xf32, #tpu.memory_space<hbm>>
      tpu.wait_indirect_dma semaphore(%arg13 : memref<!tpu.dma_semaphore, #tpu.memory_space<semaphore_mem>>) src(%dma_wait3A_475 : memref<1000000x16xf32, #tpu.memory_space<hbm>>) dst(%dma_wait3A_470 : memref<128x16xf32, #tpu.memory_space<vmem>>)
      %dma_wait3A_476 = arith.constant 128 : i32
      %dma_wait3A_477 = arith.constant 0 : i32
      %dma_wait3A_478 = tpu.memref_slice %arg8[%dma_wait3A_476, %dma_wait3A_477] : memref<3200x16xf32, #tpu.memory_space<vmem>> -> memref<128x16xf32, #tpu.memory_space<vmem>>
      %dma_wait3A_479 = arith.constant 128 : i32
      %dma_wait3A_480 = tpu.memref_slice %arg6[%dma_wait3A_479] : memref<3200xi32, #tpu.memory_space<vmem>> -> memref<128xi32, #tpu.memory_space<vmem>>
      %dma_wait3A_481 = arith.constant 0 : i32
      %dma_wait3A_482 = arith.constant 0 : i32
      %dma_wait3A_483 = tpu.memref_slice %arg3[%dma_wait3A_481, %dma_wait3A_482] : memref<1000000x16xf32, #tpu.memory_space<hbm>> -> memref<1000000x16xf32, #tpu.memory_space<hbm>>
      tpu.wait_indirect_dma semaphore(%arg13 : memref<!tpu.dma_semaphore, #tpu.memory_space<semaphore_mem>>) src(%dma_wait3A_483 : memref<1000000x16xf32, #tpu.memory_space<hbm>>) dst(%dma_wait3A_478 : memref<128x16xf32, #tpu.memory_space<vmem>>)
      %dma_wait3A_484 = arith.constant 256 : i32
      %dma_wait3A_485 = arith.constant 0 : i32
      %dma_wait3A_486 = tpu.memref_slice %arg8[%dma_wait3A_484, %dma_wait3A_485] : memref<3200x16xf32, #tpu.memory_space<vmem>> -> memref<128x16xf32, #tpu.memory_space<vmem>>
      %dma_wait3A_487 = arith.constant 256 : i32
      %dma_wait3A_488 = tpu.memref_slice %arg6[%dma_wait3A_487] : memref<3200xi32, #tpu.memory_space<vmem>> -> memref<128xi32, #tpu.memory_space<vmem>>
      %dma_wait3A_489 = arith.constant 0 : i32
      %dma_wait3A_490 = arith.constant 0 : i32
      %dma_wait3A_491 = tpu.memref_slice %arg3[%dma_wait3A_489, %dma_wait3A_490] : memref<1000000x16xf32, #tpu.memory_space<hbm>> -> memref<1000000x16xf32, #tpu.memory_space<hbm>>
      tpu.wait_indirect_dma semaphore(%arg13 : memref<!tpu.dma_semaphore, #tpu.memory_space<semaphore_mem>>) src(%dma_wait3A_491 : memref<1000000x16xf32, #tpu.memory_space<hbm>>) dst(%dma_wait3A_486 : memref<128x16xf32, #tpu.memory_space<vmem>>)
      %dma_wait3A_492 = arith.constant 384 : i32
      %dma_wait3A_493 = arith.constant 0 : i32
      %dma_wait3A_494 = tpu.memref_slice %arg8[%dma_wait3A_492, %dma_wait3A_493] : memref<3200x16xf32, #tpu.memory_space<vmem>> -> memref<128x16xf32, #tpu.memory_space<vmem>>
      %dma_wait3A_495 = arith.constant 384 : i32
      %dma_wait3A_496 = tpu.memref_slice %arg6[%dma_wait3A_495] : memref<3200xi32, #tpu.memory_space<vmem>> -> memref<128xi32, #tpu.memory_space<vmem>>
      %dma_wait3A_497 = arith.constant 0 : i32
      %dma_wait3A_498 = arith.constant 0 : i32
      %dma_wait3A_499 = tpu.memref_slice %arg3[%dma_wait3A_497, %dma_wait3A_498] : memref<1000000x16xf32, #tpu.memory_space<hbm>> -> memref<1000000x16xf32, #tpu.memory_space<hbm>>
      tpu.wait_indirect_dma semaphore(%arg13 : memref<!tpu.dma_semaphore, #tpu.memory_space<semaphore_mem>>) src(%dma_wait3A_499 : memref<1000000x16xf32, #tpu.memory_space<hbm>>) dst(%dma_wait3A_494 : memref<128x16xf32, #tpu.memory_space<vmem>>)
      %dma_wait3A_500 = arith.constant 512 : i32
      %dma_wait3A_501 = arith.constant 0 : i32
      %dma_wait3A_502 = tpu.memref_slice %arg8[%dma_wait3A_500, %dma_wait3A_501] : memref<3200x16xf32, #tpu.memory_space<vmem>> -> memref<128x16xf32, #tpu.memory_space<vmem>>
      %dma_wait3A_503 = arith.constant 512 : i32
      %dma_wait3A_504 = tpu.memref_slice %arg6[%dma_wait3A_503] : memref<3200xi32, #tpu.memory_space<vmem>> -> memref<128xi32, #tpu.memory_space<vmem>>
      %dma_wait3A_505 = arith.constant 0 : i32
      %dma_wait3A_506 = arith.constant 0 : i32
      %dma_wait3A_507 = tpu.memref_slice %arg3[%dma_wait3A_505, %dma_wait3A_506] : memref<1000000x16xf32, #tpu.memory_space<hbm>> -> memref<1000000x16xf32, #tpu.memory_space<hbm>>
      tpu.wait_indirect_dma semaphore(%arg13 : memref<!tpu.dma_semaphore, #tpu.memory_space<semaphore_mem>>) src(%dma_wait3A_507 : memref<1000000x16xf32, #tpu.memory_space<hbm>>) dst(%dma_wait3A_502 : memref<128x16xf32, #tpu.memory_space<vmem>>)
      %dma_wait3A_508 = arith.constant 640 : i32
      %dma_wait3A_509 = arith.constant 0 : i32
      %dma_wait3A_510 = tpu.memref_slice %arg8[%dma_wait3A_508, %dma_wait3A_509] : memref<3200x16xf32, #tpu.memory_space<vmem>> -> memref<128x16xf32, #tpu.memory_space<vmem>>
      %dma_wait3A_511 = arith.constant 640 : i32
      %dma_wait3A_512 = tpu.memref_slice %arg6[%dma_wait3A_511] : memref<3200xi32, #tpu.memory_space<vmem>> -> memref<128xi32, #tpu.memory_space<vmem>>
      %dma_wait3A_513 = arith.constant 0 : i32
      %dma_wait3A_514 = arith.constant 0 : i32
      %dma_wait3A_515 = tpu.memref_slice %arg3[%dma_wait3A_513, %dma_wait3A_514] : memref<1000000x16xf32, #tpu.memory_space<hbm>> -> memref<1000000x16xf32, #tpu.memory_space<hbm>>
      tpu.wait_indirect_dma semaphore(%arg13 : memref<!tpu.dma_semaphore, #tpu.memory_space<semaphore_mem>>) src(%dma_wait3A_515 : memref<1000000x16xf32, #tpu.memory_space<hbm>>) dst(%dma_wait3A_510 : memref<128x16xf32, #tpu.memory_space<vmem>>)
      %dma_wait3A_516 = arith.constant 768 : i32
      %dma_wait3A_517 = arith.constant 0 : i32
      %dma_wait3A_518 = tpu.memref_slice %arg8[%dma_wait3A_516, %dma_wait3A_517] : memref<3200x16xf32, #tpu.memory_space<vmem>> -> memref<128x16xf32, #tpu.memory_space<vmem>>
      %dma_wait3A_519 = arith.constant 768 : i32
      %dma_wait3A_520 = tpu.memref_slice %arg6[%dma_wait3A_519] : memref<3200xi32, #tpu.memory_space<vmem>> -> memref<128xi32, #tpu.memory_space<vmem>>
      %dma_wait3A_521 = arith.constant 0 : i32
      %dma_wait3A_522 = arith.constant 0 : i32
      %dma_wait3A_523 = tpu.memref_slice %arg3[%dma_wait3A_521, %dma_wait3A_522] : memref<1000000x16xf32, #tpu.memory_space<hbm>> -> memref<1000000x16xf32, #tpu.memory_space<hbm>>
      tpu.wait_indirect_dma semaphore(%arg13 : memref<!tpu.dma_semaphore, #tpu.memory_space<semaphore_mem>>) src(%dma_wait3A_523 : memref<1000000x16xf32, #tpu.memory_space<hbm>>) dst(%dma_wait3A_518 : memref<128x16xf32, #tpu.memory_space<vmem>>)
      %dma_wait3A_524 = arith.constant 896 : i32
      %dma_wait3A_525 = arith.constant 0 : i32
      %dma_wait3A_526 = tpu.memref_slice %arg8[%dma_wait3A_524, %dma_wait3A_525] : memref<3200x16xf32, #tpu.memory_space<vmem>> -> memref<128x16xf32, #tpu.memory_space<vmem>>
      %dma_wait3A_527 = arith.constant 896 : i32
      %dma_wait3A_528 = tpu.memref_slice %arg6[%dma_wait3A_527] : memref<3200xi32, #tpu.memory_space<vmem>> -> memref<128xi32, #tpu.memory_space<vmem>>
      %dma_wait3A_529 = arith.constant 0 : i32
      %dma_wait3A_530 = arith.constant 0 : i32
      %dma_wait3A_531 = tpu.memref_slice %arg3[%dma_wait3A_529, %dma_wait3A_530] : memref<1000000x16xf32, #tpu.memory_space<hbm>> -> memref<1000000x16xf32, #tpu.memory_space<hbm>>
      tpu.wait_indirect_dma semaphore(%arg13 : memref<!tpu.dma_semaphore, #tpu.memory_space<semaphore_mem>>) src(%dma_wait3A_531 : memref<1000000x16xf32, #tpu.memory_space<hbm>>) dst(%dma_wait3A_526 : memref<128x16xf32, #tpu.memory_space<vmem>>)
      %dma_wait3A_532 = arith.constant 1024 : i32
      %dma_wait3A_533 = arith.constant 0 : i32
      %dma_wait3A_534 = tpu.memref_slice %arg8[%dma_wait3A_532, %dma_wait3A_533] : memref<3200x16xf32, #tpu.memory_space<vmem>> -> memref<128x16xf32, #tpu.memory_space<vmem>>
      %dma_wait3A_535 = arith.constant 1024 : i32
      %dma_wait3A_536 = tpu.memref_slice %arg6[%dma_wait3A_535] : memref<3200xi32, #tpu.memory_space<vmem>> -> memref<128xi32, #tpu.memory_space<vmem>>
      %dma_wait3A_537 = arith.constant 0 : i32
      %dma_wait3A_538 = arith.constant 0 : i32
      %dma_wait3A_539 = tpu.memref_slice %arg3[%dma_wait3A_537, %dma_wait3A_538] : memref<1000000x16xf32, #tpu.memory_space<hbm>> -> memref<1000000x16xf32, #tpu.memory_space<hbm>>
      tpu.wait_indirect_dma semaphore(%arg13 : memref<!tpu.dma_semaphore, #tpu.memory_space<semaphore_mem>>) src(%dma_wait3A_539 : memref<1000000x16xf32, #tpu.memory_space<hbm>>) dst(%dma_wait3A_534 : memref<128x16xf32, #tpu.memory_space<vmem>>)
      %dma_wait3A_540 = arith.constant 1152 : i32
      %dma_wait3A_541 = arith.constant 0 : i32
      %dma_wait3A_542 = tpu.memref_slice %arg8[%dma_wait3A_540, %dma_wait3A_541] : memref<3200x16xf32, #tpu.memory_space<vmem>> -> memref<128x16xf32, #tpu.memory_space<vmem>>
      %dma_wait3A_543 = arith.constant 1152 : i32
      %dma_wait3A_544 = tpu.memref_slice %arg6[%dma_wait3A_543] : memref<3200xi32, #tpu.memory_space<vmem>> -> memref<128xi32, #tpu.memory_space<vmem>>
      %dma_wait3A_545 = arith.constant 0 : i32
      %dma_wait3A_546 = arith.constant 0 : i32
      %dma_wait3A_547 = tpu.memref_slice %arg3[%dma_wait3A_545, %dma_wait3A_546] : memref<1000000x16xf32, #tpu.memory_space<hbm>> -> memref<1000000x16xf32, #tpu.memory_space<hbm>>
      tpu.wait_indirect_dma semaphore(%arg13 : memref<!tpu.dma_semaphore, #tpu.memory_space<semaphore_mem>>) src(%dma_wait3A_547 : memref<1000000x16xf32, #tpu.memory_space<hbm>>) dst(%dma_wait3A_542 : memref<128x16xf32, #tpu.memory_space<vmem>>)
      %dma_wait3A_548 = arith.constant 1280 : i32
      %dma_wait3A_549 = arith.constant 0 : i32
      %dma_wait3A_550 = tpu.memref_slice %arg8[%dma_wait3A_548, %dma_wait3A_549] : memref<3200x16xf32, #tpu.memory_space<vmem>> -> memref<128x16xf32, #tpu.memory_space<vmem>>
      %dma_wait3A_551 = arith.constant 1280 : i32
      %dma_wait3A_552 = tpu.memref_slice %arg6[%dma_wait3A_551] : memref<3200xi32, #tpu.memory_space<vmem>> -> memref<128xi32, #tpu.memory_space<vmem>>
      %dma_wait3A_553 = arith.constant 0 : i32
      %dma_wait3A_554 = arith.constant 0 : i32
      %dma_wait3A_555 = tpu.memref_slice %arg3[%dma_wait3A_553, %dma_wait3A_554] : memref<1000000x16xf32, #tpu.memory_space<hbm>> -> memref<1000000x16xf32, #tpu.memory_space<hbm>>
      tpu.wait_indirect_dma semaphore(%arg13 : memref<!tpu.dma_semaphore, #tpu.memory_space<semaphore_mem>>) src(%dma_wait3A_555 : memref<1000000x16xf32, #tpu.memory_space<hbm>>) dst(%dma_wait3A_550 : memref<128x16xf32, #tpu.memory_space<vmem>>)
      %dma_wait3A_556 = arith.constant 1408 : i32
      %dma_wait3A_557 = arith.constant 0 : i32
      %dma_wait3A_558 = tpu.memref_slice %arg8[%dma_wait3A_556, %dma_wait3A_557] : memref<3200x16xf32, #tpu.memory_space<vmem>> -> memref<128x16xf32, #tpu.memory_space<vmem>>
      %dma_wait3A_559 = arith.constant 1408 : i32
      %dma_wait3A_560 = tpu.memref_slice %arg6[%dma_wait3A_559] : memref<3200xi32, #tpu.memory_space<vmem>> -> memref<128xi32, #tpu.memory_space<vmem>>
      %dma_wait3A_561 = arith.constant 0 : i32
      %dma_wait3A_562 = arith.constant 0 : i32
      %dma_wait3A_563 = tpu.memref_slice %arg3[%dma_wait3A_561, %dma_wait3A_562] : memref<1000000x16xf32, #tpu.memory_space<hbm>> -> memref<1000000x16xf32, #tpu.memory_space<hbm>>
      tpu.wait_indirect_dma semaphore(%arg13 : memref<!tpu.dma_semaphore, #tpu.memory_space<semaphore_mem>>) src(%dma_wait3A_563 : memref<1000000x16xf32, #tpu.memory_space<hbm>>) dst(%dma_wait3A_558 : memref<128x16xf32, #tpu.memory_space<vmem>>)
      %dma_wait3A_564 = arith.constant 1536 : i32
      %dma_wait3A_565 = arith.constant 0 : i32
      %dma_wait3A_566 = tpu.memref_slice %arg8[%dma_wait3A_564, %dma_wait3A_565] : memref<3200x16xf32, #tpu.memory_space<vmem>> -> memref<128x16xf32, #tpu.memory_space<vmem>>
      %dma_wait3A_567 = arith.constant 1536 : i32
      %dma_wait3A_568 = tpu.memref_slice %arg6[%dma_wait3A_567] : memref<3200xi32, #tpu.memory_space<vmem>> -> memref<128xi32, #tpu.memory_space<vmem>>
      %dma_wait3A_569 = arith.constant 0 : i32
      %dma_wait3A_570 = arith.constant 0 : i32
      %dma_wait3A_571 = tpu.memref_slice %arg3[%dma_wait3A_569, %dma_wait3A_570] : memref<1000000x16xf32, #tpu.memory_space<hbm>> -> memref<1000000x16xf32, #tpu.memory_space<hbm>>
      tpu.wait_indirect_dma semaphore(%arg13 : memref<!tpu.dma_semaphore, #tpu.memory_space<semaphore_mem>>) src(%dma_wait3A_571 : memref<1000000x16xf32, #tpu.memory_space<hbm>>) dst(%dma_wait3A_566 : memref<128x16xf32, #tpu.memory_space<vmem>>)
      %dma_wait3A_572 = arith.constant 1664 : i32
      %dma_wait3A_573 = arith.constant 0 : i32
      %dma_wait3A_574 = tpu.memref_slice %arg8[%dma_wait3A_572, %dma_wait3A_573] : memref<3200x16xf32, #tpu.memory_space<vmem>> -> memref<128x16xf32, #tpu.memory_space<vmem>>
      %dma_wait3A_575 = arith.constant 1664 : i32
      %dma_wait3A_576 = tpu.memref_slice %arg6[%dma_wait3A_575] : memref<3200xi32, #tpu.memory_space<vmem>> -> memref<128xi32, #tpu.memory_space<vmem>>
      %dma_wait3A_577 = arith.constant 0 : i32
      %dma_wait3A_578 = arith.constant 0 : i32
      %dma_wait3A_579 = tpu.memref_slice %arg3[%dma_wait3A_577, %dma_wait3A_578] : memref<1000000x16xf32, #tpu.memory_space<hbm>> -> memref<1000000x16xf32, #tpu.memory_space<hbm>>
      tpu.wait_indirect_dma semaphore(%arg13 : memref<!tpu.dma_semaphore, #tpu.memory_space<semaphore_mem>>) src(%dma_wait3A_579 : memref<1000000x16xf32, #tpu.memory_space<hbm>>) dst(%dma_wait3A_574 : memref<128x16xf32, #tpu.memory_space<vmem>>)
      %dma_wait3A_580 = arith.constant 1792 : i32
      %dma_wait3A_581 = arith.constant 0 : i32
      %dma_wait3A_582 = tpu.memref_slice %arg8[%dma_wait3A_580, %dma_wait3A_581] : memref<3200x16xf32, #tpu.memory_space<vmem>> -> memref<128x16xf32, #tpu.memory_space<vmem>>
      %dma_wait3A_583 = arith.constant 1792 : i32
      %dma_wait3A_584 = tpu.memref_slice %arg6[%dma_wait3A_583] : memref<3200xi32, #tpu.memory_space<vmem>> -> memref<128xi32, #tpu.memory_space<vmem>>
      %dma_wait3A_585 = arith.constant 0 : i32
      %dma_wait3A_586 = arith.constant 0 : i32
      %dma_wait3A_587 = tpu.memref_slice %arg3[%dma_wait3A_585, %dma_wait3A_586] : memref<1000000x16xf32, #tpu.memory_space<hbm>> -> memref<1000000x16xf32, #tpu.memory_space<hbm>>
      tpu.wait_indirect_dma semaphore(%arg13 : memref<!tpu.dma_semaphore, #tpu.memory_space<semaphore_mem>>) src(%dma_wait3A_587 : memref<1000000x16xf32, #tpu.memory_space<hbm>>) dst(%dma_wait3A_582 : memref<128x16xf32, #tpu.memory_space<vmem>>)
      %dma_wait3A_588 = arith.constant 1920 : i32
      %dma_wait3A_589 = arith.constant 0 : i32
      %dma_wait3A_590 = tpu.memref_slice %arg8[%dma_wait3A_588, %dma_wait3A_589] : memref<3200x16xf32, #tpu.memory_space<vmem>> -> memref<128x16xf32, #tpu.memory_space<vmem>>
      %dma_wait3A_591 = arith.constant 1920 : i32
      %dma_wait3A_592 = tpu.memref_slice %arg6[%dma_wait3A_591] : memref<3200xi32, #tpu.memory_space<vmem>> -> memref<128xi32, #tpu.memory_space<vmem>>
      %dma_wait3A_593 = arith.constant 0 : i32
      %dma_wait3A_594 = arith.constant 0 : i32
      %dma_wait3A_595 = tpu.memref_slice %arg3[%dma_wait3A_593, %dma_wait3A_594] : memref<1000000x16xf32, #tpu.memory_space<hbm>> -> memref<1000000x16xf32, #tpu.memory_space<hbm>>
      tpu.wait_indirect_dma semaphore(%arg13 : memref<!tpu.dma_semaphore, #tpu.memory_space<semaphore_mem>>) src(%dma_wait3A_595 : memref<1000000x16xf32, #tpu.memory_space<hbm>>) dst(%dma_wait3A_590 : memref<128x16xf32, #tpu.memory_space<vmem>>)
      %dma_wait3A_596 = arith.constant 2048 : i32
      %dma_wait3A_597 = arith.constant 0 : i32
      %dma_wait3A_598 = tpu.memref_slice %arg8[%dma_wait3A_596, %dma_wait3A_597] : memref<3200x16xf32, #tpu.memory_space<vmem>> -> memref<128x16xf32, #tpu.memory_space<vmem>>
      %dma_wait3A_599 = arith.constant 2048 : i32
      %dma_wait3A_600 = tpu.memref_slice %arg6[%dma_wait3A_599] : memref<3200xi32, #tpu.memory_space<vmem>> -> memref<128xi32, #tpu.memory_space<vmem>>
      %dma_wait3A_601 = arith.constant 0 : i32
      %dma_wait3A_602 = arith.constant 0 : i32
      %dma_wait3A_603 = tpu.memref_slice %arg3[%dma_wait3A_601, %dma_wait3A_602] : memref<1000000x16xf32, #tpu.memory_space<hbm>> -> memref<1000000x16xf32, #tpu.memory_space<hbm>>
      tpu.wait_indirect_dma semaphore(%arg13 : memref<!tpu.dma_semaphore, #tpu.memory_space<semaphore_mem>>) src(%dma_wait3A_603 : memref<1000000x16xf32, #tpu.memory_space<hbm>>) dst(%dma_wait3A_598 : memref<128x16xf32, #tpu.memory_space<vmem>>)
      %dma_wait3A_604 = arith.constant 2176 : i32
      %dma_wait3A_605 = arith.constant 0 : i32
      %dma_wait3A_606 = tpu.memref_slice %arg8[%dma_wait3A_604, %dma_wait3A_605] : memref<3200x16xf32, #tpu.memory_space<vmem>> -> memref<128x16xf32, #tpu.memory_space<vmem>>
      %dma_wait3A_607 = arith.constant 2176 : i32
      %dma_wait3A_608 = tpu.memref_slice %arg6[%dma_wait3A_607] : memref<3200xi32, #tpu.memory_space<vmem>> -> memref<128xi32, #tpu.memory_space<vmem>>
      %dma_wait3A_609 = arith.constant 0 : i32
      %dma_wait3A_610 = arith.constant 0 : i32
      %dma_wait3A_611 = tpu.memref_slice %arg3[%dma_wait3A_609, %dma_wait3A_610] : memref<1000000x16xf32, #tpu.memory_space<hbm>> -> memref<1000000x16xf32, #tpu.memory_space<hbm>>
      tpu.wait_indirect_dma semaphore(%arg13 : memref<!tpu.dma_semaphore, #tpu.memory_space<semaphore_mem>>) src(%dma_wait3A_611 : memref<1000000x16xf32, #tpu.memory_space<hbm>>) dst(%dma_wait3A_606 : memref<128x16xf32, #tpu.memory_space<vmem>>)
      %dma_wait3A_612 = arith.constant 2304 : i32
      %dma_wait3A_613 = arith.constant 0 : i32
      %dma_wait3A_614 = tpu.memref_slice %arg8[%dma_wait3A_612, %dma_wait3A_613] : memref<3200x16xf32, #tpu.memory_space<vmem>> -> memref<128x16xf32, #tpu.memory_space<vmem>>
      %dma_wait3A_615 = arith.constant 2304 : i32
      %dma_wait3A_616 = tpu.memref_slice %arg6[%dma_wait3A_615] : memref<3200xi32, #tpu.memory_space<vmem>> -> memref<128xi32, #tpu.memory_space<vmem>>
      %dma_wait3A_617 = arith.constant 0 : i32
      %dma_wait3A_618 = arith.constant 0 : i32
      %dma_wait3A_619 = tpu.memref_slice %arg3[%dma_wait3A_617, %dma_wait3A_618] : memref<1000000x16xf32, #tpu.memory_space<hbm>> -> memref<1000000x16xf32, #tpu.memory_space<hbm>>
      tpu.wait_indirect_dma semaphore(%arg13 : memref<!tpu.dma_semaphore, #tpu.memory_space<semaphore_mem>>) src(%dma_wait3A_619 : memref<1000000x16xf32, #tpu.memory_space<hbm>>) dst(%dma_wait3A_614 : memref<128x16xf32, #tpu.memory_space<vmem>>)
      %dma_wait3A_620 = arith.constant 2432 : i32
      %dma_wait3A_621 = arith.constant 0 : i32
      %dma_wait3A_622 = tpu.memref_slice %arg8[%dma_wait3A_620, %dma_wait3A_621] : memref<3200x16xf32, #tpu.memory_space<vmem>> -> memref<128x16xf32, #tpu.memory_space<vmem>>
      %dma_wait3A_623 = arith.constant 2432 : i32
      %dma_wait3A_624 = tpu.memref_slice %arg6[%dma_wait3A_623] : memref<3200xi32, #tpu.memory_space<vmem>> -> memref<128xi32, #tpu.memory_space<vmem>>
      %dma_wait3A_625 = arith.constant 0 : i32
      %dma_wait3A_626 = arith.constant 0 : i32
      %dma_wait3A_627 = tpu.memref_slice %arg3[%dma_wait3A_625, %dma_wait3A_626] : memref<1000000x16xf32, #tpu.memory_space<hbm>> -> memref<1000000x16xf32, #tpu.memory_space<hbm>>
      tpu.wait_indirect_dma semaphore(%arg13 : memref<!tpu.dma_semaphore, #tpu.memory_space<semaphore_mem>>) src(%dma_wait3A_627 : memref<1000000x16xf32, #tpu.memory_space<hbm>>) dst(%dma_wait3A_622 : memref<128x16xf32, #tpu.memory_space<vmem>>)
      %dma_wait3A_628 = arith.constant 2560 : i32
      %dma_wait3A_629 = arith.constant 0 : i32
      %dma_wait3A_630 = tpu.memref_slice %arg8[%dma_wait3A_628, %dma_wait3A_629] : memref<3200x16xf32, #tpu.memory_space<vmem>> -> memref<128x16xf32, #tpu.memory_space<vmem>>
      %dma_wait3A_631 = arith.constant 2560 : i32
      %dma_wait3A_632 = tpu.memref_slice %arg6[%dma_wait3A_631] : memref<3200xi32, #tpu.memory_space<vmem>> -> memref<128xi32, #tpu.memory_space<vmem>>
      %dma_wait3A_633 = arith.constant 0 : i32
      %dma_wait3A_634 = arith.constant 0 : i32
      %dma_wait3A_635 = tpu.memref_slice %arg3[%dma_wait3A_633, %dma_wait3A_634] : memref<1000000x16xf32, #tpu.memory_space<hbm>> -> memref<1000000x16xf32, #tpu.memory_space<hbm>>
      tpu.wait_indirect_dma semaphore(%arg13 : memref<!tpu.dma_semaphore, #tpu.memory_space<semaphore_mem>>) src(%dma_wait3A_635 : memref<1000000x16xf32, #tpu.memory_space<hbm>>) dst(%dma_wait3A_630 : memref<128x16xf32, #tpu.memory_space<vmem>>)
      %dma_wait3A_636 = arith.constant 2688 : i32
      %dma_wait3A_637 = arith.constant 0 : i32
      %dma_wait3A_638 = tpu.memref_slice %arg8[%dma_wait3A_636, %dma_wait3A_637] : memref<3200x16xf32, #tpu.memory_space<vmem>> -> memref<128x16xf32, #tpu.memory_space<vmem>>
      %dma_wait3A_639 = arith.constant 2688 : i32
      %dma_wait3A_640 = tpu.memref_slice %arg6[%dma_wait3A_639] : memref<3200xi32, #tpu.memory_space<vmem>> -> memref<128xi32, #tpu.memory_space<vmem>>
      %dma_wait3A_641 = arith.constant 0 : i32
      %dma_wait3A_642 = arith.constant 0 : i32
      %dma_wait3A_643 = tpu.memref_slice %arg3[%dma_wait3A_641, %dma_wait3A_642] : memref<1000000x16xf32, #tpu.memory_space<hbm>> -> memref<1000000x16xf32, #tpu.memory_space<hbm>>
      tpu.wait_indirect_dma semaphore(%arg13 : memref<!tpu.dma_semaphore, #tpu.memory_space<semaphore_mem>>) src(%dma_wait3A_643 : memref<1000000x16xf32, #tpu.memory_space<hbm>>) dst(%dma_wait3A_638 : memref<128x16xf32, #tpu.memory_space<vmem>>)
      %dma_wait3A_644 = arith.constant 2816 : i32
      %dma_wait3A_645 = arith.constant 0 : i32
      %dma_wait3A_646 = tpu.memref_slice %arg8[%dma_wait3A_644, %dma_wait3A_645] : memref<3200x16xf32, #tpu.memory_space<vmem>> -> memref<128x16xf32, #tpu.memory_space<vmem>>
      %dma_wait3A_647 = arith.constant 2816 : i32
      %dma_wait3A_648 = tpu.memref_slice %arg6[%dma_wait3A_647] : memref<3200xi32, #tpu.memory_space<vmem>> -> memref<128xi32, #tpu.memory_space<vmem>>
      %dma_wait3A_649 = arith.constant 0 : i32
      %dma_wait3A_650 = arith.constant 0 : i32
      %dma_wait3A_651 = tpu.memref_slice %arg3[%dma_wait3A_649, %dma_wait3A_650] : memref<1000000x16xf32, #tpu.memory_space<hbm>> -> memref<1000000x16xf32, #tpu.memory_space<hbm>>
      tpu.wait_indirect_dma semaphore(%arg13 : memref<!tpu.dma_semaphore, #tpu.memory_space<semaphore_mem>>) src(%dma_wait3A_651 : memref<1000000x16xf32, #tpu.memory_space<hbm>>) dst(%dma_wait3A_646 : memref<128x16xf32, #tpu.memory_space<vmem>>)
      %dma_wait3A_652 = arith.constant 2944 : i32
      %dma_wait3A_653 = arith.constant 0 : i32
      %dma_wait3A_654 = tpu.memref_slice %arg8[%dma_wait3A_652, %dma_wait3A_653] : memref<3200x16xf32, #tpu.memory_space<vmem>> -> memref<128x16xf32, #tpu.memory_space<vmem>>
      %dma_wait3A_655 = arith.constant 2944 : i32
      %dma_wait3A_656 = tpu.memref_slice %arg6[%dma_wait3A_655] : memref<3200xi32, #tpu.memory_space<vmem>> -> memref<128xi32, #tpu.memory_space<vmem>>
      %dma_wait3A_657 = arith.constant 0 : i32
      %dma_wait3A_658 = arith.constant 0 : i32
      %dma_wait3A_659 = tpu.memref_slice %arg3[%dma_wait3A_657, %dma_wait3A_658] : memref<1000000x16xf32, #tpu.memory_space<hbm>> -> memref<1000000x16xf32, #tpu.memory_space<hbm>>
      tpu.wait_indirect_dma semaphore(%arg13 : memref<!tpu.dma_semaphore, #tpu.memory_space<semaphore_mem>>) src(%dma_wait3A_659 : memref<1000000x16xf32, #tpu.memory_space<hbm>>) dst(%dma_wait3A_654 : memref<128x16xf32, #tpu.memory_space<vmem>>)
      %dma_wait3A_660 = arith.constant 3072 : i32
      %dma_wait3A_661 = arith.constant 0 : i32
      %dma_wait3A_662 = tpu.memref_slice %arg8[%dma_wait3A_660, %dma_wait3A_661] : memref<3200x16xf32, #tpu.memory_space<vmem>> -> memref<128x16xf32, #tpu.memory_space<vmem>>
      %dma_wait3A_663 = arith.constant 3072 : i32
      %dma_wait3A_664 = tpu.memref_slice %arg6[%dma_wait3A_663] : memref<3200xi32, #tpu.memory_space<vmem>> -> memref<128xi32, #tpu.memory_space<vmem>>
      %dma_wait3A_665 = arith.constant 0 : i32
      %dma_wait3A_666 = arith.constant 0 : i32
      %dma_wait3A_667 = tpu.memref_slice %arg3[%dma_wait3A_665, %dma_wait3A_666] : memref<1000000x16xf32, #tpu.memory_space<hbm>> -> memref<1000000x16xf32, #tpu.memory_space<hbm>>
      tpu.wait_indirect_dma semaphore(%arg13 : memref<!tpu.dma_semaphore, #tpu.memory_space<semaphore_mem>>) src(%dma_wait3A_667 : memref<1000000x16xf32, #tpu.memory_space<hbm>>) dst(%dma_wait3A_662 : memref<128x16xf32, #tpu.memory_space<vmem>>)
      %mul3A_668 = arith.constant 512 : i32
      %mul3A_669 = arith.muli %add3A, %mul3A_668 : i32
      %mul3A_670 = arith.constant 16 : i32
      %mul3A_671 = arith.muli %mul3A_259, %mul3A_670 : i32
      %add3A_672 = arith.addi %mul3A_669, %mul3A_671 : i32
      %broadcast_in_dim3A = arith.constant 0.000000e+00 : f32
      %broadcast_in_dim3A_673 = vector.broadcast %broadcast_in_dim3A : f32 to vector<16xf32>
      %scan3A_674 = arith.constant 0 : i32
      %scan3A_675 = arith.constant 25 : i32
      %scan3A_676 = arith.addi %scan3A_674, %scan3A_675 : i32
      %scan3A_677 = arith.constant 1 : i32
      %scan3A_678 = scf.for %scan3A_1459 = %scan3A_674 to %scan3A_676 step %scan3A_677 iter_args(%scan3A_1460 = %broadcast_in_dim3A_673) -> (vector<16xf32>)  : i32 {
        %mul3A_1461 = arith.constant 8 : i32
        %mul3A_1462 = arith.muli %scan3A_1459, %mul3A_1461 : i32
        %add3A_1463 = arith.constant 0 : i32
        %add3A_1464 = arith.addi %add3A_1463, %mul3A_1462 : i32
        %add3A_1465 = vector.broadcast %add3A_1464 : i32 to vector<16xi32>
        %add3A_1466 = arith.addi %add3A_1465, %select_n3A : vector<16xi32>
        %gather3A_1467 = tpu.vector_load_idx %arg8[%add3A_1466, %select_n3A_43] : memref<3200x16xf32, #tpu.memory_space<vmem>>[vector<16xi32>, vector<16xi32>], vector<16xf32>,
        %add3A_1468 = arith.constant 4 : i32
        %add3A_1469 = vector.broadcast %add3A_1468 : i32 to vector<16xi32>
        %add3A_1470 = arith.addi %add3A_1466, %add3A_1469 : vector<16xi32>
        %gather3A_1471 = tpu.vector_load_idx %arg8[%add3A_1470, %select_n3A_43] : memref<3200x16xf32, #tpu.memory_space<vmem>>[vector<16xi32>, vector<16xi32>], vector<16xf32>,
        %add3A_1472 = arith.addf %scan3A_1460, %gather3A_1467 : vector<16xf32>
        %add3A_1473 = arith.addf %add3A_1472, %gather3A_1471 : vector<16xf32>
        scf.yield %add3A_1473 : vector<16xf32>
      }
      %scan3A_679 = arith.constant 25 : i32
      %swap3A = arith.constant 0 : i32
      %swap3A_680 = arith.index_cast %swap3A : i32 to index
      %swap3A_681 = arith.constant 0 : index
      %swap3A_682 = tpu.vector_load %arg10[%swap3A_680, %swap3A_681] {strides = array<i32>} : memref<16x16xf32, #tpu.memory_space<vmem>>, vector<16xf32>,
      tpu.vector_store %arg10[%swap3A_680, %swap3A_681], %scan3A_678 {strides = array<i32>} : memref<16x16xf32, #tpu.memory_space<vmem>>, vector<16xf32>,
      %broadcast_in_dim3A_683 = arith.constant 0.000000e+00 : f32
      %broadcast_in_dim3A_684 = vector.broadcast %broadcast_in_dim3A_683 : f32 to vector<16xf32>
      %scan3A_685 = arith.constant 0 : i32
      %scan3A_686 = arith.constant 25 : i32
      %scan3A_687 = arith.addi %scan3A_685, %scan3A_686 : i32
      %scan3A_688 = arith.constant 1 : i32
      %scan3A_689 = scf.for %scan3A_1459 = %scan3A_685 to %scan3A_687 step %scan3A_688 iter_args(%scan3A_1460 = %broadcast_in_dim3A_684) -> (vector<16xf32>)  : i32 {
        %mul3A_1461 = arith.constant 8 : i32
        %mul3A_1462 = arith.muli %scan3A_1459, %mul3A_1461 : i32
        %add3A_1463 = arith.constant 200 : i32
        %add3A_1464 = arith.addi %add3A_1463, %mul3A_1462 : i32
        %add3A_1465 = vector.broadcast %add3A_1464 : i32 to vector<16xi32>
        %add3A_1466 = arith.addi %add3A_1465, %select_n3A : vector<16xi32>
        %gather3A_1467 = tpu.vector_load_idx %arg8[%add3A_1466, %select_n3A_43] : memref<3200x16xf32, #tpu.memory_space<vmem>>[vector<16xi32>, vector<16xi32>], vector<16xf32>,
        %add3A_1468 = arith.constant 4 : i32
        %add3A_1469 = vector.broadcast %add3A_1468 : i32 to vector<16xi32>
        %add3A_1470 = arith.addi %add3A_1466, %add3A_1469 : vector<16xi32>
        %gather3A_1471 = tpu.vector_load_idx %arg8[%add3A_1470, %select_n3A_43] : memref<3200x16xf32, #tpu.memory_space<vmem>>[vector<16xi32>, vector<16xi32>], vector<16xf32>,
        %add3A_1472 = arith.addf %scan3A_1460, %gather3A_1467 : vector<16xf32>
        %add3A_1473 = arith.addf %add3A_1472, %gather3A_1471 : vector<16xf32>
        scf.yield %add3A_1473 : vector<16xf32>
      }
      %scan3A_690 = arith.constant 25 : i32
      %swap3A_691 = arith.constant 1 : i32
      %swap3A_692 = arith.index_cast %swap3A_691 : i32 to index
      %swap3A_693 = arith.constant 0 : index
      %swap3A_694 = tpu.vector_load %arg10[%swap3A_692, %swap3A_693] {strides = array<i32>} : memref<16x16xf32, #tpu.memory_space<vmem>>, vector<16xf32>,
      tpu.vector_store %arg10[%swap3A_692, %swap3A_693], %scan3A_689 {strides = array<i32>} : memref<16x16xf32, #tpu.memory_space<vmem>>, vector<16xf32>,
      %broadcast_in_dim3A_695 = arith.constant 0.000000e+00 : f32
      %broadcast_in_dim3A_696 = vector.broadcast %broadcast_in_dim3A_695 : f32 to vector<16xf32>
      %scan3A_697 = arith.constant 0 : i32
      %scan3A_698 = arith.constant 25 : i32
      %scan3A_699 = arith.addi %scan3A_697, %scan3A_698 : i32
      %scan3A_700 = arith.constant 1 : i32
      %scan3A_701 = scf.for %scan3A_1459 = %scan3A_697 to %scan3A_699 step %scan3A_700 iter_args(%scan3A_1460 = %broadcast_in_dim3A_696) -> (vector<16xf32>)  : i32 {
        %mul3A_1461 = arith.constant 8 : i32
        %mul3A_1462 = arith.muli %scan3A_1459, %mul3A_1461 : i32
        %add3A_1463 = arith.constant 400 : i32
        %add3A_1464 = arith.addi %add3A_1463, %mul3A_1462 : i32
        %add3A_1465 = vector.broadcast %add3A_1464 : i32 to vector<16xi32>
        %add3A_1466 = arith.addi %add3A_1465, %select_n3A : vector<16xi32>
        %gather3A_1467 = tpu.vector_load_idx %arg8[%add3A_1466, %select_n3A_43] : memref<3200x16xf32, #tpu.memory_space<vmem>>[vector<16xi32>, vector<16xi32>], vector<16xf32>,
        %add3A_1468 = arith.constant 4 : i32
        %add3A_1469 = vector.broadcast %add3A_1468 : i32 to vector<16xi32>
        %add3A_1470 = arith.addi %add3A_1466, %add3A_1469 : vector<16xi32>
        %gather3A_1471 = tpu.vector_load_idx %arg8[%add3A_1470, %select_n3A_43] : memref<3200x16xf32, #tpu.memory_space<vmem>>[vector<16xi32>, vector<16xi32>], vector<16xf32>,
        %add3A_1472 = arith.addf %scan3A_1460, %gather3A_1467 : vector<16xf32>
        %add3A_1473 = arith.addf %add3A_1472, %gather3A_1471 : vector<16xf32>
        scf.yield %add3A_1473 : vector<16xf32>
      }
      %scan3A_702 = arith.constant 25 : i32
      %swap3A_703 = arith.constant 2 : i32
      %swap3A_704 = arith.index_cast %swap3A_703 : i32 to index
      %swap3A_705 = arith.constant 0 : index
      %swap3A_706 = tpu.vector_load %arg10[%swap3A_704, %swap3A_705] {strides = array<i32>} : memref<16x16xf32, #tpu.memory_space<vmem>>, vector<16xf32>,
      tpu.vector_store %arg10[%swap3A_704, %swap3A_705], %scan3A_701 {strides = array<i32>} : memref<16x16xf32, #tpu.memory_space<vmem>>, vector<16xf32>,
      %broadcast_in_dim3A_707 = arith.constant 0.000000e+00 : f32
      %broadcast_in_dim3A_708 = vector.broadcast %broadcast_in_dim3A_707 : f32 to vector<16xf32>
      %scan3A_709 = arith.constant 0 : i32
      %scan3A_710 = arith.constant 25 : i32
      %scan3A_711 = arith.addi %scan3A_709, %scan3A_710 : i32
      %scan3A_712 = arith.constant 1 : i32
      %scan3A_713 = scf.for %scan3A_1459 = %scan3A_709 to %scan3A_711 step %scan3A_712 iter_args(%scan3A_1460 = %broadcast_in_dim3A_708) -> (vector<16xf32>)  : i32 {
        %mul3A_1461 = arith.constant 8 : i32
        %mul3A_1462 = arith.muli %scan3A_1459, %mul3A_1461 : i32
        %add3A_1463 = arith.constant 600 : i32
        %add3A_1464 = arith.addi %add3A_1463, %mul3A_1462 : i32
        %add3A_1465 = vector.broadcast %add3A_1464 : i32 to vector<16xi32>
        %add3A_1466 = arith.addi %add3A_1465, %select_n3A : vector<16xi32>
        %gather3A_1467 = tpu.vector_load_idx %arg8[%add3A_1466, %select_n3A_43] : memref<3200x16xf32, #tpu.memory_space<vmem>>[vector<16xi32>, vector<16xi32>], vector<16xf32>,
        %add3A_1468 = arith.constant 4 : i32
        %add3A_1469 = vector.broadcast %add3A_1468 : i32 to vector<16xi32>
        %add3A_1470 = arith.addi %add3A_1466, %add3A_1469 : vector<16xi32>
        %gather3A_1471 = tpu.vector_load_idx %arg8[%add3A_1470, %select_n3A_43] : memref<3200x16xf32, #tpu.memory_space<vmem>>[vector<16xi32>, vector<16xi32>], vector<16xf32>,
        %add3A_1472 = arith.addf %scan3A_1460, %gather3A_1467 : vector<16xf32>
        %add3A_1473 = arith.addf %add3A_1472, %gather3A_1471 : vector<16xf32>
        scf.yield %add3A_1473 : vector<16xf32>
      }
      %scan3A_714 = arith.constant 25 : i32
      %swap3A_715 = arith.constant 3 : i32
      %swap3A_716 = arith.index_cast %swap3A_715 : i32 to index
      %swap3A_717 = arith.constant 0 : index
      %swap3A_718 = tpu.vector_load %arg10[%swap3A_716, %swap3A_717] {strides = array<i32>} : memref<16x16xf32, #tpu.memory_space<vmem>>, vector<16xf32>,
      tpu.vector_store %arg10[%swap3A_716, %swap3A_717], %scan3A_713 {strides = array<i32>} : memref<16x16xf32, #tpu.memory_space<vmem>>, vector<16xf32>,
      %broadcast_in_dim3A_719 = arith.constant 0.000000e+00 : f32
      %broadcast_in_dim3A_720 = vector.broadcast %broadcast_in_dim3A_719 : f32 to vector<16xf32>
      %scan3A_721 = arith.constant 0 : i32
      %scan3A_722 = arith.constant 25 : i32
      %scan3A_723 = arith.addi %scan3A_721, %scan3A_722 : i32
      %scan3A_724 = arith.constant 1 : i32
      %scan3A_725 = scf.for %scan3A_1459 = %scan3A_721 to %scan3A_723 step %scan3A_724 iter_args(%scan3A_1460 = %broadcast_in_dim3A_720) -> (vector<16xf32>)  : i32 {
        %mul3A_1461 = arith.constant 8 : i32
        %mul3A_1462 = arith.muli %scan3A_1459, %mul3A_1461 : i32
        %add3A_1463 = arith.constant 800 : i32
        %add3A_1464 = arith.addi %add3A_1463, %mul3A_1462 : i32
        %add3A_1465 = vector.broadcast %add3A_1464 : i32 to vector<16xi32>
        %add3A_1466 = arith.addi %add3A_1465, %select_n3A : vector<16xi32>
        %gather3A_1467 = tpu.vector_load_idx %arg8[%add3A_1466, %select_n3A_43] : memref<3200x16xf32, #tpu.memory_space<vmem>>[vector<16xi32>, vector<16xi32>], vector<16xf32>,
        %add3A_1468 = arith.constant 4 : i32
        %add3A_1469 = vector.broadcast %add3A_1468 : i32 to vector<16xi32>
        %add3A_1470 = arith.addi %add3A_1466, %add3A_1469 : vector<16xi32>
        %gather3A_1471 = tpu.vector_load_idx %arg8[%add3A_1470, %select_n3A_43] : memref<3200x16xf32, #tpu.memory_space<vmem>>[vector<16xi32>, vector<16xi32>], vector<16xf32>,
        %add3A_1472 = arith.addf %scan3A_1460, %gather3A_1467 : vector<16xf32>
        %add3A_1473 = arith.addf %add3A_1472, %gather3A_1471 : vector<16xf32>
        scf.yield %add3A_1473 : vector<16xf32>
      }
      %scan3A_726 = arith.constant 25 : i32
      %swap3A_727 = arith.constant 4 : i32
      %swap3A_728 = arith.index_cast %swap3A_727 : i32 to index
      %swap3A_729 = arith.constant 0 : index
      %swap3A_730 = tpu.vector_load %arg10[%swap3A_728, %swap3A_729] {strides = array<i32>} : memref<16x16xf32, #tpu.memory_space<vmem>>, vector<16xf32>,
      tpu.vector_store %arg10[%swap3A_728, %swap3A_729], %scan3A_725 {strides = array<i32>} : memref<16x16xf32, #tpu.memory_space<vmem>>, vector<16xf32>,
      %broadcast_in_dim3A_731 = arith.constant 0.000000e+00 : f32
      %broadcast_in_dim3A_732 = vector.broadcast %broadcast_in_dim3A_731 : f32 to vector<16xf32>
      %scan3A_733 = arith.constant 0 : i32
      %scan3A_734 = arith.constant 25 : i32
      %scan3A_735 = arith.addi %scan3A_733, %scan3A_734 : i32
      %scan3A_736 = arith.constant 1 : i32
      %scan3A_737 = scf.for %scan3A_1459 = %scan3A_733 to %scan3A_735 step %scan3A_736 iter_args(%scan3A_1460 = %broadcast_in_dim3A_732) -> (vector<16xf32>)  : i32 {
        %mul3A_1461 = arith.constant 8 : i32
        %mul3A_1462 = arith.muli %scan3A_1459, %mul3A_1461 : i32
        %add3A_1463 = arith.constant 1000 : i32
        %add3A_1464 = arith.addi %add3A_1463, %mul3A_1462 : i32
        %add3A_1465 = vector.broadcast %add3A_1464 : i32 to vector<16xi32>
        %add3A_1466 = arith.addi %add3A_1465, %select_n3A : vector<16xi32>
        %gather3A_1467 = tpu.vector_load_idx %arg8[%add3A_1466, %select_n3A_43] : memref<3200x16xf32, #tpu.memory_space<vmem>>[vector<16xi32>, vector<16xi32>], vector<16xf32>,
        %add3A_1468 = arith.constant 4 : i32
        %add3A_1469 = vector.broadcast %add3A_1468 : i32 to vector<16xi32>
        %add3A_1470 = arith.addi %add3A_1466, %add3A_1469 : vector<16xi32>
        %gather3A_1471 = tpu.vector_load_idx %arg8[%add3A_1470, %select_n3A_43] : memref<3200x16xf32, #tpu.memory_space<vmem>>[vector<16xi32>, vector<16xi32>], vector<16xf32>,
        %add3A_1472 = arith.addf %scan3A_1460, %gather3A_1467 : vector<16xf32>
        %add3A_1473 = arith.addf %add3A_1472, %gather3A_1471 : vector<16xf32>
        scf.yield %add3A_1473 : vector<16xf32>
      }
      %scan3A_738 = arith.constant 25 : i32
      %swap3A_739 = arith.constant 5 : i32
      %swap3A_740 = arith.index_cast %swap3A_739 : i32 to index
      %swap3A_741 = arith.constant 0 : index
      %swap3A_742 = tpu.vector_load %arg10[%swap3A_740, %swap3A_741] {strides = array<i32>} : memref<16x16xf32, #tpu.memory_space<vmem>>, vector<16xf32>,
      tpu.vector_store %arg10[%swap3A_740, %swap3A_741], %scan3A_737 {strides = array<i32>} : memref<16x16xf32, #tpu.memory_space<vmem>>, vector<16xf32>,
      %broadcast_in_dim3A_743 = arith.constant 0.000000e+00 : f32
      %broadcast_in_dim3A_744 = vector.broadcast %broadcast_in_dim3A_743 : f32 to vector<16xf32>
      %scan3A_745 = arith.constant 0 : i32
      %scan3A_746 = arith.constant 25 : i32
      %scan3A_747 = arith.addi %scan3A_745, %scan3A_746 : i32
      %scan3A_748 = arith.constant 1 : i32
      %scan3A_749 = scf.for %scan3A_1459 = %scan3A_745 to %scan3A_747 step %scan3A_748 iter_args(%scan3A_1460 = %broadcast_in_dim3A_744) -> (vector<16xf32>)  : i32 {
        %mul3A_1461 = arith.constant 8 : i32
        %mul3A_1462 = arith.muli %scan3A_1459, %mul3A_1461 : i32
        %add3A_1463 = arith.constant 1200 : i32
        %add3A_1464 = arith.addi %add3A_1463, %mul3A_1462 : i32
        %add3A_1465 = vector.broadcast %add3A_1464 : i32 to vector<16xi32>
        %add3A_1466 = arith.addi %add3A_1465, %select_n3A : vector<16xi32>
        %gather3A_1467 = tpu.vector_load_idx %arg8[%add3A_1466, %select_n3A_43] : memref<3200x16xf32, #tpu.memory_space<vmem>>[vector<16xi32>, vector<16xi32>], vector<16xf32>,
        %add3A_1468 = arith.constant 4 : i32
        %add3A_1469 = vector.broadcast %add3A_1468 : i32 to vector<16xi32>
        %add3A_1470 = arith.addi %add3A_1466, %add3A_1469 : vector<16xi32>
        %gather3A_1471 = tpu.vector_load_idx %arg8[%add3A_1470, %select_n3A_43] : memref<3200x16xf32, #tpu.memory_space<vmem>>[vector<16xi32>, vector<16xi32>], vector<16xf32>,
        %add3A_1472 = arith.addf %scan3A_1460, %gather3A_1467 : vector<16xf32>
        %add3A_1473 = arith.addf %add3A_1472, %gather3A_1471 : vector<16xf32>
        scf.yield %add3A_1473 : vector<16xf32>
      }
      %scan3A_750 = arith.constant 25 : i32
      %swap3A_751 = arith.constant 6 : i32
      %swap3A_752 = arith.index_cast %swap3A_751 : i32 to index
      %swap3A_753 = arith.constant 0 : index
      %swap3A_754 = tpu.vector_load %arg10[%swap3A_752, %swap3A_753] {strides = array<i32>} : memref<16x16xf32, #tpu.memory_space<vmem>>, vector<16xf32>,
      tpu.vector_store %arg10[%swap3A_752, %swap3A_753], %scan3A_749 {strides = array<i32>} : memref<16x16xf32, #tpu.memory_space<vmem>>, vector<16xf32>,
      %broadcast_in_dim3A_755 = arith.constant 0.000000e+00 : f32
      %broadcast_in_dim3A_756 = vector.broadcast %broadcast_in_dim3A_755 : f32 to vector<16xf32>
      %scan3A_757 = arith.constant 0 : i32
      %scan3A_758 = arith.constant 25 : i32
      %scan3A_759 = arith.addi %scan3A_757, %scan3A_758 : i32
      %scan3A_760 = arith.constant 1 : i32
      %scan3A_761 = scf.for %scan3A_1459 = %scan3A_757 to %scan3A_759 step %scan3A_760 iter_args(%scan3A_1460 = %broadcast_in_dim3A_756) -> (vector<16xf32>)  : i32 {
        %mul3A_1461 = arith.constant 8 : i32
        %mul3A_1462 = arith.muli %scan3A_1459, %mul3A_1461 : i32
        %add3A_1463 = arith.constant 1400 : i32
        %add3A_1464 = arith.addi %add3A_1463, %mul3A_1462 : i32
        %add3A_1465 = vector.broadcast %add3A_1464 : i32 to vector<16xi32>
        %add3A_1466 = arith.addi %add3A_1465, %select_n3A : vector<16xi32>
        %gather3A_1467 = tpu.vector_load_idx %arg8[%add3A_1466, %select_n3A_43] : memref<3200x16xf32, #tpu.memory_space<vmem>>[vector<16xi32>, vector<16xi32>], vector<16xf32>,
        %add3A_1468 = arith.constant 4 : i32
        %add3A_1469 = vector.broadcast %add3A_1468 : i32 to vector<16xi32>
        %add3A_1470 = arith.addi %add3A_1466, %add3A_1469 : vector<16xi32>
        %gather3A_1471 = tpu.vector_load_idx %arg8[%add3A_1470, %select_n3A_43] : memref<3200x16xf32, #tpu.memory_space<vmem>>[vector<16xi32>, vector<16xi32>], vector<16xf32>,
        %add3A_1472 = arith.addf %scan3A_1460, %gather3A_1467 : vector<16xf32>
        %add3A_1473 = arith.addf %add3A_1472, %gather3A_1471 : vector<16xf32>
        scf.yield %add3A_1473 : vector<16xf32>
      }
      %scan3A_762 = arith.constant 25 : i32
      %swap3A_763 = arith.constant 7 : i32
      %swap3A_764 = arith.index_cast %swap3A_763 : i32 to index
      %swap3A_765 = arith.constant 0 : index
      %swap3A_766 = tpu.vector_load %arg10[%swap3A_764, %swap3A_765] {strides = array<i32>} : memref<16x16xf32, #tpu.memory_space<vmem>>, vector<16xf32>,
      tpu.vector_store %arg10[%swap3A_764, %swap3A_765], %scan3A_761 {strides = array<i32>} : memref<16x16xf32, #tpu.memory_space<vmem>>, vector<16xf32>,
      %broadcast_in_dim3A_767 = arith.constant 0.000000e+00 : f32
      %broadcast_in_dim3A_768 = vector.broadcast %broadcast_in_dim3A_767 : f32 to vector<16xf32>
      %scan3A_769 = arith.constant 0 : i32
      %scan3A_770 = arith.constant 25 : i32
      %scan3A_771 = arith.addi %scan3A_769, %scan3A_770 : i32
      %scan3A_772 = arith.constant 1 : i32
      %scan3A_773 = scf.for %scan3A_1459 = %scan3A_769 to %scan3A_771 step %scan3A_772 iter_args(%scan3A_1460 = %broadcast_in_dim3A_768) -> (vector<16xf32>)  : i32 {
        %mul3A_1461 = arith.constant 8 : i32
        %mul3A_1462 = arith.muli %scan3A_1459, %mul3A_1461 : i32
        %add3A_1463 = arith.constant 1600 : i32
        %add3A_1464 = arith.addi %add3A_1463, %mul3A_1462 : i32
        %add3A_1465 = vector.broadcast %add3A_1464 : i32 to vector<16xi32>
        %add3A_1466 = arith.addi %add3A_1465, %select_n3A : vector<16xi32>
        %gather3A_1467 = tpu.vector_load_idx %arg8[%add3A_1466, %select_n3A_43] : memref<3200x16xf32, #tpu.memory_space<vmem>>[vector<16xi32>, vector<16xi32>], vector<16xf32>,
        %add3A_1468 = arith.constant 4 : i32
        %add3A_1469 = vector.broadcast %add3A_1468 : i32 to vector<16xi32>
        %add3A_1470 = arith.addi %add3A_1466, %add3A_1469 : vector<16xi32>
        %gather3A_1471 = tpu.vector_load_idx %arg8[%add3A_1470, %select_n3A_43] : memref<3200x16xf32, #tpu.memory_space<vmem>>[vector<16xi32>, vector<16xi32>], vector<16xf32>,
        %add3A_1472 = arith.addf %scan3A_1460, %gather3A_1467 : vector<16xf32>
        %add3A_1473 = arith.addf %add3A_1472, %gather3A_1471 : vector<16xf32>
        scf.yield %add3A_1473 : vector<16xf32>
      }
      %scan3A_774 = arith.constant 25 : i32
      %swap3A_775 = arith.constant 8 : i32
      %swap3A_776 = arith.index_cast %swap3A_775 : i32 to index
      %swap3A_777 = arith.constant 0 : index
      %swap3A_778 = tpu.vector_load %arg10[%swap3A_776, %swap3A_777] {strides = array<i32>} : memref<16x16xf32, #tpu.memory_space<vmem>>, vector<16xf32>,
      tpu.vector_store %arg10[%swap3A_776, %swap3A_777], %scan3A_773 {strides = array<i32>} : memref<16x16xf32, #tpu.memory_space<vmem>>, vector<16xf32>,
      %broadcast_in_dim3A_779 = arith.constant 0.000000e+00 : f32
      %broadcast_in_dim3A_780 = vector.broadcast %broadcast_in_dim3A_779 : f32 to vector<16xf32>
      %scan3A_781 = arith.constant 0 : i32
      %scan3A_782 = arith.constant 25 : i32
      %scan3A_783 = arith.addi %scan3A_781, %scan3A_782 : i32
      %scan3A_784 = arith.constant 1 : i32
      %scan3A_785 = scf.for %scan3A_1459 = %scan3A_781 to %scan3A_783 step %scan3A_784 iter_args(%scan3A_1460 = %broadcast_in_dim3A_780) -> (vector<16xf32>)  : i32 {
        %mul3A_1461 = arith.constant 8 : i32
        %mul3A_1462 = arith.muli %scan3A_1459, %mul3A_1461 : i32
        %add3A_1463 = arith.constant 1800 : i32
        %add3A_1464 = arith.addi %add3A_1463, %mul3A_1462 : i32
        %add3A_1465 = vector.broadcast %add3A_1464 : i32 to vector<16xi32>
        %add3A_1466 = arith.addi %add3A_1465, %select_n3A : vector<16xi32>
        %gather3A_1467 = tpu.vector_load_idx %arg8[%add3A_1466, %select_n3A_43] : memref<3200x16xf32, #tpu.memory_space<vmem>>[vector<16xi32>, vector<16xi32>], vector<16xf32>,
        %add3A_1468 = arith.constant 4 : i32
        %add3A_1469 = vector.broadcast %add3A_1468 : i32 to vector<16xi32>
        %add3A_1470 = arith.addi %add3A_1466, %add3A_1469 : vector<16xi32>
        %gather3A_1471 = tpu.vector_load_idx %arg8[%add3A_1470, %select_n3A_43] : memref<3200x16xf32, #tpu.memory_space<vmem>>[vector<16xi32>, vector<16xi32>], vector<16xf32>,
        %add3A_1472 = arith.addf %scan3A_1460, %gather3A_1467 : vector<16xf32>
        %add3A_1473 = arith.addf %add3A_1472, %gather3A_1471 : vector<16xf32>
        scf.yield %add3A_1473 : vector<16xf32>
      }
      %scan3A_786 = arith.constant 25 : i32
      %swap3A_787 = arith.constant 9 : i32
      %swap3A_788 = arith.index_cast %swap3A_787 : i32 to index
      %swap3A_789 = arith.constant 0 : index
      %swap3A_790 = tpu.vector_load %arg10[%swap3A_788, %swap3A_789] {strides = array<i32>} : memref<16x16xf32, #tpu.memory_space<vmem>>, vector<16xf32>,
      tpu.vector_store %arg10[%swap3A_788, %swap3A_789], %scan3A_785 {strides = array<i32>} : memref<16x16xf32, #tpu.memory_space<vmem>>, vector<16xf32>,
      %broadcast_in_dim3A_791 = arith.constant 0.000000e+00 : f32
      %broadcast_in_dim3A_792 = vector.broadcast %broadcast_in_dim3A_791 : f32 to vector<16xf32>
      %scan3A_793 = arith.constant 0 : i32
      %scan3A_794 = arith.constant 25 : i32
      %scan3A_795 = arith.addi %scan3A_793, %scan3A_794 : i32
      %scan3A_796 = arith.constant 1 : i32
      %scan3A_797 = scf.for %scan3A_1459 = %scan3A_793 to %scan3A_795 step %scan3A_796 iter_args(%scan3A_1460 = %broadcast_in_dim3A_792) -> (vector<16xf32>)  : i32 {
        %mul3A_1461 = arith.constant 8 : i32
        %mul3A_1462 = arith.muli %scan3A_1459, %mul3A_1461 : i32
        %add3A_1463 = arith.constant 2000 : i32
        %add3A_1464 = arith.addi %add3A_1463, %mul3A_1462 : i32
        %add3A_1465 = vector.broadcast %add3A_1464 : i32 to vector<16xi32>
        %add3A_1466 = arith.addi %add3A_1465, %select_n3A : vector<16xi32>
        %gather3A_1467 = tpu.vector_load_idx %arg8[%add3A_1466, %select_n3A_43] : memref<3200x16xf32, #tpu.memory_space<vmem>>[vector<16xi32>, vector<16xi32>], vector<16xf32>,
        %add3A_1468 = arith.constant 4 : i32
        %add3A_1469 = vector.broadcast %add3A_1468 : i32 to vector<16xi32>
        %add3A_1470 = arith.addi %add3A_1466, %add3A_1469 : vector<16xi32>
        %gather3A_1471 = tpu.vector_load_idx %arg8[%add3A_1470, %select_n3A_43] : memref<3200x16xf32, #tpu.memory_space<vmem>>[vector<16xi32>, vector<16xi32>], vector<16xf32>,
        %add3A_1472 = arith.addf %scan3A_1460, %gather3A_1467 : vector<16xf32>
        %add3A_1473 = arith.addf %add3A_1472, %gather3A_1471 : vector<16xf32>
        scf.yield %add3A_1473 : vector<16xf32>
      }
      %scan3A_798 = arith.constant 25 : i32
      %swap3A_799 = arith.constant 10 : i32
      %swap3A_800 = arith.index_cast %swap3A_799 : i32 to index
      %swap3A_801 = arith.constant 0 : index
      %swap3A_802 = tpu.vector_load %arg10[%swap3A_800, %swap3A_801] {strides = array<i32>} : memref<16x16xf32, #tpu.memory_space<vmem>>, vector<16xf32>,
      tpu.vector_store %arg10[%swap3A_800, %swap3A_801], %scan3A_797 {strides = array<i32>} : memref<16x16xf32, #tpu.memory_space<vmem>>, vector<16xf32>,
      %broadcast_in_dim3A_803 = arith.constant 0.000000e+00 : f32
      %broadcast_in_dim3A_804 = vector.broadcast %broadcast_in_dim3A_803 : f32 to vector<16xf32>
      %scan3A_805 = arith.constant 0 : i32
      %scan3A_806 = arith.constant 25 : i32
      %scan3A_807 = arith.addi %scan3A_805, %scan3A_806 : i32
      %scan3A_808 = arith.constant 1 : i32
      %scan3A_809 = scf.for %scan3A_1459 = %scan3A_805 to %scan3A_807 step %scan3A_808 iter_args(%scan3A_1460 = %broadcast_in_dim3A_804) -> (vector<16xf32>)  : i32 {
        %mul3A_1461 = arith.constant 8 : i32
        %mul3A_1462 = arith.muli %scan3A_1459, %mul3A_1461 : i32
        %add3A_1463 = arith.constant 2200 : i32
        %add3A_1464 = arith.addi %add3A_1463, %mul3A_1462 : i32
        %add3A_1465 = vector.broadcast %add3A_1464 : i32 to vector<16xi32>
        %add3A_1466 = arith.addi %add3A_1465, %select_n3A : vector<16xi32>
        %gather3A_1467 = tpu.vector_load_idx %arg8[%add3A_1466, %select_n3A_43] : memref<3200x16xf32, #tpu.memory_space<vmem>>[vector<16xi32>, vector<16xi32>], vector<16xf32>,
        %add3A_1468 = arith.constant 4 : i32
        %add3A_1469 = vector.broadcast %add3A_1468 : i32 to vector<16xi32>
        %add3A_1470 = arith.addi %add3A_1466, %add3A_1469 : vector<16xi32>
        %gather3A_1471 = tpu.vector_load_idx %arg8[%add3A_1470, %select_n3A_43] : memref<3200x16xf32, #tpu.memory_space<vmem>>[vector<16xi32>, vector<16xi32>], vector<16xf32>,
        %add3A_1472 = arith.addf %scan3A_1460, %gather3A_1467 : vector<16xf32>
        %add3A_1473 = arith.addf %add3A_1472, %gather3A_1471 : vector<16xf32>
        scf.yield %add3A_1473 : vector<16xf32>
      }
      %scan3A_810 = arith.constant 25 : i32
      %swap3A_811 = arith.constant 11 : i32
      %swap3A_812 = arith.index_cast %swap3A_811 : i32 to index
      %swap3A_813 = arith.constant 0 : index
      %swap3A_814 = tpu.vector_load %arg10[%swap3A_812, %swap3A_813] {strides = array<i32>} : memref<16x16xf32, #tpu.memory_space<vmem>>, vector<16xf32>,
      tpu.vector_store %arg10[%swap3A_812, %swap3A_813], %scan3A_809 {strides = array<i32>} : memref<16x16xf32, #tpu.memory_space<vmem>>, vector<16xf32>,
      %broadcast_in_dim3A_815 = arith.constant 0.000000e+00 : f32
      %broadcast_in_dim3A_816 = vector.broadcast %broadcast_in_dim3A_815 : f32 to vector<16xf32>
      %scan3A_817 = arith.constant 0 : i32
      %scan3A_818 = arith.constant 25 : i32
      %scan3A_819 = arith.addi %scan3A_817, %scan3A_818 : i32
      %scan3A_820 = arith.constant 1 : i32
      %scan3A_821 = scf.for %scan3A_1459 = %scan3A_817 to %scan3A_819 step %scan3A_820 iter_args(%scan3A_1460 = %broadcast_in_dim3A_816) -> (vector<16xf32>)  : i32 {
        %mul3A_1461 = arith.constant 8 : i32
        %mul3A_1462 = arith.muli %scan3A_1459, %mul3A_1461 : i32
        %add3A_1463 = arith.constant 2400 : i32
        %add3A_1464 = arith.addi %add3A_1463, %mul3A_1462 : i32
        %add3A_1465 = vector.broadcast %add3A_1464 : i32 to vector<16xi32>
        %add3A_1466 = arith.addi %add3A_1465, %select_n3A : vector<16xi32>
        %gather3A_1467 = tpu.vector_load_idx %arg8[%add3A_1466, %select_n3A_43] : memref<3200x16xf32, #tpu.memory_space<vmem>>[vector<16xi32>, vector<16xi32>], vector<16xf32>,
        %add3A_1468 = arith.constant 4 : i32
        %add3A_1469 = vector.broadcast %add3A_1468 : i32 to vector<16xi32>
        %add3A_1470 = arith.addi %add3A_1466, %add3A_1469 : vector<16xi32>
        %gather3A_1471 = tpu.vector_load_idx %arg8[%add3A_1470, %select_n3A_43] : memref<3200x16xf32, #tpu.memory_space<vmem>>[vector<16xi32>, vector<16xi32>], vector<16xf32>,
        %add3A_1472 = arith.addf %scan3A_1460, %gather3A_1467 : vector<16xf32>
        %add3A_1473 = arith.addf %add3A_1472, %gather3A_1471 : vector<16xf32>
        scf.yield %add3A_1473 : vector<16xf32>
      }
      %scan3A_822 = arith.constant 25 : i32
      %swap3A_823 = arith.constant 12 : i32
      %swap3A_824 = arith.index_cast %swap3A_823 : i32 to index
      %swap3A_825 = arith.constant 0 : index
      %swap3A_826 = tpu.vector_load %arg10[%swap3A_824, %swap3A_825] {strides = array<i32>} : memref<16x16xf32, #tpu.memory_space<vmem>>, vector<16xf32>,
      tpu.vector_store %arg10[%swap3A_824, %swap3A_825], %scan3A_821 {strides = array<i32>} : memref<16x16xf32, #tpu.memory_space<vmem>>, vector<16xf32>,
      %broadcast_in_dim3A_827 = arith.constant 0.000000e+00 : f32
      %broadcast_in_dim3A_828 = vector.broadcast %broadcast_in_dim3A_827 : f32 to vector<16xf32>
      %scan3A_829 = arith.constant 0 : i32
      %scan3A_830 = arith.constant 25 : i32
      %scan3A_831 = arith.addi %scan3A_829, %scan3A_830 : i32
      %scan3A_832 = arith.constant 1 : i32
      %scan3A_833 = scf.for %scan3A_1459 = %scan3A_829 to %scan3A_831 step %scan3A_832 iter_args(%scan3A_1460 = %broadcast_in_dim3A_828) -> (vector<16xf32>)  : i32 {
        %mul3A_1461 = arith.constant 8 : i32
        %mul3A_1462 = arith.muli %scan3A_1459, %mul3A_1461 : i32
        %add3A_1463 = arith.constant 2600 : i32
        %add3A_1464 = arith.addi %add3A_1463, %mul3A_1462 : i32
        %add3A_1465 = vector.broadcast %add3A_1464 : i32 to vector<16xi32>
        %add3A_1466 = arith.addi %add3A_1465, %select_n3A : vector<16xi32>
        %gather3A_1467 = tpu.vector_load_idx %arg8[%add3A_1466, %select_n3A_43] : memref<3200x16xf32, #tpu.memory_space<vmem>>[vector<16xi32>, vector<16xi32>], vector<16xf32>,
        %add3A_1468 = arith.constant 4 : i32
        %add3A_1469 = vector.broadcast %add3A_1468 : i32 to vector<16xi32>
        %add3A_1470 = arith.addi %add3A_1466, %add3A_1469 : vector<16xi32>
        %gather3A_1471 = tpu.vector_load_idx %arg8[%add3A_1470, %select_n3A_43] : memref<3200x16xf32, #tpu.memory_space<vmem>>[vector<16xi32>, vector<16xi32>], vector<16xf32>,
        %add3A_1472 = arith.addf %scan3A_1460, %gather3A_1467 : vector<16xf32>
        %add3A_1473 = arith.addf %add3A_1472, %gather3A_1471 : vector<16xf32>
        scf.yield %add3A_1473 : vector<16xf32>
      }
      %scan3A_834 = arith.constant 25 : i32
      %swap3A_835 = arith.constant 13 : i32
      %swap3A_836 = arith.index_cast %swap3A_835 : i32 to index
      %swap3A_837 = arith.constant 0 : index
      %swap3A_838 = tpu.vector_load %arg10[%swap3A_836, %swap3A_837] {strides = array<i32>} : memref<16x16xf32, #tpu.memory_space<vmem>>, vector<16xf32>,
      tpu.vector_store %arg10[%swap3A_836, %swap3A_837], %scan3A_833 {strides = array<i32>} : memref<16x16xf32, #tpu.memory_space<vmem>>, vector<16xf32>,
      %broadcast_in_dim3A_839 = arith.constant 0.000000e+00 : f32
      %broadcast_in_dim3A_840 = vector.broadcast %broadcast_in_dim3A_839 : f32 to vector<16xf32>
      %scan3A_841 = arith.constant 0 : i32
      %scan3A_842 = arith.constant 25 : i32
      %scan3A_843 = arith.addi %scan3A_841, %scan3A_842 : i32
      %scan3A_844 = arith.constant 1 : i32
      %scan3A_845 = scf.for %scan3A_1459 = %scan3A_841 to %scan3A_843 step %scan3A_844 iter_args(%scan3A_1460 = %broadcast_in_dim3A_840) -> (vector<16xf32>)  : i32 {
        %mul3A_1461 = arith.constant 8 : i32
        %mul3A_1462 = arith.muli %scan3A_1459, %mul3A_1461 : i32
        %add3A_1463 = arith.constant 2800 : i32
        %add3A_1464 = arith.addi %add3A_1463, %mul3A_1462 : i32
        %add3A_1465 = vector.broadcast %add3A_1464 : i32 to vector<16xi32>
        %add3A_1466 = arith.addi %add3A_1465, %select_n3A : vector<16xi32>
        %gather3A_1467 = tpu.vector_load_idx %arg8[%add3A_1466, %select_n3A_43] : memref<3200x16xf32, #tpu.memory_space<vmem>>[vector<16xi32>, vector<16xi32>], vector<16xf32>,
        %add3A_1468 = arith.constant 4 : i32
        %add3A_1469 = vector.broadcast %add3A_1468 : i32 to vector<16xi32>
        %add3A_1470 = arith.addi %add3A_1466, %add3A_1469 : vector<16xi32>
        %gather3A_1471 = tpu.vector_load_idx %arg8[%add3A_1470, %select_n3A_43] : memref<3200x16xf32, #tpu.memory_space<vmem>>[vector<16xi32>, vector<16xi32>], vector<16xf32>,
        %add3A_1472 = arith.addf %scan3A_1460, %gather3A_1467 : vector<16xf32>
        %add3A_1473 = arith.addf %add3A_1472, %gather3A_1471 : vector<16xf32>
        scf.yield %add3A_1473 : vector<16xf32>
      }
      %scan3A_846 = arith.constant 25 : i32
      %swap3A_847 = arith.constant 14 : i32
      %swap3A_848 = arith.index_cast %swap3A_847 : i32 to index
      %swap3A_849 = arith.constant 0 : index
      %swap3A_850 = tpu.vector_load %arg10[%swap3A_848, %swap3A_849] {strides = array<i32>} : memref<16x16xf32, #tpu.memory_space<vmem>>, vector<16xf32>,
      tpu.vector_store %arg10[%swap3A_848, %swap3A_849], %scan3A_845 {strides = array<i32>} : memref<16x16xf32, #tpu.memory_space<vmem>>, vector<16xf32>,
      %broadcast_in_dim3A_851 = arith.constant 0.000000e+00 : f32
      %broadcast_in_dim3A_852 = vector.broadcast %broadcast_in_dim3A_851 : f32 to vector<16xf32>
      %scan3A_853 = arith.constant 0 : i32
      %scan3A_854 = arith.constant 25 : i32
      %scan3A_855 = arith.addi %scan3A_853, %scan3A_854 : i32
      %scan3A_856 = arith.constant 1 : i32
      %scan3A_857 = scf.for %scan3A_1459 = %scan3A_853 to %scan3A_855 step %scan3A_856 iter_args(%scan3A_1460 = %broadcast_in_dim3A_852) -> (vector<16xf32>)  : i32 {
        %mul3A_1461 = arith.constant 8 : i32
        %mul3A_1462 = arith.muli %scan3A_1459, %mul3A_1461 : i32
        %add3A_1463 = arith.constant 3000 : i32
        %add3A_1464 = arith.addi %add3A_1463, %mul3A_1462 : i32
        %add3A_1465 = vector.broadcast %add3A_1464 : i32 to vector<16xi32>
        %add3A_1466 = arith.addi %add3A_1465, %select_n3A : vector<16xi32>
        %gather3A_1467 = tpu.vector_load_idx %arg8[%add3A_1466, %select_n3A_43] : memref<3200x16xf32, #tpu.memory_space<vmem>>[vector<16xi32>, vector<16xi32>], vector<16xf32>,
        %add3A_1468 = arith.constant 4 : i32
        %add3A_1469 = vector.broadcast %add3A_1468 : i32 to vector<16xi32>
        %add3A_1470 = arith.addi %add3A_1466, %add3A_1469 : vector<16xi32>
        %gather3A_1471 = tpu.vector_load_idx %arg8[%add3A_1470, %select_n3A_43] : memref<3200x16xf32, #tpu.memory_space<vmem>>[vector<16xi32>, vector<16xi32>], vector<16xf32>,
        %add3A_1472 = arith.addf %scan3A_1460, %gather3A_1467 : vector<16xf32>
        %add3A_1473 = arith.addf %add3A_1472, %gather3A_1471 : vector<16xf32>
        scf.yield %add3A_1473 : vector<16xf32>
      }
      %scan3A_858 = arith.constant 25 : i32
      %swap3A_859 = arith.constant 15 : i32
      %swap3A_860 = arith.index_cast %swap3A_859 : i32 to index
      %swap3A_861 = arith.constant 0 : index
      %swap3A_862 = tpu.vector_load %arg10[%swap3A_860, %swap3A_861] {strides = array<i32>} : memref<16x16xf32, #tpu.memory_space<vmem>>, vector<16xf32>,
      tpu.vector_store %arg10[%swap3A_860, %swap3A_861], %scan3A_857 {strides = array<i32>} : memref<16x16xf32, #tpu.memory_space<vmem>>, vector<16xf32>,
      %add3A_863 = arith.constant 0 : i32
      %add3A_864 = vector.broadcast %add3A_863 : i32 to vector<16xi32>
      %add3A_865 = arith.addi %add3A_864, %select_n3A : vector<16xi32>
      %gather3A = tpu.vector_load_idx %arg10[%add3A_865, %select_n3A_43] : memref<16x16xf32, #tpu.memory_space<vmem>>[vector<16xi32>, vector<16xi32>], vector<16xf32>,
      %add3A_866 = arith.constant 4 : i32
      %add3A_867 = vector.broadcast %add3A_866 : i32 to vector<16xi32>
      %add3A_868 = arith.addi %select_n3A_43, %add3A_867 : vector<16xi32>
      %gather3A_869 = tpu.vector_load_idx %arg10[%add3A_865, %add3A_868] : memref<16x16xf32, #tpu.memory_space<vmem>>[vector<16xi32>, vector<16xi32>], vector<16xf32>,
      %add3A_870 = arith.addf %gather3A, %gather3A_869 : vector<16xf32>
      %add3A_871 = arith.constant 8 : i32
      %add3A_872 = vector.broadcast %add3A_871 : i32 to vector<16xi32>
      %add3A_873 = arith.addi %select_n3A_43, %add3A_872 : vector<16xi32>
      %gather3A_874 = tpu.vector_load_idx %arg10[%add3A_865, %add3A_873] : memref<16x16xf32, #tpu.memory_space<vmem>>[vector<16xi32>, vector<16xi32>], vector<16xf32>,
      %add3A_875 = arith.addf %add3A_870, %gather3A_874 : vector<16xf32>
      %add3A_876 = arith.constant 12 : i32
      %add3A_877 = vector.broadcast %add3A_876 : i32 to vector<16xi32>
      %add3A_878 = arith.addi %select_n3A_43, %add3A_877 : vector<16xi32>
      %gather3A_879 = tpu.vector_load_idx %arg10[%add3A_865, %add3A_878] : memref<16x16xf32, #tpu.memory_space<vmem>>[vector<16xi32>, vector<16xi32>], vector<16xf32>,
      %add3A_880 = arith.addf %add3A_875, %gather3A_879 : vector<16xf32>
      %get3A = arith.constant 0 : index
      %get3A_881 = tpu.vector_load %arg12[%get3A] {strides = array<i32>} : memref<16xf32, #tpu.memory_space<vmem>>, vector<16xf32>,
      %add3A_882 = arith.addf %add3A_880, %get3A_881 : vector<16xf32>
      %swap3A_883 = arith.constant 0 : index
      %swap3A_884 = tpu.vector_load %arg11[%swap3A_883] {strides = array<i32>} : memref<64xf32, #tpu.memory_space<vmem>>, vector<16xf32>,
      tpu.vector_store %arg11[%swap3A_883], %add3A_882 {strides = array<i32>} : memref<64xf32, #tpu.memory_space<vmem>>, vector<16xf32>,
      %add3A_885 = arith.constant 4 : i32
      %add3A_886 = vector.broadcast %add3A_885 : i32 to vector<16xi32>
      %add3A_887 = arith.addi %add3A_886, %select_n3A : vector<16xi32>
      %gather3A_888 = tpu.vector_load_idx %arg10[%add3A_887, %select_n3A_43] : memref<16x16xf32, #tpu.memory_space<vmem>>[vector<16xi32>, vector<16xi32>], vector<16xf32>,
      %add3A_889 = arith.constant 4 : i32
      %add3A_890 = vector.broadcast %add3A_889 : i32 to vector<16xi32>
      %add3A_891 = arith.addi %select_n3A_43, %add3A_890 : vector<16xi32>
      %gather3A_892 = tpu.vector_load_idx %arg10[%add3A_887, %add3A_891] : memref<16x16xf32, #tpu.memory_space<vmem>>[vector<16xi32>, vector<16xi32>], vector<16xf32>,
      %add3A_893 = arith.addf %gather3A_888, %gather3A_892 : vector<16xf32>
      %add3A_894 = arith.constant 8 : i32
      %add3A_895 = vector.broadcast %add3A_894 : i32 to vector<16xi32>
      %add3A_896 = arith.addi %select_n3A_43, %add3A_895 : vector<16xi32>
      %gather3A_897 = tpu.vector_load_idx %arg10[%add3A_887, %add3A_896] : memref<16x16xf32, #tpu.memory_space<vmem>>[vector<16xi32>, vector<16xi32>], vector<16xf32>,
      %add3A_898 = arith.addf %add3A_893, %gather3A_897 : vector<16xf32>
      %add3A_899 = arith.constant 12 : i32
      %add3A_900 = vector.broadcast %add3A_899 : i32 to vector<16xi32>
      %add3A_901 = arith.addi %select_n3A_43, %add3A_900 : vector<16xi32>
      %gather3A_902 = tpu.vector_load_idx %arg10[%add3A_887, %add3A_901] : memref<16x16xf32, #tpu.memory_space<vmem>>[vector<16xi32>, vector<16xi32>], vector<16xf32>,
      %add3A_903 = arith.addf %add3A_898, %gather3A_902 : vector<16xf32>
      %get3A_904 = arith.constant 0 : index
      %get3A_905 = tpu.vector_load %arg12[%get3A_904] {strides = array<i32>} : memref<16xf32, #tpu.memory_space<vmem>>, vector<16xf32>,
      %add3A_906 = arith.addf %add3A_903, %get3A_905 : vector<16xf32>
      %swap3A_907 = arith.constant 16 : index
      %swap3A_908 = tpu.vector_load %arg11[%swap3A_907] {strides = array<i32>} : memref<64xf32, #tpu.memory_space<vmem>>, vector<16xf32>,
      tpu.vector_store %arg11[%swap3A_907], %add3A_906 {strides = array<i32>} : memref<64xf32, #tpu.memory_space<vmem>>, vector<16xf32>,
      %add3A_909 = arith.constant 8 : i32
      %add3A_910 = vector.broadcast %add3A_909 : i32 to vector<16xi32>
      %add3A_911 = arith.addi %add3A_910, %select_n3A : vector<16xi32>
      %gather3A_912 = tpu.vector_load_idx %arg10[%add3A_911, %select_n3A_43] : memref<16x16xf32, #tpu.memory_space<vmem>>[vector<16xi32>, vector<16xi32>], vector<16xf32>,
      %add3A_913 = arith.constant 4 : i32
      %add3A_914 = vector.broadcast %add3A_913 : i32 to vector<16xi32>
      %add3A_915 = arith.addi %select_n3A_43, %add3A_914 : vector<16xi32>
      %gather3A_916 = tpu.vector_load_idx %arg10[%add3A_911, %add3A_915] : memref<16x16xf32, #tpu.memory_space<vmem>>[vector<16xi32>, vector<16xi32>], vector<16xf32>,
      %add3A_917 = arith.addf %gather3A_912, %gather3A_916 : vector<16xf32>
      %add3A_918 = arith.constant 8 : i32
      %add3A_919 = vector.broadcast %add3A_918 : i32 to vector<16xi32>
      %add3A_920 = arith.addi %select_n3A_43, %add3A_919 : vector<16xi32>
      %gather3A_921 = tpu.vector_load_idx %arg10[%add3A_911, %add3A_920] : memref<16x16xf32, #tpu.memory_space<vmem>>[vector<16xi32>, vector<16xi32>], vector<16xf32>,
      %add3A_922 = arith.addf %add3A_917, %gather3A_921 : vector<16xf32>
      %add3A_923 = arith.constant 12 : i32
      %add3A_924 = vector.broadcast %add3A_923 : i32 to vector<16xi32>
      %add3A_925 = arith.addi %select_n3A_43, %add3A_924 : vector<16xi32>
      %gather3A_926 = tpu.vector_load_idx %arg10[%add3A_911, %add3A_925] : memref<16x16xf32, #tpu.memory_space<vmem>>[vector<16xi32>, vector<16xi32>], vector<16xf32>,
      %add3A_927 = arith.addf %add3A_922, %gather3A_926 : vector<16xf32>
      %get3A_928 = arith.constant 0 : index
      %get3A_929 = tpu.vector_load %arg12[%get3A_928] {strides = array<i32>} : memref<16xf32, #tpu.memory_space<vmem>>, vector<16xf32>,
      %add3A_930 = arith.addf %add3A_927, %get3A_929 : vector<16xf32>
      %swap3A_931 = arith.constant 32 : index
      %swap3A_932 = tpu.vector_load %arg11[%swap3A_931] {strides = array<i32>} : memref<64xf32, #tpu.memory_space<vmem>>, vector<16xf32>,
      tpu.vector_store %arg11[%swap3A_931], %add3A_930 {strides = array<i32>} : memref<64xf32, #tpu.memory_space<vmem>>, vector<16xf32>,
      %add3A_933 = arith.constant 12 : i32
      %add3A_934 = vector.broadcast %add3A_933 : i32 to vector<16xi32>
      %add3A_935 = arith.addi %add3A_934, %select_n3A : vector<16xi32>
      %gather3A_936 = tpu.vector_load_idx %arg10[%add3A_935, %select_n3A_43] : memref<16x16xf32, #tpu.memory_space<vmem>>[vector<16xi32>, vector<16xi32>], vector<16xf32>,
      %add3A_937 = arith.constant 4 : i32
      %add3A_938 = vector.broadcast %add3A_937 : i32 to vector<16xi32>
      %add3A_939 = arith.addi %select_n3A_43, %add3A_938 : vector<16xi32>
      %gather3A_940 = tpu.vector_load_idx %arg10[%add3A_935, %add3A_939] : memref<16x16xf32, #tpu.memory_space<vmem>>[vector<16xi32>, vector<16xi32>], vector<16xf32>,
      %add3A_941 = arith.addf %gather3A_936, %gather3A_940 : vector<16xf32>
      %add3A_942 = arith.constant 8 : i32
      %add3A_943 = vector.broadcast %add3A_942 : i32 to vector<16xi32>
      %add3A_944 = arith.addi %select_n3A_43, %add3A_943 : vector<16xi32>
      %gather3A_945 = tpu.vector_load_idx %arg10[%add3A_935, %add3A_944] : memref<16x16xf32, #tpu.memory_space<vmem>>[vector<16xi32>, vector<16xi32>], vector<16xf32>,
      %add3A_946 = arith.addf %add3A_941, %gather3A_945 : vector<16xf32>
      %add3A_947 = arith.constant 12 : i32
      %add3A_948 = vector.broadcast %add3A_947 : i32 to vector<16xi32>
      %add3A_949 = arith.addi %select_n3A_43, %add3A_948 : vector<16xi32>
      %gather3A_950 = tpu.vector_load_idx %arg10[%add3A_935, %add3A_949] : memref<16x16xf32, #tpu.memory_space<vmem>>[vector<16xi32>, vector<16xi32>], vector<16xf32>,
      %add3A_951 = arith.addf %add3A_946, %gather3A_950 : vector<16xf32>
      %get3A_952 = arith.constant 0 : index
      %get3A_953 = tpu.vector_load %arg12[%get3A_952] {strides = array<i32>} : memref<16xf32, #tpu.memory_space<vmem>>, vector<16xf32>,
      %add3A_954 = arith.addf %add3A_951, %get3A_953 : vector<16xf32>
      %swap3A_955 = arith.constant 48 : index
      %swap3A_956 = tpu.vector_load %arg11[%swap3A_955] {strides = array<i32>} : memref<64xf32, #tpu.memory_space<vmem>>, vector<16xf32>,
      tpu.vector_store %arg11[%swap3A_955], %add3A_954 {strides = array<i32>} : memref<64xf32, #tpu.memory_space<vmem>>, vector<16xf32>,
      %mul3A_957 = arith.constant 4 : i32
      %mul3A_958 = arith.muli %add3A_672, %mul3A_957 : i32
      "tpu.region"() ({
        %run_scoped3A = tpu.sem_alloc : memref<!tpu.dma_semaphore, #tpu.memory_space<semaphore_mem>>
        %dma_start3A_1459 = tpu.memref_slice %arg5[%mul3A_958] : memref<65536xf32, #tpu.memory_space<hbm>> -> memref<64xf32, #tpu.memory_space<hbm>>
        %dma_start3A_1460 = tpu.memref_slice %arg5[%mul3A_958] : memref<65536xf32, #tpu.memory_space<hbm>> -> memref<64xf32, #tpu.memory_space<hbm>>
        tpu.enqueue_dma source(%arg11 : memref<64xf32, #tpu.memory_space<vmem>>) target(%dma_start3A_1460 : memref<64xf32, #tpu.memory_space<hbm>>) target_semaphore(%run_scoped3A : memref<!tpu.dma_semaphore, #tpu.memory_space<semaphore_mem>>)
        %dma_wait3A_1461 = tpu.memref_slice %arg5[%mul3A_958] : memref<65536xf32, #tpu.memory_space<hbm>> -> memref<64xf32, #tpu.memory_space<hbm>>
        %dma_wait3A_1462 = tpu.memref_slice %arg5[%mul3A_958] : memref<65536xf32, #tpu.memory_space<hbm>> -> memref<64xf32, #tpu.memory_space<hbm>>
        tpu.wait_dma2 semaphore(%run_scoped3A : memref<!tpu.dma_semaphore, #tpu.memory_space<semaphore_mem>>) src(%arg11 : memref<64xf32, #tpu.memory_space<vmem>>) dst(%dma_wait3A_1462 : memref<64xf32, #tpu.memory_space<hbm>>)
        tpu.yield
      }) : () -> ()
      %lt3A_959 = arith.constant 15 : i32
      %lt3A_960 = arith.cmpi slt, %add3A_257, %lt3A_959 : i32
      %convert_element_type3A = arith.extui %lt3A_960 : i1 to i32
      %cond3A = arith.constant 0 : i32
      %cond3A_961 = arith.cmpi ne, %convert_element_type3A, %cond3A : i32
      scf.if %cond3A_961 {
        %add3A_1459 = arith.constant 2 : i32
        %add3A_1460 = arith.addi %mul3A_259, %add3A_1459 : i32
        %mul3A_1461 = arith.constant 512 : i32
        %mul3A_1462 = arith.muli %add3A, %mul3A_1461 : i32
        %mul3A_1463 = arith.constant 16 : i32
        %mul3A_1464 = arith.muli %add3A_1460, %mul3A_1463 : i32
        %add3A_1465 = arith.addi %mul3A_1462, %mul3A_1464 : i32
        %mul3A_1466 = arith.constant 200 : i32
        %mul3A_1467 = arith.muli %add3A_1465, %mul3A_1466 : i32
        "tpu.region"() ({
          %run_scoped3A = tpu.sem_alloc : memref<!tpu.dma_semaphore, #tpu.memory_space<semaphore_mem>>
          %dma_start3A_1668 = tpu.memref_slice %arg2[%mul3A_1467] : memref<3276800xi32, #tpu.memory_space<hbm>> -> memref<3200xi32, #tpu.memory_space<hbm>>
          %dma_start3A_1669 = tpu.memref_slice %arg2[%mul3A_1467] : memref<3276800xi32, #tpu.memory_space<hbm>> -> memref<3200xi32, #tpu.memory_space<hbm>>
          tpu.enqueue_dma source(%dma_start3A_1669 : memref<3200xi32, #tpu.memory_space<hbm>>) target(%arg6 : memref<3200xi32, #tpu.memory_space<vmem>>) target_semaphore(%run_scoped3A : memref<!tpu.dma_semaphore, #tpu.memory_space<semaphore_mem>>)
          %dma_wait3A_1670 = tpu.memref_slice %arg2[%mul3A_1467] : memref<3276800xi32, #tpu.memory_space<hbm>> -> memref<3200xi32, #tpu.memory_space<hbm>>
          %dma_wait3A_1671 = tpu.memref_slice %arg2[%mul3A_1467] : memref<3276800xi32, #tpu.memory_space<hbm>> -> memref<3200xi32, #tpu.memory_space<hbm>>
          tpu.wait_dma2 semaphore(%run_scoped3A : memref<!tpu.dma_semaphore, #tpu.memory_space<semaphore_mem>>) src(%dma_wait3A_1671 : memref<3200xi32, #tpu.memory_space<hbm>>) dst(%arg6 : memref<3200xi32, #tpu.memory_space<vmem>>)
          tpu.yield
        }) : () -> ()
        %dma_start3A_1468 = arith.constant 0 : i32
        %dma_start3A_1469 = arith.constant 0 : i32
        %dma_start3A_1470 = tpu.memref_slice %arg8[%dma_start3A_1468, %dma_start3A_1469] : memref<3200x16xf32, #tpu.memory_space<vmem>> -> memref<128x16xf32, #tpu.memory_space<vmem>>
        %dma_start3A_1471 = arith.constant 0 : i32
        %dma_start3A_1472 = tpu.memref_slice %arg6[%dma_start3A_1471] : memref<3200xi32, #tpu.memory_space<vmem>> -> memref<128xi32, #tpu.memory_space<vmem>>
        %dma_start3A_1473 = arith.constant 0 : i32
        %dma_start3A_1474 = arith.constant 0 : i32
        %dma_start3A_1475 = tpu.memref_slice %arg3[%dma_start3A_1473, %dma_start3A_1474] : memref<1000000x16xf32, #tpu.memory_space<hbm>> -> memref<1000000x16xf32, #tpu.memory_space<hbm>>
        tpu.enqueue_indirect_dma source(%dma_start3A_1475 : memref<1000000x16xf32, #tpu.memory_space<hbm>>) target(%dma_start3A_1470 : memref<128x16xf32, #tpu.memory_space<vmem>>) offsets(%dma_start3A_1472 : memref<128xi32, #tpu.memory_space<vmem>>) semaphore(%arg13 : memref<!tpu.dma_semaphore, #tpu.memory_space<semaphore_mem>>)
        %dma_start3A_1476 = arith.constant 128 : i32
        %dma_start3A_1477 = arith.constant 0 : i32
        %dma_start3A_1478 = tpu.memref_slice %arg8[%dma_start3A_1476, %dma_start3A_1477] : memref<3200x16xf32, #tpu.memory_space<vmem>> -> memref<128x16xf32, #tpu.memory_space<vmem>>
        %dma_start3A_1479 = arith.constant 128 : i32
        %dma_start3A_1480 = tpu.memref_slice %arg6[%dma_start3A_1479] : memref<3200xi32, #tpu.memory_space<vmem>> -> memref<128xi32, #tpu.memory_space<vmem>>
        %dma_start3A_1481 = arith.constant 0 : i32
        %dma_start3A_1482 = arith.constant 0 : i32
        %dma_start3A_1483 = tpu.memref_slice %arg3[%dma_start3A_1481, %dma_start3A_1482] : memref<1000000x16xf32, #tpu.memory_space<hbm>> -> memref<1000000x16xf32, #tpu.memory_space<hbm>>
        tpu.enqueue_indirect_dma source(%dma_start3A_1483 : memref<1000000x16xf32, #tpu.memory_space<hbm>>) target(%dma_start3A_1478 : memref<128x16xf32, #tpu.memory_space<vmem>>) offsets(%dma_start3A_1480 : memref<128xi32, #tpu.memory_space<vmem>>) semaphore(%arg13 : memref<!tpu.dma_semaphore, #tpu.memory_space<semaphore_mem>>)
        %dma_start3A_1484 = arith.constant 256 : i32
        %dma_start3A_1485 = arith.constant 0 : i32
        %dma_start3A_1486 = tpu.memref_slice %arg8[%dma_start3A_1484, %dma_start3A_1485] : memref<3200x16xf32, #tpu.memory_space<vmem>> -> memref<128x16xf32, #tpu.memory_space<vmem>>
        %dma_start3A_1487 = arith.constant 256 : i32
        %dma_start3A_1488 = tpu.memref_slice %arg6[%dma_start3A_1487] : memref<3200xi32, #tpu.memory_space<vmem>> -> memref<128xi32, #tpu.memory_space<vmem>>
        %dma_start3A_1489 = arith.constant 0 : i32
        %dma_start3A_1490 = arith.constant 0 : i32
        %dma_start3A_1491 = tpu.memref_slice %arg3[%dma_start3A_1489, %dma_start3A_1490] : memref<1000000x16xf32, #tpu.memory_space<hbm>> -> memref<1000000x16xf32, #tpu.memory_space<hbm>>
        tpu.enqueue_indirect_dma source(%dma_start3A_1491 : memref<1000000x16xf32, #tpu.memory_space<hbm>>) target(%dma_start3A_1486 : memref<128x16xf32, #tpu.memory_space<vmem>>) offsets(%dma_start3A_1488 : memref<128xi32, #tpu.memory_space<vmem>>) semaphore(%arg13 : memref<!tpu.dma_semaphore, #tpu.memory_space<semaphore_mem>>)
        %dma_start3A_1492 = arith.constant 384 : i32
        %dma_start3A_1493 = arith.constant 0 : i32
        %dma_start3A_1494 = tpu.memref_slice %arg8[%dma_start3A_1492, %dma_start3A_1493] : memref<3200x16xf32, #tpu.memory_space<vmem>> -> memref<128x16xf32, #tpu.memory_space<vmem>>
        %dma_start3A_1495 = arith.constant 384 : i32
        %dma_start3A_1496 = tpu.memref_slice %arg6[%dma_start3A_1495] : memref<3200xi32, #tpu.memory_space<vmem>> -> memref<128xi32, #tpu.memory_space<vmem>>
        %dma_start3A_1497 = arith.constant 0 : i32
        %dma_start3A_1498 = arith.constant 0 : i32
        %dma_start3A_1499 = tpu.memref_slice %arg3[%dma_start3A_1497, %dma_start3A_1498] : memref<1000000x16xf32, #tpu.memory_space<hbm>> -> memref<1000000x16xf32, #tpu.memory_space<hbm>>
        tpu.enqueue_indirect_dma source(%dma_start3A_1499 : memref<1000000x16xf32, #tpu.memory_space<hbm>>) target(%dma_start3A_1494 : memref<128x16xf32, #tpu.memory_space<vmem>>) offsets(%dma_start3A_1496 : memref<128xi32, #tpu.memory_space<vmem>>) semaphore(%arg13 : memref<!tpu.dma_semaphore, #tpu.memory_space<semaphore_mem>>)
        %dma_start3A_1500 = arith.constant 512 : i32
        %dma_start3A_1501 = arith.constant 0 : i32
        %dma_start3A_1502 = tpu.memref_slice %arg8[%dma_start3A_1500, %dma_start3A_1501] : memref<3200x16xf32, #tpu.memory_space<vmem>> -> memref<128x16xf32, #tpu.memory_space<vmem>>
        %dma_start3A_1503 = arith.constant 512 : i32
        %dma_start3A_1504 = tpu.memref_slice %arg6[%dma_start3A_1503] : memref<3200xi32, #tpu.memory_space<vmem>> -> memref<128xi32, #tpu.memory_space<vmem>>
        %dma_start3A_1505 = arith.constant 0 : i32
        %dma_start3A_1506 = arith.constant 0 : i32
        %dma_start3A_1507 = tpu.memref_slice %arg3[%dma_start3A_1505, %dma_start3A_1506] : memref<1000000x16xf32, #tpu.memory_space<hbm>> -> memref<1000000x16xf32, #tpu.memory_space<hbm>>
        tpu.enqueue_indirect_dma source(%dma_start3A_1507 : memref<1000000x16xf32, #tpu.memory_space<hbm>>) target(%dma_start3A_1502 : memref<128x16xf32, #tpu.memory_space<vmem>>) offsets(%dma_start3A_1504 : memref<128xi32, #tpu.memory_space<vmem>>) semaphore(%arg13 : memref<!tpu.dma_semaphore, #tpu.memory_space<semaphore_mem>>)
        %dma_start3A_1508 = arith.constant 640 : i32
        %dma_start3A_1509 = arith.constant 0 : i32
        %dma_start3A_1510 = tpu.memref_slice %arg8[%dma_start3A_1508, %dma_start3A_1509] : memref<3200x16xf32, #tpu.memory_space<vmem>> -> memref<128x16xf32, #tpu.memory_space<vmem>>
        %dma_start3A_1511 = arith.constant 640 : i32
        %dma_start3A_1512 = tpu.memref_slice %arg6[%dma_start3A_1511] : memref<3200xi32, #tpu.memory_space<vmem>> -> memref<128xi32, #tpu.memory_space<vmem>>
        %dma_start3A_1513 = arith.constant 0 : i32
        %dma_start3A_1514 = arith.constant 0 : i32
        %dma_start3A_1515 = tpu.memref_slice %arg3[%dma_start3A_1513, %dma_start3A_1514] : memref<1000000x16xf32, #tpu.memory_space<hbm>> -> memref<1000000x16xf32, #tpu.memory_space<hbm>>
        tpu.enqueue_indirect_dma source(%dma_start3A_1515 : memref<1000000x16xf32, #tpu.memory_space<hbm>>) target(%dma_start3A_1510 : memref<128x16xf32, #tpu.memory_space<vmem>>) offsets(%dma_start3A_1512 : memref<128xi32, #tpu.memory_space<vmem>>) semaphore(%arg13 : memref<!tpu.dma_semaphore, #tpu.memory_space<semaphore_mem>>)
        %dma_start3A_1516 = arith.constant 768 : i32
        %dma_start3A_1517 = arith.constant 0 : i32
        %dma_start3A_1518 = tpu.memref_slice %arg8[%dma_start3A_1516, %dma_start3A_1517] : memref<3200x16xf32, #tpu.memory_space<vmem>> -> memref<128x16xf32, #tpu.memory_space<vmem>>
        %dma_start3A_1519 = arith.constant 768 : i32
        %dma_start3A_1520 = tpu.memref_slice %arg6[%dma_start3A_1519] : memref<3200xi32, #tpu.memory_space<vmem>> -> memref<128xi32, #tpu.memory_space<vmem>>
        %dma_start3A_1521 = arith.constant 0 : i32
        %dma_start3A_1522 = arith.constant 0 : i32
        %dma_start3A_1523 = tpu.memref_slice %arg3[%dma_start3A_1521, %dma_start3A_1522] : memref<1000000x16xf32, #tpu.memory_space<hbm>> -> memref<1000000x16xf32, #tpu.memory_space<hbm>>
        tpu.enqueue_indirect_dma source(%dma_start3A_1523 : memref<1000000x16xf32, #tpu.memory_space<hbm>>) target(%dma_start3A_1518 : memref<128x16xf32, #tpu.memory_space<vmem>>) offsets(%dma_start3A_1520 : memref<128xi32, #tpu.memory_space<vmem>>) semaphore(%arg13 : memref<!tpu.dma_semaphore, #tpu.memory_space<semaphore_mem>>)
        %dma_start3A_1524 = arith.constant 896 : i32
        %dma_start3A_1525 = arith.constant 0 : i32
        %dma_start3A_1526 = tpu.memref_slice %arg8[%dma_start3A_1524, %dma_start3A_1525] : memref<3200x16xf32, #tpu.memory_space<vmem>> -> memref<128x16xf32, #tpu.memory_space<vmem>>
        %dma_start3A_1527 = arith.constant 896 : i32
        %dma_start3A_1528 = tpu.memref_slice %arg6[%dma_start3A_1527] : memref<3200xi32, #tpu.memory_space<vmem>> -> memref<128xi32, #tpu.memory_space<vmem>>
        %dma_start3A_1529 = arith.constant 0 : i32
        %dma_start3A_1530 = arith.constant 0 : i32
        %dma_start3A_1531 = tpu.memref_slice %arg3[%dma_start3A_1529, %dma_start3A_1530] : memref<1000000x16xf32, #tpu.memory_space<hbm>> -> memref<1000000x16xf32, #tpu.memory_space<hbm>>
        tpu.enqueue_indirect_dma source(%dma_start3A_1531 : memref<1000000x16xf32, #tpu.memory_space<hbm>>) target(%dma_start3A_1526 : memref<128x16xf32, #tpu.memory_space<vmem>>) offsets(%dma_start3A_1528 : memref<128xi32, #tpu.memory_space<vmem>>) semaphore(%arg13 : memref<!tpu.dma_semaphore, #tpu.memory_space<semaphore_mem>>)
        %dma_start3A_1532 = arith.constant 1024 : i32
        %dma_start3A_1533 = arith.constant 0 : i32
        %dma_start3A_1534 = tpu.memref_slice %arg8[%dma_start3A_1532, %dma_start3A_1533] : memref<3200x16xf32, #tpu.memory_space<vmem>> -> memref<128x16xf32, #tpu.memory_space<vmem>>
        %dma_start3A_1535 = arith.constant 1024 : i32
        %dma_start3A_1536 = tpu.memref_slice %arg6[%dma_start3A_1535] : memref<3200xi32, #tpu.memory_space<vmem>> -> memref<128xi32, #tpu.memory_space<vmem>>
        %dma_start3A_1537 = arith.constant 0 : i32
        %dma_start3A_1538 = arith.constant 0 : i32
        %dma_start3A_1539 = tpu.memref_slice %arg3[%dma_start3A_1537, %dma_start3A_1538] : memref<1000000x16xf32, #tpu.memory_space<hbm>> -> memref<1000000x16xf32, #tpu.memory_space<hbm>>
        tpu.enqueue_indirect_dma source(%dma_start3A_1539 : memref<1000000x16xf32, #tpu.memory_space<hbm>>) target(%dma_start3A_1534 : memref<128x16xf32, #tpu.memory_space<vmem>>) offsets(%dma_start3A_1536 : memref<128xi32, #tpu.memory_space<vmem>>) semaphore(%arg13 : memref<!tpu.dma_semaphore, #tpu.memory_space<semaphore_mem>>)
        %dma_start3A_1540 = arith.constant 1152 : i32
        %dma_start3A_1541 = arith.constant 0 : i32
        %dma_start3A_1542 = tpu.memref_slice %arg8[%dma_start3A_1540, %dma_start3A_1541] : memref<3200x16xf32, #tpu.memory_space<vmem>> -> memref<128x16xf32, #tpu.memory_space<vmem>>
        %dma_start3A_1543 = arith.constant 1152 : i32
        %dma_start3A_1544 = tpu.memref_slice %arg6[%dma_start3A_1543] : memref<3200xi32, #tpu.memory_space<vmem>> -> memref<128xi32, #tpu.memory_space<vmem>>
        %dma_start3A_1545 = arith.constant 0 : i32
        %dma_start3A_1546 = arith.constant 0 : i32
        %dma_start3A_1547 = tpu.memref_slice %arg3[%dma_start3A_1545, %dma_start3A_1546] : memref<1000000x16xf32, #tpu.memory_space<hbm>> -> memref<1000000x16xf32, #tpu.memory_space<hbm>>
        tpu.enqueue_indirect_dma source(%dma_start3A_1547 : memref<1000000x16xf32, #tpu.memory_space<hbm>>) target(%dma_start3A_1542 : memref<128x16xf32, #tpu.memory_space<vmem>>) offsets(%dma_start3A_1544 : memref<128xi32, #tpu.memory_space<vmem>>) semaphore(%arg13 : memref<!tpu.dma_semaphore, #tpu.memory_space<semaphore_mem>>)
        %dma_start3A_1548 = arith.constant 1280 : i32
        %dma_start3A_1549 = arith.constant 0 : i32
        %dma_start3A_1550 = tpu.memref_slice %arg8[%dma_start3A_1548, %dma_start3A_1549] : memref<3200x16xf32, #tpu.memory_space<vmem>> -> memref<128x16xf32, #tpu.memory_space<vmem>>
        %dma_start3A_1551 = arith.constant 1280 : i32
        %dma_start3A_1552 = tpu.memref_slice %arg6[%dma_start3A_1551] : memref<3200xi32, #tpu.memory_space<vmem>> -> memref<128xi32, #tpu.memory_space<vmem>>
        %dma_start3A_1553 = arith.constant 0 : i32
        %dma_start3A_1554 = arith.constant 0 : i32
        %dma_start3A_1555 = tpu.memref_slice %arg3[%dma_start3A_1553, %dma_start3A_1554] : memref<1000000x16xf32, #tpu.memory_space<hbm>> -> memref<1000000x16xf32, #tpu.memory_space<hbm>>
        tpu.enqueue_indirect_dma source(%dma_start3A_1555 : memref<1000000x16xf32, #tpu.memory_space<hbm>>) target(%dma_start3A_1550 : memref<128x16xf32, #tpu.memory_space<vmem>>) offsets(%dma_start3A_1552 : memref<128xi32, #tpu.memory_space<vmem>>) semaphore(%arg13 : memref<!tpu.dma_semaphore, #tpu.memory_space<semaphore_mem>>)
        %dma_start3A_1556 = arith.constant 1408 : i32
        %dma_start3A_1557 = arith.constant 0 : i32
        %dma_start3A_1558 = tpu.memref_slice %arg8[%dma_start3A_1556, %dma_start3A_1557] : memref<3200x16xf32, #tpu.memory_space<vmem>> -> memref<128x16xf32, #tpu.memory_space<vmem>>
        %dma_start3A_1559 = arith.constant 1408 : i32
        %dma_start3A_1560 = tpu.memref_slice %arg6[%dma_start3A_1559] : memref<3200xi32, #tpu.memory_space<vmem>> -> memref<128xi32, #tpu.memory_space<vmem>>
        %dma_start3A_1561 = arith.constant 0 : i32
        %dma_start3A_1562 = arith.constant 0 : i32
        %dma_start3A_1563 = tpu.memref_slice %arg3[%dma_start3A_1561, %dma_start3A_1562] : memref<1000000x16xf32, #tpu.memory_space<hbm>> -> memref<1000000x16xf32, #tpu.memory_space<hbm>>
        tpu.enqueue_indirect_dma source(%dma_start3A_1563 : memref<1000000x16xf32, #tpu.memory_space<hbm>>) target(%dma_start3A_1558 : memref<128x16xf32, #tpu.memory_space<vmem>>) offsets(%dma_start3A_1560 : memref<128xi32, #tpu.memory_space<vmem>>) semaphore(%arg13 : memref<!tpu.dma_semaphore, #tpu.memory_space<semaphore_mem>>)
        %dma_start3A_1564 = arith.constant 1536 : i32
        %dma_start3A_1565 = arith.constant 0 : i32
        %dma_start3A_1566 = tpu.memref_slice %arg8[%dma_start3A_1564, %dma_start3A_1565] : memref<3200x16xf32, #tpu.memory_space<vmem>> -> memref<128x16xf32, #tpu.memory_space<vmem>>
        %dma_start3A_1567 = arith.constant 1536 : i32
        %dma_start3A_1568 = tpu.memref_slice %arg6[%dma_start3A_1567] : memref<3200xi32, #tpu.memory_space<vmem>> -> memref<128xi32, #tpu.memory_space<vmem>>
        %dma_start3A_1569 = arith.constant 0 : i32
        %dma_start3A_1570 = arith.constant 0 : i32
        %dma_start3A_1571 = tpu.memref_slice %arg3[%dma_start3A_1569, %dma_start3A_1570] : memref<1000000x16xf32, #tpu.memory_space<hbm>> -> memref<1000000x16xf32, #tpu.memory_space<hbm>>
        tpu.enqueue_indirect_dma source(%dma_start3A_1571 : memref<1000000x16xf32, #tpu.memory_space<hbm>>) target(%dma_start3A_1566 : memref<128x16xf32, #tpu.memory_space<vmem>>) offsets(%dma_start3A_1568 : memref<128xi32, #tpu.memory_space<vmem>>) semaphore(%arg13 : memref<!tpu.dma_semaphore, #tpu.memory_space<semaphore_mem>>)
        %dma_start3A_1572 = arith.constant 1664 : i32
        %dma_start3A_1573 = arith.constant 0 : i32
        %dma_start3A_1574 = tpu.memref_slice %arg8[%dma_start3A_1572, %dma_start3A_1573] : memref<3200x16xf32, #tpu.memory_space<vmem>> -> memref<128x16xf32, #tpu.memory_space<vmem>>
        %dma_start3A_1575 = arith.constant 1664 : i32
        %dma_start3A_1576 = tpu.memref_slice %arg6[%dma_start3A_1575] : memref<3200xi32, #tpu.memory_space<vmem>> -> memref<128xi32, #tpu.memory_space<vmem>>
        %dma_start3A_1577 = arith.constant 0 : i32
        %dma_start3A_1578 = arith.constant 0 : i32
        %dma_start3A_1579 = tpu.memref_slice %arg3[%dma_start3A_1577, %dma_start3A_1578] : memref<1000000x16xf32, #tpu.memory_space<hbm>> -> memref<1000000x16xf32, #tpu.memory_space<hbm>>
        tpu.enqueue_indirect_dma source(%dma_start3A_1579 : memref<1000000x16xf32, #tpu.memory_space<hbm>>) target(%dma_start3A_1574 : memref<128x16xf32, #tpu.memory_space<vmem>>) offsets(%dma_start3A_1576 : memref<128xi32, #tpu.memory_space<vmem>>) semaphore(%arg13 : memref<!tpu.dma_semaphore, #tpu.memory_space<semaphore_mem>>)
        %dma_start3A_1580 = arith.constant 1792 : i32
        %dma_start3A_1581 = arith.constant 0 : i32
        %dma_start3A_1582 = tpu.memref_slice %arg8[%dma_start3A_1580, %dma_start3A_1581] : memref<3200x16xf32, #tpu.memory_space<vmem>> -> memref<128x16xf32, #tpu.memory_space<vmem>>
        %dma_start3A_1583 = arith.constant 1792 : i32
        %dma_start3A_1584 = tpu.memref_slice %arg6[%dma_start3A_1583] : memref<3200xi32, #tpu.memory_space<vmem>> -> memref<128xi32, #tpu.memory_space<vmem>>
        %dma_start3A_1585 = arith.constant 0 : i32
        %dma_start3A_1586 = arith.constant 0 : i32
        %dma_start3A_1587 = tpu.memref_slice %arg3[%dma_start3A_1585, %dma_start3A_1586] : memref<1000000x16xf32, #tpu.memory_space<hbm>> -> memref<1000000x16xf32, #tpu.memory_space<hbm>>
        tpu.enqueue_indirect_dma source(%dma_start3A_1587 : memref<1000000x16xf32, #tpu.memory_space<hbm>>) target(%dma_start3A_1582 : memref<128x16xf32, #tpu.memory_space<vmem>>) offsets(%dma_start3A_1584 : memref<128xi32, #tpu.memory_space<vmem>>) semaphore(%arg13 : memref<!tpu.dma_semaphore, #tpu.memory_space<semaphore_mem>>)
        %dma_start3A_1588 = arith.constant 1920 : i32
        %dma_start3A_1589 = arith.constant 0 : i32
        %dma_start3A_1590 = tpu.memref_slice %arg8[%dma_start3A_1588, %dma_start3A_1589] : memref<3200x16xf32, #tpu.memory_space<vmem>> -> memref<128x16xf32, #tpu.memory_space<vmem>>
        %dma_start3A_1591 = arith.constant 1920 : i32
        %dma_start3A_1592 = tpu.memref_slice %arg6[%dma_start3A_1591] : memref<3200xi32, #tpu.memory_space<vmem>> -> memref<128xi32, #tpu.memory_space<vmem>>
        %dma_start3A_1593 = arith.constant 0 : i32
        %dma_start3A_1594 = arith.constant 0 : i32
        %dma_start3A_1595 = tpu.memref_slice %arg3[%dma_start3A_1593, %dma_start3A_1594] : memref<1000000x16xf32, #tpu.memory_space<hbm>> -> memref<1000000x16xf32, #tpu.memory_space<hbm>>
        tpu.enqueue_indirect_dma source(%dma_start3A_1595 : memref<1000000x16xf32, #tpu.memory_space<hbm>>) target(%dma_start3A_1590 : memref<128x16xf32, #tpu.memory_space<vmem>>) offsets(%dma_start3A_1592 : memref<128xi32, #tpu.memory_space<vmem>>) semaphore(%arg13 : memref<!tpu.dma_semaphore, #tpu.memory_space<semaphore_mem>>)
        %dma_start3A_1596 = arith.constant 2048 : i32
        %dma_start3A_1597 = arith.constant 0 : i32
        %dma_start3A_1598 = tpu.memref_slice %arg8[%dma_start3A_1596, %dma_start3A_1597] : memref<3200x16xf32, #tpu.memory_space<vmem>> -> memref<128x16xf32, #tpu.memory_space<vmem>>
        %dma_start3A_1599 = arith.constant 2048 : i32
        %dma_start3A_1600 = tpu.memref_slice %arg6[%dma_start3A_1599] : memref<3200xi32, #tpu.memory_space<vmem>> -> memref<128xi32, #tpu.memory_space<vmem>>
        %dma_start3A_1601 = arith.constant 0 : i32
        %dma_start3A_1602 = arith.constant 0 : i32
        %dma_start3A_1603 = tpu.memref_slice %arg3[%dma_start3A_1601, %dma_start3A_1602] : memref<1000000x16xf32, #tpu.memory_space<hbm>> -> memref<1000000x16xf32, #tpu.memory_space<hbm>>
        tpu.enqueue_indirect_dma source(%dma_start3A_1603 : memref<1000000x16xf32, #tpu.memory_space<hbm>>) target(%dma_start3A_1598 : memref<128x16xf32, #tpu.memory_space<vmem>>) offsets(%dma_start3A_1600 : memref<128xi32, #tpu.memory_space<vmem>>) semaphore(%arg13 : memref<!tpu.dma_semaphore, #tpu.memory_space<semaphore_mem>>)
        %dma_start3A_1604 = arith.constant 2176 : i32
        %dma_start3A_1605 = arith.constant 0 : i32
        %dma_start3A_1606 = tpu.memref_slice %arg8[%dma_start3A_1604, %dma_start3A_1605] : memref<3200x16xf32, #tpu.memory_space<vmem>> -> memref<128x16xf32, #tpu.memory_space<vmem>>
        %dma_start3A_1607 = arith.constant 2176 : i32
        %dma_start3A_1608 = tpu.memref_slice %arg6[%dma_start3A_1607] : memref<3200xi32, #tpu.memory_space<vmem>> -> memref<128xi32, #tpu.memory_space<vmem>>
        %dma_start3A_1609 = arith.constant 0 : i32
        %dma_start3A_1610 = arith.constant 0 : i32
        %dma_start3A_1611 = tpu.memref_slice %arg3[%dma_start3A_1609, %dma_start3A_1610] : memref<1000000x16xf32, #tpu.memory_space<hbm>> -> memref<1000000x16xf32, #tpu.memory_space<hbm>>
        tpu.enqueue_indirect_dma source(%dma_start3A_1611 : memref<1000000x16xf32, #tpu.memory_space<hbm>>) target(%dma_start3A_1606 : memref<128x16xf32, #tpu.memory_space<vmem>>) offsets(%dma_start3A_1608 : memref<128xi32, #tpu.memory_space<vmem>>) semaphore(%arg13 : memref<!tpu.dma_semaphore, #tpu.memory_space<semaphore_mem>>)
        %dma_start3A_1612 = arith.constant 2304 : i32
        %dma_start3A_1613 = arith.constant 0 : i32
        %dma_start3A_1614 = tpu.memref_slice %arg8[%dma_start3A_1612, %dma_start3A_1613] : memref<3200x16xf32, #tpu.memory_space<vmem>> -> memref<128x16xf32, #tpu.memory_space<vmem>>
        %dma_start3A_1615 = arith.constant 2304 : i32
        %dma_start3A_1616 = tpu.memref_slice %arg6[%dma_start3A_1615] : memref<3200xi32, #tpu.memory_space<vmem>> -> memref<128xi32, #tpu.memory_space<vmem>>
        %dma_start3A_1617 = arith.constant 0 : i32
        %dma_start3A_1618 = arith.constant 0 : i32
        %dma_start3A_1619 = tpu.memref_slice %arg3[%dma_start3A_1617, %dma_start3A_1618] : memref<1000000x16xf32, #tpu.memory_space<hbm>> -> memref<1000000x16xf32, #tpu.memory_space<hbm>>
        tpu.enqueue_indirect_dma source(%dma_start3A_1619 : memref<1000000x16xf32, #tpu.memory_space<hbm>>) target(%dma_start3A_1614 : memref<128x16xf32, #tpu.memory_space<vmem>>) offsets(%dma_start3A_1616 : memref<128xi32, #tpu.memory_space<vmem>>) semaphore(%arg13 : memref<!tpu.dma_semaphore, #tpu.memory_space<semaphore_mem>>)
        %dma_start3A_1620 = arith.constant 2432 : i32
        %dma_start3A_1621 = arith.constant 0 : i32
        %dma_start3A_1622 = tpu.memref_slice %arg8[%dma_start3A_1620, %dma_start3A_1621] : memref<3200x16xf32, #tpu.memory_space<vmem>> -> memref<128x16xf32, #tpu.memory_space<vmem>>
        %dma_start3A_1623 = arith.constant 2432 : i32
        %dma_start3A_1624 = tpu.memref_slice %arg6[%dma_start3A_1623] : memref<3200xi32, #tpu.memory_space<vmem>> -> memref<128xi32, #tpu.memory_space<vmem>>
        %dma_start3A_1625 = arith.constant 0 : i32
        %dma_start3A_1626 = arith.constant 0 : i32
        %dma_start3A_1627 = tpu.memref_slice %arg3[%dma_start3A_1625, %dma_start3A_1626] : memref<1000000x16xf32, #tpu.memory_space<hbm>> -> memref<1000000x16xf32, #tpu.memory_space<hbm>>
        tpu.enqueue_indirect_dma source(%dma_start3A_1627 : memref<1000000x16xf32, #tpu.memory_space<hbm>>) target(%dma_start3A_1622 : memref<128x16xf32, #tpu.memory_space<vmem>>) offsets(%dma_start3A_1624 : memref<128xi32, #tpu.memory_space<vmem>>) semaphore(%arg13 : memref<!tpu.dma_semaphore, #tpu.memory_space<semaphore_mem>>)
        %dma_start3A_1628 = arith.constant 2560 : i32
        %dma_start3A_1629 = arith.constant 0 : i32
        %dma_start3A_1630 = tpu.memref_slice %arg8[%dma_start3A_1628, %dma_start3A_1629] : memref<3200x16xf32, #tpu.memory_space<vmem>> -> memref<128x16xf32, #tpu.memory_space<vmem>>
        %dma_start3A_1631 = arith.constant 2560 : i32
        %dma_start3A_1632 = tpu.memref_slice %arg6[%dma_start3A_1631] : memref<3200xi32, #tpu.memory_space<vmem>> -> memref<128xi32, #tpu.memory_space<vmem>>
        %dma_start3A_1633 = arith.constant 0 : i32
        %dma_start3A_1634 = arith.constant 0 : i32
        %dma_start3A_1635 = tpu.memref_slice %arg3[%dma_start3A_1633, %dma_start3A_1634] : memref<1000000x16xf32, #tpu.memory_space<hbm>> -> memref<1000000x16xf32, #tpu.memory_space<hbm>>
        tpu.enqueue_indirect_dma source(%dma_start3A_1635 : memref<1000000x16xf32, #tpu.memory_space<hbm>>) target(%dma_start3A_1630 : memref<128x16xf32, #tpu.memory_space<vmem>>) offsets(%dma_start3A_1632 : memref<128xi32, #tpu.memory_space<vmem>>) semaphore(%arg13 : memref<!tpu.dma_semaphore, #tpu.memory_space<semaphore_mem>>)
        %dma_start3A_1636 = arith.constant 2688 : i32
        %dma_start3A_1637 = arith.constant 0 : i32
        %dma_start3A_1638 = tpu.memref_slice %arg8[%dma_start3A_1636, %dma_start3A_1637] : memref<3200x16xf32, #tpu.memory_space<vmem>> -> memref<128x16xf32, #tpu.memory_space<vmem>>
        %dma_start3A_1639 = arith.constant 2688 : i32
        %dma_start3A_1640 = tpu.memref_slice %arg6[%dma_start3A_1639] : memref<3200xi32, #tpu.memory_space<vmem>> -> memref<128xi32, #tpu.memory_space<vmem>>
        %dma_start3A_1641 = arith.constant 0 : i32
        %dma_start3A_1642 = arith.constant 0 : i32
        %dma_start3A_1643 = tpu.memref_slice %arg3[%dma_start3A_1641, %dma_start3A_1642] : memref<1000000x16xf32, #tpu.memory_space<hbm>> -> memref<1000000x16xf32, #tpu.memory_space<hbm>>
        tpu.enqueue_indirect_dma source(%dma_start3A_1643 : memref<1000000x16xf32, #tpu.memory_space<hbm>>) target(%dma_start3A_1638 : memref<128x16xf32, #tpu.memory_space<vmem>>) offsets(%dma_start3A_1640 : memref<128xi32, #tpu.memory_space<vmem>>) semaphore(%arg13 : memref<!tpu.dma_semaphore, #tpu.memory_space<semaphore_mem>>)
        %dma_start3A_1644 = arith.constant 2816 : i32
        %dma_start3A_1645 = arith.constant 0 : i32
        %dma_start3A_1646 = tpu.memref_slice %arg8[%dma_start3A_1644, %dma_start3A_1645] : memref<3200x16xf32, #tpu.memory_space<vmem>> -> memref<128x16xf32, #tpu.memory_space<vmem>>
        %dma_start3A_1647 = arith.constant 2816 : i32
        %dma_start3A_1648 = tpu.memref_slice %arg6[%dma_start3A_1647] : memref<3200xi32, #tpu.memory_space<vmem>> -> memref<128xi32, #tpu.memory_space<vmem>>
        %dma_start3A_1649 = arith.constant 0 : i32
        %dma_start3A_1650 = arith.constant 0 : i32
        %dma_start3A_1651 = tpu.memref_slice %arg3[%dma_start3A_1649, %dma_start3A_1650] : memref<1000000x16xf32, #tpu.memory_space<hbm>> -> memref<1000000x16xf32, #tpu.memory_space<hbm>>
        tpu.enqueue_indirect_dma source(%dma_start3A_1651 : memref<1000000x16xf32, #tpu.memory_space<hbm>>) target(%dma_start3A_1646 : memref<128x16xf32, #tpu.memory_space<vmem>>) offsets(%dma_start3A_1648 : memref<128xi32, #tpu.memory_space<vmem>>) semaphore(%arg13 : memref<!tpu.dma_semaphore, #tpu.memory_space<semaphore_mem>>)
        %dma_start3A_1652 = arith.constant 2944 : i32
        %dma_start3A_1653 = arith.constant 0 : i32
        %dma_start3A_1654 = tpu.memref_slice %arg8[%dma_start3A_1652, %dma_start3A_1653] : memref<3200x16xf32, #tpu.memory_space<vmem>> -> memref<128x16xf32, #tpu.memory_space<vmem>>
        %dma_start3A_1655 = arith.constant 2944 : i32
        %dma_start3A_1656 = tpu.memref_slice %arg6[%dma_start3A_1655] : memref<3200xi32, #tpu.memory_space<vmem>> -> memref<128xi32, #tpu.memory_space<vmem>>
        %dma_start3A_1657 = arith.constant 0 : i32
        %dma_start3A_1658 = arith.constant 0 : i32
        %dma_start3A_1659 = tpu.memref_slice %arg3[%dma_start3A_1657, %dma_start3A_1658] : memref<1000000x16xf32, #tpu.memory_space<hbm>> -> memref<1000000x16xf32, #tpu.memory_space<hbm>>
        tpu.enqueue_indirect_dma source(%dma_start3A_1659 : memref<1000000x16xf32, #tpu.memory_space<hbm>>) target(%dma_start3A_1654 : memref<128x16xf32, #tpu.memory_space<vmem>>) offsets(%dma_start3A_1656 : memref<128xi32, #tpu.memory_space<vmem>>) semaphore(%arg13 : memref<!tpu.dma_semaphore, #tpu.memory_space<semaphore_mem>>)
        %dma_start3A_1660 = arith.constant 3072 : i32
        %dma_start3A_1661 = arith.constant 0 : i32
        %dma_start3A_1662 = tpu.memref_slice %arg8[%dma_start3A_1660, %dma_start3A_1661] : memref<3200x16xf32, #tpu.memory_space<vmem>> -> memref<128x16xf32, #tpu.memory_space<vmem>>
        %dma_start3A_1663 = arith.constant 3072 : i32
        %dma_start3A_1664 = tpu.memref_slice %arg6[%dma_start3A_1663] : memref<3200xi32, #tpu.memory_space<vmem>> -> memref<128xi32, #tpu.memory_space<vmem>>
        %dma_start3A_1665 = arith.constant 0 : i32
        %dma_start3A_1666 = arith.constant 0 : i32
        %dma_start3A_1667 = tpu.memref_slice %arg3[%dma_start3A_1665, %dma_start3A_1666] : memref<1000000x16xf32, #tpu.memory_space<hbm>> -> memref<1000000x16xf32, #tpu.memory_space<hbm>>
        tpu.enqueue_indirect_dma source(%dma_start3A_1667 : memref<1000000x16xf32, #tpu.memory_space<hbm>>) target(%dma_start3A_1662 : memref<128x16xf32, #tpu.memory_space<vmem>>) offsets(%dma_start3A_1664 : memref<128xi32, #tpu.memory_space<vmem>>) semaphore(%arg13 : memref<!tpu.dma_semaphore, #tpu.memory_space<semaphore_mem>>)
      } else {
      }
      %dma_wait3A_962 = arith.constant 0 : i32
      %dma_wait3A_963 = arith.constant 0 : i32
      %dma_wait3A_964 = tpu.memref_slice %arg9[%dma_wait3A_962, %dma_wait3A_963] : memref<3200x16xf32, #tpu.memory_space<vmem>> -> memref<128x16xf32, #tpu.memory_space<vmem>>
      %dma_wait3A_965 = arith.constant 0 : i32
      %dma_wait3A_966 = tpu.memref_slice %arg7[%dma_wait3A_965] : memref<3200xi32, #tpu.memory_space<vmem>> -> memref<128xi32, #tpu.memory_space<vmem>>
      %dma_wait3A_967 = arith.constant 0 : i32
      %dma_wait3A_968 = arith.constant 0 : i32
      %dma_wait3A_969 = tpu.memref_slice %arg3[%dma_wait3A_967, %dma_wait3A_968] : memref<1000000x16xf32, #tpu.memory_space<hbm>> -> memref<1000000x16xf32, #tpu.memory_space<hbm>>
      tpu.wait_indirect_dma semaphore(%arg14 : memref<!tpu.dma_semaphore, #tpu.memory_space<semaphore_mem>>) src(%dma_wait3A_969 : memref<1000000x16xf32, #tpu.memory_space<hbm>>) dst(%dma_wait3A_964 : memref<128x16xf32, #tpu.memory_space<vmem>>)
      %dma_wait3A_970 = arith.constant 128 : i32
      %dma_wait3A_971 = arith.constant 0 : i32
      %dma_wait3A_972 = tpu.memref_slice %arg9[%dma_wait3A_970, %dma_wait3A_971] : memref<3200x16xf32, #tpu.memory_space<vmem>> -> memref<128x16xf32, #tpu.memory_space<vmem>>
      %dma_wait3A_973 = arith.constant 128 : i32
      %dma_wait3A_974 = tpu.memref_slice %arg7[%dma_wait3A_973] : memref<3200xi32, #tpu.memory_space<vmem>> -> memref<128xi32, #tpu.memory_space<vmem>>
      %dma_wait3A_975 = arith.constant 0 : i32
      %dma_wait3A_976 = arith.constant 0 : i32
      %dma_wait3A_977 = tpu.memref_slice %arg3[%dma_wait3A_975, %dma_wait3A_976] : memref<1000000x16xf32, #tpu.memory_space<hbm>> -> memref<1000000x16xf32, #tpu.memory_space<hbm>>
      tpu.wait_indirect_dma semaphore(%arg14 : memref<!tpu.dma_semaphore, #tpu.memory_space<semaphore_mem>>) src(%dma_wait3A_977 : memref<1000000x16xf32, #tpu.memory_space<hbm>>) dst(%dma_wait3A_972 : memref<128x16xf32, #tpu.memory_space<vmem>>)
      %dma_wait3A_978 = arith.constant 256 : i32
      %dma_wait3A_979 = arith.constant 0 : i32
      %dma_wait3A_980 = tpu.memref_slice %arg9[%dma_wait3A_978, %dma_wait3A_979] : memref<3200x16xf32, #tpu.memory_space<vmem>> -> memref<128x16xf32, #tpu.memory_space<vmem>>
      %dma_wait3A_981 = arith.constant 256 : i32
      %dma_wait3A_982 = tpu.memref_slice %arg7[%dma_wait3A_981] : memref<3200xi32, #tpu.memory_space<vmem>> -> memref<128xi32, #tpu.memory_space<vmem>>
      %dma_wait3A_983 = arith.constant 0 : i32
      %dma_wait3A_984 = arith.constant 0 : i32
      %dma_wait3A_985 = tpu.memref_slice %arg3[%dma_wait3A_983, %dma_wait3A_984] : memref<1000000x16xf32, #tpu.memory_space<hbm>> -> memref<1000000x16xf32, #tpu.memory_space<hbm>>
      tpu.wait_indirect_dma semaphore(%arg14 : memref<!tpu.dma_semaphore, #tpu.memory_space<semaphore_mem>>) src(%dma_wait3A_985 : memref<1000000x16xf32, #tpu.memory_space<hbm>>) dst(%dma_wait3A_980 : memref<128x16xf32, #tpu.memory_space<vmem>>)
      %dma_wait3A_986 = arith.constant 384 : i32
      %dma_wait3A_987 = arith.constant 0 : i32
      %dma_wait3A_988 = tpu.memref_slice %arg9[%dma_wait3A_986, %dma_wait3A_987] : memref<3200x16xf32, #tpu.memory_space<vmem>> -> memref<128x16xf32, #tpu.memory_space<vmem>>
      %dma_wait3A_989 = arith.constant 384 : i32
      %dma_wait3A_990 = tpu.memref_slice %arg7[%dma_wait3A_989] : memref<3200xi32, #tpu.memory_space<vmem>> -> memref<128xi32, #tpu.memory_space<vmem>>
      %dma_wait3A_991 = arith.constant 0 : i32
      %dma_wait3A_992 = arith.constant 0 : i32
      %dma_wait3A_993 = tpu.memref_slice %arg3[%dma_wait3A_991, %dma_wait3A_992] : memref<1000000x16xf32, #tpu.memory_space<hbm>> -> memref<1000000x16xf32, #tpu.memory_space<hbm>>
      tpu.wait_indirect_dma semaphore(%arg14 : memref<!tpu.dma_semaphore, #tpu.memory_space<semaphore_mem>>) src(%dma_wait3A_993 : memref<1000000x16xf32, #tpu.memory_space<hbm>>) dst(%dma_wait3A_988 : memref<128x16xf32, #tpu.memory_space<vmem>>)
      %dma_wait3A_994 = arith.constant 512 : i32
      %dma_wait3A_995 = arith.constant 0 : i32
      %dma_wait3A_996 = tpu.memref_slice %arg9[%dma_wait3A_994, %dma_wait3A_995] : memref<3200x16xf32, #tpu.memory_space<vmem>> -> memref<128x16xf32, #tpu.memory_space<vmem>>
      %dma_wait3A_997 = arith.constant 512 : i32
      %dma_wait3A_998 = tpu.memref_slice %arg7[%dma_wait3A_997] : memref<3200xi32, #tpu.memory_space<vmem>> -> memref<128xi32, #tpu.memory_space<vmem>>
      %dma_wait3A_999 = arith.constant 0 : i32
      %dma_wait3A_1000 = arith.constant 0 : i32
      %dma_wait3A_1001 = tpu.memref_slice %arg3[%dma_wait3A_999, %dma_wait3A_1000] : memref<1000000x16xf32, #tpu.memory_space<hbm>> -> memref<1000000x16xf32, #tpu.memory_space<hbm>>
      tpu.wait_indirect_dma semaphore(%arg14 : memref<!tpu.dma_semaphore, #tpu.memory_space<semaphore_mem>>) src(%dma_wait3A_1001 : memref<1000000x16xf32, #tpu.memory_space<hbm>>) dst(%dma_wait3A_996 : memref<128x16xf32, #tpu.memory_space<vmem>>)
      %dma_wait3A_1002 = arith.constant 640 : i32
      %dma_wait3A_1003 = arith.constant 0 : i32
      %dma_wait3A_1004 = tpu.memref_slice %arg9[%dma_wait3A_1002, %dma_wait3A_1003] : memref<3200x16xf32, #tpu.memory_space<vmem>> -> memref<128x16xf32, #tpu.memory_space<vmem>>
      %dma_wait3A_1005 = arith.constant 640 : i32
      %dma_wait3A_1006 = tpu.memref_slice %arg7[%dma_wait3A_1005] : memref<3200xi32, #tpu.memory_space<vmem>> -> memref<128xi32, #tpu.memory_space<vmem>>
      %dma_wait3A_1007 = arith.constant 0 : i32
      %dma_wait3A_1008 = arith.constant 0 : i32
      %dma_wait3A_1009 = tpu.memref_slice %arg3[%dma_wait3A_1007, %dma_wait3A_1008] : memref<1000000x16xf32, #tpu.memory_space<hbm>> -> memref<1000000x16xf32, #tpu.memory_space<hbm>>
      tpu.wait_indirect_dma semaphore(%arg14 : memref<!tpu.dma_semaphore, #tpu.memory_space<semaphore_mem>>) src(%dma_wait3A_1009 : memref<1000000x16xf32, #tpu.memory_space<hbm>>) dst(%dma_wait3A_1004 : memref<128x16xf32, #tpu.memory_space<vmem>>)
      %dma_wait3A_1010 = arith.constant 768 : i32
      %dma_wait3A_1011 = arith.constant 0 : i32
      %dma_wait3A_1012 = tpu.memref_slice %arg9[%dma_wait3A_1010, %dma_wait3A_1011] : memref<3200x16xf32, #tpu.memory_space<vmem>> -> memref<128x16xf32, #tpu.memory_space<vmem>>
      %dma_wait3A_1013 = arith.constant 768 : i32
      %dma_wait3A_1014 = tpu.memref_slice %arg7[%dma_wait3A_1013] : memref<3200xi32, #tpu.memory_space<vmem>> -> memref<128xi32, #tpu.memory_space<vmem>>
      %dma_wait3A_1015 = arith.constant 0 : i32
      %dma_wait3A_1016 = arith.constant 0 : i32
      %dma_wait3A_1017 = tpu.memref_slice %arg3[%dma_wait3A_1015, %dma_wait3A_1016] : memref<1000000x16xf32, #tpu.memory_space<hbm>> -> memref<1000000x16xf32, #tpu.memory_space<hbm>>
      tpu.wait_indirect_dma semaphore(%arg14 : memref<!tpu.dma_semaphore, #tpu.memory_space<semaphore_mem>>) src(%dma_wait3A_1017 : memref<1000000x16xf32, #tpu.memory_space<hbm>>) dst(%dma_wait3A_1012 : memref<128x16xf32, #tpu.memory_space<vmem>>)
      %dma_wait3A_1018 = arith.constant 896 : i32
      %dma_wait3A_1019 = arith.constant 0 : i32
      %dma_wait3A_1020 = tpu.memref_slice %arg9[%dma_wait3A_1018, %dma_wait3A_1019] : memref<3200x16xf32, #tpu.memory_space<vmem>> -> memref<128x16xf32, #tpu.memory_space<vmem>>
      %dma_wait3A_1021 = arith.constant 896 : i32
      %dma_wait3A_1022 = tpu.memref_slice %arg7[%dma_wait3A_1021] : memref<3200xi32, #tpu.memory_space<vmem>> -> memref<128xi32, #tpu.memory_space<vmem>>
      %dma_wait3A_1023 = arith.constant 0 : i32
      %dma_wait3A_1024 = arith.constant 0 : i32
      %dma_wait3A_1025 = tpu.memref_slice %arg3[%dma_wait3A_1023, %dma_wait3A_1024] : memref<1000000x16xf32, #tpu.memory_space<hbm>> -> memref<1000000x16xf32, #tpu.memory_space<hbm>>
      tpu.wait_indirect_dma semaphore(%arg14 : memref<!tpu.dma_semaphore, #tpu.memory_space<semaphore_mem>>) src(%dma_wait3A_1025 : memref<1000000x16xf32, #tpu.memory_space<hbm>>) dst(%dma_wait3A_1020 : memref<128x16xf32, #tpu.memory_space<vmem>>)
      %dma_wait3A_1026 = arith.constant 1024 : i32
      %dma_wait3A_1027 = arith.constant 0 : i32
      %dma_wait3A_1028 = tpu.memref_slice %arg9[%dma_wait3A_1026, %dma_wait3A_1027] : memref<3200x16xf32, #tpu.memory_space<vmem>> -> memref<128x16xf32, #tpu.memory_space<vmem>>
      %dma_wait3A_1029 = arith.constant 1024 : i32
      %dma_wait3A_1030 = tpu.memref_slice %arg7[%dma_wait3A_1029] : memref<3200xi32, #tpu.memory_space<vmem>> -> memref<128xi32, #tpu.memory_space<vmem>>
      %dma_wait3A_1031 = arith.constant 0 : i32
      %dma_wait3A_1032 = arith.constant 0 : i32
      %dma_wait3A_1033 = tpu.memref_slice %arg3[%dma_wait3A_1031, %dma_wait3A_1032] : memref<1000000x16xf32, #tpu.memory_space<hbm>> -> memref<1000000x16xf32, #tpu.memory_space<hbm>>
      tpu.wait_indirect_dma semaphore(%arg14 : memref<!tpu.dma_semaphore, #tpu.memory_space<semaphore_mem>>) src(%dma_wait3A_1033 : memref<1000000x16xf32, #tpu.memory_space<hbm>>) dst(%dma_wait3A_1028 : memref<128x16xf32, #tpu.memory_space<vmem>>)
      %dma_wait3A_1034 = arith.constant 1152 : i32
      %dma_wait3A_1035 = arith.constant 0 : i32
      %dma_wait3A_1036 = tpu.memref_slice %arg9[%dma_wait3A_1034, %dma_wait3A_1035] : memref<3200x16xf32, #tpu.memory_space<vmem>> -> memref<128x16xf32, #tpu.memory_space<vmem>>
      %dma_wait3A_1037 = arith.constant 1152 : i32
      %dma_wait3A_1038 = tpu.memref_slice %arg7[%dma_wait3A_1037] : memref<3200xi32, #tpu.memory_space<vmem>> -> memref<128xi32, #tpu.memory_space<vmem>>
      %dma_wait3A_1039 = arith.constant 0 : i32
      %dma_wait3A_1040 = arith.constant 0 : i32
      %dma_wait3A_1041 = tpu.memref_slice %arg3[%dma_wait3A_1039, %dma_wait3A_1040] : memref<1000000x16xf32, #tpu.memory_space<hbm>> -> memref<1000000x16xf32, #tpu.memory_space<hbm>>
      tpu.wait_indirect_dma semaphore(%arg14 : memref<!tpu.dma_semaphore, #tpu.memory_space<semaphore_mem>>) src(%dma_wait3A_1041 : memref<1000000x16xf32, #tpu.memory_space<hbm>>) dst(%dma_wait3A_1036 : memref<128x16xf32, #tpu.memory_space<vmem>>)
      %dma_wait3A_1042 = arith.constant 1280 : i32
      %dma_wait3A_1043 = arith.constant 0 : i32
      %dma_wait3A_1044 = tpu.memref_slice %arg9[%dma_wait3A_1042, %dma_wait3A_1043] : memref<3200x16xf32, #tpu.memory_space<vmem>> -> memref<128x16xf32, #tpu.memory_space<vmem>>
      %dma_wait3A_1045 = arith.constant 1280 : i32
      %dma_wait3A_1046 = tpu.memref_slice %arg7[%dma_wait3A_1045] : memref<3200xi32, #tpu.memory_space<vmem>> -> memref<128xi32, #tpu.memory_space<vmem>>
      %dma_wait3A_1047 = arith.constant 0 : i32
      %dma_wait3A_1048 = arith.constant 0 : i32
      %dma_wait3A_1049 = tpu.memref_slice %arg3[%dma_wait3A_1047, %dma_wait3A_1048] : memref<1000000x16xf32, #tpu.memory_space<hbm>> -> memref<1000000x16xf32, #tpu.memory_space<hbm>>
      tpu.wait_indirect_dma semaphore(%arg14 : memref<!tpu.dma_semaphore, #tpu.memory_space<semaphore_mem>>) src(%dma_wait3A_1049 : memref<1000000x16xf32, #tpu.memory_space<hbm>>) dst(%dma_wait3A_1044 : memref<128x16xf32, #tpu.memory_space<vmem>>)
      %dma_wait3A_1050 = arith.constant 1408 : i32
      %dma_wait3A_1051 = arith.constant 0 : i32
      %dma_wait3A_1052 = tpu.memref_slice %arg9[%dma_wait3A_1050, %dma_wait3A_1051] : memref<3200x16xf32, #tpu.memory_space<vmem>> -> memref<128x16xf32, #tpu.memory_space<vmem>>
      %dma_wait3A_1053 = arith.constant 1408 : i32
      %dma_wait3A_1054 = tpu.memref_slice %arg7[%dma_wait3A_1053] : memref<3200xi32, #tpu.memory_space<vmem>> -> memref<128xi32, #tpu.memory_space<vmem>>
      %dma_wait3A_1055 = arith.constant 0 : i32
      %dma_wait3A_1056 = arith.constant 0 : i32
      %dma_wait3A_1057 = tpu.memref_slice %arg3[%dma_wait3A_1055, %dma_wait3A_1056] : memref<1000000x16xf32, #tpu.memory_space<hbm>> -> memref<1000000x16xf32, #tpu.memory_space<hbm>>
      tpu.wait_indirect_dma semaphore(%arg14 : memref<!tpu.dma_semaphore, #tpu.memory_space<semaphore_mem>>) src(%dma_wait3A_1057 : memref<1000000x16xf32, #tpu.memory_space<hbm>>) dst(%dma_wait3A_1052 : memref<128x16xf32, #tpu.memory_space<vmem>>)
      %dma_wait3A_1058 = arith.constant 1536 : i32
      %dma_wait3A_1059 = arith.constant 0 : i32
      %dma_wait3A_1060 = tpu.memref_slice %arg9[%dma_wait3A_1058, %dma_wait3A_1059] : memref<3200x16xf32, #tpu.memory_space<vmem>> -> memref<128x16xf32, #tpu.memory_space<vmem>>
      %dma_wait3A_1061 = arith.constant 1536 : i32
      %dma_wait3A_1062 = tpu.memref_slice %arg7[%dma_wait3A_1061] : memref<3200xi32, #tpu.memory_space<vmem>> -> memref<128xi32, #tpu.memory_space<vmem>>
      %dma_wait3A_1063 = arith.constant 0 : i32
      %dma_wait3A_1064 = arith.constant 0 : i32
      %dma_wait3A_1065 = tpu.memref_slice %arg3[%dma_wait3A_1063, %dma_wait3A_1064] : memref<1000000x16xf32, #tpu.memory_space<hbm>> -> memref<1000000x16xf32, #tpu.memory_space<hbm>>
      tpu.wait_indirect_dma semaphore(%arg14 : memref<!tpu.dma_semaphore, #tpu.memory_space<semaphore_mem>>) src(%dma_wait3A_1065 : memref<1000000x16xf32, #tpu.memory_space<hbm>>) dst(%dma_wait3A_1060 : memref<128x16xf32, #tpu.memory_space<vmem>>)
      %dma_wait3A_1066 = arith.constant 1664 : i32
      %dma_wait3A_1067 = arith.constant 0 : i32
      %dma_wait3A_1068 = tpu.memref_slice %arg9[%dma_wait3A_1066, %dma_wait3A_1067] : memref<3200x16xf32, #tpu.memory_space<vmem>> -> memref<128x16xf32, #tpu.memory_space<vmem>>
      %dma_wait3A_1069 = arith.constant 1664 : i32
      %dma_wait3A_1070 = tpu.memref_slice %arg7[%dma_wait3A_1069] : memref<3200xi32, #tpu.memory_space<vmem>> -> memref<128xi32, #tpu.memory_space<vmem>>
      %dma_wait3A_1071 = arith.constant 0 : i32
      %dma_wait3A_1072 = arith.constant 0 : i32
      %dma_wait3A_1073 = tpu.memref_slice %arg3[%dma_wait3A_1071, %dma_wait3A_1072] : memref<1000000x16xf32, #tpu.memory_space<hbm>> -> memref<1000000x16xf32, #tpu.memory_space<hbm>>
      tpu.wait_indirect_dma semaphore(%arg14 : memref<!tpu.dma_semaphore, #tpu.memory_space<semaphore_mem>>) src(%dma_wait3A_1073 : memref<1000000x16xf32, #tpu.memory_space<hbm>>) dst(%dma_wait3A_1068 : memref<128x16xf32, #tpu.memory_space<vmem>>)
      %dma_wait3A_1074 = arith.constant 1792 : i32
      %dma_wait3A_1075 = arith.constant 0 : i32
      %dma_wait3A_1076 = tpu.memref_slice %arg9[%dma_wait3A_1074, %dma_wait3A_1075] : memref<3200x16xf32, #tpu.memory_space<vmem>> -> memref<128x16xf32, #tpu.memory_space<vmem>>
      %dma_wait3A_1077 = arith.constant 1792 : i32
      %dma_wait3A_1078 = tpu.memref_slice %arg7[%dma_wait3A_1077] : memref<3200xi32, #tpu.memory_space<vmem>> -> memref<128xi32, #tpu.memory_space<vmem>>
      %dma_wait3A_1079 = arith.constant 0 : i32
      %dma_wait3A_1080 = arith.constant 0 : i32
      %dma_wait3A_1081 = tpu.memref_slice %arg3[%dma_wait3A_1079, %dma_wait3A_1080] : memref<1000000x16xf32, #tpu.memory_space<hbm>> -> memref<1000000x16xf32, #tpu.memory_space<hbm>>
      tpu.wait_indirect_dma semaphore(%arg14 : memref<!tpu.dma_semaphore, #tpu.memory_space<semaphore_mem>>) src(%dma_wait3A_1081 : memref<1000000x16xf32, #tpu.memory_space<hbm>>) dst(%dma_wait3A_1076 : memref<128x16xf32, #tpu.memory_space<vmem>>)
      %dma_wait3A_1082 = arith.constant 1920 : i32
      %dma_wait3A_1083 = arith.constant 0 : i32
      %dma_wait3A_1084 = tpu.memref_slice %arg9[%dma_wait3A_1082, %dma_wait3A_1083] : memref<3200x16xf32, #tpu.memory_space<vmem>> -> memref<128x16xf32, #tpu.memory_space<vmem>>
      %dma_wait3A_1085 = arith.constant 1920 : i32
      %dma_wait3A_1086 = tpu.memref_slice %arg7[%dma_wait3A_1085] : memref<3200xi32, #tpu.memory_space<vmem>> -> memref<128xi32, #tpu.memory_space<vmem>>
      %dma_wait3A_1087 = arith.constant 0 : i32
      %dma_wait3A_1088 = arith.constant 0 : i32
      %dma_wait3A_1089 = tpu.memref_slice %arg3[%dma_wait3A_1087, %dma_wait3A_1088] : memref<1000000x16xf32, #tpu.memory_space<hbm>> -> memref<1000000x16xf32, #tpu.memory_space<hbm>>
      tpu.wait_indirect_dma semaphore(%arg14 : memref<!tpu.dma_semaphore, #tpu.memory_space<semaphore_mem>>) src(%dma_wait3A_1089 : memref<1000000x16xf32, #tpu.memory_space<hbm>>) dst(%dma_wait3A_1084 : memref<128x16xf32, #tpu.memory_space<vmem>>)
      %dma_wait3A_1090 = arith.constant 2048 : i32
      %dma_wait3A_1091 = arith.constant 0 : i32
      %dma_wait3A_1092 = tpu.memref_slice %arg9[%dma_wait3A_1090, %dma_wait3A_1091] : memref<3200x16xf32, #tpu.memory_space<vmem>> -> memref<128x16xf32, #tpu.memory_space<vmem>>
      %dma_wait3A_1093 = arith.constant 2048 : i32
      %dma_wait3A_1094 = tpu.memref_slice %arg7[%dma_wait3A_1093] : memref<3200xi32, #tpu.memory_space<vmem>> -> memref<128xi32, #tpu.memory_space<vmem>>
      %dma_wait3A_1095 = arith.constant 0 : i32
      %dma_wait3A_1096 = arith.constant 0 : i32
      %dma_wait3A_1097 = tpu.memref_slice %arg3[%dma_wait3A_1095, %dma_wait3A_1096] : memref<1000000x16xf32, #tpu.memory_space<hbm>> -> memref<1000000x16xf32, #tpu.memory_space<hbm>>
      tpu.wait_indirect_dma semaphore(%arg14 : memref<!tpu.dma_semaphore, #tpu.memory_space<semaphore_mem>>) src(%dma_wait3A_1097 : memref<1000000x16xf32, #tpu.memory_space<hbm>>) dst(%dma_wait3A_1092 : memref<128x16xf32, #tpu.memory_space<vmem>>)
      %dma_wait3A_1098 = arith.constant 2176 : i32
      %dma_wait3A_1099 = arith.constant 0 : i32
      %dma_wait3A_1100 = tpu.memref_slice %arg9[%dma_wait3A_1098, %dma_wait3A_1099] : memref<3200x16xf32, #tpu.memory_space<vmem>> -> memref<128x16xf32, #tpu.memory_space<vmem>>
      %dma_wait3A_1101 = arith.constant 2176 : i32
      %dma_wait3A_1102 = tpu.memref_slice %arg7[%dma_wait3A_1101] : memref<3200xi32, #tpu.memory_space<vmem>> -> memref<128xi32, #tpu.memory_space<vmem>>
      %dma_wait3A_1103 = arith.constant 0 : i32
      %dma_wait3A_1104 = arith.constant 0 : i32
      %dma_wait3A_1105 = tpu.memref_slice %arg3[%dma_wait3A_1103, %dma_wait3A_1104] : memref<1000000x16xf32, #tpu.memory_space<hbm>> -> memref<1000000x16xf32, #tpu.memory_space<hbm>>
      tpu.wait_indirect_dma semaphore(%arg14 : memref<!tpu.dma_semaphore, #tpu.memory_space<semaphore_mem>>) src(%dma_wait3A_1105 : memref<1000000x16xf32, #tpu.memory_space<hbm>>) dst(%dma_wait3A_1100 : memref<128x16xf32, #tpu.memory_space<vmem>>)
      %dma_wait3A_1106 = arith.constant 2304 : i32
      %dma_wait3A_1107 = arith.constant 0 : i32
      %dma_wait3A_1108 = tpu.memref_slice %arg9[%dma_wait3A_1106, %dma_wait3A_1107] : memref<3200x16xf32, #tpu.memory_space<vmem>> -> memref<128x16xf32, #tpu.memory_space<vmem>>
      %dma_wait3A_1109 = arith.constant 2304 : i32
      %dma_wait3A_1110 = tpu.memref_slice %arg7[%dma_wait3A_1109] : memref<3200xi32, #tpu.memory_space<vmem>> -> memref<128xi32, #tpu.memory_space<vmem>>
      %dma_wait3A_1111 = arith.constant 0 : i32
      %dma_wait3A_1112 = arith.constant 0 : i32
      %dma_wait3A_1113 = tpu.memref_slice %arg3[%dma_wait3A_1111, %dma_wait3A_1112] : memref<1000000x16xf32, #tpu.memory_space<hbm>> -> memref<1000000x16xf32, #tpu.memory_space<hbm>>
      tpu.wait_indirect_dma semaphore(%arg14 : memref<!tpu.dma_semaphore, #tpu.memory_space<semaphore_mem>>) src(%dma_wait3A_1113 : memref<1000000x16xf32, #tpu.memory_space<hbm>>) dst(%dma_wait3A_1108 : memref<128x16xf32, #tpu.memory_space<vmem>>)
      %dma_wait3A_1114 = arith.constant 2432 : i32
      %dma_wait3A_1115 = arith.constant 0 : i32
      %dma_wait3A_1116 = tpu.memref_slice %arg9[%dma_wait3A_1114, %dma_wait3A_1115] : memref<3200x16xf32, #tpu.memory_space<vmem>> -> memref<128x16xf32, #tpu.memory_space<vmem>>
      %dma_wait3A_1117 = arith.constant 2432 : i32
      %dma_wait3A_1118 = tpu.memref_slice %arg7[%dma_wait3A_1117] : memref<3200xi32, #tpu.memory_space<vmem>> -> memref<128xi32, #tpu.memory_space<vmem>>
      %dma_wait3A_1119 = arith.constant 0 : i32
      %dma_wait3A_1120 = arith.constant 0 : i32
      %dma_wait3A_1121 = tpu.memref_slice %arg3[%dma_wait3A_1119, %dma_wait3A_1120] : memref<1000000x16xf32, #tpu.memory_space<hbm>> -> memref<1000000x16xf32, #tpu.memory_space<hbm>>
      tpu.wait_indirect_dma semaphore(%arg14 : memref<!tpu.dma_semaphore, #tpu.memory_space<semaphore_mem>>) src(%dma_wait3A_1121 : memref<1000000x16xf32, #tpu.memory_space<hbm>>) dst(%dma_wait3A_1116 : memref<128x16xf32, #tpu.memory_space<vmem>>)
      %dma_wait3A_1122 = arith.constant 2560 : i32
      %dma_wait3A_1123 = arith.constant 0 : i32
      %dma_wait3A_1124 = tpu.memref_slice %arg9[%dma_wait3A_1122, %dma_wait3A_1123] : memref<3200x16xf32, #tpu.memory_space<vmem>> -> memref<128x16xf32, #tpu.memory_space<vmem>>
      %dma_wait3A_1125 = arith.constant 2560 : i32
      %dma_wait3A_1126 = tpu.memref_slice %arg7[%dma_wait3A_1125] : memref<3200xi32, #tpu.memory_space<vmem>> -> memref<128xi32, #tpu.memory_space<vmem>>
      %dma_wait3A_1127 = arith.constant 0 : i32
      %dma_wait3A_1128 = arith.constant 0 : i32
      %dma_wait3A_1129 = tpu.memref_slice %arg3[%dma_wait3A_1127, %dma_wait3A_1128] : memref<1000000x16xf32, #tpu.memory_space<hbm>> -> memref<1000000x16xf32, #tpu.memory_space<hbm>>
      tpu.wait_indirect_dma semaphore(%arg14 : memref<!tpu.dma_semaphore, #tpu.memory_space<semaphore_mem>>) src(%dma_wait3A_1129 : memref<1000000x16xf32, #tpu.memory_space<hbm>>) dst(%dma_wait3A_1124 : memref<128x16xf32, #tpu.memory_space<vmem>>)
      %dma_wait3A_1130 = arith.constant 2688 : i32
      %dma_wait3A_1131 = arith.constant 0 : i32
      %dma_wait3A_1132 = tpu.memref_slice %arg9[%dma_wait3A_1130, %dma_wait3A_1131] : memref<3200x16xf32, #tpu.memory_space<vmem>> -> memref<128x16xf32, #tpu.memory_space<vmem>>
      %dma_wait3A_1133 = arith.constant 2688 : i32
      %dma_wait3A_1134 = tpu.memref_slice %arg7[%dma_wait3A_1133] : memref<3200xi32, #tpu.memory_space<vmem>> -> memref<128xi32, #tpu.memory_space<vmem>>
      %dma_wait3A_1135 = arith.constant 0 : i32
      %dma_wait3A_1136 = arith.constant 0 : i32
      %dma_wait3A_1137 = tpu.memref_slice %arg3[%dma_wait3A_1135, %dma_wait3A_1136] : memref<1000000x16xf32, #tpu.memory_space<hbm>> -> memref<1000000x16xf32, #tpu.memory_space<hbm>>
      tpu.wait_indirect_dma semaphore(%arg14 : memref<!tpu.dma_semaphore, #tpu.memory_space<semaphore_mem>>) src(%dma_wait3A_1137 : memref<1000000x16xf32, #tpu.memory_space<hbm>>) dst(%dma_wait3A_1132 : memref<128x16xf32, #tpu.memory_space<vmem>>)
      %dma_wait3A_1138 = arith.constant 2816 : i32
      %dma_wait3A_1139 = arith.constant 0 : i32
      %dma_wait3A_1140 = tpu.memref_slice %arg9[%dma_wait3A_1138, %dma_wait3A_1139] : memref<3200x16xf32, #tpu.memory_space<vmem>> -> memref<128x16xf32, #tpu.memory_space<vmem>>
      %dma_wait3A_1141 = arith.constant 2816 : i32
      %dma_wait3A_1142 = tpu.memref_slice %arg7[%dma_wait3A_1141] : memref<3200xi32, #tpu.memory_space<vmem>> -> memref<128xi32, #tpu.memory_space<vmem>>
      %dma_wait3A_1143 = arith.constant 0 : i32
      %dma_wait3A_1144 = arith.constant 0 : i32
      %dma_wait3A_1145 = tpu.memref_slice %arg3[%dma_wait3A_1143, %dma_wait3A_1144] : memref<1000000x16xf32, #tpu.memory_space<hbm>> -> memref<1000000x16xf32, #tpu.memory_space<hbm>>
      tpu.wait_indirect_dma semaphore(%arg14 : memref<!tpu.dma_semaphore, #tpu.memory_space<semaphore_mem>>) src(%dma_wait3A_1145 : memref<1000000x16xf32, #tpu.memory_space<hbm>>) dst(%dma_wait3A_1140 : memref<128x16xf32, #tpu.memory_space<vmem>>)
      %dma_wait3A_1146 = arith.constant 2944 : i32
      %dma_wait3A_1147 = arith.constant 0 : i32
      %dma_wait3A_1148 = tpu.memref_slice %arg9[%dma_wait3A_1146, %dma_wait3A_1147] : memref<3200x16xf32, #tpu.memory_space<vmem>> -> memref<128x16xf32, #tpu.memory_space<vmem>>
      %dma_wait3A_1149 = arith.constant 2944 : i32
      %dma_wait3A_1150 = tpu.memref_slice %arg7[%dma_wait3A_1149] : memref<3200xi32, #tpu.memory_space<vmem>> -> memref<128xi32, #tpu.memory_space<vmem>>
      %dma_wait3A_1151 = arith.constant 0 : i32
      %dma_wait3A_1152 = arith.constant 0 : i32
      %dma_wait3A_1153 = tpu.memref_slice %arg3[%dma_wait3A_1151, %dma_wait3A_1152] : memref<1000000x16xf32, #tpu.memory_space<hbm>> -> memref<1000000x16xf32, #tpu.memory_space<hbm>>
      tpu.wait_indirect_dma semaphore(%arg14 : memref<!tpu.dma_semaphore, #tpu.memory_space<semaphore_mem>>) src(%dma_wait3A_1153 : memref<1000000x16xf32, #tpu.memory_space<hbm>>) dst(%dma_wait3A_1148 : memref<128x16xf32, #tpu.memory_space<vmem>>)
      %dma_wait3A_1154 = arith.constant 3072 : i32
      %dma_wait3A_1155 = arith.constant 0 : i32
      %dma_wait3A_1156 = tpu.memref_slice %arg9[%dma_wait3A_1154, %dma_wait3A_1155] : memref<3200x16xf32, #tpu.memory_space<vmem>> -> memref<128x16xf32, #tpu.memory_space<vmem>>
      %dma_wait3A_1157 = arith.constant 3072 : i32
      %dma_wait3A_1158 = tpu.memref_slice %arg7[%dma_wait3A_1157] : memref<3200xi32, #tpu.memory_space<vmem>> -> memref<128xi32, #tpu.memory_space<vmem>>
      %dma_wait3A_1159 = arith.constant 0 : i32
      %dma_wait3A_1160 = arith.constant 0 : i32
      %dma_wait3A_1161 = tpu.memref_slice %arg3[%dma_wait3A_1159, %dma_wait3A_1160] : memref<1000000x16xf32, #tpu.memory_space<hbm>> -> memref<1000000x16xf32, #tpu.memory_space<hbm>>
      tpu.wait_indirect_dma semaphore(%arg14 : memref<!tpu.dma_semaphore, #tpu.memory_space<semaphore_mem>>) src(%dma_wait3A_1161 : memref<1000000x16xf32, #tpu.memory_space<hbm>>) dst(%dma_wait3A_1156 : memref<128x16xf32, #tpu.memory_space<vmem>>)
      %add3A_1162 = arith.constant 1 : i32
      %add3A_1163 = arith.addi %mul3A_259, %add3A_1162 : i32
      %mul3A_1164 = arith.constant 512 : i32
      %mul3A_1165 = arith.muli %add3A, %mul3A_1164 : i32
      %mul3A_1166 = arith.constant 16 : i32
      %mul3A_1167 = arith.muli %add3A_1163, %mul3A_1166 : i32
      %add3A_1168 = arith.addi %mul3A_1165, %mul3A_1167 : i32
      %broadcast_in_dim3A_1169 = arith.constant 0.000000e+00 : f32
      %broadcast_in_dim3A_1170 = vector.broadcast %broadcast_in_dim3A_1169 : f32 to vector<16xf32>
      %scan3A_1171 = arith.constant 0 : i32
      %scan3A_1172 = arith.constant 25 : i32
      %scan3A_1173 = arith.addi %scan3A_1171, %scan3A_1172 : i32
      %scan3A_1174 = arith.constant 1 : i32
      %scan3A_1175 = scf.for %scan3A_1459 = %scan3A_1171 to %scan3A_1173 step %scan3A_1174 iter_args(%scan3A_1460 = %broadcast_in_dim3A_1170) -> (vector<16xf32>)  : i32 {
        %mul3A_1461 = arith.constant 8 : i32
        %mul3A_1462 = arith.muli %scan3A_1459, %mul3A_1461 : i32
        %add3A_1463 = arith.constant 0 : i32
        %add3A_1464 = arith.addi %add3A_1463, %mul3A_1462 : i32
        %add3A_1465 = vector.broadcast %add3A_1464 : i32 to vector<16xi32>
        %add3A_1466 = arith.addi %add3A_1465, %select_n3A : vector<16xi32>
        %gather3A_1467 = tpu.vector_load_idx %arg9[%add3A_1466, %select_n3A_43] : memref<3200x16xf32, #tpu.memory_space<vmem>>[vector<16xi32>, vector<16xi32>], vector<16xf32>,
        %add3A_1468 = arith.constant 4 : i32
        %add3A_1469 = vector.broadcast %add3A_1468 : i32 to vector<16xi32>
        %add3A_1470 = arith.addi %add3A_1466, %add3A_1469 : vector<16xi32>
        %gather3A_1471 = tpu.vector_load_idx %arg9[%add3A_1470, %select_n3A_43] : memref<3200x16xf32, #tpu.memory_space<vmem>>[vector<16xi32>, vector<16xi32>], vector<16xf32>,
        %add3A_1472 = arith.addf %scan3A_1460, %gather3A_1467 : vector<16xf32>
        %add3A_1473 = arith.addf %add3A_1472, %gather3A_1471 : vector<16xf32>
        scf.yield %add3A_1473 : vector<16xf32>
      }
      %scan3A_1176 = arith.constant 25 : i32
      %swap3A_1177 = arith.constant 0 : i32
      %swap3A_1178 = arith.index_cast %swap3A_1177 : i32 to index
      %swap3A_1179 = arith.constant 0 : index
      %swap3A_1180 = tpu.vector_load %arg10[%swap3A_1178, %swap3A_1179] {strides = array<i32>} : memref<16x16xf32, #tpu.memory_space<vmem>>, vector<16xf32>,
      tpu.vector_store %arg10[%swap3A_1178, %swap3A_1179], %scan3A_1175 {strides = array<i32>} : memref<16x16xf32, #tpu.memory_space<vmem>>, vector<16xf32>,
      %broadcast_in_dim3A_1181 = arith.constant 0.000000e+00 : f32
      %broadcast_in_dim3A_1182 = vector.broadcast %broadcast_in_dim3A_1181 : f32 to vector<16xf32>
      %scan3A_1183 = arith.constant 0 : i32
      %scan3A_1184 = arith.constant 25 : i32
      %scan3A_1185 = arith.addi %scan3A_1183, %scan3A_1184 : i32
      %scan3A_1186 = arith.constant 1 : i32
      %scan3A_1187 = scf.for %scan3A_1459 = %scan3A_1183 to %scan3A_1185 step %scan3A_1186 iter_args(%scan3A_1460 = %broadcast_in_dim3A_1182) -> (vector<16xf32>)  : i32 {
        %mul3A_1461 = arith.constant 8 : i32
        %mul3A_1462 = arith.muli %scan3A_1459, %mul3A_1461 : i32
        %add3A_1463 = arith.constant 200 : i32
        %add3A_1464 = arith.addi %add3A_1463, %mul3A_1462 : i32
        %add3A_1465 = vector.broadcast %add3A_1464 : i32 to vector<16xi32>
        %add3A_1466 = arith.addi %add3A_1465, %select_n3A : vector<16xi32>
        %gather3A_1467 = tpu.vector_load_idx %arg9[%add3A_1466, %select_n3A_43] : memref<3200x16xf32, #tpu.memory_space<vmem>>[vector<16xi32>, vector<16xi32>], vector<16xf32>,
        %add3A_1468 = arith.constant 4 : i32
        %add3A_1469 = vector.broadcast %add3A_1468 : i32 to vector<16xi32>
        %add3A_1470 = arith.addi %add3A_1466, %add3A_1469 : vector<16xi32>
        %gather3A_1471 = tpu.vector_load_idx %arg9[%add3A_1470, %select_n3A_43] : memref<3200x16xf32, #tpu.memory_space<vmem>>[vector<16xi32>, vector<16xi32>], vector<16xf32>,
        %add3A_1472 = arith.addf %scan3A_1460, %gather3A_1467 : vector<16xf32>
        %add3A_1473 = arith.addf %add3A_1472, %gather3A_1471 : vector<16xf32>
        scf.yield %add3A_1473 : vector<16xf32>
      }
      %scan3A_1188 = arith.constant 25 : i32
      %swap3A_1189 = arith.constant 1 : i32
      %swap3A_1190 = arith.index_cast %swap3A_1189 : i32 to index
      %swap3A_1191 = arith.constant 0 : index
      %swap3A_1192 = tpu.vector_load %arg10[%swap3A_1190, %swap3A_1191] {strides = array<i32>} : memref<16x16xf32, #tpu.memory_space<vmem>>, vector<16xf32>,
      tpu.vector_store %arg10[%swap3A_1190, %swap3A_1191], %scan3A_1187 {strides = array<i32>} : memref<16x16xf32, #tpu.memory_space<vmem>>, vector<16xf32>,
      %broadcast_in_dim3A_1193 = arith.constant 0.000000e+00 : f32
      %broadcast_in_dim3A_1194 = vector.broadcast %broadcast_in_dim3A_1193 : f32 to vector<16xf32>
      %scan3A_1195 = arith.constant 0 : i32
      %scan3A_1196 = arith.constant 25 : i32
      %scan3A_1197 = arith.addi %scan3A_1195, %scan3A_1196 : i32
      %scan3A_1198 = arith.constant 1 : i32
      %scan3A_1199 = scf.for %scan3A_1459 = %scan3A_1195 to %scan3A_1197 step %scan3A_1198 iter_args(%scan3A_1460 = %broadcast_in_dim3A_1194) -> (vector<16xf32>)  : i32 {
        %mul3A_1461 = arith.constant 8 : i32
        %mul3A_1462 = arith.muli %scan3A_1459, %mul3A_1461 : i32
        %add3A_1463 = arith.constant 400 : i32
        %add3A_1464 = arith.addi %add3A_1463, %mul3A_1462 : i32
        %add3A_1465 = vector.broadcast %add3A_1464 : i32 to vector<16xi32>
        %add3A_1466 = arith.addi %add3A_1465, %select_n3A : vector<16xi32>
        %gather3A_1467 = tpu.vector_load_idx %arg9[%add3A_1466, %select_n3A_43] : memref<3200x16xf32, #tpu.memory_space<vmem>>[vector<16xi32>, vector<16xi32>], vector<16xf32>,
        %add3A_1468 = arith.constant 4 : i32
        %add3A_1469 = vector.broadcast %add3A_1468 : i32 to vector<16xi32>
        %add3A_1470 = arith.addi %add3A_1466, %add3A_1469 : vector<16xi32>
        %gather3A_1471 = tpu.vector_load_idx %arg9[%add3A_1470, %select_n3A_43] : memref<3200x16xf32, #tpu.memory_space<vmem>>[vector<16xi32>, vector<16xi32>], vector<16xf32>,
        %add3A_1472 = arith.addf %scan3A_1460, %gather3A_1467 : vector<16xf32>
        %add3A_1473 = arith.addf %add3A_1472, %gather3A_1471 : vector<16xf32>
        scf.yield %add3A_1473 : vector<16xf32>
      }
      %scan3A_1200 = arith.constant 25 : i32
      %swap3A_1201 = arith.constant 2 : i32
      %swap3A_1202 = arith.index_cast %swap3A_1201 : i32 to index
      %swap3A_1203 = arith.constant 0 : index
      %swap3A_1204 = tpu.vector_load %arg10[%swap3A_1202, %swap3A_1203] {strides = array<i32>} : memref<16x16xf32, #tpu.memory_space<vmem>>, vector<16xf32>,
      tpu.vector_store %arg10[%swap3A_1202, %swap3A_1203], %scan3A_1199 {strides = array<i32>} : memref<16x16xf32, #tpu.memory_space<vmem>>, vector<16xf32>,
      %broadcast_in_dim3A_1205 = arith.constant 0.000000e+00 : f32
      %broadcast_in_dim3A_1206 = vector.broadcast %broadcast_in_dim3A_1205 : f32 to vector<16xf32>
      %scan3A_1207 = arith.constant 0 : i32
      %scan3A_1208 = arith.constant 25 : i32
      %scan3A_1209 = arith.addi %scan3A_1207, %scan3A_1208 : i32
      %scan3A_1210 = arith.constant 1 : i32
      %scan3A_1211 = scf.for %scan3A_1459 = %scan3A_1207 to %scan3A_1209 step %scan3A_1210 iter_args(%scan3A_1460 = %broadcast_in_dim3A_1206) -> (vector<16xf32>)  : i32 {
        %mul3A_1461 = arith.constant 8 : i32
        %mul3A_1462 = arith.muli %scan3A_1459, %mul3A_1461 : i32
        %add3A_1463 = arith.constant 600 : i32
        %add3A_1464 = arith.addi %add3A_1463, %mul3A_1462 : i32
        %add3A_1465 = vector.broadcast %add3A_1464 : i32 to vector<16xi32>
        %add3A_1466 = arith.addi %add3A_1465, %select_n3A : vector<16xi32>
        %gather3A_1467 = tpu.vector_load_idx %arg9[%add3A_1466, %select_n3A_43] : memref<3200x16xf32, #tpu.memory_space<vmem>>[vector<16xi32>, vector<16xi32>], vector<16xf32>,
        %add3A_1468 = arith.constant 4 : i32
        %add3A_1469 = vector.broadcast %add3A_1468 : i32 to vector<16xi32>
        %add3A_1470 = arith.addi %add3A_1466, %add3A_1469 : vector<16xi32>
        %gather3A_1471 = tpu.vector_load_idx %arg9[%add3A_1470, %select_n3A_43] : memref<3200x16xf32, #tpu.memory_space<vmem>>[vector<16xi32>, vector<16xi32>], vector<16xf32>,
        %add3A_1472 = arith.addf %scan3A_1460, %gather3A_1467 : vector<16xf32>
        %add3A_1473 = arith.addf %add3A_1472, %gather3A_1471 : vector<16xf32>
        scf.yield %add3A_1473 : vector<16xf32>
      }
      %scan3A_1212 = arith.constant 25 : i32
      %swap3A_1213 = arith.constant 3 : i32
      %swap3A_1214 = arith.index_cast %swap3A_1213 : i32 to index
      %swap3A_1215 = arith.constant 0 : index
      %swap3A_1216 = tpu.vector_load %arg10[%swap3A_1214, %swap3A_1215] {strides = array<i32>} : memref<16x16xf32, #tpu.memory_space<vmem>>, vector<16xf32>,
      tpu.vector_store %arg10[%swap3A_1214, %swap3A_1215], %scan3A_1211 {strides = array<i32>} : memref<16x16xf32, #tpu.memory_space<vmem>>, vector<16xf32>,
      %broadcast_in_dim3A_1217 = arith.constant 0.000000e+00 : f32
      %broadcast_in_dim3A_1218 = vector.broadcast %broadcast_in_dim3A_1217 : f32 to vector<16xf32>
      %scan3A_1219 = arith.constant 0 : i32
      %scan3A_1220 = arith.constant 25 : i32
      %scan3A_1221 = arith.addi %scan3A_1219, %scan3A_1220 : i32
      %scan3A_1222 = arith.constant 1 : i32
      %scan3A_1223 = scf.for %scan3A_1459 = %scan3A_1219 to %scan3A_1221 step %scan3A_1222 iter_args(%scan3A_1460 = %broadcast_in_dim3A_1218) -> (vector<16xf32>)  : i32 {
        %mul3A_1461 = arith.constant 8 : i32
        %mul3A_1462 = arith.muli %scan3A_1459, %mul3A_1461 : i32
        %add3A_1463 = arith.constant 800 : i32
        %add3A_1464 = arith.addi %add3A_1463, %mul3A_1462 : i32
        %add3A_1465 = vector.broadcast %add3A_1464 : i32 to vector<16xi32>
        %add3A_1466 = arith.addi %add3A_1465, %select_n3A : vector<16xi32>
        %gather3A_1467 = tpu.vector_load_idx %arg9[%add3A_1466, %select_n3A_43] : memref<3200x16xf32, #tpu.memory_space<vmem>>[vector<16xi32>, vector<16xi32>], vector<16xf32>,
        %add3A_1468 = arith.constant 4 : i32
        %add3A_1469 = vector.broadcast %add3A_1468 : i32 to vector<16xi32>
        %add3A_1470 = arith.addi %add3A_1466, %add3A_1469 : vector<16xi32>
        %gather3A_1471 = tpu.vector_load_idx %arg9[%add3A_1470, %select_n3A_43] : memref<3200x16xf32, #tpu.memory_space<vmem>>[vector<16xi32>, vector<16xi32>], vector<16xf32>,
        %add3A_1472 = arith.addf %scan3A_1460, %gather3A_1467 : vector<16xf32>
        %add3A_1473 = arith.addf %add3A_1472, %gather3A_1471 : vector<16xf32>
        scf.yield %add3A_1473 : vector<16xf32>
      }
      %scan3A_1224 = arith.constant 25 : i32
      %swap3A_1225 = arith.constant 4 : i32
      %swap3A_1226 = arith.index_cast %swap3A_1225 : i32 to index
      %swap3A_1227 = arith.constant 0 : index
      %swap3A_1228 = tpu.vector_load %arg10[%swap3A_1226, %swap3A_1227] {strides = array<i32>} : memref<16x16xf32, #tpu.memory_space<vmem>>, vector<16xf32>,
      tpu.vector_store %arg10[%swap3A_1226, %swap3A_1227], %scan3A_1223 {strides = array<i32>} : memref<16x16xf32, #tpu.memory_space<vmem>>, vector<16xf32>,
      %broadcast_in_dim3A_1229 = arith.constant 0.000000e+00 : f32
      %broadcast_in_dim3A_1230 = vector.broadcast %broadcast_in_dim3A_1229 : f32 to vector<16xf32>
      %scan3A_1231 = arith.constant 0 : i32
      %scan3A_1232 = arith.constant 25 : i32
      %scan3A_1233 = arith.addi %scan3A_1231, %scan3A_1232 : i32
      %scan3A_1234 = arith.constant 1 : i32
      %scan3A_1235 = scf.for %scan3A_1459 = %scan3A_1231 to %scan3A_1233 step %scan3A_1234 iter_args(%scan3A_1460 = %broadcast_in_dim3A_1230) -> (vector<16xf32>)  : i32 {
        %mul3A_1461 = arith.constant 8 : i32
        %mul3A_1462 = arith.muli %scan3A_1459, %mul3A_1461 : i32
        %add3A_1463 = arith.constant 1000 : i32
        %add3A_1464 = arith.addi %add3A_1463, %mul3A_1462 : i32
        %add3A_1465 = vector.broadcast %add3A_1464 : i32 to vector<16xi32>
        %add3A_1466 = arith.addi %add3A_1465, %select_n3A : vector<16xi32>
        %gather3A_1467 = tpu.vector_load_idx %arg9[%add3A_1466, %select_n3A_43] : memref<3200x16xf32, #tpu.memory_space<vmem>>[vector<16xi32>, vector<16xi32>], vector<16xf32>,
        %add3A_1468 = arith.constant 4 : i32
        %add3A_1469 = vector.broadcast %add3A_1468 : i32 to vector<16xi32>
        %add3A_1470 = arith.addi %add3A_1466, %add3A_1469 : vector<16xi32>
        %gather3A_1471 = tpu.vector_load_idx %arg9[%add3A_1470, %select_n3A_43] : memref<3200x16xf32, #tpu.memory_space<vmem>>[vector<16xi32>, vector<16xi32>], vector<16xf32>,
        %add3A_1472 = arith.addf %scan3A_1460, %gather3A_1467 : vector<16xf32>
        %add3A_1473 = arith.addf %add3A_1472, %gather3A_1471 : vector<16xf32>
        scf.yield %add3A_1473 : vector<16xf32>
      }
      %scan3A_1236 = arith.constant 25 : i32
      %swap3A_1237 = arith.constant 5 : i32
      %swap3A_1238 = arith.index_cast %swap3A_1237 : i32 to index
      %swap3A_1239 = arith.constant 0 : index
      %swap3A_1240 = tpu.vector_load %arg10[%swap3A_1238, %swap3A_1239] {strides = array<i32>} : memref<16x16xf32, #tpu.memory_space<vmem>>, vector<16xf32>,
      tpu.vector_store %arg10[%swap3A_1238, %swap3A_1239], %scan3A_1235 {strides = array<i32>} : memref<16x16xf32, #tpu.memory_space<vmem>>, vector<16xf32>,
      %broadcast_in_dim3A_1241 = arith.constant 0.000000e+00 : f32
      %broadcast_in_dim3A_1242 = vector.broadcast %broadcast_in_dim3A_1241 : f32 to vector<16xf32>
      %scan3A_1243 = arith.constant 0 : i32
      %scan3A_1244 = arith.constant 25 : i32
      %scan3A_1245 = arith.addi %scan3A_1243, %scan3A_1244 : i32
      %scan3A_1246 = arith.constant 1 : i32
      %scan3A_1247 = scf.for %scan3A_1459 = %scan3A_1243 to %scan3A_1245 step %scan3A_1246 iter_args(%scan3A_1460 = %broadcast_in_dim3A_1242) -> (vector<16xf32>)  : i32 {
        %mul3A_1461 = arith.constant 8 : i32
        %mul3A_1462 = arith.muli %scan3A_1459, %mul3A_1461 : i32
        %add3A_1463 = arith.constant 1200 : i32
        %add3A_1464 = arith.addi %add3A_1463, %mul3A_1462 : i32
        %add3A_1465 = vector.broadcast %add3A_1464 : i32 to vector<16xi32>
        %add3A_1466 = arith.addi %add3A_1465, %select_n3A : vector<16xi32>
        %gather3A_1467 = tpu.vector_load_idx %arg9[%add3A_1466, %select_n3A_43] : memref<3200x16xf32, #tpu.memory_space<vmem>>[vector<16xi32>, vector<16xi32>], vector<16xf32>,
        %add3A_1468 = arith.constant 4 : i32
        %add3A_1469 = vector.broadcast %add3A_1468 : i32 to vector<16xi32>
        %add3A_1470 = arith.addi %add3A_1466, %add3A_1469 : vector<16xi32>
        %gather3A_1471 = tpu.vector_load_idx %arg9[%add3A_1470, %select_n3A_43] : memref<3200x16xf32, #tpu.memory_space<vmem>>[vector<16xi32>, vector<16xi32>], vector<16xf32>,
        %add3A_1472 = arith.addf %scan3A_1460, %gather3A_1467 : vector<16xf32>
        %add3A_1473 = arith.addf %add3A_1472, %gather3A_1471 : vector<16xf32>
        scf.yield %add3A_1473 : vector<16xf32>
      }
      %scan3A_1248 = arith.constant 25 : i32
      %swap3A_1249 = arith.constant 6 : i32
      %swap3A_1250 = arith.index_cast %swap3A_1249 : i32 to index
      %swap3A_1251 = arith.constant 0 : index
      %swap3A_1252 = tpu.vector_load %arg10[%swap3A_1250, %swap3A_1251] {strides = array<i32>} : memref<16x16xf32, #tpu.memory_space<vmem>>, vector<16xf32>,
      tpu.vector_store %arg10[%swap3A_1250, %swap3A_1251], %scan3A_1247 {strides = array<i32>} : memref<16x16xf32, #tpu.memory_space<vmem>>, vector<16xf32>,
      %broadcast_in_dim3A_1253 = arith.constant 0.000000e+00 : f32
      %broadcast_in_dim3A_1254 = vector.broadcast %broadcast_in_dim3A_1253 : f32 to vector<16xf32>
      %scan3A_1255 = arith.constant 0 : i32
      %scan3A_1256 = arith.constant 25 : i32
      %scan3A_1257 = arith.addi %scan3A_1255, %scan3A_1256 : i32
      %scan3A_1258 = arith.constant 1 : i32
      %scan3A_1259 = scf.for %scan3A_1459 = %scan3A_1255 to %scan3A_1257 step %scan3A_1258 iter_args(%scan3A_1460 = %broadcast_in_dim3A_1254) -> (vector<16xf32>)  : i32 {
        %mul3A_1461 = arith.constant 8 : i32
        %mul3A_1462 = arith.muli %scan3A_1459, %mul3A_1461 : i32
        %add3A_1463 = arith.constant 1400 : i32
        %add3A_1464 = arith.addi %add3A_1463, %mul3A_1462 : i32
        %add3A_1465 = vector.broadcast %add3A_1464 : i32 to vector<16xi32>
        %add3A_1466 = arith.addi %add3A_1465, %select_n3A : vector<16xi32>
        %gather3A_1467 = tpu.vector_load_idx %arg9[%add3A_1466, %select_n3A_43] : memref<3200x16xf32, #tpu.memory_space<vmem>>[vector<16xi32>, vector<16xi32>], vector<16xf32>,
        %add3A_1468 = arith.constant 4 : i32
        %add3A_1469 = vector.broadcast %add3A_1468 : i32 to vector<16xi32>
        %add3A_1470 = arith.addi %add3A_1466, %add3A_1469 : vector<16xi32>
        %gather3A_1471 = tpu.vector_load_idx %arg9[%add3A_1470, %select_n3A_43] : memref<3200x16xf32, #tpu.memory_space<vmem>>[vector<16xi32>, vector<16xi32>], vector<16xf32>,
        %add3A_1472 = arith.addf %scan3A_1460, %gather3A_1467 : vector<16xf32>
        %add3A_1473 = arith.addf %add3A_1472, %gather3A_1471 : vector<16xf32>
        scf.yield %add3A_1473 : vector<16xf32>
      }
      %scan3A_1260 = arith.constant 25 : i32
      %swap3A_1261 = arith.constant 7 : i32
      %swap3A_1262 = arith.index_cast %swap3A_1261 : i32 to index
      %swap3A_1263 = arith.constant 0 : index
      %swap3A_1264 = tpu.vector_load %arg10[%swap3A_1262, %swap3A_1263] {strides = array<i32>} : memref<16x16xf32, #tpu.memory_space<vmem>>, vector<16xf32>,
      tpu.vector_store %arg10[%swap3A_1262, %swap3A_1263], %scan3A_1259 {strides = array<i32>} : memref<16x16xf32, #tpu.memory_space<vmem>>, vector<16xf32>,
      %broadcast_in_dim3A_1265 = arith.constant 0.000000e+00 : f32
      %broadcast_in_dim3A_1266 = vector.broadcast %broadcast_in_dim3A_1265 : f32 to vector<16xf32>
      %scan3A_1267 = arith.constant 0 : i32
      %scan3A_1268 = arith.constant 25 : i32
      %scan3A_1269 = arith.addi %scan3A_1267, %scan3A_1268 : i32
      %scan3A_1270 = arith.constant 1 : i32
      %scan3A_1271 = scf.for %scan3A_1459 = %scan3A_1267 to %scan3A_1269 step %scan3A_1270 iter_args(%scan3A_1460 = %broadcast_in_dim3A_1266) -> (vector<16xf32>)  : i32 {
        %mul3A_1461 = arith.constant 8 : i32
        %mul3A_1462 = arith.muli %scan3A_1459, %mul3A_1461 : i32
        %add3A_1463 = arith.constant 1600 : i32
        %add3A_1464 = arith.addi %add3A_1463, %mul3A_1462 : i32
        %add3A_1465 = vector.broadcast %add3A_1464 : i32 to vector<16xi32>
        %add3A_1466 = arith.addi %add3A_1465, %select_n3A : vector<16xi32>
        %gather3A_1467 = tpu.vector_load_idx %arg9[%add3A_1466, %select_n3A_43] : memref<3200x16xf32, #tpu.memory_space<vmem>>[vector<16xi32>, vector<16xi32>], vector<16xf32>,
        %add3A_1468 = arith.constant 4 : i32
        %add3A_1469 = vector.broadcast %add3A_1468 : i32 to vector<16xi32>
        %add3A_1470 = arith.addi %add3A_1466, %add3A_1469 : vector<16xi32>
        %gather3A_1471 = tpu.vector_load_idx %arg9[%add3A_1470, %select_n3A_43] : memref<3200x16xf32, #tpu.memory_space<vmem>>[vector<16xi32>, vector<16xi32>], vector<16xf32>,
        %add3A_1472 = arith.addf %scan3A_1460, %gather3A_1467 : vector<16xf32>
        %add3A_1473 = arith.addf %add3A_1472, %gather3A_1471 : vector<16xf32>
        scf.yield %add3A_1473 : vector<16xf32>
      }
      %scan3A_1272 = arith.constant 25 : i32
      %swap3A_1273 = arith.constant 8 : i32
      %swap3A_1274 = arith.index_cast %swap3A_1273 : i32 to index
      %swap3A_1275 = arith.constant 0 : index
      %swap3A_1276 = tpu.vector_load %arg10[%swap3A_1274, %swap3A_1275] {strides = array<i32>} : memref<16x16xf32, #tpu.memory_space<vmem>>, vector<16xf32>,
      tpu.vector_store %arg10[%swap3A_1274, %swap3A_1275], %scan3A_1271 {strides = array<i32>} : memref<16x16xf32, #tpu.memory_space<vmem>>, vector<16xf32>,
      %broadcast_in_dim3A_1277 = arith.constant 0.000000e+00 : f32
      %broadcast_in_dim3A_1278 = vector.broadcast %broadcast_in_dim3A_1277 : f32 to vector<16xf32>
      %scan3A_1279 = arith.constant 0 : i32
      %scan3A_1280 = arith.constant 25 : i32
      %scan3A_1281 = arith.addi %scan3A_1279, %scan3A_1280 : i32
      %scan3A_1282 = arith.constant 1 : i32
      %scan3A_1283 = scf.for %scan3A_1459 = %scan3A_1279 to %scan3A_1281 step %scan3A_1282 iter_args(%scan3A_1460 = %broadcast_in_dim3A_1278) -> (vector<16xf32>)  : i32 {
        %mul3A_1461 = arith.constant 8 : i32
        %mul3A_1462 = arith.muli %scan3A_1459, %mul3A_1461 : i32
        %add3A_1463 = arith.constant 1800 : i32
        %add3A_1464 = arith.addi %add3A_1463, %mul3A_1462 : i32
        %add3A_1465 = vector.broadcast %add3A_1464 : i32 to vector<16xi32>
        %add3A_1466 = arith.addi %add3A_1465, %select_n3A : vector<16xi32>
        %gather3A_1467 = tpu.vector_load_idx %arg9[%add3A_1466, %select_n3A_43] : memref<3200x16xf32, #tpu.memory_space<vmem>>[vector<16xi32>, vector<16xi32>], vector<16xf32>,
        %add3A_1468 = arith.constant 4 : i32
        %add3A_1469 = vector.broadcast %add3A_1468 : i32 to vector<16xi32>
        %add3A_1470 = arith.addi %add3A_1466, %add3A_1469 : vector<16xi32>
        %gather3A_1471 = tpu.vector_load_idx %arg9[%add3A_1470, %select_n3A_43] : memref<3200x16xf32, #tpu.memory_space<vmem>>[vector<16xi32>, vector<16xi32>], vector<16xf32>,
        %add3A_1472 = arith.addf %scan3A_1460, %gather3A_1467 : vector<16xf32>
        %add3A_1473 = arith.addf %add3A_1472, %gather3A_1471 : vector<16xf32>
        scf.yield %add3A_1473 : vector<16xf32>
      }
      %scan3A_1284 = arith.constant 25 : i32
      %swap3A_1285 = arith.constant 9 : i32
      %swap3A_1286 = arith.index_cast %swap3A_1285 : i32 to index
      %swap3A_1287 = arith.constant 0 : index
      %swap3A_1288 = tpu.vector_load %arg10[%swap3A_1286, %swap3A_1287] {strides = array<i32>} : memref<16x16xf32, #tpu.memory_space<vmem>>, vector<16xf32>,
      tpu.vector_store %arg10[%swap3A_1286, %swap3A_1287], %scan3A_1283 {strides = array<i32>} : memref<16x16xf32, #tpu.memory_space<vmem>>, vector<16xf32>,
      %broadcast_in_dim3A_1289 = arith.constant 0.000000e+00 : f32
      %broadcast_in_dim3A_1290 = vector.broadcast %broadcast_in_dim3A_1289 : f32 to vector<16xf32>
      %scan3A_1291 = arith.constant 0 : i32
      %scan3A_1292 = arith.constant 25 : i32
      %scan3A_1293 = arith.addi %scan3A_1291, %scan3A_1292 : i32
      %scan3A_1294 = arith.constant 1 : i32
      %scan3A_1295 = scf.for %scan3A_1459 = %scan3A_1291 to %scan3A_1293 step %scan3A_1294 iter_args(%scan3A_1460 = %broadcast_in_dim3A_1290) -> (vector<16xf32>)  : i32 {
        %mul3A_1461 = arith.constant 8 : i32
        %mul3A_1462 = arith.muli %scan3A_1459, %mul3A_1461 : i32
        %add3A_1463 = arith.constant 2000 : i32
        %add3A_1464 = arith.addi %add3A_1463, %mul3A_1462 : i32
        %add3A_1465 = vector.broadcast %add3A_1464 : i32 to vector<16xi32>
        %add3A_1466 = arith.addi %add3A_1465, %select_n3A : vector<16xi32>
        %gather3A_1467 = tpu.vector_load_idx %arg9[%add3A_1466, %select_n3A_43] : memref<3200x16xf32, #tpu.memory_space<vmem>>[vector<16xi32>, vector<16xi32>], vector<16xf32>,
        %add3A_1468 = arith.constant 4 : i32
        %add3A_1469 = vector.broadcast %add3A_1468 : i32 to vector<16xi32>
        %add3A_1470 = arith.addi %add3A_1466, %add3A_1469 : vector<16xi32>
        %gather3A_1471 = tpu.vector_load_idx %arg9[%add3A_1470, %select_n3A_43] : memref<3200x16xf32, #tpu.memory_space<vmem>>[vector<16xi32>, vector<16xi32>], vector<16xf32>,
        %add3A_1472 = arith.addf %scan3A_1460, %gather3A_1467 : vector<16xf32>
        %add3A_1473 = arith.addf %add3A_1472, %gather3A_1471 : vector<16xf32>
        scf.yield %add3A_1473 : vector<16xf32>
      }
      %scan3A_1296 = arith.constant 25 : i32
      %swap3A_1297 = arith.constant 10 : i32
      %swap3A_1298 = arith.index_cast %swap3A_1297 : i32 to index
      %swap3A_1299 = arith.constant 0 : index
      %swap3A_1300 = tpu.vector_load %arg10[%swap3A_1298, %swap3A_1299] {strides = array<i32>} : memref<16x16xf32, #tpu.memory_space<vmem>>, vector<16xf32>,
      tpu.vector_store %arg10[%swap3A_1298, %swap3A_1299], %scan3A_1295 {strides = array<i32>} : memref<16x16xf32, #tpu.memory_space<vmem>>, vector<16xf32>,
      %broadcast_in_dim3A_1301 = arith.constant 0.000000e+00 : f32
      %broadcast_in_dim3A_1302 = vector.broadcast %broadcast_in_dim3A_1301 : f32 to vector<16xf32>
      %scan3A_1303 = arith.constant 0 : i32
      %scan3A_1304 = arith.constant 25 : i32
      %scan3A_1305 = arith.addi %scan3A_1303, %scan3A_1304 : i32
      %scan3A_1306 = arith.constant 1 : i32
      %scan3A_1307 = scf.for %scan3A_1459 = %scan3A_1303 to %scan3A_1305 step %scan3A_1306 iter_args(%scan3A_1460 = %broadcast_in_dim3A_1302) -> (vector<16xf32>)  : i32 {
        %mul3A_1461 = arith.constant 8 : i32
        %mul3A_1462 = arith.muli %scan3A_1459, %mul3A_1461 : i32
        %add3A_1463 = arith.constant 2200 : i32
        %add3A_1464 = arith.addi %add3A_1463, %mul3A_1462 : i32
        %add3A_1465 = vector.broadcast %add3A_1464 : i32 to vector<16xi32>
        %add3A_1466 = arith.addi %add3A_1465, %select_n3A : vector<16xi32>
        %gather3A_1467 = tpu.vector_load_idx %arg9[%add3A_1466, %select_n3A_43] : memref<3200x16xf32, #tpu.memory_space<vmem>>[vector<16xi32>, vector<16xi32>], vector<16xf32>,
        %add3A_1468 = arith.constant 4 : i32
        %add3A_1469 = vector.broadcast %add3A_1468 : i32 to vector<16xi32>
        %add3A_1470 = arith.addi %add3A_1466, %add3A_1469 : vector<16xi32>
        %gather3A_1471 = tpu.vector_load_idx %arg9[%add3A_1470, %select_n3A_43] : memref<3200x16xf32, #tpu.memory_space<vmem>>[vector<16xi32>, vector<16xi32>], vector<16xf32>,
        %add3A_1472 = arith.addf %scan3A_1460, %gather3A_1467 : vector<16xf32>
        %add3A_1473 = arith.addf %add3A_1472, %gather3A_1471 : vector<16xf32>
        scf.yield %add3A_1473 : vector<16xf32>
      }
      %scan3A_1308 = arith.constant 25 : i32
      %swap3A_1309 = arith.constant 11 : i32
      %swap3A_1310 = arith.index_cast %swap3A_1309 : i32 to index
      %swap3A_1311 = arith.constant 0 : index
      %swap3A_1312 = tpu.vector_load %arg10[%swap3A_1310, %swap3A_1311] {strides = array<i32>} : memref<16x16xf32, #tpu.memory_space<vmem>>, vector<16xf32>,
      tpu.vector_store %arg10[%swap3A_1310, %swap3A_1311], %scan3A_1307 {strides = array<i32>} : memref<16x16xf32, #tpu.memory_space<vmem>>, vector<16xf32>,
      %broadcast_in_dim3A_1313 = arith.constant 0.000000e+00 : f32
      %broadcast_in_dim3A_1314 = vector.broadcast %broadcast_in_dim3A_1313 : f32 to vector<16xf32>
      %scan3A_1315 = arith.constant 0 : i32
      %scan3A_1316 = arith.constant 25 : i32
      %scan3A_1317 = arith.addi %scan3A_1315, %scan3A_1316 : i32
      %scan3A_1318 = arith.constant 1 : i32
      %scan3A_1319 = scf.for %scan3A_1459 = %scan3A_1315 to %scan3A_1317 step %scan3A_1318 iter_args(%scan3A_1460 = %broadcast_in_dim3A_1314) -> (vector<16xf32>)  : i32 {
        %mul3A_1461 = arith.constant 8 : i32
        %mul3A_1462 = arith.muli %scan3A_1459, %mul3A_1461 : i32
        %add3A_1463 = arith.constant 2400 : i32
        %add3A_1464 = arith.addi %add3A_1463, %mul3A_1462 : i32
        %add3A_1465 = vector.broadcast %add3A_1464 : i32 to vector<16xi32>
        %add3A_1466 = arith.addi %add3A_1465, %select_n3A : vector<16xi32>
        %gather3A_1467 = tpu.vector_load_idx %arg9[%add3A_1466, %select_n3A_43] : memref<3200x16xf32, #tpu.memory_space<vmem>>[vector<16xi32>, vector<16xi32>], vector<16xf32>,
        %add3A_1468 = arith.constant 4 : i32
        %add3A_1469 = vector.broadcast %add3A_1468 : i32 to vector<16xi32>
        %add3A_1470 = arith.addi %add3A_1466, %add3A_1469 : vector<16xi32>
        %gather3A_1471 = tpu.vector_load_idx %arg9[%add3A_1470, %select_n3A_43] : memref<3200x16xf32, #tpu.memory_space<vmem>>[vector<16xi32>, vector<16xi32>], vector<16xf32>,
        %add3A_1472 = arith.addf %scan3A_1460, %gather3A_1467 : vector<16xf32>
        %add3A_1473 = arith.addf %add3A_1472, %gather3A_1471 : vector<16xf32>
        scf.yield %add3A_1473 : vector<16xf32>
      }
      %scan3A_1320 = arith.constant 25 : i32
      %swap3A_1321 = arith.constant 12 : i32
      %swap3A_1322 = arith.index_cast %swap3A_1321 : i32 to index
      %swap3A_1323 = arith.constant 0 : index
      %swap3A_1324 = tpu.vector_load %arg10[%swap3A_1322, %swap3A_1323] {strides = array<i32>} : memref<16x16xf32, #tpu.memory_space<vmem>>, vector<16xf32>,
      tpu.vector_store %arg10[%swap3A_1322, %swap3A_1323], %scan3A_1319 {strides = array<i32>} : memref<16x16xf32, #tpu.memory_space<vmem>>, vector<16xf32>,
      %broadcast_in_dim3A_1325 = arith.constant 0.000000e+00 : f32
      %broadcast_in_dim3A_1326 = vector.broadcast %broadcast_in_dim3A_1325 : f32 to vector<16xf32>
      %scan3A_1327 = arith.constant 0 : i32
      %scan3A_1328 = arith.constant 25 : i32
      %scan3A_1329 = arith.addi %scan3A_1327, %scan3A_1328 : i32
      %scan3A_1330 = arith.constant 1 : i32
      %scan3A_1331 = scf.for %scan3A_1459 = %scan3A_1327 to %scan3A_1329 step %scan3A_1330 iter_args(%scan3A_1460 = %broadcast_in_dim3A_1326) -> (vector<16xf32>)  : i32 {
        %mul3A_1461 = arith.constant 8 : i32
        %mul3A_1462 = arith.muli %scan3A_1459, %mul3A_1461 : i32
        %add3A_1463 = arith.constant 2600 : i32
        %add3A_1464 = arith.addi %add3A_1463, %mul3A_1462 : i32
        %add3A_1465 = vector.broadcast %add3A_1464 : i32 to vector<16xi32>
        %add3A_1466 = arith.addi %add3A_1465, %select_n3A : vector<16xi32>
        %gather3A_1467 = tpu.vector_load_idx %arg9[%add3A_1466, %select_n3A_43] : memref<3200x16xf32, #tpu.memory_space<vmem>>[vector<16xi32>, vector<16xi32>], vector<16xf32>,
        %add3A_1468 = arith.constant 4 : i32
        %add3A_1469 = vector.broadcast %add3A_1468 : i32 to vector<16xi32>
        %add3A_1470 = arith.addi %add3A_1466, %add3A_1469 : vector<16xi32>
        %gather3A_1471 = tpu.vector_load_idx %arg9[%add3A_1470, %select_n3A_43] : memref<3200x16xf32, #tpu.memory_space<vmem>>[vector<16xi32>, vector<16xi32>], vector<16xf32>,
        %add3A_1472 = arith.addf %scan3A_1460, %gather3A_1467 : vector<16xf32>
        %add3A_1473 = arith.addf %add3A_1472, %gather3A_1471 : vector<16xf32>
        scf.yield %add3A_1473 : vector<16xf32>
      }
      %scan3A_1332 = arith.constant 25 : i32
      %swap3A_1333 = arith.constant 13 : i32
      %swap3A_1334 = arith.index_cast %swap3A_1333 : i32 to index
      %swap3A_1335 = arith.constant 0 : index
      %swap3A_1336 = tpu.vector_load %arg10[%swap3A_1334, %swap3A_1335] {strides = array<i32>} : memref<16x16xf32, #tpu.memory_space<vmem>>, vector<16xf32>,
      tpu.vector_store %arg10[%swap3A_1334, %swap3A_1335], %scan3A_1331 {strides = array<i32>} : memref<16x16xf32, #tpu.memory_space<vmem>>, vector<16xf32>,
      %broadcast_in_dim3A_1337 = arith.constant 0.000000e+00 : f32
      %broadcast_in_dim3A_1338 = vector.broadcast %broadcast_in_dim3A_1337 : f32 to vector<16xf32>
      %scan3A_1339 = arith.constant 0 : i32
      %scan3A_1340 = arith.constant 25 : i32
      %scan3A_1341 = arith.addi %scan3A_1339, %scan3A_1340 : i32
      %scan3A_1342 = arith.constant 1 : i32
      %scan3A_1343 = scf.for %scan3A_1459 = %scan3A_1339 to %scan3A_1341 step %scan3A_1342 iter_args(%scan3A_1460 = %broadcast_in_dim3A_1338) -> (vector<16xf32>)  : i32 {
        %mul3A_1461 = arith.constant 8 : i32
        %mul3A_1462 = arith.muli %scan3A_1459, %mul3A_1461 : i32
        %add3A_1463 = arith.constant 2800 : i32
        %add3A_1464 = arith.addi %add3A_1463, %mul3A_1462 : i32
        %add3A_1465 = vector.broadcast %add3A_1464 : i32 to vector<16xi32>
        %add3A_1466 = arith.addi %add3A_1465, %select_n3A : vector<16xi32>
        %gather3A_1467 = tpu.vector_load_idx %arg9[%add3A_1466, %select_n3A_43] : memref<3200x16xf32, #tpu.memory_space<vmem>>[vector<16xi32>, vector<16xi32>], vector<16xf32>,
        %add3A_1468 = arith.constant 4 : i32
        %add3A_1469 = vector.broadcast %add3A_1468 : i32 to vector<16xi32>
        %add3A_1470 = arith.addi %add3A_1466, %add3A_1469 : vector<16xi32>
        %gather3A_1471 = tpu.vector_load_idx %arg9[%add3A_1470, %select_n3A_43] : memref<3200x16xf32, #tpu.memory_space<vmem>>[vector<16xi32>, vector<16xi32>], vector<16xf32>,
        %add3A_1472 = arith.addf %scan3A_1460, %gather3A_1467 : vector<16xf32>
        %add3A_1473 = arith.addf %add3A_1472, %gather3A_1471 : vector<16xf32>
        scf.yield %add3A_1473 : vector<16xf32>
      }
      %scan3A_1344 = arith.constant 25 : i32
      %swap3A_1345 = arith.constant 14 : i32
      %swap3A_1346 = arith.index_cast %swap3A_1345 : i32 to index
      %swap3A_1347 = arith.constant 0 : index
      %swap3A_1348 = tpu.vector_load %arg10[%swap3A_1346, %swap3A_1347] {strides = array<i32>} : memref<16x16xf32, #tpu.memory_space<vmem>>, vector<16xf32>,
      tpu.vector_store %arg10[%swap3A_1346, %swap3A_1347], %scan3A_1343 {strides = array<i32>} : memref<16x16xf32, #tpu.memory_space<vmem>>, vector<16xf32>,
      %broadcast_in_dim3A_1349 = arith.constant 0.000000e+00 : f32
      %broadcast_in_dim3A_1350 = vector.broadcast %broadcast_in_dim3A_1349 : f32 to vector<16xf32>
      %scan3A_1351 = arith.constant 0 : i32
      %scan3A_1352 = arith.constant 25 : i32
      %scan3A_1353 = arith.addi %scan3A_1351, %scan3A_1352 : i32
      %scan3A_1354 = arith.constant 1 : i32
      %scan3A_1355 = scf.for %scan3A_1459 = %scan3A_1351 to %scan3A_1353 step %scan3A_1354 iter_args(%scan3A_1460 = %broadcast_in_dim3A_1350) -> (vector<16xf32>)  : i32 {
        %mul3A_1461 = arith.constant 8 : i32
        %mul3A_1462 = arith.muli %scan3A_1459, %mul3A_1461 : i32
        %add3A_1463 = arith.constant 3000 : i32
        %add3A_1464 = arith.addi %add3A_1463, %mul3A_1462 : i32
        %add3A_1465 = vector.broadcast %add3A_1464 : i32 to vector<16xi32>
        %add3A_1466 = arith.addi %add3A_1465, %select_n3A : vector<16xi32>
        %gather3A_1467 = tpu.vector_load_idx %arg9[%add3A_1466, %select_n3A_43] : memref<3200x16xf32, #tpu.memory_space<vmem>>[vector<16xi32>, vector<16xi32>], vector<16xf32>,
        %add3A_1468 = arith.constant 4 : i32
        %add3A_1469 = vector.broadcast %add3A_1468 : i32 to vector<16xi32>
        %add3A_1470 = arith.addi %add3A_1466, %add3A_1469 : vector<16xi32>
        %gather3A_1471 = tpu.vector_load_idx %arg9[%add3A_1470, %select_n3A_43] : memref<3200x16xf32, #tpu.memory_space<vmem>>[vector<16xi32>, vector<16xi32>], vector<16xf32>,
        %add3A_1472 = arith.addf %scan3A_1460, %gather3A_1467 : vector<16xf32>
        %add3A_1473 = arith.addf %add3A_1472, %gather3A_1471 : vector<16xf32>
        scf.yield %add3A_1473 : vector<16xf32>
      }
      %scan3A_1356 = arith.constant 25 : i32
      %swap3A_1357 = arith.constant 15 : i32
      %swap3A_1358 = arith.index_cast %swap3A_1357 : i32 to index
      %swap3A_1359 = arith.constant 0 : index
      %swap3A_1360 = tpu.vector_load %arg10[%swap3A_1358, %swap3A_1359] {strides = array<i32>} : memref<16x16xf32, #tpu.memory_space<vmem>>, vector<16xf32>,
      tpu.vector_store %arg10[%swap3A_1358, %swap3A_1359], %scan3A_1355 {strides = array<i32>} : memref<16x16xf32, #tpu.memory_space<vmem>>, vector<16xf32>,
      %add3A_1361 = arith.constant 0 : i32
      %add3A_1362 = vector.broadcast %add3A_1361 : i32 to vector<16xi32>
      %add3A_1363 = arith.addi %add3A_1362, %select_n3A : vector<16xi32>
      %gather3A_1364 = tpu.vector_load_idx %arg10[%add3A_1363, %select_n3A_43] : memref<16x16xf32, #tpu.memory_space<vmem>>[vector<16xi32>, vector<16xi32>], vector<16xf32>,
      %add3A_1365 = arith.constant 4 : i32
      %add3A_1366 = vector.broadcast %add3A_1365 : i32 to vector<16xi32>
      %add3A_1367 = arith.addi %select_n3A_43, %add3A_1366 : vector<16xi32>
      %gather3A_1368 = tpu.vector_load_idx %arg10[%add3A_1363, %add3A_1367] : memref<16x16xf32, #tpu.memory_space<vmem>>[vector<16xi32>, vector<16xi32>], vector<16xf32>,
      %add3A_1369 = arith.addf %gather3A_1364, %gather3A_1368 : vector<16xf32>
      %add3A_1370 = arith.constant 8 : i32
      %add3A_1371 = vector.broadcast %add3A_1370 : i32 to vector<16xi32>
      %add3A_1372 = arith.addi %select_n3A_43, %add3A_1371 : vector<16xi32>
      %gather3A_1373 = tpu.vector_load_idx %arg10[%add3A_1363, %add3A_1372] : memref<16x16xf32, #tpu.memory_space<vmem>>[vector<16xi32>, vector<16xi32>], vector<16xf32>,
      %add3A_1374 = arith.addf %add3A_1369, %gather3A_1373 : vector<16xf32>
      %add3A_1375 = arith.constant 12 : i32
      %add3A_1376 = vector.broadcast %add3A_1375 : i32 to vector<16xi32>
      %add3A_1377 = arith.addi %select_n3A_43, %add3A_1376 : vector<16xi32>
      %gather3A_1378 = tpu.vector_load_idx %arg10[%add3A_1363, %add3A_1377] : memref<16x16xf32, #tpu.memory_space<vmem>>[vector<16xi32>, vector<16xi32>], vector<16xf32>,
      %add3A_1379 = arith.addf %add3A_1374, %gather3A_1378 : vector<16xf32>
      %get3A_1380 = arith.constant 0 : index
      %get3A_1381 = tpu.vector_load %arg12[%get3A_1380] {strides = array<i32>} : memref<16xf32, #tpu.memory_space<vmem>>, vector<16xf32>,
      %add3A_1382 = arith.addf %add3A_1379, %get3A_1381 : vector<16xf32>
      %swap3A_1383 = arith.constant 0 : index
      %swap3A_1384 = tpu.vector_load %arg11[%swap3A_1383] {strides = array<i32>} : memref<64xf32, #tpu.memory_space<vmem>>, vector<16xf32>,
      tpu.vector_store %arg11[%swap3A_1383], %add3A_1382 {strides = array<i32>} : memref<64xf32, #tpu.memory_space<vmem>>, vector<16xf32>,
      %add3A_1385 = arith.constant 4 : i32
      %add3A_1386 = vector.broadcast %add3A_1385 : i32 to vector<16xi32>
      %add3A_1387 = arith.addi %add3A_1386, %select_n3A : vector<16xi32>
      %gather3A_1388 = tpu.vector_load_idx %arg10[%add3A_1387, %select_n3A_43] : memref<16x16xf32, #tpu.memory_space<vmem>>[vector<16xi32>, vector<16xi32>], vector<16xf32>,
      %add3A_1389 = arith.constant 4 : i32
      %add3A_1390 = vector.broadcast %add3A_1389 : i32 to vector<16xi32>
      %add3A_1391 = arith.addi %select_n3A_43, %add3A_1390 : vector<16xi32>
      %gather3A_1392 = tpu.vector_load_idx %arg10[%add3A_1387, %add3A_1391] : memref<16x16xf32, #tpu.memory_space<vmem>>[vector<16xi32>, vector<16xi32>], vector<16xf32>,
      %add3A_1393 = arith.addf %gather3A_1388, %gather3A_1392 : vector<16xf32>
      %add3A_1394 = arith.constant 8 : i32
      %add3A_1395 = vector.broadcast %add3A_1394 : i32 to vector<16xi32>
      %add3A_1396 = arith.addi %select_n3A_43, %add3A_1395 : vector<16xi32>
      %gather3A_1397 = tpu.vector_load_idx %arg10[%add3A_1387, %add3A_1396] : memref<16x16xf32, #tpu.memory_space<vmem>>[vector<16xi32>, vector<16xi32>], vector<16xf32>,
      %add3A_1398 = arith.addf %add3A_1393, %gather3A_1397 : vector<16xf32>
      %add3A_1399 = arith.constant 12 : i32
      %add3A_1400 = vector.broadcast %add3A_1399 : i32 to vector<16xi32>
      %add3A_1401 = arith.addi %select_n3A_43, %add3A_1400 : vector<16xi32>
      %gather3A_1402 = tpu.vector_load_idx %arg10[%add3A_1387, %add3A_1401] : memref<16x16xf32, #tpu.memory_space<vmem>>[vector<16xi32>, vector<16xi32>], vector<16xf32>,
      %add3A_1403 = arith.addf %add3A_1398, %gather3A_1402 : vector<16xf32>
      %get3A_1404 = arith.constant 0 : index
      %get3A_1405 = tpu.vector_load %arg12[%get3A_1404] {strides = array<i32>} : memref<16xf32, #tpu.memory_space<vmem>>, vector<16xf32>,
      %add3A_1406 = arith.addf %add3A_1403, %get3A_1405 : vector<16xf32>
      %swap3A_1407 = arith.constant 16 : index
      %swap3A_1408 = tpu.vector_load %arg11[%swap3A_1407] {strides = array<i32>} : memref<64xf32, #tpu.memory_space<vmem>>, vector<16xf32>,
      tpu.vector_store %arg11[%swap3A_1407], %add3A_1406 {strides = array<i32>} : memref<64xf32, #tpu.memory_space<vmem>>, vector<16xf32>,
      %add3A_1409 = arith.constant 8 : i32
      %add3A_1410 = vector.broadcast %add3A_1409 : i32 to vector<16xi32>
      %add3A_1411 = arith.addi %add3A_1410, %select_n3A : vector<16xi32>
      %gather3A_1412 = tpu.vector_load_idx %arg10[%add3A_1411, %select_n3A_43] : memref<16x16xf32, #tpu.memory_space<vmem>>[vector<16xi32>, vector<16xi32>], vector<16xf32>,
      %add3A_1413 = arith.constant 4 : i32
      %add3A_1414 = vector.broadcast %add3A_1413 : i32 to vector<16xi32>
      %add3A_1415 = arith.addi %select_n3A_43, %add3A_1414 : vector<16xi32>
      %gather3A_1416 = tpu.vector_load_idx %arg10[%add3A_1411, %add3A_1415] : memref<16x16xf32, #tpu.memory_space<vmem>>[vector<16xi32>, vector<16xi32>], vector<16xf32>,
      %add3A_1417 = arith.addf %gather3A_1412, %gather3A_1416 : vector<16xf32>
      %add3A_1418 = arith.constant 8 : i32
      %add3A_1419 = vector.broadcast %add3A_1418 : i32 to vector<16xi32>
      %add3A_1420 = arith.addi %select_n3A_43, %add3A_1419 : vector<16xi32>
      %gather3A_1421 = tpu.vector_load_idx %arg10[%add3A_1411, %add3A_1420] : memref<16x16xf32, #tpu.memory_space<vmem>>[vector<16xi32>, vector<16xi32>], vector<16xf32>,
      %add3A_1422 = arith.addf %add3A_1417, %gather3A_1421 : vector<16xf32>
      %add3A_1423 = arith.constant 12 : i32
      %add3A_1424 = vector.broadcast %add3A_1423 : i32 to vector<16xi32>
      %add3A_1425 = arith.addi %select_n3A_43, %add3A_1424 : vector<16xi32>
      %gather3A_1426 = tpu.vector_load_idx %arg10[%add3A_1411, %add3A_1425] : memref<16x16xf32, #tpu.memory_space<vmem>>[vector<16xi32>, vector<16xi32>], vector<16xf32>,
      %add3A_1427 = arith.addf %add3A_1422, %gather3A_1426 : vector<16xf32>
      %get3A_1428 = arith.constant 0 : index
      %get3A_1429 = tpu.vector_load %arg12[%get3A_1428] {strides = array<i32>} : memref<16xf32, #tpu.memory_space<vmem>>, vector<16xf32>,
      %add3A_1430 = arith.addf %add3A_1427, %get3A_1429 : vector<16xf32>
      %swap3A_1431 = arith.constant 32 : index
      %swap3A_1432 = tpu.vector_load %arg11[%swap3A_1431] {strides = array<i32>} : memref<64xf32, #tpu.memory_space<vmem>>, vector<16xf32>,
      tpu.vector_store %arg11[%swap3A_1431], %add3A_1430 {strides = array<i32>} : memref<64xf32, #tpu.memory_space<vmem>>, vector<16xf32>,
      %add3A_1433 = arith.constant 12 : i32
      %add3A_1434 = vector.broadcast %add3A_1433 : i32 to vector<16xi32>
      %add3A_1435 = arith.addi %add3A_1434, %select_n3A : vector<16xi32>
      %gather3A_1436 = tpu.vector_load_idx %arg10[%add3A_1435, %select_n3A_43] : memref<16x16xf32, #tpu.memory_space<vmem>>[vector<16xi32>, vector<16xi32>], vector<16xf32>,
      %add3A_1437 = arith.constant 4 : i32
      %add3A_1438 = vector.broadcast %add3A_1437 : i32 to vector<16xi32>
      %add3A_1439 = arith.addi %select_n3A_43, %add3A_1438 : vector<16xi32>
      %gather3A_1440 = tpu.vector_load_idx %arg10[%add3A_1435, %add3A_1439] : memref<16x16xf32, #tpu.memory_space<vmem>>[vector<16xi32>, vector<16xi32>], vector<16xf32>,
      %add3A_1441 = arith.addf %gather3A_1436, %gather3A_1440 : vector<16xf32>
      %add3A_1442 = arith.constant 8 : i32
      %add3A_1443 = vector.broadcast %add3A_1442 : i32 to vector<16xi32>
      %add3A_1444 = arith.addi %select_n3A_43, %add3A_1443 : vector<16xi32>
      %gather3A_1445 = tpu.vector_load_idx %arg10[%add3A_1435, %add3A_1444] : memref<16x16xf32, #tpu.memory_space<vmem>>[vector<16xi32>, vector<16xi32>], vector<16xf32>,
      %add3A_1446 = arith.addf %add3A_1441, %gather3A_1445 : vector<16xf32>
      %add3A_1447 = arith.constant 12 : i32
      %add3A_1448 = vector.broadcast %add3A_1447 : i32 to vector<16xi32>
      %add3A_1449 = arith.addi %select_n3A_43, %add3A_1448 : vector<16xi32>
      %gather3A_1450 = tpu.vector_load_idx %arg10[%add3A_1435, %add3A_1449] : memref<16x16xf32, #tpu.memory_space<vmem>>[vector<16xi32>, vector<16xi32>], vector<16xf32>,
      %add3A_1451 = arith.addf %add3A_1446, %gather3A_1450 : vector<16xf32>
      %get3A_1452 = arith.constant 0 : index
      %get3A_1453 = tpu.vector_load %arg12[%get3A_1452] {strides = array<i32>} : memref<16xf32, #tpu.memory_space<vmem>>, vector<16xf32>,
      %add3A_1454 = arith.addf %add3A_1451, %get3A_1453 : vector<16xf32>
      %swap3A_1455 = arith.constant 48 : index
      %swap3A_1456 = tpu.vector_load %arg11[%swap3A_1455] {strides = array<i32>} : memref<64xf32, #tpu.memory_space<vmem>>, vector<16xf32>,
      tpu.vector_store %arg11[%swap3A_1455], %add3A_1454 {strides = array<i32>} : memref<64xf32, #tpu.memory_space<vmem>>, vector<16xf32>,
      %mul3A_1457 = arith.constant 4 : i32
      %mul3A_1458 = arith.muli %add3A_1168, %mul3A_1457 : i32
      "tpu.region"() ({
        %run_scoped3A = tpu.sem_alloc : memref<!tpu.dma_semaphore, #tpu.memory_space<semaphore_mem>>
        %dma_start3A_1459 = tpu.memref_slice %arg5[%mul3A_1458] : memref<65536xf32, #tpu.memory_space<hbm>> -> memref<64xf32, #tpu.memory_space<hbm>>
        %dma_start3A_1460 = tpu.memref_slice %arg5[%mul3A_1458] : memref<65536xf32, #tpu.memory_space<hbm>> -> memref<64xf32, #tpu.memory_space<hbm>>
        tpu.enqueue_dma source(%arg11 : memref<64xf32, #tpu.memory_space<vmem>>) target(%dma_start3A_1460 : memref<64xf32, #tpu.memory_space<hbm>>) target_semaphore(%run_scoped3A : memref<!tpu.dma_semaphore, #tpu.memory_space<semaphore_mem>>)
        %dma_wait3A_1461 = tpu.memref_slice %arg5[%mul3A_1458] : memref<65536xf32, #tpu.memory_space<hbm>> -> memref<64xf32, #tpu.memory_space<hbm>>
        %dma_wait3A_1462 = tpu.memref_slice %arg5[%mul3A_1458] : memref<65536xf32, #tpu.memory_space<hbm>> -> memref<64xf32, #tpu.memory_space<hbm>>
        tpu.wait_dma2 semaphore(%run_scoped3A : memref<!tpu.dma_semaphore, #tpu.memory_space<semaphore_mem>>) src(%arg11 : memref<64xf32, #tpu.memory_space<vmem>>) dst(%dma_wait3A_1462 : memref<64xf32, #tpu.memory_space<hbm>>)
        tpu.yield
      }) : () -> ()
    }
    %scan3A_252 = arith.constant 16 : i32
    return
  }
}

module attributes {stable_mosaic.version = 14 : i64} {
  func.func @body(%arg0: i32, %arg1: memref<1280000xf32, #tpu.memory_space<vmem>>, %arg2: memref<256x128xf32, #tpu.memory_space<vmem>>, %arg3: memref<5000x128xf32, #tpu.memory_space<vmem>>) attributes {dimension_semantics = [#tpu.dimension_semantics<arbitrary>], iteration_bounds = array<i64: 25>, scalar_prefetch = 0 : i64, scratch_operands = 0 : i64, tpu.core_type = #tpu.core_type<tc>, window_params = [{transform_indices = @transform_0, window_bounds = array<i64: 1280000>}, {pipeline_mode = #tpu.pipeline_mode<synchronous>, transform_indices = @transform_1, window_bounds = array<i64: 256, 128>}, {transform_indices = @transform_2, window_bounds = array<i64: 5000, 128>}]} {
    %get3A = arith.constant 0 : index
    %get3A_0 = vector.load %arg1[%get3A] : memref<1280000xf32, #tpu.memory_space<vmem>>, vector<1280000xf32>
    %reshape3A = vector.shape_cast %get3A_0 : vector<1280000xf32> to vector<5000x256xf32>
    %get3A_1 = arith.constant 0 : index
    %get3A_2 = arith.constant 0 : index
    %get3A_3 = vector.load %arg2[%get3A_1, %get3A_2] : memref<256x128xf32, #tpu.memory_space<vmem>>, vector<256x128xf32>
    %dot_general3A = arith.constant dense<0.000000e+00> : vector<5000x128xf32>
    %dot_general3A_4 = tpu.matmul %reshape3A, %get3A_3, %dot_general3A {dimension_numbers = #tpu.dot_dimension_numbers<[1], [0], [0], [1], [0, 0, 1, 1], [], []>, transpose_lhs_hint = false} : vector<5000x256xf32>, vector<256x128xf32>, vector<5000x128xf32> -> vector<5000x128xf32>
    %swap3A = arith.constant 0 : index
    %swap3A_5 = arith.constant 0 : index
    %swap3A_6 = vector.load %arg3[%swap3A, %swap3A_5] : memref<5000x128xf32, #tpu.memory_space<vmem>>, vector<5000x128xf32>
    tpu.vector_store %arg3[%swap3A, %swap3A_5], %dot_general3A_4 {strides = array<i32>} : memref<5000x128xf32, #tpu.memory_space<vmem>>, vector<5000x128xf32>,
    return
  }
  func.func @transform_0(%arg0: i32) -> i32 {
    %c0_i32 = arith.constant 0 : i32
    return %arg0 : i32
  }
  func.func @transform_1(%arg0: i32) -> (i32, i32) {
    %c0_i32 = arith.constant 0 : i32
    %c0_i32_0 = arith.constant 0 : i32
    %c0_i32_1 = arith.constant 0 : i32
    return %c0_i32, %c0_i32_0 : i32, i32
  }
  func.func @transform_2(%arg0: i32) -> (i32, i32) {
    %c0_i32 = arith.constant 0 : i32
    %c0_i32_0 = arith.constant 0 : i32
    return %arg0, %c0_i32 : i32, i32
  }
}

</mosaic_0001>

<sc_bundles>
// kernel: kernel.4.cloned.1.call-start
scs
__scs_entry_jumppad:
0x0: {  	(pc) =	sbr.rel $0x88, $3  }
0x1: {  	(tag) =	ssettag $0x0;
	lr =	simm.s32 $0x1  }
0x2: {  	[smem:$0x3F9D] =	sst lr;
	_ =	strace $0xD0000000  }
0x3: {  	_ = 	snop  }
0x4: {  	_ = 	snop  }
0x5: {  	_ = 	snop  }
0x6: {  	_ = 	snop  }
0x7: {  	_ = 	snop  }
__scs_overlays_trampoline_lowered:
0x8: {  	[smem:$0x3FAC] =	sst s0  }
0x9: {  	[smem:$0x3FAD] =	sst s1  }
0xa: {  	[smem:$0x3FAE] =	sst s2  }
0xb: {  	[smem:$0x3FAF] =	sst s3  }
0xc: {  	[smem:$0x3FB0] =	sst s4  }
0xd: {  	[smem:$0x3FB1] =	sst s5  }
0xe: {  	[smem:$0x3FB2] =	sst s6  }
0xf: {  	[smem:$0x3FB3] =	sst s7  }
0x10: {  	[smem:$0x3FB4] =	sst s8  }
0x11: {  	[smem:$0x3FB5] =	sst s9;
	s0 =	simm.s32 @!p0 $0x0  }
0x12: {  	s1 =	sld [smem:$0x3F9B];
	s0 =	simm.s32 @p0 $0x1  }
0x13: {  	[smem:$0x3FB6] =	sst s0;
	s0 =	simm.s32 @!p1 $0x0  }
0x14: {  	s2 =	sld [smem:$0x3F9A];
	s0 =	simm.s32 @p1 $0x1  }
0x15: {  	[smem:$0x3FB7] =	sst s0;
	s0 =	simm.s32 @!p2 $0x0  }
0x16: {  	s3 =	sld [smem:$0x3FDB];
	s0 =	simm.s32 @p2 $0x1  }
0x17: {  	s4 =	simm.s32 $0x1BF5;
	[smem:$0x3FB9] =	sst s0  }
0x18: {  	s0 =	sld [smem:$0x3F9C];
	_ =	swait.ge [sflag:s4], $0x0  }
0x19: {  	s7 =	sld [smem:$0x3F9D]  }
0x1a: {  	s8 =	sadd.s32 $0xFFFFE003, lr  }
0x1b: {  	s9 =	sadd.s32 $0xFFFFFEF7, lr;
	s5 =	simm.s32 $0xFFFFFFFF;
	p2 =	slt.u32 s8, $0xFFFFF086  }
0x1c: {  	p1 =	slt.u32 s9, $0xF7A;
	s5 =	simm.s32 @!p2 $0x0  }
0x1d: {  	s5 =	simm.s32 @p1 $0x1;
	p0 =	seq.s32 s7, s2  }
0x1e: {  	s7 =	smul.u32 @!p0 $0xF7A, s2;
	p2 =	seq.s32 @!p0 s5, $0x0  }
0x1f: {  	s9 =	smul.u32 $0xF7A, s1;
	s8 =	simm.s32 @!p0 $0x1BF5;
	p2 =	por !p2, p0  }
0x20: {  	[sflag:s8] =	ssyncset.s32 @!p0 $0xFFFFF086;
	s6 =	sadd.s32 @!p0 s3, s7;
	s7 =	simm.s32 @!p0 $0x108  }
0x21: {  	s3 =	sadd.s32 s3, s9;
	s6 =	sadd.s32 @!p0 $0x88, s6;
	s7 =	simm.s32 @p2 $0x1082  }
0x22: {  	[simem:s7], [sflag:s8] =	dma.local @!p0 [hbm:s6], $0xF7A  }
0x23: {  	s9 =	sor.u32 $0xD0000000, s2;
	s6 =	simm.s32 $0x108;
	_ =	swait.ge @!p0 [sflag:s8], $0x0  }
0x24: {  	s3 =	sadd.s32 $0x88, s3;
	s6 =	simm.s32 @!p1 $0x1082;
	[sflag:s4] =	ssyncset.s32 $0xFFFFF086  }
0x25: {  	[simem:s6], [sflag:s4] =	dma.local [hbm:s3], $0xF7A  }
0x26: {  	[smem:$0x3F9D] =	sst s1;
	(tag) =	ssettag s2;
	_ =	strace s9  }
0x27: {  	s1 =	sld [smem:$0x3FAD]  }
0x28: {  	s2 =	sld [smem:$0x3FAE]  }
0x29: {  	s4 =	sld [smem:$0x3FB0]  }
0x2a: {  	p0 =	seq.s32 s5, $0x0;
	s5 =	sld [smem:$0x3FB1]  }
0x2b: {  	s6 =	sld [smem:$0x3FB2]  }
0x2c: {  	s7 =	sld [smem:$0x3FB3]  }
0x2d: {  	s3 =	simm.s32 $0x108;
	s8 =	sld [smem:$0x3FB4]  }
0x2e: {  	s3 =	simm.s32 @!p0 $0x1082;
	s9 =	sld [smem:$0x3FB5]  }
0x2f: {  	lr =	sadd.s32 s0, s3;
	s0 =	sld [smem:$0x3FAC]  }
0x30: {  	s3 =	sld [smem:$0x3FAF]  }
0x31: {  	[smem:$0x3FB8] =	sst s10  }
0x32: {  	s10 =	sld [smem:$0x3FB6];
	_ =	sdelay $0x3  }
0x33: {  	p0 =	seq.s32 s10, $0x1;
	s10 =	sld [smem:$0x3FB8];
	_ =	sdelay $0x3  }
0x34: {  	[smem:$0x3FB8] =	sst s10  }
0x35: {  	s10 =	sld [smem:$0x3FB7];
	_ =	sdelay $0x3  }
0x36: {  	p1 =	seq.s32 s10, $0x1;
	s10 =	sld [smem:$0x3FB8];
	_ =	sdelay $0x3  }
0x37: {  	[smem:$0x3FB8] =	sst s10  }
0x38: {  	s10 =	sld [smem:$0x3FB9]  }
0x39: {  	_ = 	snop;
	(pc) =	sbr.ind lr, $3  }
0x3a: {  	_ = 	snop  }
0x3b: {  	_ = 	snop  }
0x3c: {  	p2 =	seq.s32 s10, $0x1;
	s10 =	sld [smem:$0x3FB8]  }
0x3d: {  	_ =	shalt  }
0x3e: {  	_ =	shalt  }
0x3f: {  	_ =	shalt  }
0x40: {  	_ =	shalt  }
0x41: {  	_ =	shalt  }
0x42: {  	_ =	shalt  }
0x43: {  	_ =	shalt  }
0x44: {  	_ =	shalt  }
0x45: {  	_ =	shalt  }
0x46: {  	_ =	shalt  }
0x47: {  	_ =	shalt  }
0x48: {  	_ =	shalt  }
0x49: {  	_ =	shalt  }
0x4a: {  	_ =	shalt  }
0x4b: {  	_ =	shalt  }
0x4c: {  	_ =	shalt  }
0x4d: {  	_ =	shalt  }
0x4e: {  	_ =	shalt  }
0x4f: {  	_ =	shalt  }
0x50: {  	_ =	shalt  }
0x51: {  	_ =	shalt  }
0x52: {  	_ =	shalt  }
0x53: {  	_ =	shalt  }
0x54: {  	_ =	shalt  }
0x55: {  	_ =	shalt  }
0x56: {  	_ =	shalt  }
0x57: {  	_ =	shalt  }
0x58: {  	_ =	shalt  }
0x59: {  	_ =	shalt  }
0x5a: {  	_ =	shalt  }
0x5b: {  	_ =	shalt  }
0x5c: {  	_ =	shalt  }
0x5d: {  	_ =	shalt  }
0x5e: {  	_ =	shalt  }
0x5f: {  	_ =	shalt  }
0x60: {  	_ =	shalt  }
0x61: {  	_ =	shalt  }
0x62: {  	_ =	shalt  }
0x63: {  	_ =	shalt  }
0x64: {  	_ =	shalt  }
0x65: {  	_ =	shalt  }
0x66: {  	_ =	shalt  }
0x67: {  	_ =	shalt  }
0x68: {  	_ =	shalt  }
0x69: {  	_ =	shalt  }
0x6a: {  	_ =	shalt  }
0x6b: {  	_ =	shalt  }
0x6c: {  	_ =	shalt  }
0x6d: {  	_ =	shalt  }
0x6e: {  	_ =	shalt  }
0x6f: {  	_ =	shalt  }
0x70: {  	_ =	shalt  }
0x71: {  	_ =	shalt  }
0x72: {  	_ =	shalt  }
0x73: {  	_ =	shalt  }
0x74: {  	_ =	shalt  }
0x75: {  	_ =	shalt  }
0x76: {  	_ =	shalt  }
0x77: {  	_ =	shalt  }
0x78: {  	_ =	shalt  }
0x79: {  	_ =	shalt  }
0x7a: {  	_ =	shalt  }
0x7b: {  	_ =	shalt  }
0x7c: {  	_ =	shalt  }
0x7d: {  	_ =	shalt  }
0x7e: {  	_ =	shalt  }
0x7f: {  	_ =	shalt  }
0x80: {  	_ =	shalt  }
0x81: {  	_ =	shalt  }
0x82: {  	_ =	shalt  }
0x83: {  	_ =	shalt  }
0x84: {  	_ =	shalt  }
0x85: {  	_ =	shalt  }
0x86: {  	_ =	shalt  }
0x87: {  	_ =	shalt  }
.Lfunc_end0:
.L_simem_size_0:
called_computation_lowered:
.L_overlay_start_0:
0x88: {  	s2 =	sld [smem:$0x3FD9]  }
0x89: {  	s3 =	sld [smem:$0x3FFE];
	_ =	sdelay $0x1  }
0x8a: {  	s1 =	srdreg.scid  }
0x8b: {  	s0 =	sand.u32 $0x1, s1  }
0x8c: {  	s17 =	sshll.u32 s0, $0xA;
	s2 =	sadd.s32 s3, s2  }
0x8d: {  	s2 =	sadd.s32 s2, s17  }
0x8e: {  	[smem:$0x3FC4] =	sst s2  }
0x8f: {  	_ = 	snop  }
0x90: {  	s2 =	sld [smem:$0x3FD0];
	(tm) =	ssettm $0x1  }
0x91: {  	s18 =	sld [smem:$0x3FFB];
	_ =	sdelay $0x3  }
0x92: {  	_ =	strace s18  }
0x93: {  	s3 =	sld [smem:$0x3FFC];
	_ =	sdelay $0x3  }
0x94: {  	_ =	strace s3  }
0x95: {  	s3 =	sld [smem:$0x3FFD];
	_ =	sdelay $0x3  }
0x96: {  	_ =	strace s3  }
0x97: {  	_ =	strace $0x8FFFFFFF  }
0x98: {  	s19 =	sld [smem:$0x3FDB];
	_ =	sdelay $0x1  }
0x99: {  	s4 =	simm.s32 $_scs_section_size  }
0x9a: {  	s5 =	simm.s32 $_size__tile_overlayer_lowered;
	s6 =	simm.s32 $_tile_overlayer_lowered  }
0x9b: {  	s22 =	simm.s32 $0x1BFF;
	s21 =	sshll.u32 s6, $0x1;
	s3 =	sadd.s32 s4, s19  }
0x9c: {  	s7 =	simm.s32 $0x0;
	s20 =	sshll.u32 s5, $0x1;
	s5 =	sadd.s32 s21, s3  }
0x9d: {  	[timem:s7], [sflag:s22] =	dma.local [hbm:s5], s20  }
0x9e: {  	_ =	swait.ge [sflag:s22], s20  }
0x9f: {  	s4 =	ssub.s32 $0x0, s20;
	[sflag:s22] =	ssyncset.done $0x0  }
0xa0: {  	[sflag:s22] =	ssyncadd.s32 s4;
	_ =	sdelay $0x1  }
0xa1: {  	s23 =	simm.s32 $0x1B8B  }
0xa2: {  	_ =	swait.ge [sflag:s23], $0x1  }
0xa3: {  	[sflag:s23] =	ssyncset.done $0x0  }
0xa4: {  	s25 =	simm.s32 $0x1B8E;
	s24 =	sld [smem:$0x3FFE];
	[sflag:s23] =	ssyncadd.s32 $0xFFFFFFFF  }
0xa5: {  	s26 =	simm.s32 $execute0_lowered;
	[smem:$0x3FD2] =	sst s25  }
0xa6: {  	s5 =	sshll.u32 s26, $0x1;
	_ =	strace $0x80000046;
	[dreg:$0x1] =	wrdreg $0xFFFFFFFF  }
0xa7: {  	s28 =	simm.s32 $_size_execute0_lowered;
	s3 =	sadd.s32 s3, s5;
	[dreg:$0x0] =	wrdreg $0x0  }
0xa8: {  	s5 =	sshll.u32 s28, $0x1;
	[dreg:$0x2] =	wrdreg s3  }
0xa9: {  	[dreg:$0x3] =	wrdreg s5  }
0xaa: {  	[dreg:$0x4] =	wrdreg $0xC0  }
0xab: {  	_ =	task [dreg:s7], $0x5FFFF  }
0xac: {  	[dreg:$0x1] =	wrdreg $0xFFFFFFFF  }
0xad: {  	[dreg:$0x0] =	wrdreg $0x60  }
0xae: {  	[dreg:$0x2] =	wrdreg s24  }
0xaf: {  	[dreg:$0x3] =	wrdreg s2  }
0xb0: {  	[dreg:$0x4] =	wrdreg $0x9  }
0xb1: {  	_ =	task.clear_ibuf [dreg:s7], $0x5FFFF;
	_ =	strace $0x90000046  }
0xb2: {  	s29 =	simm.s32 $0x9;
	_ =	strace $0x80000048  }
0xb3: {  	_ =	swait.ge [sflag:s29], $0x1  }
0xb4: {  	[sflag:s29] =	ssyncadd.s32 $0xFFFFFFFF  }
0xb5: {  	_ =	strace $0x90000048  }
0xb6: {  	_ =	sfence  }
0xb7: {  	s30 =	sld [smem:$0x0];
	_ =	sdelay $0x2  }
0xb8: {  	s31 =	sshll.u32 s1, $0xD;
	s1 =	sshrl.u32 s1, $0x2  }
0xb9: {  	s3 =	sand.u32 $0x4000, s31;
	s1 =	sadd.s32 s1, s30  }
0xba: {  	s0 =	sor.u32 s3, s0;
	s1 =	sshll.u32 s1, $0x11  }
0xbb: {  	s0 =	sor.u32 s1, s0  }
0xbc: {  	s0 =	sadd.s32 $0x8F2B, s0  }
0xbd: {  	[sflag:s0] =	ssyncadd.remote.s32 $0x1  }
0xbe: {  	_ =	sfence.sel $0xFFFF  }
0xbf: {  	[dreg:$0x0] =	wrdreg $0xFFFFFFFF;
	(pc) =	sbr.abs _section_cstart, $3  }
0xc0: {  	[dreg:$0x1] =	wrdreg $0xFFFFFFFF  }
0xc1: {  	_ =	task.clear_ibuf [dreg:s7], $0x2FFFF;
	_ =	strace $0x9FFFFFFF  }
0xc2: {  	(tm) =	ssettm $0x7FFFFFFF  }
0xc3: {  	_ =	shalt  }
tec
execute0_lowered:
.L_overlay_start_1:
0x0: {  	(tag) =	ssettag $0x1  }
0x1: {  	v0 =	vimm.s32 $0x23222120  }
0x2: {  	v1 =	vimm.s32 $0x33323130;
	v10 =	vlaneseq.u32;
	vm0 =	vcmask $0x1F10  }
0x3: {  	v2 =	vimm.s32 $0x13121110;
	v3 =	vimm.s32 $0x27262524;
	v4 =	vimm.s32 $0x37363534  }
0x4: {  	v5 =	vimm.s32 $0x7060504;
	v6 =	vimm.s32 $0x17161514;
	v7 =	vimm.s32 $0x2B2A2928  }
0x5: {  	v9 =	vimm.s32 $0x3B3A3938;
	v11 =	vimm.s32 $0x57565554;
	v12 =	vimm.s32 $0x6B6A6968  }
0x6: {  	v13 =	vimm.s32 $0x7B7A7978;
	v14 =	vimm.s32 $0x4B4A4948;
	v15 =	vimm.s32 $0x5B5A5958  }
0x7: {  	v16 =	vimm.s32 $0x93929190;
	v17 =	vimm.s32 $0xA7A6A5A4;
	v18 =	vimm.s32 $0xB7B6B5B4  }
0x8: {  	v19 =	vimm.s32 $0x87868584;
	v20 =	vimm.s32 $0x97969594;
	v21 =	vimm.s32 $0x8F8E8D8C  }
0x9: {  	v59 =	vimm.s32 $0xE7E6E5E4;
	v22 =	vimm.s32 $0xF7F6F5F4;
	v60 =	vimm.s32 $0xEBEAE9E8  }
0xa: {  	v61 =	vimm.s32 $0xFBFAF9F8;
	v62 =	vimm.s32 $0xCFCECDCC;
	v63 =	vimm.s32 $0xFFFEFDFC  }
0xb: {  	v24 =	vimm.s32 $0xDFDEDDDC;
	v0 =	vunpack.c.0.s8.s32 v0;
	v1 =	vunpack.c.0.s8.s32 v1  }
0xc: {  	v8 =	vshrl.u32 v10, $0x2;
	v2 =	vunpack.c.0.s8.s32 v2;
	v3 =	vunpack.c.0.s8.s32 v3  }
0xd: {  	v4 =	vunpack.c.0.s8.s32 v4;
	v5 =	vunpack.c.0.s8.s32 v5;
	v6 =	vunpack.c.0.s8.s32 v6  }
0xe: {  	v11 =	vunpack.c.0.s8.s32 v11;
	v0 =	vsel vm0, v1, v0;
	v1 =	vimm.s32 $0x3020100  }
0xf: {  	v12 =	vunpack.c.0.s8.s32 v12;
	v13 =	vunpack.c.0.s8.s32 v13;
	v1 =	vunpack.c.0.s8.s32 v1  }
0x10: {  	v14 =	vunpack.c.0.s8.s32 v14;
	v15 =	vunpack.c.0.s8.s32 v15;
	v16 =	vunpack.c.0.s8.s32 v16  }
0x11: {  	v1 =	vsel vm0, v2, v1;
	v2 =	vunpack.c.0.s8.s32 v7;
	v7 =	vunpack.c.0.s8.s32 v9  }
0x12: {  	v9 =	vimm.s32 $0x1F1E1D1C;
	v0 =	vcombine.low v1, v0;
	v1 =	vsel vm0, v4, v3  }
0x13: {  	v3 =	vsel vm0, v6, v5;
	v4 =	vimm.s32 $0x1B1A1918;
	v5 =	vimm.s32 $0x2F2E2D2C  }
0x14: {  	v6 =	vimm.s32 $0x3F3E3D3C;
	v1 =	vcombine.low v3, v1;
	v3 =	vimm.s32 $0xB0A0908  }
0x15: {  	v2 =	vsel vm0, v7, v2;
	v4 =	vunpack.c.0.s8.s32 v4;
	v3 =	vunpack.c.0.s8.s32 v3  }
0x16: {  	v5 =	vunpack.c.0.s8.s32 v5;
	v6 =	vunpack.c.0.s8.s32 v6;
	v7 =	vimm.s32 $0xF0E0D0C  }
0x17: {  	v3 =	vsel vm0, v4, v3;
	v4 =	vunpack.c.0.s8.s32 v7;
	v7 =	vunpack.c.0.s8.s32 v9  }
0x18: {  	v9 =	vimm.s32 $0x53525150;
	v2 =	vcombine.low v3, v2;
	v3 =	vsel vm0, v6, v5  }
0x19: {  	v5 =	vimm.s32 $0x63626160;
	v6 =	vimm.s32 $0x73727170;
	v4 =	vsel vm0, v7, v4  }
0x1a: {  	v5 =	vunpack.c.0.s8.s32 v5;
	v6 =	vunpack.c.0.s8.s32 v6;
	v7 =	vimm.s32 $0x43424140  }
0x1b: {  	v3 =	vcombine.low v4, v3;
	v4 =	vunpack.c.0.s8.s32 v7;
	v7 =	vunpack.c.0.s8.s32 v9  }
0x1c: {  	v9 =	vimm.s32 $0x77767574;
	v5 =	vsel vm0, v6, v5;
	v6 =	vimm.s32 $0x67666564  }
0x1d: {  	v4 =	vsel vm0, v7, v4;
	v6 =	vunpack.c.0.s8.s32 v6;
	v7 =	vunpack.c.0.s8.s32 v9  }
0x1e: {  	v24 =	vunpack.c.0.s8.s32 v24;
	v10 =	vand.u32 $0x3, v10;
	v9 =	vimm.s32 $0x47464544  }
0x1f: {  	v9 =	vunpack.c.0.s8.s32 v9;
	v4 =	vcombine.low v4, v5;
	v5 =	vsel vm0, v7, v6  }
0x20: {  	v7 =	vsel vm0, v13, v12;
	v12 =	vimm.s32 $0x5F5E5D5C;
	v13 =	vimm.s32 $0xA3A2A1A0  }
0x21: {  	v6 =	vsel vm0, v11, v9;
	v9 =	vsel vm0, v15, v14;
	v11 =	vimm.s32 $0x6F6E6D6C  }
0x22: {  	v12 =	vunpack.c.0.s8.s32 v12;
	v14 =	vimm.s32 $0xB3B2B1B0;
	v15 =	vimm.s32 $0x83828180  }
0x23: {  	v5 =	vcombine.low v6, v5;
	v6 =	vcombine.low v9, v7;
	v9 =	vimm.s32 $0x7F7E7D7C  }
0x24: {  	v7 =	vunpack.c.0.s8.s32 v11;
	v11 =	vimm.s32 $0x4F4E4D4C;
	v9 =	vunpack.c.0.s8.s32 v9  }
0x25: {  	v13 =	vunpack.c.0.s8.s32 v13;
	v14 =	vunpack.c.0.s8.s32 v14;
	v11 =	vunpack.c.0.s8.s32 v11  }
0x26: {  	v8 =	vmul.u32 $0x10, v8;
	v15 =	vunpack.c.0.s8.s32 v15;
	v7 =	vsel vm0, v9, v7  }
0x27: {  	v9 =	vsel vm0, v12, v11;
	v12 =	vimm.s32 $0xABAAA9A8;
	v11 =	vsel vm0, v14, v13  }
0x28: {  	v13 =	vsel vm0, v16, v15;
	v14 =	vimm.s32 $0xBBBAB9B8;
	v15 =	vunpack.c.0.s8.s32 v18  }
0x29: {  	v16 =	vimm.s32 $0x9B9A9998;
	v18 =	vunpack.c.0.s8.s32 v20;
	v20 =	vimm.s32 $0xBFBEBDBC  }
0x2a: {  	v7 =	vcombine.low v9, v7;
	v11 =	vcombine.low v13, v11;
	v9 =	vimm.s32 $0x8B8A8988  }
0x2b: {  	v13 =	vunpack.c.0.s8.s32 v17;
	v17 =	vunpack.c.0.s8.s32 v19;
	v19 =	vimm.s32 $0xAFAEADAC  }
0x2c: {  	v12 =	vunpack.c.0.s8.s32 v12;
	v14 =	vunpack.c.0.s8.s32 v14;
	v16 =	vunpack.c.0.s8.s32 v16  }
0x2d: {  	v9 =	vunpack.c.0.s8.s32 v9;
	v13 =	vsel vm0, v15, v13;
	v15 =	vsel vm0, v18, v17  }
0x2e: {  	v17 =	vimm.s32 $0x9F9E9D9C;
	v12 =	vsel vm0, v14, v12;
	v14 =	vimm.s32 $0xE3E2E1E0  }
0x2f: {  	v18 =	vimm.s32 $0xC3C2C1C0;
	v11 =	vand.u32 $0xFF, v11;
	v9 =	vsel vm0, v16, v9  }
0x30: {  	s0 =	rddreg [dreg:$0x0];
	v13 =	vcombine.low v15, v13;
	v16 =	vunpack.c.0.s8.s32 v20;
	v17 =	vunpack.c.0.s8.s32 v17  }
0x31: {  	s9 =	rddreg [dreg:$0x1];
	s2 =	simm.s32 $0x0;
	s1 =	srdreg.scid;
	v20 =	vimm.s32 $0xD3D2D1D0;
	v14 =	vunpack.c.0.s8.s32 v14;
	v15 =	vcombine.low v9, v12  }
0x32: {  	s3 =	stileid.u32;
	s8 =	simm.s32 $0x1900;
	s23 =	simm.s32 $0x3;
	v9 =	vimm.s32 $0xF3F2F1F0;
	v12 =	vunpack.c.0.s8.s32 v19;
	v19 =	vunpack.c.0.s8.s32 v21  }
0x33: {  	s24 =	simm.s32 $0x80;
	s15 =	simm.s32 $0xC80;
	s19 =	simm.s32 $0xE100;
	v18 =	vunpack.c.0.s8.s32 v18;
	v20 =	vunpack.c.0.s8.s32 v20;
	v9 =	vunpack.c.0.s8.s32 v9  }
0x34: {  	s11 =	simm.s32 $0x17900;
	s13 =	simm.s32 $0x1680;
	s14 =	simm.s32 $0x18100;
	v21 =	vunpack.c.0.s8.s32 v62;
	v12 =	vsel vm0, v16, v12;
	v16 =	vsel vm0, v17, v19  }
0x35: {  	s17 =	simm.s32 $0x18900;
	s20 =	simm.s32 $0x1780;
	s21 =	simm.s32 $0x19100;
	v17 =	vimm.s32 $0xC7C6C5C4;
	v19 =	vunpack.c.0.s8.s32 v59;
	v9 =	vsel vm0, v9, v14  }
0x36: {  	s28 =	simm.s32 $0x1880;
	s29 =	simm.s32 $0x1A100;
	s30 =	simm.s32 $0x1;
	v14 =	vsel vm0, v20, v18;
	v18 =	vimm.s32 $0xD7D6D5D4;
	v20 =	vunpack.c.0.s8.s32 v22  }
0x37: {  	s31 =	simm.s32 $0x1A900;
	[smem:$0x7FF] =	sst s2;
	s4 =	sadd.s32 $0xC00, s0;
	v17 =	vunpack.c.0.s8.s32 v17;
	v16 =	vcombine.low v16, v12;
	v22 =	vunpack.c.0.s8.s32 v63  }
0x38: {  	s1 =	sand.u32 $0x1, s1;
	s3 =	sshll.u32 s3, $0x1;
	s5 =	sadd.s32 $0x64E00, s0;
	v18 =	vunpack.c.0.s8.s32 v18;
	v23 =	vcombine.low v14, v9;
	v9 =	vimm.s32 $0xCBCAC9C8  }
0x39: {  	s0 =	sadd.s32 $0x64C00, s0;
	_ =	strace $0x80000047;
	s6 =	ssub.s32 $0x2, s1;
	v12 =	vsel vm0, v20, v19;
	v19 =	vunpack.c.0.s8.s32 v61;
	v20 =	vimm.s32 $0xEFEEEDEC  }
0x3a: {  	s1 =	sor.u32 s1, s3;
	[dreg:$0x3] =	wrdreg s0;
	s25 =	sshrl.u32 s6, $0x1;
	v14 =	vsel vm0, v18, v17;
	v17 =	vimm.s32 $0xDBDAD9D8;
	v18 =	vunpack.c.0.s8.s32 v60  }
0x3b: {  	s3 =	smul.u32 $0x3200, s1;
	s7 =	sshll.u32 s1, $0x9;
	s1 =	sshll.u32 s1, $0x8;
	v9 =	vunpack.c.0.s8.s32 v9;
	v20 =	vunpack.c.0.s8.s32 v20;
	v17 =	vunpack.c.0.s8.s32 v17  }
0x3c: {  	s0 =	ssub.s32 s6, s25;
	s16 =	sadd.s32 s9, s1;
	s26 =	sor.u32 $0x20, s7;
	v25 =	vcombine.low v14, v12;
	v12 =	vand.u32 $0xFF, v13;
	v14 =	vsel vm0, v19, v18  }
0x3d: {  	s22 =	sor.u32 $0x10, s7;
	s1 =	simm.s32 $0x1700;
	s25 =	simm.s32 $0x1800;
	v18 =	vsel vm0, v22, v20;
	v19 =	vsel vm0, v24, v21;
	v17 =	vsel vm0, v17, v9  }
0x3e: {  	s7 =	simm.s32 $0x0;
	s3 =	sadd.s32 s4, s3;
	[dreg:$0x5] =	wrdreg s26;
	v13 =	vand.u32 $0xFF, v15;
	v18 =	vcombine.low v19, v18;
	v17 =	vcombine.low v17, v14  }
0x3f: {  	s0 =	smax.u32 s0, $0x1;
	s26 =	simm.s32 $0x19900;
	[dreg:$0x4] =	wrdreg s3;
	v15 =	vand.u32 $0xFF, v23;
	v9 =	vor.u32 $0x40, v8;
	v14 =	vand.u32 $0xFF, v16  }
0x40: {  	[dreg:$0x6] =	wrdreg s0;
	s0 =	simm.s32 $0x1AA00;
	s3 =	simm.s32 $0x2;
	v16 =	vand.u32 $0xFF, v25;
	v18 =	vand.u32 $0xFF, v18;
	v17 =	vand.u32 $0xFF, v17  }
.LBB2_1:
0x41: {  	[dreg:$0x7] =	wrdreg s7  }
0x42: {  	s6 =	rddreg [dreg:$0x3];
	s18 =	simm.s32 $0x1AA40  }
0x43: {  	[tilespmem:s18], [sflag:$0x3] =	stream.linear.gather [hbm4b:s6+s2], $0x10, $0x38;
	[tilespmem:$0x1AA50] =	vst v63  }
0x44: {  	_ =	swait.ge [sflag:s23], $0x10  }
0x45: {  	[sflag:s23] =	ssyncset.done $0x0  }
0x46: {  	s9 =	rddreg [dreg:$0x4];
	[sflag:s23] =	ssyncadd.s32 $0xFFFFFFF0  }
0x47: {  	[tilespmem:s2], [sflag:$0x3] =	stream.linear.gather [hbm4b:s9+s2], $0xC80, $0x38;
	[tilespmem:$0x1AA50] =	vst v63  }
0x48: {  	_ =	swait.ge [sflag:s23], $0xC80  }
0x49: {  	[sflag:s23] =	ssyncset.done $0x0  }
0x4a: {  	[sflag:s23] =	ssyncadd.s32 $0xFFFFF380  }
0x4b: {  	[tilespmem:s8], [sflag:$0x1] =	stream.indirect.gather [hbm4b:s5+s24], $0x10, s2, s24, $0xb8;
	[tilespmem:$0x1AA50] =	vst v63  }
0x4c: {  	s10 =	simm.s32 $0x2100  }
0x4d: {  	[tilespmem:s10], [sflag:$0x1] =	stream.indirect.gather [hbm4b:s5+s24], $0x10, s24, s24, $0xb8;
	[tilespmem:$0x1AA50] =	vst v63  }
0x4e: {  	s12 =	simm.s32 $0x2900;
	s18 =	simm.s32 $0x100  }
0x4f: {  	[tilespmem:s12], [sflag:$0x1] =	stream.indirect.gather [hbm4b:s5+s24], $0x10, s18, s24, $0xb8;
	[tilespmem:$0x1AA50] =	vst v63  }
0x50: {  	s9 =	simm.s32 $0x180;
	s10 =	simm.s32 $0x3100  }
0x51: {  	[tilespmem:s10], [sflag:$0x1] =	stream.indirect.gather [hbm4b:s5+s24], $0x10, s9, s24, $0xb8;
	[tilespmem:$0x1AA50] =	vst v63  }
0x52: {  	s12 =	simm.s32 $0x200;
	s18 =	simm.s32 $0x3900  }
0x53: {  	[tilespmem:s18], [sflag:$0x1] =	stream.indirect.gather [hbm4b:s5+s24], $0x10, s12, s24, $0xb8;
	[tilespmem:$0x1AA50] =	vst v63  }
0x54: {  	s9 =	simm.s32 $0x280;
	s10 =	simm.s32 $0x4100  }
0x55: {  	[tilespmem:s10], [sflag:$0x1] =	stream.indirect.gather [hbm4b:s5+s24], $0x10, s9, s24, $0xb8;
	[tilespmem:$0x1AA50] =	vst v63  }
0x56: {  	s12 =	simm.s32 $0x300;
	s18 =	simm.s32 $0x4900  }
0x57: {  	[tilespmem:s18], [sflag:$0x1] =	stream.indirect.gather [hbm4b:s5+s24], $0x10, s12, s24, $0xb8;
	[tilespmem:$0x1AA50] =	vst v63  }
0x58: {  	s9 =	simm.s32 $0x380;
	s10 =	simm.s32 $0x5100  }
0x59: {  	[tilespmem:s10], [sflag:$0x1] =	stream.indirect.gather [hbm4b:s5+s24], $0x10, s9, s24, $0xb8;
	[tilespmem:$0x1AA50] =	vst v63  }
0x5a: {  	s12 =	simm.s32 $0x400;
	s18 =	simm.s32 $0x5900  }
0x5b: {  	[tilespmem:s18], [sflag:$0x1] =	stream.indirect.gather [hbm4b:s5+s24], $0x10, s12, s24, $0xb8;
	[tilespmem:$0x1AA50] =	vst v63  }
0x5c: {  	s9 =	simm.s32 $0x480;
	s10 =	simm.s32 $0x6100  }
0x5d: {  	[tilespmem:s10], [sflag:$0x1] =	stream.indirect.gather [hbm4b:s5+s24], $0x10, s9, s24, $0xb8;
	[tilespmem:$0x1AA50] =	vst v63  }
0x5e: {  	s12 =	simm.s32 $0x500;
	s18 =	simm.s32 $0x6900  }
0x5f: {  	[tilespmem:s18], [sflag:$0x1] =	stream.indirect.gather [hbm4b:s5+s24], $0x10, s12, s24, $0xb8;
	[tilespmem:$0x1AA50] =	vst v63  }
0x60: {  	s9 =	simm.s32 $0x580;
	s10 =	simm.s32 $0x7100  }
0x61: {  	[tilespmem:s10], [sflag:$0x1] =	stream.indirect.gather [hbm4b:s5+s24], $0x10, s9, s24, $0xb8;
	[tilespmem:$0x1AA50] =	vst v63  }
0x62: {  	s12 =	simm.s32 $0x600;
	s18 =	simm.s32 $0x7900  }
0x63: {  	[tilespmem:s18], [sflag:$0x1] =	stream.indirect.gather [hbm4b:s5+s24], $0x10, s12, s24, $0xb8;
	[tilespmem:$0x1AA50] =	vst v63  }
0x64: {  	s9 =	simm.s32 $0x680;
	s10 =	simm.s32 $0x8100  }
0x65: {  	[tilespmem:s10], [sflag:$0x1] =	stream.indirect.gather [hbm4b:s5+s24], $0x10, s9, s24, $0xb8;
	[tilespmem:$0x1AA50] =	vst v63  }
0x66: {  	s12 =	simm.s32 $0x700;
	s18 =	simm.s32 $0x8900  }
0x67: {  	[tilespmem:s18], [sflag:$0x1] =	stream.indirect.gather [hbm4b:s5+s24], $0x10, s12, s24, $0xb8;
	[tilespmem:$0x1AA50] =	vst v63  }
0x68: {  	s9 =	simm.s32 $0x780;
	s10 =	simm.s32 $0x9100  }
0x69: {  	[tilespmem:s10], [sflag:$0x1] =	stream.indirect.gather [hbm4b:s5+s24], $0x10, s9, s24, $0xb8;
	[tilespmem:$0x1AA50] =	vst v63  }
0x6a: {  	s12 =	simm.s32 $0x800;
	s18 =	simm.s32 $0x9900  }
0x6b: {  	[tilespmem:s18], [sflag:$0x1] =	stream.indirect.gather [hbm4b:s5+s24], $0x10, s12, s24, $0xb8;
	[tilespmem:$0x1AA50] =	vst v63  }
0x6c: {  	s9 =	simm.s32 $0x880;
	s10 =	simm.s32 $0xA100  }
0x6d: {  	[tilespmem:s10], [sflag:$0x1] =	stream.indirect.gather [hbm4b:s5+s24], $0x10, s9, s24, $0xb8;
	[tilespmem:$0x1AA50] =	vst v63  }
0x6e: {  	s12 =	simm.s32 $0x900;
	s18 =	simm.s32 $0xA900  }
0x6f: {  	[tilespmem:s18], [sflag:$0x1] =	stream.indirect.gather [hbm4b:s5+s24], $0x10, s12, s24, $0xb8;
	[tilespmem:$0x1AA50] =	vst v63  }
0x70: {  	s9 =	simm.s32 $0x980;
	s10 =	simm.s32 $0xB100  }
0x71: {  	[tilespmem:s10], [sflag:$0x1] =	stream.indirect.gather [hbm4b:s5+s24], $0x10, s9, s24, $0xb8;
	[tilespmem:$0x1AA50] =	vst v63  }
0x72: {  	s12 =	simm.s32 $0xA00;
	s18 =	simm.s32 $0xB900  }
0x73: {  	[tilespmem:s18], [sflag:$0x1] =	stream.indirect.gather [hbm4b:s5+s24], $0x10, s12, s24, $0xb8;
	[tilespmem:$0x1AA50] =	vst v63  }
0x74: {  	s9 =	simm.s32 $0xA80;
	s10 =	simm.s32 $0xC100  }
0x75: {  	[tilespmem:s10], [sflag:$0x1] =	stream.indirect.gather [hbm4b:s5+s24], $0x10, s9, s24, $0xb8;
	[tilespmem:$0x1AA50] =	vst v63  }
0x76: {  	s12 =	simm.s32 $0xB00;
	s18 =	simm.s32 $0xC900  }
0x77: {  	[tilespmem:s18], [sflag:$0x1] =	stream.indirect.gather [hbm4b:s5+s24], $0x10, s12, s24, $0xb8;
	[tilespmem:$0x1AA50] =	vst v63  }
0x78: {  	s9 =	simm.s32 $0xB80;
	s10 =	simm.s32 $0xD100  }
0x79: {  	[tilespmem:s10], [sflag:$0x1] =	stream.indirect.gather [hbm4b:s5+s24], $0x10, s9, s24, $0xb8;
	[tilespmem:$0x1AA50] =	vst v63  }
0x7a: {  	s7 =	simm.s32 $0x0;
	s12 =	simm.s32 $0xC00;
	s18 =	simm.s32 $0xD900  }
0x7b: {  	[tilespmem:s18], [sflag:$0x1] =	stream.indirect.gather [hbm4b:s5+s24], $0x10, s12, s24, $0xb8;
	[tilespmem:$0x1AA50] =	vst v63  }
.LBB2_2:
0x7c: {  	s12 =	sshll.u32 s7, $0x5  }
0x7d: {  	s6 =	sor.u32 s22, s12  }
0x7e: {  	s18 =	smul.u32 $0x19, s6;
	_ =	sdelay $0x1  }
0x7f: {  	s9 =	sadd.s32 s4, s18;
	s18 =	simm.s32 $0x0  }
0x80: {  	[tilespmem:s15], [sflag:$0x3] =	stream.linear.gather [hbm4b:s9+s18], $0xC80, $0x38;
	[tilespmem:$0x1AA50] =	vst v63  }
0x81: {  	_ =	swait.ge [sflag:s23], $0xC80  }
0x82: {  	[sflag:s23] =	ssyncset.done $0x0  }
0x83: {  	[sflag:s23] =	ssyncadd.s32 $0xFFFFF380  }
0x84: {  	[tilespmem:s19], [sflag:$0x2] =	stream.indirect.gather [hbm4b:s5+s24], $0x10, s15, s24, $0xb8;
	[tilespmem:$0x1AA50] =	vst v63  }
0x85: {  	s10 =	simm.s32 $0xE900;
	s9 =	simm.s32 $0xD00  }
0x86: {  	[tilespmem:s10], [sflag:$0x2] =	stream.indirect.gather [hbm4b:s5+s24], $0x10, s9, s24, $0xb8;
	[tilespmem:$0x1AA50] =	vst v63  }
0x87: {  	s9 =	simm.s32 $0xD80;
	s10 =	simm.s32 $0xF100  }
0x88: {  	[tilespmem:s10], [sflag:$0x2] =	stream.indirect.gather [hbm4b:s5+s24], $0x10, s9, s24, $0xb8;
	[tilespmem:$0x1AA50] =	vst v63  }
0x89: {  	s9 =	simm.s32 $0xE00;
	s10 =	simm.s32 $0xF900  }
0x8a: {  	[tilespmem:s10], [sflag:$0x2] =	stream.indirect.gather [hbm4b:s5+s24], $0x10, s9, s24, $0xb8;
	[tilespmem:$0x1AA50] =	vst v63  }
0x8b: {  	s9 =	simm.s32 $0xE80;
	s10 =	simm.s32 $0x10100  }
0x8c: {  	[tilespmem:s10], [sflag:$0x2] =	stream.indirect.gather [hbm4b:s5+s24], $0x10, s9, s24, $0xb8;
	[tilespmem:$0x1AA50] =	vst v63  }
0x8d: {  	s9 =	simm.s32 $0xF00;
	s10 =	simm.s32 $0x10900  }
0x8e: {  	[tilespmem:s10], [sflag:$0x2] =	stream.indirect.gather [hbm4b:s5+s24], $0x10, s9, s24, $0xb8;
	[tilespmem:$0x1AA50] =	vst v63  }
0x8f: {  	s9 =	simm.s32 $0xF80;
	s10 =	simm.s32 $0x11100  }
0x90: {  	[tilespmem:s10], [sflag:$0x2] =	stream.indirect.gather [hbm4b:s5+s24], $0x10, s9, s24, $0xb8;
	[tilespmem:$0x1AA50] =	vst v63  }
0x91: {  	s9 =	simm.s32 $0x1000;
	s10 =	simm.s32 $0x11900  }
0x92: {  	[tilespmem:s10], [sflag:$0x2] =	stream.indirect.gather [hbm4b:s5+s24], $0x10, s9, s24, $0xb8;
	[tilespmem:$0x1AA50] =	vst v63  }
0x93: {  	s9 =	simm.s32 $0x1080;
	s10 =	simm.s32 $0x12100  }
0x94: {  	[tilespmem:s10], [sflag:$0x2] =	stream.indirect.gather [hbm4b:s5+s24], $0x10, s9, s24, $0xb8;
	[tilespmem:$0x1AA50] =	vst v63  }
0x95: {  	s9 =	simm.s32 $0x1100;
	s10 =	simm.s32 $0x12900  }
0x96: {  	[tilespmem:s10], [sflag:$0x2] =	stream.indirect.gather [hbm4b:s5+s24], $0x10, s9, s24, $0xb8;
	[tilespmem:$0x1AA50] =	vst v63  }
0x97: {  	s9 =	simm.s32 $0x1180;
	s10 =	simm.s32 $0x13100  }
0x98: {  	[tilespmem:s10], [sflag:$0x2] =	stream.indirect.gather [hbm4b:s5+s24], $0x10, s9, s24, $0xb8;
	[tilespmem:$0x1AA50] =	vst v63  }
0x99: {  	s9 =	simm.s32 $0x1200;
	s10 =	simm.s32 $0x13900  }
0x9a: {  	[tilespmem:s10], [sflag:$0x2] =	stream.indirect.gather [hbm4b:s5+s24], $0x10, s9, s24, $0xb8;
	[tilespmem:$0x1AA50] =	vst v63  }
0x9b: {  	s9 =	simm.s32 $0x1280;
	s10 =	simm.s32 $0x14100  }
0x9c: {  	[tilespmem:s10], [sflag:$0x2] =	stream.indirect.gather [hbm4b:s5+s24], $0x10, s9, s24, $0xb8;
	[tilespmem:$0x1AA50] =	vst v63  }
0x9d: {  	s9 =	simm.s32 $0x1300;
	s10 =	simm.s32 $0x14900  }
0x9e: {  	[tilespmem:s10], [sflag:$0x2] =	stream.indirect.gather [hbm4b:s5+s24], $0x10, s9, s24, $0xb8;
	[tilespmem:$0x1AA50] =	vst v63  }
0x9f: {  	s9 =	simm.s32 $0x1380;
	s10 =	simm.s32 $0x15100  }
0xa0: {  	[tilespmem:s10], [sflag:$0x2] =	stream.indirect.gather [hbm4b:s5+s24], $0x10, s9, s24, $0xb8;
	[tilespmem:$0x1AA50] =	vst v63  }
0xa1: {  	s9 =	simm.s32 $0x1400;
	s10 =	simm.s32 $0x15900  }
0xa2: {  	[tilespmem:s10], [sflag:$0x2] =	stream.indirect.gather [hbm4b:s5+s24], $0x10, s9, s24, $0xb8;
	[tilespmem:$0x1AA50] =	vst v63  }
0xa3: {  	s9 =	simm.s32 $0x1480;
	s10 =	simm.s32 $0x16100  }
0xa4: {  	[tilespmem:s10], [sflag:$0x2] =	stream.indirect.gather [hbm4b:s5+s24], $0x10, s9, s24, $0xb8;
	[tilespmem:$0x1AA50] =	vst v63  }
0xa5: {  	s9 =	simm.s32 $0x1500;
	s10 =	simm.s32 $0x16900  }
0xa6: {  	[tilespmem:s10], [sflag:$0x2] =	stream.indirect.gather [hbm4b:s5+s24], $0x10, s9, s24, $0xb8;
	[tilespmem:$0x1AA50] =	vst v63  }
0xa7: {  	s9 =	simm.s32 $0x1580;
	s10 =	simm.s32 $0x17100  }
0xa8: {  	[tilespmem:s10], [sflag:$0x2] =	stream.indirect.gather [hbm4b:s5+s24], $0x10, s9, s24, $0xb8;
	[tilespmem:$0x1AA50] =	vst v63  }
0xa9: {  	s10 =	simm.s32 $0x1600  }
0xaa: {  	[tilespmem:s11], [sflag:$0x2] =	stream.indirect.gather [hbm4b:s5+s24], $0x10, s10, s24, $0xb8;
	[tilespmem:$0x1AA50] =	vst v63  }
0xab: {  	_ = 	snop  }
0xac: {  	[tilespmem:s14], [sflag:$0x2] =	stream.indirect.gather [hbm4b:s5+s24], $0x10, s13, s24, $0xb8;
	[tilespmem:$0x1AA50] =	vst v63  }
0xad: {  	_ = 	snop  }
0xae: {  	[tilespmem:s17], [sflag:$0x2] =	stream.indirect.gather [hbm4b:s5+s24], $0x10, s1, s24, $0xb8;
	[tilespmem:$0x1AA50] =	vst v63  }
0xaf: {  	_ = 	snop  }
0xb0: {  	[tilespmem:s21], [sflag:$0x2] =	stream.indirect.gather [hbm4b:s5+s24], $0x10, s20, s24, $0xb8;
	[tilespmem:$0x1AA50] =	vst v63  }
0xb1: {  	_ = 	snop  }
0xb2: {  	[tilespmem:s26], [sflag:$0x2] =	stream.indirect.gather [hbm4b:s5+s24], $0x10, s25, s24, $0xb8;
	[tilespmem:$0x1AA50] =	vst v63  }
0xb3: {  	_ = 	snop  }
0xb4: {  	[tilespmem:s29], [sflag:$0x2] =	stream.indirect.gather [hbm4b:s5+s24], $0x10, s28, s24, $0xb8;
	[tilespmem:$0x1AA50] =	vst v63  }
0xb5: {  	_ =	swait.ge [sflag:s30], $0x800  }
0xb6: {  	[sflag:s30] =	ssyncset.done $0x0  }
0xb7: {  	[sflag:s30] =	ssyncadd.s32 $0xFFFFF800  }
0xb8: {  	_ =	swait.ge [sflag:s30], $0x800  }
0xb9: {  	[sflag:s30] =	ssyncset.done $0x0  }
0xba: {  	[sflag:s30] =	ssyncadd.s32 $0xFFFFF800  }
0xbb: {  	_ =	swait.ge [sflag:s30], $0x800  }
0xbc: {  	[sflag:s30] =	ssyncset.done $0x0  }
0xbd: {  	[sflag:s30] =	ssyncadd.s32 $0xFFFFF800  }
0xbe: {  	_ =	swait.ge [sflag:s30], $0x800  }
0xbf: {  	[sflag:s30] =	ssyncset.done $0x0  }
0xc0: {  	[sflag:s30] =	ssyncadd.s32 $0xFFFFF800  }
0xc1: {  	_ =	swait.ge [sflag:s30], $0x800  }
0xc2: {  	[sflag:s30] =	ssyncset.done $0x0  }
0xc3: {  	[sflag:s30] =	ssyncadd.s32 $0xFFFFF800  }
0xc4: {  	_ =	swait.ge [sflag:s30], $0x800  }
0xc5: {  	[sflag:s30] =	ssyncset.done $0x0  }
0xc6: {  	[sflag:s30] =	ssyncadd.s32 $0xFFFFF800  }
0xc7: {  	_ =	swait.ge [sflag:s30], $0x800  }
0xc8: {  	[sflag:s30] =	ssyncset.done $0x0  }
0xc9: {  	[sflag:s30] =	ssyncadd.s32 $0xFFFFF800  }
0xca: {  	_ =	swait.ge [sflag:s30], $0x800  }
0xcb: {  	[sflag:s30] =	ssyncset.done $0x0  }
0xcc: {  	[sflag:s30] =	ssyncadd.s32 $0xFFFFF800  }
0xcd: {  	_ =	swait.ge [sflag:s30], $0x800  }
0xce: {  	[sflag:s30] =	ssyncset.done $0x0  }
0xcf: {  	[sflag:s30] =	ssyncadd.s32 $0xFFFFF800  }
0xd0: {  	_ =	swait.ge [sflag:s30], $0x800  }
0xd1: {  	[sflag:s30] =	ssyncset.done $0x0  }
0xd2: {  	[sflag:s30] =	ssyncadd.s32 $0xFFFFF800  }
0xd3: {  	_ =	swait.ge [sflag:s30], $0x800  }
0xd4: {  	[sflag:s30] =	ssyncset.done $0x0  }
0xd5: {  	[sflag:s30] =	ssyncadd.s32 $0xFFFFF800  }
0xd6: {  	_ =	swait.ge [sflag:s30], $0x800  }
0xd7: {  	[sflag:s30] =	ssyncset.done $0x0  }
0xd8: {  	[sflag:s30] =	ssyncadd.s32 $0xFFFFF800  }
0xd9: {  	_ =	swait.ge [sflag:s30], $0x800  }
0xda: {  	[sflag:s30] =	ssyncset.done $0x0  }
0xdb: {  	[sflag:s30] =	ssyncadd.s32 $0xFFFFF800  }
0xdc: {  	_ =	swait.ge [sflag:s30], $0x800  }
0xdd: {  	[sflag:s30] =	ssyncset.done $0x0  }
0xde: {  	[sflag:s30] =	ssyncadd.s32 $0xFFFFF800  }
0xdf: {  	_ =	swait.ge [sflag:s30], $0x800  }
0xe0: {  	[sflag:s30] =	ssyncset.done $0x0  }
0xe1: {  	[sflag:s30] =	ssyncadd.s32 $0xFFFFF800  }
0xe2: {  	_ =	swait.ge [sflag:s30], $0x800  }
0xe3: {  	[sflag:s30] =	ssyncset.done $0x0  }
0xe4: {  	[sflag:s30] =	ssyncadd.s32 $0xFFFFF800  }
0xe5: {  	_ =	swait.ge [sflag:s30], $0x800  }
0xe6: {  	[sflag:s30] =	ssyncset.done $0x0  }
0xe7: {  	[sflag:s30] =	ssyncadd.s32 $0xFFFFF800  }
0xe8: {  	_ =	swait.ge [sflag:s30], $0x800  }
0xe9: {  	[sflag:s30] =	ssyncset.done $0x0  }
0xea: {  	[sflag:s30] =	ssyncadd.s32 $0xFFFFF800  }
0xeb: {  	_ =	swait.ge [sflag:s30], $0x800  }
0xec: {  	[sflag:s30] =	ssyncset.done $0x0  }
0xed: {  	[sflag:s30] =	ssyncadd.s32 $0xFFFFF800  }
0xee: {  	_ =	swait.ge [sflag:s30], $0x800  }
0xef: {  	[sflag:s30] =	ssyncset.done $0x0  }
0xf0: {  	[sflag:s30] =	ssyncadd.s32 $0xFFFFF800  }
0xf1: {  	_ =	swait.ge [sflag:s30], $0x800  }
0xf2: {  	[sflag:s30] =	ssyncset.done $0x0  }
0xf3: {  	[sflag:s30] =	ssyncadd.s32 $0xFFFFF800  }
0xf4: {  	_ =	swait.ge [sflag:s30], $0x800  }
0xf5: {  	[sflag:s30] =	ssyncset.done $0x0  }
0xf6: {  	[sflag:s30] =	ssyncadd.s32 $0xFFFFF800  }
0xf7: {  	_ =	swait.ge [sflag:s30], $0x800  }
0xf8: {  	v19 =	vmov s18;
	[sflag:s30] =	ssyncset.done $0x0  }
0xf9: {  	v19 =	vshll.u32 v19, $0x4;
	[sflag:s30] =	ssyncadd.s32 $0xFFFFF800  }
0xfa: {  	v20 =	vor.u32 v8, v19;
	_ =	swait.ge [sflag:s30], $0x800  }
0xfb: {  	v20 =	vor.u32 v10, v20;
	[sflag:s30] =	ssyncset.done $0x0  }
0xfc: {  	s18 =	simm.s32 $0x8;
	v19 =	vor.u32 v9, v19;
	[sflag:s30] =	ssyncadd.s32 $0xFFFFF800  }
0xfd: {  	v21 =	vor.u32 v10, v19;
	v19 =	vmov s18;
	_ =	swait.ge [sflag:s30], $0x800  }
0xfe: {  	v22 =	vshll.u32 v19, $0x4;
	[sflag:s30] =	ssyncset.done $0x0  }
0xff: {  	v24 =	vor.u32 v8, v22;
	[sflag:s30] =	ssyncadd.s32 $0xFFFFF800  }
0x100: {  	v25 =	vor.u32 v9, v22;
	v22 =	vor.u32 v10, v24;
	v19 =	vld.idx.msk [tilespmem:v20+s8+$0x0], $0xffff;
	_ =	sdelay $0x1  }
0x101: {  	v23 =	vimm.f32 $0.0e+00;
	s18 =	simm.s32 $0x10;
	v20 =	vld.idx.msk [tilespmem:v21+s8+$0x0], $0xffff;
	v21 =	vor.u32 v10, v25  }
.LBB2_3:
0x102: {  	v24 =	vmov s18;
	p0 =	sne.s32 s18, $0xC0;
	s18 =	sadd.s32 $0x8, s18  }
.Ltmp0:
0x103: {  	v24 =	vshll.u32 v24, $0x4;
	(pc) =	sbr.rel @p0 .LBB2_3-.Ltmp0, $4  }
0x104: {  	v23 =	vadd.f32 v19, v23;
	v25 =	vor.u32 v8, v24;
	v19 =	vld.idx.msk [tilespmem:v22+s8+$0x0], $0xffff  }
0x105: {  	v22 =	vor.u32 v10, v25  }
0x106: {  	v24 =	vor.u32 v9, v24;
	v23 =	vadd.f32 v20, v23;
	v20 =	vld.idx.msk [tilespmem:v21+s8+$0x0], $0xffff  }
0x107: {  	v21 =	vor.u32 v10, v24  }
0x108: {  	_ =	sdelay $0x3  }
0x109: {  	v22 =	vld.idx.msk [tilespmem:v22+s8+$0x0], $0xffff  }
0x10a: {  	s9 =	simm.s32 $0xC8;
	v19 =	vadd.f32 v19, v23  }
0x10b: {  	v21 =	vld.idx.msk [tilespmem:v21+s8+$0x0], $0xffff;
	v23 =	vmov s9  }
0x10c: {  	v19 =	vadd.f32 v20, v19;
	v20 =	vshll.u32 v23, $0x4  }
0x10d: {  	v23 =	vor.u32 v8, v20  }
0x10e: {  	v19 =	vadd.f32 v22, v19;
	v22 =	vor.u32 v10, v23  }
0x10f: {  	s18 =	simm.s32 $0xD0;
	v20 =	vor.u32 v9, v20  }
0x110: {  	v20 =	vor.u32 v10, v20;
	v19 =	vadd.f32 v21, v19;
	v21 =	vmov s18  }
0x111: {  	v21 =	vshll.u32 v21, $0x4  }
0x112: {  	[tilespmem:$0x1A900] =	vst v19;
	v24 =	vor.u32 v8, v21  }
0x113: {  	v19 =	vld.idx.msk [tilespmem:v22+s8+$0x0], $0xffff;
	v22 =	vor.u32 v10, v24  }
0x114: {  	v21 =	vor.u32 v9, v21  }
0x115: {  	v23 =	vimm.f32 $0.0e+00;
	s18 =	simm.s32 $0xD8;
	v20 =	vld.idx.msk [tilespmem:v20+s8+$0x0], $0xffff;
	v21 =	vor.u32 v10, v21  }
.LBB2_5:
0x116: {  	v24 =	vmov s18;
	p0 =	sne.s32 s18, $0x188;
	s18 =	sadd.s32 $0x8, s18  }
.Ltmp1:
0x117: {  	v24 =	vshll.u32 v24, $0x4;
	(pc) =	sbr.rel @p0 .LBB2_5-.Ltmp1, $4  }
0x118: {  	v23 =	vadd.f32 v19, v23;
	v25 =	vor.u32 v8, v24;
	v19 =	vld.idx.msk [tilespmem:v22+s8+$0x0], $0xffff  }
0x119: {  	v22 =	vor.u32 v10, v25  }
0x11a: {  	v24 =	vor.u32 v9, v24;
	v23 =	vadd.f32 v20, v23;
	v20 =	vld.idx.msk [tilespmem:v21+s8+$0x0], $0xffff  }
0x11b: {  	v21 =	vor.u32 v10, v24  }
0x11c: {  	_ =	sdelay $0x3  }
0x11d: {  	v22 =	vld.idx.msk [tilespmem:v22+s8+$0x0], $0xffff  }
0x11e: {  	s9 =	simm.s32 $0x190;
	v19 =	vadd.f32 v19, v23  }
0x11f: {  	v21 =	vld.idx.msk [tilespmem:v21+s8+$0x0], $0xffff;
	v23 =	vmov s9  }
0x120: {  	v19 =	vadd.f32 v20, v19;
	v20 =	vshll.u32 v23, $0x4  }
0x121: {  	v23 =	vor.u32 v8, v20  }
0x122: {  	v19 =	vadd.f32 v22, v19;
	v22 =	vor.u32 v10, v23  }
0x123: {  	s18 =	simm.s32 $0x198;
	v20 =	vor.u32 v9, v20  }
0x124: {  	v20 =	vor.u32 v10, v20;
	v19 =	vadd.f32 v21, v19;
	v21 =	vmov s18  }
0x125: {  	v21 =	vshll.u32 v21, $0x4  }
0x126: {  	[tilespmem:$0x1A910] =	vst v19;
	v24 =	vor.u32 v8, v21  }
0x127: {  	v19 =	vld.idx.msk [tilespmem:v22+s8+$0x0], $0xffff;
	v22 =	vor.u32 v10, v24  }
0x128: {  	v21 =	vor.u32 v9, v21  }
0x129: {  	v23 =	vimm.f32 $0.0e+00;
	s18 =	simm.s32 $0x1A0;
	v20 =	vld.idx.msk [tilespmem:v20+s8+$0x0], $0xffff;
	v21 =	vor.u32 v10, v21  }
.LBB2_7:
0x12a: {  	v24 =	vmov s18;
	p0 =	sne.s32 s18, $0x250;
	s18 =	sadd.s32 $0x8, s18  }
.Ltmp2:
0x12b: {  	v24 =	vshll.u32 v24, $0x4;
	(pc) =	sbr.rel @p0 .LBB2_7-.Ltmp2, $4  }
0x12c: {  	v23 =	vadd.f32 v19, v23;
	v25 =	vor.u32 v8, v24;
	v19 =	vld.idx.msk [tilespmem:v22+s8+$0x0], $0xffff  }
0x12d: {  	v22 =	vor.u32 v10, v25  }
0x12e: {  	v24 =	vor.u32 v9, v24;
	v23 =	vadd.f32 v20, v23;
	v20 =	vld.idx.msk [tilespmem:v21+s8+$0x0], $0xffff  }
0x12f: {  	v21 =	vor.u32 v10, v24  }
0x130: {  	_ =	sdelay $0x3  }
0x131: {  	v22 =	vld.idx.msk [tilespmem:v22+s8+$0x0], $0xffff  }
0x132: {  	s9 =	simm.s32 $0x258;
	v19 =	vadd.f32 v19, v23  }
0x133: {  	v21 =	vld.idx.msk [tilespmem:v21+s8+$0x0], $0xffff;
	v23 =	vmov s9  }
0x134: {  	v19 =	vadd.f32 v20, v19;
	v20 =	vshll.u32 v23, $0x4  }
0x135: {  	v23 =	vor.u32 v8, v20  }
0x136: {  	v19 =	vadd.f32 v22, v19;
	v22 =	vor.u32 v10, v23  }
0x137: {  	s18 =	simm.s32 $0x260;
	v20 =	vor.u32 v9, v20  }
0x138: {  	v20 =	vor.u32 v10, v20;
	v19 =	vadd.f32 v21, v19;
	v21 =	vmov s18  }
0x139: {  	v21 =	vshll.u32 v21, $0x4  }
0x13a: {  	[tilespmem:$0x1A920] =	vst v19;
	v24 =	vor.u32 v8, v21  }
0x13b: {  	v19 =	vld.idx.msk [tilespmem:v22+s8+$0x0], $0xffff;
	v22 =	vor.u32 v10, v24  }
0x13c: {  	v21 =	vor.u32 v9, v21  }
0x13d: {  	v23 =	vimm.f32 $0.0e+00;
	s18 =	simm.s32 $0x268;
	v20 =	vld.idx.msk [tilespmem:v20+s8+$0x0], $0xffff;
	v21 =	vor.u32 v10, v21  }
.LBB2_9:
0x13e: {  	v24 =	vmov s18;
	p0 =	sne.s32 s18, $0x318;
	s18 =	sadd.s32 $0x8, s18  }
.Ltmp3:
0x13f: {  	v24 =	vshll.u32 v24, $0x4;
	(pc) =	sbr.rel @p0 .LBB2_9-.Ltmp3, $4  }
0x140: {  	v23 =	vadd.f32 v19, v23;
	v25 =	vor.u32 v8, v24;
	v19 =	vld.idx.msk [tilespmem:v22+s8+$0x0], $0xffff  }
0x141: {  	v22 =	vor.u32 v10, v25  }
0x142: {  	v24 =	vor.u32 v9, v24;
	v23 =	vadd.f32 v20, v23;
	v20 =	vld.idx.msk [tilespmem:v21+s8+$0x0], $0xffff  }
0x143: {  	v21 =	vor.u32 v10, v24  }
0x144: {  	_ =	sdelay $0x3  }
0x145: {  	v22 =	vld.idx.msk [tilespmem:v22+s8+$0x0], $0xffff  }
0x146: {  	s9 =	simm.s32 $0x320;
	v19 =	vadd.f32 v19, v23  }
0x147: {  	v21 =	vld.idx.msk [tilespmem:v21+s8+$0x0], $0xffff;
	v23 =	vmov s9  }
0x148: {  	v19 =	vadd.f32 v20, v19;
	v20 =	vshll.u32 v23, $0x4  }
0x149: {  	v23 =	vor.u32 v8, v20  }
0x14a: {  	v19 =	vadd.f32 v22, v19;
	v22 =	vor.u32 v10, v23  }
0x14b: {  	s18 =	simm.s32 $0x328;
	v20 =	vor.u32 v9, v20  }
0x14c: {  	v20 =	vor.u32 v10, v20;
	v19 =	vadd.f32 v21, v19;
	v21 =	vmov s18  }
0x14d: {  	v21 =	vshll.u32 v21, $0x4  }
0x14e: {  	[tilespmem:$0x1A930] =	vst v19;
	v24 =	vor.u32 v8, v21  }
0x14f: {  	v19 =	vld.idx.msk [tilespmem:v22+s8+$0x0], $0xffff;
	v22 =	vor.u32 v10, v24  }
0x150: {  	v21 =	vor.u32 v9, v21  }
0x151: {  	v23 =	vimm.f32 $0.0e+00;
	s18 =	simm.s32 $0x330;
	v20 =	vld.idx.msk [tilespmem:v20+s8+$0x0], $0xffff;
	v21 =	vor.u32 v10, v21  }
.LBB2_11:
0x152: {  	v24 =	vmov s18;
	p0 =	sne.s32 s18, $0x3E0;
	s18 =	sadd.s32 $0x8, s18  }
.Ltmp4:
0x153: {  	v24 =	vshll.u32 v24, $0x4;
	(pc) =	sbr.rel @p0 .LBB2_11-.Ltmp4, $4  }
0x154: {  	v23 =	vadd.f32 v19, v23;
	v25 =	vor.u32 v8, v24;
	v19 =	vld.idx.msk [tilespmem:v22+s8+$0x0], $0xffff  }
0x155: {  	v22 =	vor.u32 v10, v25  }
0x156: {  	v24 =	vor.u32 v9, v24;
	v23 =	vadd.f32 v20, v23;
	v20 =	vld.idx.msk [tilespmem:v21+s8+$0x0], $0xffff  }
0x157: {  	v21 =	vor.u32 v10, v24  }
0x158: {  	_ =	sdelay $0x3  }
0x159: {  	v22 =	vld.idx.msk [tilespmem:v22+s8+$0x0], $0xffff  }
0x15a: {  	s9 =	simm.s32 $0x3E8;
	v19 =	vadd.f32 v19, v23  }
0x15b: {  	v21 =	vld.idx.msk [tilespmem:v21+s8+$0x0], $0xffff;
	v23 =	vmov s9  }
0x15c: {  	v19 =	vadd.f32 v20, v19;
	v20 =	vshll.u32 v23, $0x4  }
0x15d: {  	v23 =	vor.u32 v8, v20  }
0x15e: {  	v19 =	vadd.f32 v22, v19;
	v22 =	vor.u32 v10, v23  }
0x15f: {  	s18 =	simm.s32 $0x3F0;
	v20 =	vor.u32 v9, v20  }
0x160: {  	v20 =	vor.u32 v10, v20;
	v19 =	vadd.f32 v21, v19;
	v21 =	vmov s18  }
0x161: {  	v21 =	vshll.u32 v21, $0x4  }
0x162: {  	[tilespmem:$0x1A940] =	vst v19;
	v24 =	vor.u32 v8, v21  }
0x163: {  	v19 =	vld.idx.msk [tilespmem:v22+s8+$0x0], $0xffff;
	v22 =	vor.u32 v10, v24  }
0x164: {  	v21 =	vor.u32 v9, v21  }
0x165: {  	v23 =	vimm.f32 $0.0e+00;
	s18 =	simm.s32 $0x3F8;
	v20 =	vld.idx.msk [tilespmem:v20+s8+$0x0], $0xffff;
	v21 =	vor.u32 v10, v21  }
.LBB2_13:
0x166: {  	v24 =	vmov s18;
	p0 =	sne.s32 s18, $0x4A8;
	s18 =	sadd.s32 $0x8, s18  }
.Ltmp5:
0x167: {  	v24 =	vshll.u32 v24, $0x4;
	(pc) =	sbr.rel @p0 .LBB2_13-.Ltmp5, $4  }
0x168: {  	v23 =	vadd.f32 v19, v23;
	v25 =	vor.u32 v8, v24;
	v19 =	vld.idx.msk [tilespmem:v22+s8+$0x0], $0xffff  }
0x169: {  	v22 =	vor.u32 v10, v25  }
0x16a: {  	v24 =	vor.u32 v9, v24;
	v23 =	vadd.f32 v20, v23;
	v20 =	vld.idx.msk [tilespmem:v21+s8+$0x0], $0xffff  }
0x16b: {  	v21 =	vor.u32 v10, v24  }
0x16c: {  	_ =	sdelay $0x3  }
0x16d: {  	v22 =	vld.idx.msk [tilespmem:v22+s8+$0x0], $0xffff  }
0x16e: {  	s9 =	simm.s32 $0x4B0;
	v19 =	vadd.f32 v19, v23  }
0x16f: {  	v21 =	vld.idx.msk [tilespmem:v21+s8+$0x0], $0xffff;
	v23 =	vmov s9  }
0x170: {  	v19 =	vadd.f32 v20, v19;
	v20 =	vshll.u32 v23, $0x4  }
0x171: {  	v23 =	vor.u32 v8, v20  }
0x172: {  	v19 =	vadd.f32 v22, v19;
	v22 =	vor.u32 v10, v23  }
0x173: {  	s18 =	simm.s32 $0x4B8;
	v20 =	vor.u32 v9, v20  }
0x174: {  	v20 =	vor.u32 v10, v20;
	v19 =	vadd.f32 v21, v19;
	v21 =	vmov s18  }
0x175: {  	v21 =	vshll.u32 v21, $0x4  }
0x176: {  	[tilespmem:$0x1A950] =	vst v19;
	v24 =	vor.u32 v8, v21  }
0x177: {  	v19 =	vld.idx.msk [tilespmem:v22+s8+$0x0], $0xffff;
	v22 =	vor.u32 v10, v24  }
0x178: {  	v21 =	vor.u32 v9, v21  }
0x179: {  	v23 =	vimm.f32 $0.0e+00;
	s18 =	simm.s32 $0x4C0;
	v20 =	vld.idx.msk [tilespmem:v20+s8+$0x0], $0xffff;
	v21 =	vor.u32 v10, v21  }
.LBB2_15:
0x17a: {  	v24 =	vmov s18;
	p0 =	sne.s32 s18, $0x570;
	s18 =	sadd.s32 $0x8, s18  }
.Ltmp6:
0x17b: {  	v24 =	vshll.u32 v24, $0x4;
	(pc) =	sbr.rel @p0 .LBB2_15-.Ltmp6, $4  }
0x17c: {  	v23 =	vadd.f32 v19, v23;
	v25 =	vor.u32 v8, v24;
	v19 =	vld.idx.msk [tilespmem:v22+s8+$0x0], $0xffff  }
0x17d: {  	v22 =	vor.u32 v10, v25  }
0x17e: {  	v24 =	vor.u32 v9, v24;
	v23 =	vadd.f32 v20, v23;
	v20 =	vld.idx.msk [tilespmem:v21+s8+$0x0], $0xffff  }
0x17f: {  	v21 =	vor.u32 v10, v24  }
0x180: {  	_ =	sdelay $0x3  }
0x181: {  	v22 =	vld.idx.msk [tilespmem:v22+s8+$0x0], $0xffff  }
0x182: {  	s9 =	simm.s32 $0x578;
	v19 =	vadd.f32 v19, v23  }
0x183: {  	v21 =	vld.idx.msk [tilespmem:v21+s8+$0x0], $0xffff;
	v23 =	vmov s9  }
0x184: {  	v19 =	vadd.f32 v20, v19;
	v20 =	vshll.u32 v23, $0x4  }
0x185: {  	v23 =	vor.u32 v8, v20  }
0x186: {  	v19 =	vadd.f32 v22, v19;
	v22 =	vor.u32 v10, v23  }
0x187: {  	s18 =	simm.s32 $0x580;
	v20 =	vor.u32 v9, v20  }
0x188: {  	v20 =	vor.u32 v10, v20;
	v19 =	vadd.f32 v21, v19;
	v21 =	vmov s18  }
0x189: {  	v21 =	vshll.u32 v21, $0x4  }
0x18a: {  	[tilespmem:$0x1A960] =	vst v19;
	v24 =	vor.u32 v8, v21  }
0x18b: {  	v19 =	vld.idx.msk [tilespmem:v22+s8+$0x0], $0xffff;
	v22 =	vor.u32 v10, v24  }
0x18c: {  	v21 =	vor.u32 v9, v21  }
0x18d: {  	v23 =	vimm.f32 $0.0e+00;
	s18 =	simm.s32 $0x588;
	v20 =	vld.idx.msk [tilespmem:v20+s8+$0x0], $0xffff;
	v21 =	vor.u32 v10, v21  }
.LBB2_17:
0x18e: {  	v24 =	vmov s18;
	p0 =	sne.s32 s18, $0x638;
	s18 =	sadd.s32 $0x8, s18  }
.Ltmp7:
0x18f: {  	v24 =	vshll.u32 v24, $0x4;
	(pc) =	sbr.rel @p0 .LBB2_17-.Ltmp7, $4  }
0x190: {  	v23 =	vadd.f32 v19, v23;
	v25 =	vor.u32 v8, v24;
	v19 =	vld.idx.msk [tilespmem:v22+s8+$0x0], $0xffff  }
0x191: {  	v22 =	vor.u32 v10, v25  }
0x192: {  	v24 =	vor.u32 v9, v24;
	v23 =	vadd.f32 v20, v23;
	v20 =	vld.idx.msk [tilespmem:v21+s8+$0x0], $0xffff  }
0x193: {  	v21 =	vor.u32 v10, v24  }
0x194: {  	_ =	sdelay $0x3  }
0x195: {  	v22 =	vld.idx.msk [tilespmem:v22+s8+$0x0], $0xffff  }
0x196: {  	s9 =	simm.s32 $0x640;
	v19 =	vadd.f32 v19, v23  }
0x197: {  	v21 =	vld.idx.msk [tilespmem:v21+s8+$0x0], $0xffff;
	v23 =	vmov s9  }
0x198: {  	v19 =	vadd.f32 v20, v19;
	v20 =	vshll.u32 v23, $0x4  }
0x199: {  	v23 =	vor.u32 v8, v20  }
0x19a: {  	v19 =	vadd.f32 v22, v19;
	v22 =	vor.u32 v10, v23  }
0x19b: {  	s18 =	simm.s32 $0x648;
	v20 =	vor.u32 v9, v20  }
0x19c: {  	v20 =	vor.u32 v10, v20;
	v19 =	vadd.f32 v21, v19;
	v21 =	vmov s18  }
0x19d: {  	v21 =	vshll.u32 v21, $0x4  }
0x19e: {  	[tilespmem:$0x1A970] =	vst v19;
	v24 =	vor.u32 v8, v21  }
0x19f: {  	v19 =	vld.idx.msk [tilespmem:v22+s8+$0x0], $0xffff;
	v22 =	vor.u32 v10, v24  }
0x1a0: {  	v21 =	vor.u32 v9, v21  }
0x1a1: {  	v23 =	vimm.f32 $0.0e+00;
	s18 =	simm.s32 $0x650;
	v20 =	vld.idx.msk [tilespmem:v20+s8+$0x0], $0xffff;
	v21 =	vor.u32 v10, v21  }
.LBB2_19:
0x1a2: {  	v24 =	vmov s18;
	p0 =	sne.s32 s18, $0x700;
	s18 =	sadd.s32 $0x8, s18  }
.Ltmp8:
0x1a3: {  	v24 =	vshll.u32 v24, $0x4;
	(pc) =	sbr.rel @p0 .LBB2_19-.Ltmp8, $4  }
0x1a4: {  	v23 =	vadd.f32 v19, v23;
	v25 =	vor.u32 v8, v24;
	v19 =	vld.idx.msk [tilespmem:v22+s8+$0x0], $0xffff  }
0x1a5: {  	v22 =	vor.u32 v10, v25  }
0x1a6: {  	v24 =	vor.u32 v9, v24;
	v23 =	vadd.f32 v20, v23;
	v20 =	vld.idx.msk [tilespmem:v21+s8+$0x0], $0xffff  }
0x1a7: {  	v21 =	vor.u32 v10, v24  }
0x1a8: {  	_ =	sdelay $0x3  }
0x1a9: {  	v22 =	vld.idx.msk [tilespmem:v22+s8+$0x0], $0xffff  }
0x1aa: {  	s9 =	simm.s32 $0x708;
	v19 =	vadd.f32 v19, v23  }
0x1ab: {  	v21 =	vld.idx.msk [tilespmem:v21+s8+$0x0], $0xffff;
	v23 =	vmov s9  }
0x1ac: {  	v19 =	vadd.f32 v20, v19;
	v20 =	vshll.u32 v23, $0x4  }
0x1ad: {  	v23 =	vor.u32 v8, v20  }
0x1ae: {  	v19 =	vadd.f32 v22, v19;
	v22 =	vor.u32 v10, v23  }
0x1af: {  	s18 =	simm.s32 $0x710;
	v20 =	vor.u32 v9, v20  }
0x1b0: {  	v20 =	vor.u32 v10, v20;
	v19 =	vadd.f32 v21, v19;
	v21 =	vmov s18  }
0x1b1: {  	v21 =	vshll.u32 v21, $0x4  }
0x1b2: {  	[tilespmem:$0x1A980] =	vst v19;
	v24 =	vor.u32 v8, v21  }
0x1b3: {  	v19 =	vld.idx.msk [tilespmem:v22+s8+$0x0], $0xffff;
	v22 =	vor.u32 v10, v24  }
0x1b4: {  	v21 =	vor.u32 v9, v21  }
0x1b5: {  	v23 =	vimm.f32 $0.0e+00;
	s18 =	simm.s32 $0x718;
	v20 =	vld.idx.msk [tilespmem:v20+s8+$0x0], $0xffff;
	v21 =	vor.u32 v10, v21  }
.LBB2_21:
0x1b6: {  	v24 =	vmov s18;
	p0 =	sne.s32 s18, $0x7C8;
	s18 =	sadd.s32 $0x8, s18  }
.Ltmp9:
0x1b7: {  	v24 =	vshll.u32 v24, $0x4;
	(pc) =	sbr.rel @p0 .LBB2_21-.Ltmp9, $4  }
0x1b8: {  	v23 =	vadd.f32 v19, v23;
	v25 =	vor.u32 v8, v24;
	v19 =	vld.idx.msk [tilespmem:v22+s8+$0x0], $0xffff  }
0x1b9: {  	v22 =	vor.u32 v10, v25  }
0x1ba: {  	v24 =	vor.u32 v9, v24;
	v23 =	vadd.f32 v20, v23;
	v20 =	vld.idx.msk [tilespmem:v21+s8+$0x0], $0xffff  }
0x1bb: {  	v21 =	vor.u32 v10, v24  }
0x1bc: {  	_ =	sdelay $0x3  }
0x1bd: {  	v22 =	vld.idx.msk [tilespmem:v22+s8+$0x0], $0xffff  }
0x1be: {  	s9 =	simm.s32 $0x7D0;
	v19 =	vadd.f32 v19, v23  }
0x1bf: {  	v21 =	vld.idx.msk [tilespmem:v21+s8+$0x0], $0xffff;
	v23 =	vmov s9  }
0x1c0: {  	v19 =	vadd.f32 v20, v19;
	v20 =	vshll.u32 v23, $0x4  }
0x1c1: {  	v23 =	vor.u32 v8, v20  }
0x1c2: {  	v19 =	vadd.f32 v22, v19;
	v22 =	vor.u32 v10, v23  }
0x1c3: {  	s18 =	simm.s32 $0x7D8;
	v20 =	vor.u32 v9, v20  }
0x1c4: {  	v20 =	vor.u32 v10, v20;
	v19 =	vadd.f32 v21, v19;
	v21 =	vmov s18  }
0x1c5: {  	v21 =	vshll.u32 v21, $0x4  }
0x1c6: {  	[tilespmem:$0x1A990] =	vst v19;
	v24 =	vor.u32 v8, v21  }
0x1c7: {  	v19 =	vld.idx.msk [tilespmem:v22+s8+$0x0], $0xffff;
	v22 =	vor.u32 v10, v24  }
0x1c8: {  	v21 =	vor.u32 v9, v21  }
0x1c9: {  	v23 =	vimm.f32 $0.0e+00;
	s18 =	simm.s32 $0x7E0;
	v20 =	vld.idx.msk [tilespmem:v20+s8+$0x0], $0xffff;
	v21 =	vor.u32 v10, v21  }
.LBB2_23:
0x1ca: {  	v24 =	vmov s18;
	p0 =	sne.s32 s18, $0x890;
	s18 =	sadd.s32 $0x8, s18  }
.Ltmp10:
0x1cb: {  	v24 =	vshll.u32 v24, $0x4;
	(pc) =	sbr.rel @p0 .LBB2_23-.Ltmp10, $4  }
0x1cc: {  	v23 =	vadd.f32 v19, v23;
	v25 =	vor.u32 v8, v24;
	v19 =	vld.idx.msk [tilespmem:v22+s8+$0x0], $0xffff  }
0x1cd: {  	v22 =	vor.u32 v10, v25  }
0x1ce: {  	v24 =	vor.u32 v9, v24;
	v23 =	vadd.f32 v20, v23;
	v20 =	vld.idx.msk [tilespmem:v21+s8+$0x0], $0xffff  }
0x1cf: {  	v21 =	vor.u32 v10, v24  }
0x1d0: {  	_ =	sdelay $0x3  }
0x1d1: {  	v22 =	vld.idx.msk [tilespmem:v22+s8+$0x0], $0xffff  }
0x1d2: {  	s9 =	simm.s32 $0x898;
	v19 =	vadd.f32 v19, v23  }
0x1d3: {  	v21 =	vld.idx.msk [tilespmem:v21+s8+$0x0], $0xffff;
	v23 =	vmov s9  }
0x1d4: {  	v19 =	vadd.f32 v20, v19;
	v20 =	vshll.u32 v23, $0x4  }
0x1d5: {  	v23 =	vor.u32 v8, v20  }
0x1d6: {  	v19 =	vadd.f32 v22, v19;
	v22 =	vor.u32 v10, v23  }
0x1d7: {  	s18 =	simm.s32 $0x8A0;
	v20 =	vor.u32 v9, v20  }
0x1d8: {  	v20 =	vor.u32 v10, v20;
	v19 =	vadd.f32 v21, v19;
	v21 =	vmov s18  }
0x1d9: {  	v21 =	vshll.u32 v21, $0x4  }
0x1da: {  	[tilespmem:$0x1A9A0] =	vst v19;
	v24 =	vor.u32 v8, v21  }
0x1db: {  	v19 =	vld.idx.msk [tilespmem:v22+s8+$0x0], $0xffff;
	v22 =	vor.u32 v10, v24  }
0x1dc: {  	v21 =	vor.u32 v9, v21  }
0x1dd: {  	v23 =	vimm.f32 $0.0e+00;
	s18 =	simm.s32 $0x8A8;
	v20 =	vld.idx.msk [tilespmem:v20+s8+$0x0], $0xffff;
	v21 =	vor.u32 v10, v21  }
.LBB2_25:
0x1de: {  	v24 =	vmov s18;
	p0 =	sne.s32 s18, $0x958;
	s18 =	sadd.s32 $0x8, s18  }
.Ltmp11:
0x1df: {  	v24 =	vshll.u32 v24, $0x4;
	(pc) =	sbr.rel @p0 .LBB2_25-.Ltmp11, $4  }
0x1e0: {  	v23 =	vadd.f32 v19, v23;
	v25 =	vor.u32 v8, v24;
	v19 =	vld.idx.msk [tilespmem:v22+s8+$0x0], $0xffff  }
0x1e1: {  	v22 =	vor.u32 v10, v25  }
0x1e2: {  	v24 =	vor.u32 v9, v24;
	v23 =	vadd.f32 v20, v23;
	v20 =	vld.idx.msk [tilespmem:v21+s8+$0x0], $0xffff  }
0x1e3: {  	v21 =	vor.u32 v10, v24  }
0x1e4: {  	_ =	sdelay $0x3  }
0x1e5: {  	v22 =	vld.idx.msk [tilespmem:v22+s8+$0x0], $0xffff  }
0x1e6: {  	s9 =	simm.s32 $0x960;
	v19 =	vadd.f32 v19, v23  }
0x1e7: {  	v21 =	vld.idx.msk [tilespmem:v21+s8+$0x0], $0xffff;
	v23 =	vmov s9  }
0x1e8: {  	v19 =	vadd.f32 v20, v19;
	v20 =	vshll.u32 v23, $0x4  }
0x1e9: {  	v23 =	vor.u32 v8, v20  }
0x1ea: {  	v19 =	vadd.f32 v22, v19;
	v22 =	vor.u32 v10, v23  }
0x1eb: {  	s18 =	simm.s32 $0x968;
	v20 =	vor.u32 v9, v20  }
0x1ec: {  	v20 =	vor.u32 v10, v20;
	v19 =	vadd.f32 v21, v19;
	v21 =	vmov s18  }
0x1ed: {  	v21 =	vshll.u32 v21, $0x4  }
0x1ee: {  	[tilespmem:$0x1A9B0] =	vst v19;
	v24 =	vor.u32 v8, v21  }
0x1ef: {  	v19 =	vld.idx.msk [tilespmem:v22+s8+$0x0], $0xffff;
	v22 =	vor.u32 v10, v24  }
0x1f0: {  	v21 =	vor.u32 v9, v21  }
0x1f1: {  	v23 =	vimm.f32 $0.0e+00;
	s18 =	simm.s32 $0x970;
	v20 =	vld.idx.msk [tilespmem:v20+s8+$0x0], $0xffff;
	v21 =	vor.u32 v10, v21  }
.LBB2_27:
0x1f2: {  	v24 =	vmov s18;
	p0 =	sne.s32 s18, $0xA20;
	s18 =	sadd.s32 $0x8, s18  }
.Ltmp12:
0x1f3: {  	v24 =	vshll.u32 v24, $0x4;
	(pc) =	sbr.rel @p0 .LBB2_27-.Ltmp12, $4  }
0x1f4: {  	v23 =	vadd.f32 v19, v23;
	v25 =	vor.u32 v8, v24;
	v19 =	vld.idx.msk [tilespmem:v22+s8+$0x0], $0xffff  }
0x1f5: {  	v22 =	vor.u32 v10, v25  }
0x1f6: {  	v24 =	vor.u32 v9, v24;
	v23 =	vadd.f32 v20, v23;
	v20 =	vld.idx.msk [tilespmem:v21+s8+$0x0], $0xffff  }
0x1f7: {  	v21 =	vor.u32 v10, v24  }
0x1f8: {  	_ =	sdelay $0x3  }
0x1f9: {  	v22 =	vld.idx.msk [tilespmem:v22+s8+$0x0], $0xffff  }
0x1fa: {  	s9 =	simm.s32 $0xA28;
	v19 =	vadd.f32 v19, v23  }
0x1fb: {  	v21 =	vld.idx.msk [tilespmem:v21+s8+$0x0], $0xffff;
	v23 =	vmov s9  }
0x1fc: {  	v19 =	vadd.f32 v20, v19;
	v20 =	vshll.u32 v23, $0x4  }
0x1fd: {  	v23 =	vor.u32 v8, v20  }
0x1fe: {  	v19 =	vadd.f32 v22, v19;
	v22 =	vor.u32 v10, v23  }
0x1ff: {  	s18 =	simm.s32 $0xA30;
	v20 =	vor.u32 v9, v20  }
0x200: {  	v20 =	vor.u32 v10, v20;
	v19 =	vadd.f32 v21, v19;
	v21 =	vmov s18  }
0x201: {  	v21 =	vshll.u32 v21, $0x4  }
0x202: {  	[tilespmem:$0x1A9C0] =	vst v19;
	v24 =	vor.u32 v8, v21  }
0x203: {  	v19 =	vld.idx.msk [tilespmem:v22+s8+$0x0], $0xffff;
	v22 =	vor.u32 v10, v24  }
0x204: {  	v21 =	vor.u32 v9, v21  }
0x205: {  	v23 =	vimm.f32 $0.0e+00;
	s18 =	simm.s32 $0xA38;
	v20 =	vld.idx.msk [tilespmem:v20+s8+$0x0], $0xffff;
	v21 =	vor.u32 v10, v21  }
.LBB2_29:
0x206: {  	v24 =	vmov s18;
	p0 =	sne.s32 s18, $0xAE8;
	s18 =	sadd.s32 $0x8, s18  }
.Ltmp13:
0x207: {  	v24 =	vshll.u32 v24, $0x4;
	(pc) =	sbr.rel @p0 .LBB2_29-.Ltmp13, $4  }
0x208: {  	v23 =	vadd.f32 v19, v23;
	v25 =	vor.u32 v8, v24;
	v19 =	vld.idx.msk [tilespmem:v22+s8+$0x0], $0xffff  }
0x209: {  	v22 =	vor.u32 v10, v25  }
0x20a: {  	v24 =	vor.u32 v9, v24;
	v23 =	vadd.f32 v20, v23;
	v20 =	vld.idx.msk [tilespmem:v21+s8+$0x0], $0xffff  }
0x20b: {  	v21 =	vor.u32 v10, v24  }
0x20c: {  	_ =	sdelay $0x3  }
0x20d: {  	v22 =	vld.idx.msk [tilespmem:v22+s8+$0x0], $0xffff  }
0x20e: {  	s9 =	simm.s32 $0xAF0;
	v19 =	vadd.f32 v19, v23  }
0x20f: {  	v21 =	vld.idx.msk [tilespmem:v21+s8+$0x0], $0xffff;
	v23 =	vmov s9  }
0x210: {  	v19 =	vadd.f32 v20, v19;
	v20 =	vshll.u32 v23, $0x4  }
0x211: {  	v23 =	vor.u32 v8, v20  }
0x212: {  	v19 =	vadd.f32 v22, v19;
	v22 =	vor.u32 v10, v23  }
0x213: {  	s18 =	simm.s32 $0xAF8;
	v20 =	vor.u32 v9, v20  }
0x214: {  	v20 =	vor.u32 v10, v20;
	v19 =	vadd.f32 v21, v19;
	v21 =	vmov s18  }
0x215: {  	v21 =	vshll.u32 v21, $0x4  }
0x216: {  	[tilespmem:$0x1A9D0] =	vst v19;
	v24 =	vor.u32 v8, v21  }
0x217: {  	v19 =	vld.idx.msk [tilespmem:v22+s8+$0x0], $0xffff;
	v22 =	vor.u32 v10, v24  }
0x218: {  	v21 =	vor.u32 v9, v21  }
0x219: {  	v23 =	vimm.f32 $0.0e+00;
	s18 =	simm.s32 $0xB00;
	v20 =	vld.idx.msk [tilespmem:v20+s8+$0x0], $0xffff;
	v21 =	vor.u32 v10, v21  }
.LBB2_31:
0x21a: {  	v24 =	vmov s18;
	p0 =	sne.s32 s18, $0xBB0;
	s18 =	sadd.s32 $0x8, s18  }
.Ltmp14:
0x21b: {  	v24 =	vshll.u32 v24, $0x4;
	(pc) =	sbr.rel @p0 .LBB2_31-.Ltmp14, $4  }
0x21c: {  	v23 =	vadd.f32 v19, v23;
	v25 =	vor.u32 v8, v24;
	v19 =	vld.idx.msk [tilespmem:v22+s8+$0x0], $0xffff  }
0x21d: {  	v22 =	vor.u32 v10, v25  }
0x21e: {  	v24 =	vor.u32 v9, v24;
	v23 =	vadd.f32 v20, v23;
	v20 =	vld.idx.msk [tilespmem:v21+s8+$0x0], $0xffff  }
0x21f: {  	v21 =	vor.u32 v10, v24  }
0x220: {  	_ =	sdelay $0x3  }
0x221: {  	v22 =	vld.idx.msk [tilespmem:v22+s8+$0x0], $0xffff  }
0x222: {  	s9 =	simm.s32 $0xBB8;
	v19 =	vadd.f32 v19, v23  }
0x223: {  	v21 =	vld.idx.msk [tilespmem:v21+s8+$0x0], $0xffff;
	v23 =	vmov s9  }
0x224: {  	v19 =	vadd.f32 v20, v19;
	v20 =	vshll.u32 v23, $0x4  }
0x225: {  	v23 =	vor.u32 v8, v20  }
0x226: {  	v19 =	vadd.f32 v22, v19;
	v22 =	vor.u32 v10, v23  }
0x227: {  	s18 =	simm.s32 $0xBC0;
	v20 =	vor.u32 v9, v20  }
0x228: {  	v20 =	vor.u32 v10, v20;
	v19 =	vadd.f32 v21, v19;
	v21 =	vmov s18  }
0x229: {  	v21 =	vshll.u32 v21, $0x4  }
0x22a: {  	[tilespmem:$0x1A9E0] =	vst v19;
	v24 =	vor.u32 v8, v21  }
0x22b: {  	v19 =	vld.idx.msk [tilespmem:v22+s8+$0x0], $0xffff;
	v22 =	vor.u32 v9, v21;
	v21 =	vor.u32 v10, v24;
	_ =	sdelay $0x1  }
0x22c: {  	v23 =	vimm.f32 $0.0e+00;
	s18 =	simm.s32 $0xBC8;
	v20 =	vld.idx.msk [tilespmem:v20+s8+$0x0], $0xffff;
	v22 =	vor.u32 v10, v22  }
.LBB2_33:
0x22d: {  	v24 =	vmov s18;
	p0 =	sne.s32 s18, $0xC78;
	s18 =	sadd.s32 $0x8, s18  }
.Ltmp15:
0x22e: {  	v24 =	vshll.u32 v24, $0x4;
	(pc) =	sbr.rel @p0 .LBB2_33-.Ltmp15, $4  }
0x22f: {  	v23 =	vadd.f32 v19, v23;
	v25 =	vor.u32 v8, v24;
	v19 =	vld.idx.msk [tilespmem:v21+s8+$0x0], $0xffff  }
0x230: {  	v21 =	vor.u32 v10, v25  }
0x231: {  	v24 =	vor.u32 v9, v24;
	v23 =	vadd.f32 v20, v23;
	v20 =	vld.idx.msk [tilespmem:v22+s8+$0x0], $0xffff  }
0x232: {  	v22 =	vor.u32 v10, v24  }
0x233: {  	_ =	sdelay $0x3  }
0x234: {  	v21 =	vld.idx.msk [tilespmem:v21+s8+$0x0], $0xffff  }
0x235: {  	v19 =	vadd.f32 v19, v23  }
0x236: {  	v22 =	vld.idx.msk [tilespmem:v22+s8+$0x0], $0xffff  }
0x237: {  	v19 =	vadd.f32 v20, v19;
	_ =	sdelay $0x1  }
0x238: {  	v19 =	vadd.f32 v21, v19;
	_ =	sdelay $0x1  }
0x239: {  	v19 =	vadd.f32 v22, v19;
	_ =	sdelay $0x1  }
0x23a: {  	[tilespmem:$0x1A9F0] =	vst v19  }
0x23b: {  	v19 =	vld.idx.msk [tilespmem:v0+s31+$0x0], $0xffff  }
0x23c: {  	v20 =	vld.idx.msk [tilespmem:v1+s31+$0x0], $0xffff;
	_ =	sdelay $0x1  }
0x23d: {  	v56 =	vld.idx.msk [tilespmem:v2+s31+$0x0], $0xffff;
	_ =	sdelay $0x1  }
0x23e: {  	v57 =	vld.idx.msk [tilespmem:v3+s31+$0x0], $0xffff  }
0x23f: {  	v19 =	vadd.f32 v20, v19  }
0x240: {  	v20 =	vld [tilespmem:$0x1AA40]  }
0x241: {  	v19 =	vadd.f32 v56, v19;
	_ =	sdelay $0x1  }
0x242: {  	v19 =	vadd.f32 v57, v19;
	_ =	sdelay $0x1  }
0x243: {  	v19 =	vadd.f32 v20, v19;
	_ =	sdelay $0x1  }
0x244: {  	[tilespmem:$0x1AA00] =	vst v19  }
0x245: {  	v19 =	vld.idx.msk [tilespmem:v4+s31+$0x0], $0xffff  }
0x246: {  	v20 =	vld.idx.msk [tilespmem:v5+s31+$0x0], $0xffff;
	_ =	sdelay $0x1  }
0x247: {  	v58 =	vld.idx.msk [tilespmem:v6+s31+$0x0], $0xffff;
	_ =	sdelay $0x1  }
0x248: {  	v59 =	vld.idx.msk [tilespmem:v7+s31+$0x0], $0xffff  }
0x249: {  	v19 =	vadd.f32 v20, v19  }
0x24a: {  	v20 =	vld [tilespmem:$0x1AA40]  }
0x24b: {  	v19 =	vadd.f32 v58, v19;
	_ =	sdelay $0x1  }
0x24c: {  	v19 =	vadd.f32 v59, v19;
	_ =	sdelay $0x1  }
0x24d: {  	v19 =	vadd.f32 v20, v19;
	_ =	sdelay $0x1  }
0x24e: {  	[tilespmem:$0x1AA10] =	vst v19  }
0x24f: {  	v19 =	vld.idx.msk [tilespmem:v11+s31+$0x0], $0xffff  }
0x250: {  	v20 =	vld.idx.msk [tilespmem:v12+s31+$0x0], $0xffff;
	_ =	sdelay $0x1  }
0x251: {  	v60 =	vld.idx.msk [tilespmem:v13+s31+$0x0], $0xffff;
	_ =	sdelay $0x1  }
0x252: {  	v61 =	vld.idx.msk [tilespmem:v14+s31+$0x0], $0xffff  }
0x253: {  	v19 =	vadd.f32 v20, v19  }
0x254: {  	v20 =	vld [tilespmem:$0x1AA40]  }
0x255: {  	v19 =	vadd.f32 v60, v19;
	_ =	sdelay $0x1  }
0x256: {  	v19 =	vadd.f32 v61, v19;
	_ =	sdelay $0x1  }
0x257: {  	v19 =	vadd.f32 v20, v19;
	_ =	sdelay $0x1  }
0x258: {  	[tilespmem:$0x1AA20] =	vst v19  }
0x259: {  	v19 =	vld.idx.msk [tilespmem:v15+s31+$0x0], $0xffff  }
0x25a: {  	v20 =	vld.idx.msk [tilespmem:v16+s31+$0x0], $0xffff;
	_ =	sdelay $0x1  }
0x25b: {  	v62 =	vld.idx.msk [tilespmem:v17+s31+$0x0], $0xffff;
	_ =	sdelay $0x1  }
0x25c: {  	v63 =	vld.idx.msk [tilespmem:v18+s31+$0x0], $0xffff  }
0x25d: {  	v19 =	vadd.f32 v20, v19  }
0x25e: {  	v20 =	vld [tilespmem:$0x1AA40]  }
0x25f: {  	v19 =	vadd.f32 v62, v19;
	_ =	sdelay $0x1  }
0x260: {  	v19 =	vadd.f32 v63, v19;
	_ =	sdelay $0x1  }
0x261: {  	v19 =	vadd.f32 v20, v19  }
0x262: {  	s9 =	sshll.u32 s7, $0x4;
	p0 =	seq.s32 s7, $0xF  }
.Ltmp16:
0x263: {  	s9 =	sadd.s32 s9, s16;
	[tilespmem:$0x1AA30] =	vst v19;
	(pc) =	sbr.rel @p0 .LBB2_36-.Ltmp16, $4  }
0x264: {  	[hbm4b:s9+s2] =	stream.linear.scatter [tilespmem:s0], [sflag:$0x3], $0x40, $0x38;
	[tilespmem:$0x1AA50] =	vst v63  }
0x265: {  	_ =	swait.ge [sflag:s23], $0x40  }
0x266: {  	[sflag:s23] =	ssyncset.done $0x0  }
0x267: {  	[sflag:s23] =	ssyncadd.s32 $0xFFFFFFC0  }
0x268: {  	s9 =	rddreg [dreg:$0x5]  }
0x269: {  	s9 =	sadd.s32 s12, s9  }
0x26a: {  	s9 =	smul.u32 $0x19, s9;
	_ =	sdelay $0x1  }
0x26b: {  	s9 =	sadd.s32 s4, s9  }
0x26c: {  	[tilespmem:s2], [sflag:$0x3] =	stream.linear.gather [hbm4b:s9+s2], $0xC80, $0x38;
	[tilespmem:$0x1AA50] =	vst v63  }
0x26d: {  	_ =	swait.ge [sflag:s23], $0xC80  }
0x26e: {  	[sflag:s23] =	ssyncset.done $0x0  }
0x26f: {  	[sflag:s23] =	ssyncadd.s32 $0xFFFFF380  }
0x270: {  	[tilespmem:s8], [sflag:$0x1] =	stream.indirect.gather [hbm4b:s5+s24], $0x10, s2, s24, $0xb8;
	[tilespmem:$0x1AA50] =	vst v63  }
0x271: {  	s12 =	simm.s32 $0x2100  }
0x272: {  	[tilespmem:s12], [sflag:$0x1] =	stream.indirect.gather [hbm4b:s5+s24], $0x10, s24, s24, $0xb8;
	[tilespmem:$0x1AA50] =	vst v63  }
0x273: {  	s18 =	simm.s32 $0x2900;
	s10 =	simm.s32 $0x100  }
0x274: {  	[tilespmem:s18], [sflag:$0x1] =	stream.indirect.gather [hbm4b:s5+s24], $0x10, s10, s24, $0xb8;
	[tilespmem:$0x1AA50] =	vst v63  }
0x275: {  	s18 =	simm.s32 $0x180;
	s10 =	simm.s32 $0x3100  }
0x276: {  	[tilespmem:s10], [sflag:$0x1] =	stream.indirect.gather [hbm4b:s5+s24], $0x10, s18, s24, $0xb8;
	[tilespmem:$0x1AA50] =	vst v63  }
0x277: {  	s18 =	simm.s32 $0x200;
	s10 =	simm.s32 $0x3900  }
0x278: {  	[tilespmem:s10], [sflag:$0x1] =	stream.indirect.gather [hbm4b:s5+s24], $0x10, s18, s24, $0xb8;
	[tilespmem:$0x1AA50] =	vst v63  }
0x279: {  	s18 =	simm.s32 $0x280;
	s10 =	simm.s32 $0x4100  }
0x27a: {  	[tilespmem:s10], [sflag:$0x1] =	stream.indirect.gather [hbm4b:s5+s24], $0x10, s18, s24, $0xb8;
	[tilespmem:$0x1AA50] =	vst v63  }
0x27b: {  	s18 =	simm.s32 $0x300;
	s10 =	simm.s32 $0x4900  }
0x27c: {  	[tilespmem:s10], [sflag:$0x1] =	stream.indirect.gather [hbm4b:s5+s24], $0x10, s18, s24, $0xb8;
	[tilespmem:$0x1AA50] =	vst v63  }
0x27d: {  	s18 =	simm.s32 $0x380;
	s10 =	simm.s32 $0x5100  }
0x27e: {  	[tilespmem:s10], [sflag:$0x1] =	stream.indirect.gather [hbm4b:s5+s24], $0x10, s18, s24, $0xb8;
	[tilespmem:$0x1AA50] =	vst v63  }
0x27f: {  	s18 =	simm.s32 $0x400;
	s10 =	simm.s32 $0x5900  }
0x280: {  	[tilespmem:s10], [sflag:$0x1] =	stream.indirect.gather [hbm4b:s5+s24], $0x10, s18, s24, $0xb8;
	[tilespmem:$0x1AA50] =	vst v63  }
0x281: {  	s18 =	simm.s32 $0x480;
	s10 =	simm.s32 $0x6100  }
0x282: {  	[tilespmem:s10], [sflag:$0x1] =	stream.indirect.gather [hbm4b:s5+s24], $0x10, s18, s24, $0xb8;
	[tilespmem:$0x1AA50] =	vst v63  }
0x283: {  	s18 =	simm.s32 $0x500;
	s10 =	simm.s32 $0x6900  }
0x284: {  	[tilespmem:s10], [sflag:$0x1] =	stream.indirect.gather [hbm4b:s5+s24], $0x10, s18, s24, $0xb8;
	[tilespmem:$0x1AA50] =	vst v63  }
0x285: {  	s18 =	simm.s32 $0x580;
	s10 =	simm.s32 $0x7100  }
0x286: {  	[tilespmem:s10], [sflag:$0x1] =	stream.indirect.gather [hbm4b:s5+s24], $0x10, s18, s24, $0xb8;
	[tilespmem:$0x1AA50] =	vst v63  }
0x287: {  	s18 =	simm.s32 $0x600;
	s10 =	simm.s32 $0x7900  }
0x288: {  	[tilespmem:s10], [sflag:$0x1] =	stream.indirect.gather [hbm4b:s5+s24], $0x10, s18, s24, $0xb8;
	[tilespmem:$0x1AA50] =	vst v63  }
0x289: {  	s18 =	simm.s32 $0x680;
	s10 =	simm.s32 $0x8100  }
0x28a: {  	[tilespmem:s10], [sflag:$0x1] =	stream.indirect.gather [hbm4b:s5+s24], $0x10, s18, s24, $0xb8;
	[tilespmem:$0x1AA50] =	vst v63  }
0x28b: {  	s18 =	simm.s32 $0x700;
	s10 =	simm.s32 $0x8900  }
0x28c: {  	[tilespmem:s10], [sflag:$0x1] =	stream.indirect.gather [hbm4b:s5+s24], $0x10, s18, s24, $0xb8;
	[tilespmem:$0x1AA50] =	vst v63  }
0x28d: {  	s18 =	simm.s32 $0x780;
	s10 =	simm.s32 $0x9100  }
0x28e: {  	[tilespmem:s10], [sflag:$0x1] =	stream.indirect.gather [hbm4b:s5+s24], $0x10, s18, s24, $0xb8;
	[tilespmem:$0x1AA50] =	vst v63  }
0x28f: {  	s18 =	simm.s32 $0x800;
	s10 =	simm.s32 $0x9900  }
0x290: {  	[tilespmem:s10], [sflag:$0x1] =	stream.indirect.gather [hbm4b:s5+s24], $0x10, s18, s24, $0xb8;
	[tilespmem:$0x1AA50] =	vst v63  }
0x291: {  	s18 =	simm.s32 $0x880;
	s10 =	simm.s32 $0xA100  }
0x292: {  	[tilespmem:s10], [sflag:$0x1] =	stream.indirect.gather [hbm4b:s5+s24], $0x10, s18, s24, $0xb8;
	[tilespmem:$0x1AA50] =	vst v63  }
0x293: {  	s18 =	simm.s32 $0x900;
	s10 =	simm.s32 $0xA900  }
0x294: {  	[tilespmem:s10], [sflag:$0x1] =	stream.indirect.gather [hbm4b:s5+s24], $0x10, s18, s24, $0xb8;
	[tilespmem:$0x1AA50] =	vst v63  }
0x295: {  	s18 =	simm.s32 $0x980;
	s10 =	simm.s32 $0xB100  }
0x296: {  	[tilespmem:s10], [sflag:$0x1] =	stream.indirect.gather [hbm4b:s5+s24], $0x10, s18, s24, $0xb8;
	[tilespmem:$0x1AA50] =	vst v63  }
0x297: {  	s18 =	simm.s32 $0xA00;
	s10 =	simm.s32 $0xB900  }
0x298: {  	[tilespmem:s10], [sflag:$0x1] =	stream.indirect.gather [hbm4b:s5+s24], $0x10, s18, s24, $0xb8;
	[tilespmem:$0x1AA50] =	vst v63  }
0x299: {  	s18 =	simm.s32 $0xA80;
	s10 =	simm.s32 $0xC100  }
0x29a: {  	[tilespmem:s10], [sflag:$0x1] =	stream.indirect.gather [hbm4b:s5+s24], $0x10, s18, s24, $0xb8;
	[tilespmem:$0x1AA50] =	vst v63  }
0x29b: {  	s18 =	simm.s32 $0xB00;
	s10 =	simm.s32 $0xC900  }
0x29c: {  	[tilespmem:s10], [sflag:$0x1] =	stream.indirect.gather [hbm4b:s5+s24], $0x10, s18, s24, $0xb8;
	[tilespmem:$0x1AA50] =	vst v63  }
0x29d: {  	s18 =	simm.s32 $0xB80;
	s10 =	simm.s32 $0xD100  }
0x29e: {  	[tilespmem:s10], [sflag:$0x1] =	stream.indirect.gather [hbm4b:s5+s24], $0x10, s18, s24, $0xb8;
	[tilespmem:$0x1AA50] =	vst v63  }
0x29f: {  	s12 =	simm.s32 $0xC00;
	s18 =	simm.s32 $0xD900  }
0x2a0: {  	[tilespmem:s18], [sflag:$0x1] =	stream.indirect.gather [hbm4b:s5+s24], $0x10, s12, s24, $0xb8;
	[tilespmem:$0x1AA50] =	vst v63  }
.LBB2_36:
0x2a1: {  	_ =	swait.ge [sflag:s3], $0x800  }
0x2a2: {  	[sflag:s3] =	ssyncset.done $0x0  }
0x2a3: {  	[sflag:s3] =	ssyncadd.s32 $0xFFFFF800  }
0x2a4: {  	_ =	swait.ge [sflag:s3], $0x800  }
0x2a5: {  	[sflag:s3] =	ssyncset.done $0x0  }
0x2a6: {  	[sflag:s3] =	ssyncadd.s32 $0xFFFFF800  }
0x2a7: {  	_ =	swait.ge [sflag:s3], $0x800  }
0x2a8: {  	[sflag:s3] =	ssyncset.done $0x0  }
0x2a9: {  	[sflag:s3] =	ssyncadd.s32 $0xFFFFF800  }
0x2aa: {  	_ =	swait.ge [sflag:s3], $0x800  }
0x2ab: {  	[sflag:s3] =	ssyncset.done $0x0  }
0x2ac: {  	[sflag:s3] =	ssyncadd.s32 $0xFFFFF800  }
0x2ad: {  	_ =	swait.ge [sflag:s3], $0x800  }
0x2ae: {  	[sflag:s3] =	ssyncset.done $0x0  }
0x2af: {  	[sflag:s3] =	ssyncadd.s32 $0xFFFFF800  }
0x2b0: {  	_ =	swait.ge [sflag:s3], $0x800  }
0x2b1: {  	[sflag:s3] =	ssyncset.done $0x0  }
0x2b2: {  	[sflag:s3] =	ssyncadd.s32 $0xFFFFF800  }
0x2b3: {  	_ =	swait.ge [sflag:s3], $0x800  }
0x2b4: {  	[sflag:s3] =	ssyncset.done $0x0  }
0x2b5: {  	[sflag:s3] =	ssyncadd.s32 $0xFFFFF800  }
0x2b6: {  	_ =	swait.ge [sflag:s3], $0x800  }
0x2b7: {  	[sflag:s3] =	ssyncset.done $0x0  }
0x2b8: {  	[sflag:s3] =	ssyncadd.s32 $0xFFFFF800  }
0x2b9: {  	_ =	swait.ge [sflag:s3], $0x800  }
0x2ba: {  	[sflag:s3] =	ssyncset.done $0x0  }
0x2bb: {  	[sflag:s3] =	ssyncadd.s32 $0xFFFFF800  }
0x2bc: {  	_ =	swait.ge [sflag:s3], $0x800  }
0x2bd: {  	[sflag:s3] =	ssyncset.done $0x0  }
0x2be: {  	[sflag:s3] =	ssyncadd.s32 $0xFFFFF800  }
0x2bf: {  	_ =	swait.ge [sflag:s3], $0x800  }
0x2c0: {  	[sflag:s3] =	ssyncset.done $0x0  }
0x2c1: {  	[sflag:s3] =	ssyncadd.s32 $0xFFFFF800  }
0x2c2: {  	_ =	swait.ge [sflag:s3], $0x800  }
0x2c3: {  	[sflag:s3] =	ssyncset.done $0x0  }
0x2c4: {  	[sflag:s3] =	ssyncadd.s32 $0xFFFFF800  }
0x2c5: {  	_ =	swait.ge [sflag:s3], $0x800  }
0x2c6: {  	[sflag:s3] =	ssyncset.done $0x0  }
0x2c7: {  	[sflag:s3] =	ssyncadd.s32 $0xFFFFF800  }
0x2c8: {  	_ =	swait.ge [sflag:s3], $0x800  }
0x2c9: {  	[sflag:s3] =	ssyncset.done $0x0  }
0x2ca: {  	[sflag:s3] =	ssyncadd.s32 $0xFFFFF800  }
0x2cb: {  	_ =	swait.ge [sflag:s3], $0x800  }
0x2cc: {  	[sflag:s3] =	ssyncset.done $0x0  }
0x2cd: {  	[sflag:s3] =	ssyncadd.s32 $0xFFFFF800  }
0x2ce: {  	_ =	swait.ge [sflag:s3], $0x800  }
0x2cf: {  	[sflag:s3] =	ssyncset.done $0x0  }
0x2d0: {  	[sflag:s3] =	ssyncadd.s32 $0xFFFFF800  }
0x2d1: {  	_ =	swait.ge [sflag:s3], $0x800  }
0x2d2: {  	[sflag:s3] =	ssyncset.done $0x0  }
0x2d3: {  	[sflag:s3] =	ssyncadd.s32 $0xFFFFF800  }
0x2d4: {  	_ =	swait.ge [sflag:s3], $0x800  }
0x2d5: {  	[sflag:s3] =	ssyncset.done $0x0  }
0x2d6: {  	[sflag:s3] =	ssyncadd.s32 $0xFFFFF800  }
0x2d7: {  	_ =	swait.ge [sflag:s3], $0x800  }
0x2d8: {  	[sflag:s3] =	ssyncset.done $0x0  }
0x2d9: {  	[sflag:s3] =	ssyncadd.s32 $0xFFFFF800  }
0x2da: {  	_ =	swait.ge [sflag:s3], $0x800  }
0x2db: {  	[sflag:s3] =	ssyncset.done $0x0  }
0x2dc: {  	[sflag:s3] =	ssyncadd.s32 $0xFFFFF800  }
0x2dd: {  	_ =	swait.ge [sflag:s3], $0x800  }
0x2de: {  	[sflag:s3] =	ssyncset.done $0x0  }
0x2df: {  	[sflag:s3] =	ssyncadd.s32 $0xFFFFF800  }
0x2e0: {  	_ =	swait.ge [sflag:s3], $0x800  }
0x2e1: {  	[sflag:s3] =	ssyncset.done $0x0  }
0x2e2: {  	[sflag:s3] =	ssyncadd.s32 $0xFFFFF800  }
0x2e3: {  	s9 =	simm.s32 $0x0;
	_ =	swait.ge [sflag:s3], $0x800  }
0x2e4: {  	v19 =	vmov s9;
	[sflag:s3] =	ssyncset.done $0x0  }
0x2e5: {  	v19 =	vshll.u32 v19, $0x4;
	[sflag:s3] =	ssyncadd.s32 $0xFFFFF800  }
0x2e6: {  	v20 =	vor.u32 v8, v19;
	_ =	swait.ge [sflag:s3], $0x800  }
0x2e7: {  	v20 =	vor.u32 v10, v20;
	[sflag:s3] =	ssyncset.done $0x0  }
0x2e8: {  	s18 =	simm.s32 $0x8;
	v19 =	vor.u32 v9, v19;
	[sflag:s3] =	ssyncadd.s32 $0xFFFFF800  }
0x2e9: {  	v21 =	vor.u32 v10, v19;
	v19 =	vmov s18;
	_ =	swait.ge [sflag:s3], $0x800  }
0x2ea: {  	v22 =	vshll.u32 v19, $0x4;
	[sflag:s3] =	ssyncset.done $0x0  }
0x2eb: {  	v24 =	vor.u32 v8, v22;
	[sflag:s3] =	ssyncadd.s32 $0xFFFFF800  }
0x2ec: {  	v25 =	vor.u32 v9, v22;
	v22 =	vor.u32 v10, v24;
	v19 =	vld.idx.msk [tilespmem:v20+s19+$0x0], $0xffff;
	_ =	sdelay $0x1  }
0x2ed: {  	v23 =	vimm.f32 $0.0e+00;
	s12 =	simm.s32 $0x10;
	v20 =	vld.idx.msk [tilespmem:v21+s19+$0x0], $0xffff;
	v21 =	vor.u32 v10, v25  }
.LBB2_37:
0x2ee: {  	v24 =	vmov s12;
	p0 =	sne.s32 s12, $0xC0;
	s12 =	sadd.s32 $0x8, s12  }
.Ltmp17:
0x2ef: {  	v24 =	vshll.u32 v24, $0x4;
	(pc) =	sbr.rel @p0 .LBB2_37-.Ltmp17, $4  }
0x2f0: {  	v23 =	vadd.f32 v19, v23;
	v25 =	vor.u32 v8, v24;
	v19 =	vld.idx.msk [tilespmem:v22+s19+$0x0], $0xffff  }
0x2f1: {  	v22 =	vor.u32 v10, v25  }
0x2f2: {  	v24 =	vor.u32 v9, v24;
	v23 =	vadd.f32 v20, v23;
	v20 =	vld.idx.msk [tilespmem:v21+s19+$0x0], $0xffff  }
0x2f3: {  	v21 =	vor.u32 v10, v24  }
0x2f4: {  	_ =	sdelay $0x3  }
0x2f5: {  	v22 =	vld.idx.msk [tilespmem:v22+s19+$0x0], $0xffff  }
0x2f6: {  	s9 =	simm.s32 $0xC8;
	v19 =	vadd.f32 v19, v23  }
0x2f7: {  	v21 =	vld.idx.msk [tilespmem:v21+s19+$0x0], $0xffff;
	v23 =	vmov s9  }
0x2f8: {  	v19 =	vadd.f32 v20, v19;
	v20 =	vshll.u32 v23, $0x4  }
0x2f9: {  	v23 =	vor.u32 v8, v20  }
0x2fa: {  	v19 =	vadd.f32 v22, v19;
	v22 =	vor.u32 v10, v23  }
0x2fb: {  	s18 =	simm.s32 $0xD0;
	v20 =	vor.u32 v9, v20  }
0x2fc: {  	v20 =	vor.u32 v10, v20;
	v19 =	vadd.f32 v21, v19;
	v21 =	vmov s18  }
0x2fd: {  	v21 =	vshll.u32 v21, $0x4  }
0x2fe: {  	[tilespmem:$0x1A900] =	vst v19;
	v24 =	vor.u32 v8, v21  }
0x2ff: {  	v19 =	vld.idx.msk [tilespmem:v22+s19+$0x0], $0xffff;
	v22 =	vor.u32 v10, v24  }
0x300: {  	v21 =	vor.u32 v9, v21  }
0x301: {  	s12 =	simm.s32 $0xD8;
	v23 =	vimm.f32 $0.0e+00;
	v20 =	vld.idx.msk [tilespmem:v20+s19+$0x0], $0xffff;
	v21 =	vor.u32 v10, v21  }
.LBB2_39:
0x302: {  	v24 =	vmov s12;
	p0 =	sne.s32 s12, $0x188;
	s12 =	sadd.s32 $0x8, s12  }
.Ltmp18:
0x303: {  	v24 =	vshll.u32 v24, $0x4;
	(pc) =	sbr.rel @p0 .LBB2_39-.Ltmp18, $4  }
0x304: {  	v23 =	vadd.f32 v19, v23;
	v25 =	vor.u32 v8, v24;
	v19 =	vld.idx.msk [tilespmem:v22+s19+$0x0], $0xffff  }
0x305: {  	v22 =	vor.u32 v10, v25  }
0x306: {  	v24 =	vor.u32 v9, v24;
	v23 =	vadd.f32 v20, v23;
	v20 =	vld.idx.msk [tilespmem:v21+s19+$0x0], $0xffff  }
0x307: {  	v21 =	vor.u32 v10, v24  }
0x308: {  	_ =	sdelay $0x3  }
0x309: {  	v22 =	vld.idx.msk [tilespmem:v22+s19+$0x0], $0xffff  }
0x30a: {  	s9 =	simm.s32 $0x190;
	v19 =	vadd.f32 v19, v23  }
0x30b: {  	v21 =	vld.idx.msk [tilespmem:v21+s19+$0x0], $0xffff;
	v23 =	vmov s9  }
0x30c: {  	v19 =	vadd.f32 v20, v19;
	v20 =	vshll.u32 v23, $0x4  }
0x30d: {  	v23 =	vor.u32 v8, v20  }
0x30e: {  	v19 =	vadd.f32 v22, v19;
	v22 =	vor.u32 v10, v23  }
0x30f: {  	s18 =	simm.s32 $0x198;
	v20 =	vor.u32 v9, v20  }
0x310: {  	v20 =	vor.u32 v10, v20;
	v19 =	vadd.f32 v21, v19;
	v21 =	vmov s18  }
0x311: {  	v21 =	vshll.u32 v21, $0x4  }
0x312: {  	[tilespmem:$0x1A910] =	vst v19;
	v24 =	vor.u32 v8, v21  }
0x313: {  	v19 =	vld.idx.msk [tilespmem:v22+s19+$0x0], $0xffff;
	v22 =	vor.u32 v10, v24  }
0x314: {  	v21 =	vor.u32 v9, v21  }
0x315: {  	s12 =	simm.s32 $0x1A0;
	v23 =	vimm.f32 $0.0e+00;
	v20 =	vld.idx.msk [tilespmem:v20+s19+$0x0], $0xffff;
	v21 =	vor.u32 v10, v21  }
.LBB2_41:
0x316: {  	v24 =	vmov s12;
	p0 =	sne.s32 s12, $0x250;
	s12 =	sadd.s32 $0x8, s12  }
.Ltmp19:
0x317: {  	v24 =	vshll.u32 v24, $0x4;
	(pc) =	sbr.rel @p0 .LBB2_41-.Ltmp19, $4  }
0x318: {  	v23 =	vadd.f32 v19, v23;
	v25 =	vor.u32 v8, v24;
	v19 =	vld.idx.msk [tilespmem:v22+s19+$0x0], $0xffff  }
0x319: {  	v22 =	vor.u32 v10, v25  }
0x31a: {  	v24 =	vor.u32 v9, v24;
	v23 =	vadd.f32 v20, v23;
	v20 =	vld.idx.msk [tilespmem:v21+s19+$0x0], $0xffff  }
0x31b: {  	v21 =	vor.u32 v10, v24  }
0x31c: {  	_ =	sdelay $0x3  }
0x31d: {  	v22 =	vld.idx.msk [tilespmem:v22+s19+$0x0], $0xffff  }
0x31e: {  	s9 =	simm.s32 $0x258;
	v19 =	vadd.f32 v19, v23  }
0x31f: {  	v21 =	vld.idx.msk [tilespmem:v21+s19+$0x0], $0xffff;
	v23 =	vmov s9  }
0x320: {  	v19 =	vadd.f32 v20, v19;
	v20 =	vshll.u32 v23, $0x4  }
0x321: {  	v23 =	vor.u32 v8, v20  }
0x322: {  	v19 =	vadd.f32 v22, v19;
	v22 =	vor.u32 v10, v23  }
0x323: {  	s18 =	simm.s32 $0x260;
	v20 =	vor.u32 v9, v20  }
0x324: {  	v20 =	vor.u32 v10, v20;
	v19 =	vadd.f32 v21, v19;
	v21 =	vmov s18  }
0x325: {  	v21 =	vshll.u32 v21, $0x4  }
0x326: {  	[tilespmem:$0x1A920] =	vst v19;
	v24 =	vor.u32 v8, v21  }
0x327: {  	v19 =	vld.idx.msk [tilespmem:v22+s19+$0x0], $0xffff;
	v22 =	vor.u32 v10, v24  }
0x328: {  	v21 =	vor.u32 v9, v21  }
0x329: {  	s12 =	simm.s32 $0x268;
	v23 =	vimm.f32 $0.0e+00;
	v20 =	vld.idx.msk [tilespmem:v20+s19+$0x0], $0xffff;
	v21 =	vor.u32 v10, v21  }
.LBB2_43:
0x32a: {  	v24 =	vmov s12;
	p0 =	sne.s32 s12, $0x318;
	s12 =	sadd.s32 $0x8, s12  }
.Ltmp20:
0x32b: {  	v24 =	vshll.u32 v24, $0x4;
	(pc) =	sbr.rel @p0 .LBB2_43-.Ltmp20, $4  }
0x32c: {  	v23 =	vadd.f32 v19, v23;
	v25 =	vor.u32 v8, v24;
	v19 =	vld.idx.msk [tilespmem:v22+s19+$0x0], $0xffff  }
0x32d: {  	v22 =	vor.u32 v10, v25  }
0x32e: {  	v24 =	vor.u32 v9, v24;
	v23 =	vadd.f32 v20, v23;
	v20 =	vld.idx.msk [tilespmem:v21+s19+$0x0], $0xffff  }
0x32f: {  	v21 =	vor.u32 v10, v24  }
0x330: {  	_ =	sdelay $0x3  }
0x331: {  	v22 =	vld.idx.msk [tilespmem:v22+s19+$0x0], $0xffff  }
0x332: {  	s9 =	simm.s32 $0x320;
	v19 =	vadd.f32 v19, v23  }
0x333: {  	v21 =	vld.idx.msk [tilespmem:v21+s19+$0x0], $0xffff;
	v23 =	vmov s9  }
0x334: {  	v19 =	vadd.f32 v20, v19;
	v20 =	vshll.u32 v23, $0x4  }
0x335: {  	v23 =	vor.u32 v8, v20  }
0x336: {  	v19 =	vadd.f32 v22, v19;
	v22 =	vor.u32 v10, v23  }
0x337: {  	s18 =	simm.s32 $0x328;
	v20 =	vor.u32 v9, v20  }
0x338: {  	v20 =	vor.u32 v10, v20;
	v19 =	vadd.f32 v21, v19;
	v21 =	vmov s18  }
0x339: {  	v21 =	vshll.u32 v21, $0x4  }
0x33a: {  	[tilespmem:$0x1A930] =	vst v19;
	v24 =	vor.u32 v8, v21  }
0x33b: {  	v19 =	vld.idx.msk [tilespmem:v22+s19+$0x0], $0xffff;
	v22 =	vor.u32 v10, v24  }
0x33c: {  	v21 =	vor.u32 v9, v21  }
0x33d: {  	s12 =	simm.s32 $0x330;
	v23 =	vimm.f32 $0.0e+00;
	v20 =	vld.idx.msk [tilespmem:v20+s19+$0x0], $0xffff;
	v21 =	vor.u32 v10, v21  }
.LBB2_45:
0x33e: {  	v24 =	vmov s12;
	p0 =	sne.s32 s12, $0x3E0;
	s12 =	sadd.s32 $0x8, s12  }
.Ltmp21:
0x33f: {  	v24 =	vshll.u32 v24, $0x4;
	(pc) =	sbr.rel @p0 .LBB2_45-.Ltmp21, $4  }
0x340: {  	v23 =	vadd.f32 v19, v23;
	v25 =	vor.u32 v8, v24;
	v19 =	vld.idx.msk [tilespmem:v22+s19+$0x0], $0xffff  }
0x341: {  	v22 =	vor.u32 v10, v25  }
0x342: {  	v24 =	vor.u32 v9, v24;
	v23 =	vadd.f32 v20, v23;
	v20 =	vld.idx.msk [tilespmem:v21+s19+$0x0], $0xffff  }
0x343: {  	v21 =	vor.u32 v10, v24  }
0x344: {  	_ =	sdelay $0x3  }
0x345: {  	v22 =	vld.idx.msk [tilespmem:v22+s19+$0x0], $0xffff  }
0x346: {  	s9 =	simm.s32 $0x3E8;
	v19 =	vadd.f32 v19, v23  }
0x347: {  	v21 =	vld.idx.msk [tilespmem:v21+s19+$0x0], $0xffff;
	v23 =	vmov s9  }
0x348: {  	v19 =	vadd.f32 v20, v19;
	v20 =	vshll.u32 v23, $0x4  }
0x349: {  	v23 =	vor.u32 v8, v20  }
0x34a: {  	v19 =	vadd.f32 v22, v19;
	v22 =	vor.u32 v10, v23  }
0x34b: {  	s18 =	simm.s32 $0x3F0;
	v20 =	vor.u32 v9, v20  }
0x34c: {  	v20 =	vor.u32 v10, v20;
	v19 =	vadd.f32 v21, v19;
	v21 =	vmov s18  }
0x34d: {  	v21 =	vshll.u32 v21, $0x4  }
0x34e: {  	[tilespmem:$0x1A940] =	vst v19;
	v24 =	vor.u32 v8, v21  }
0x34f: {  	v19 =	vld.idx.msk [tilespmem:v22+s19+$0x0], $0xffff;
	v22 =	vor.u32 v10, v24  }
0x350: {  	v21 =	vor.u32 v9, v21  }
0x351: {  	s12 =	simm.s32 $0x3F8;
	v23 =	vimm.f32 $0.0e+00;
	v20 =	vld.idx.msk [tilespmem:v20+s19+$0x0], $0xffff;
	v21 =	vor.u32 v10, v21  }
.LBB2_47:
0x352: {  	v24 =	vmov s12;
	p0 =	sne.s32 s12, $0x4A8;
	s12 =	sadd.s32 $0x8, s12  }
.Ltmp22:
0x353: {  	v24 =	vshll.u32 v24, $0x4;
	(pc) =	sbr.rel @p0 .LBB2_47-.Ltmp22, $4  }
0x354: {  	v23 =	vadd.f32 v19, v23;
	v25 =	vor.u32 v8, v24;
	v19 =	vld.idx.msk [tilespmem:v22+s19+$0x0], $0xffff  }
0x355: {  	v22 =	vor.u32 v10, v25  }
0x356: {  	v24 =	vor.u32 v9, v24;
	v23 =	vadd.f32 v20, v23;
	v20 =	vld.idx.msk [tilespmem:v21+s19+$0x0], $0xffff  }
0x357: {  	v21 =	vor.u32 v10, v24  }
0x358: {  	_ =	sdelay $0x3  }
0x359: {  	v22 =	vld.idx.msk [tilespmem:v22+s19+$0x0], $0xffff  }
0x35a: {  	s9 =	simm.s32 $0x4B0;
	v19 =	vadd.f32 v19, v23  }
0x35b: {  	v21 =	vld.idx.msk [tilespmem:v21+s19+$0x0], $0xffff;
	v23 =	vmov s9  }
0x35c: {  	v19 =	vadd.f32 v20, v19;
	v20 =	vshll.u32 v23, $0x4  }
0x35d: {  	v23 =	vor.u32 v8, v20  }
0x35e: {  	v19 =	vadd.f32 v22, v19;
	v22 =	vor.u32 v10, v23  }
0x35f: {  	s18 =	simm.s32 $0x4B8;
	v20 =	vor.u32 v9, v20  }
0x360: {  	v20 =	vor.u32 v10, v20;
	v19 =	vadd.f32 v21, v19;
	v21 =	vmov s18  }
0x361: {  	v21 =	vshll.u32 v21, $0x4  }
0x362: {  	[tilespmem:$0x1A950] =	vst v19;
	v24 =	vor.u32 v8, v21  }
0x363: {  	v19 =	vld.idx.msk [tilespmem:v22+s19+$0x0], $0xffff;
	v22 =	vor.u32 v10, v24  }
0x364: {  	v21 =	vor.u32 v9, v21  }
0x365: {  	s12 =	simm.s32 $0x4C0;
	v23 =	vimm.f32 $0.0e+00;
	v20 =	vld.idx.msk [tilespmem:v20+s19+$0x0], $0xffff;
	v21 =	vor.u32 v10, v21  }
.LBB2_49:
0x366: {  	v24 =	vmov s12;
	p0 =	sne.s32 s12, $0x570;
	s12 =	sadd.s32 $0x8, s12  }
.Ltmp23:
0x367: {  	v24 =	vshll.u32 v24, $0x4;
	(pc) =	sbr.rel @p0 .LBB2_49-.Ltmp23, $4  }
0x368: {  	v23 =	vadd.f32 v19, v23;
	v25 =	vor.u32 v8, v24;
	v19 =	vld.idx.msk [tilespmem:v22+s19+$0x0], $0xffff  }
0x369: {  	v22 =	vor.u32 v10, v25  }
0x36a: {  	v24 =	vor.u32 v9, v24;
	v23 =	vadd.f32 v20, v23;
	v20 =	vld.idx.msk [tilespmem:v21+s19+$0x0], $0xffff  }
0x36b: {  	v21 =	vor.u32 v10, v24  }
0x36c: {  	_ =	sdelay $0x3  }
0x36d: {  	v22 =	vld.idx.msk [tilespmem:v22+s19+$0x0], $0xffff  }
0x36e: {  	s9 =	simm.s32 $0x578;
	v19 =	vadd.f32 v19, v23  }
0x36f: {  	v21 =	vld.idx.msk [tilespmem:v21+s19+$0x0], $0xffff;
	v23 =	vmov s9  }
0x370: {  	v19 =	vadd.f32 v20, v19;
	v20 =	vshll.u32 v23, $0x4  }
0x371: {  	v23 =	vor.u32 v8, v20  }
0x372: {  	v19 =	vadd.f32 v22, v19;
	v22 =	vor.u32 v10, v23  }
0x373: {  	s18 =	simm.s32 $0x580;
	v20 =	vor.u32 v9, v20  }
0x374: {  	v20 =	vor.u32 v10, v20;
	v19 =	vadd.f32 v21, v19;
	v21 =	vmov s18  }
0x375: {  	v21 =	vshll.u32 v21, $0x4  }
0x376: {  	[tilespmem:$0x1A960] =	vst v19;
	v24 =	vor.u32 v8, v21  }
0x377: {  	v19 =	vld.idx.msk [tilespmem:v22+s19+$0x0], $0xffff;
	v22 =	vor.u32 v10, v24  }
0x378: {  	v21 =	vor.u32 v9, v21  }
0x379: {  	s12 =	simm.s32 $0x588;
	v23 =	vimm.f32 $0.0e+00;
	v20 =	vld.idx.msk [tilespmem:v20+s19+$0x0], $0xffff;
	v21 =	vor.u32 v10, v21  }
.LBB2_51:
0x37a: {  	v24 =	vmov s12;
	p0 =	sne.s32 s12, $0x638;
	s12 =	sadd.s32 $0x8, s12  }
.Ltmp24:
0x37b: {  	v24 =	vshll.u32 v24, $0x4;
	(pc) =	sbr.rel @p0 .LBB2_51-.Ltmp24, $4  }
0x37c: {  	v23 =	vadd.f32 v19, v23;
	v25 =	vor.u32 v8, v24;
	v19 =	vld.idx.msk [tilespmem:v22+s19+$0x0], $0xffff  }
0x37d: {  	v22 =	vor.u32 v10, v25  }
0x37e: {  	v24 =	vor.u32 v9, v24;
	v23 =	vadd.f32 v20, v23;
	v20 =	vld.idx.msk [tilespmem:v21+s19+$0x0], $0xffff  }
0x37f: {  	v21 =	vor.u32 v10, v24  }
0x380: {  	_ =	sdelay $0x3  }
0x381: {  	v22 =	vld.idx.msk [tilespmem:v22+s19+$0x0], $0xffff  }
0x382: {  	s9 =	simm.s32 $0x640;
	v19 =	vadd.f32 v19, v23  }
0x383: {  	v21 =	vld.idx.msk [tilespmem:v21+s19+$0x0], $0xffff;
	v23 =	vmov s9  }
0x384: {  	v19 =	vadd.f32 v20, v19;
	v20 =	vshll.u32 v23, $0x4  }
0x385: {  	v23 =	vor.u32 v8, v20  }
0x386: {  	v19 =	vadd.f32 v22, v19;
	v22 =	vor.u32 v10, v23  }
0x387: {  	s18 =	simm.s32 $0x648;
	v20 =	vor.u32 v9, v20  }
0x388: {  	v20 =	vor.u32 v10, v20;
	v19 =	vadd.f32 v21, v19;
	v21 =	vmov s18  }
0x389: {  	v21 =	vshll.u32 v21, $0x4  }
0x38a: {  	[tilespmem:$0x1A970] =	vst v19;
	v24 =	vor.u32 v8, v21  }
0x38b: {  	v19 =	vld.idx.msk [tilespmem:v22+s19+$0x0], $0xffff;
	v22 =	vor.u32 v10, v24  }
0x38c: {  	v21 =	vor.u32 v9, v21  }
0x38d: {  	s12 =	simm.s32 $0x650;
	v23 =	vimm.f32 $0.0e+00;
	v20 =	vld.idx.msk [tilespmem:v20+s19+$0x0], $0xffff;
	v21 =	vor.u32 v10, v21  }
.LBB2_53:
0x38e: {  	v24 =	vmov s12;
	p0 =	sne.s32 s12, $0x700;
	s12 =	sadd.s32 $0x8, s12  }
.Ltmp25:
0x38f: {  	v24 =	vshll.u32 v24, $0x4;
	(pc) =	sbr.rel @p0 .LBB2_53-.Ltmp25, $4  }
0x390: {  	v23 =	vadd.f32 v19, v23;
	v25 =	vor.u32 v8, v24;
	v19 =	vld.idx.msk [tilespmem:v22+s19+$0x0], $0xffff  }
0x391: {  	v22 =	vor.u32 v10, v25  }
0x392: {  	v24 =	vor.u32 v9, v24;
	v23 =	vadd.f32 v20, v23;
	v20 =	vld.idx.msk [tilespmem:v21+s19+$0x0], $0xffff  }
0x393: {  	v21 =	vor.u32 v10, v24  }
0x394: {  	_ =	sdelay $0x3  }
0x395: {  	v22 =	vld.idx.msk [tilespmem:v22+s19+$0x0], $0xffff  }
0x396: {  	s9 =	simm.s32 $0x708;
	v19 =	vadd.f32 v19, v23  }
0x397: {  	v21 =	vld.idx.msk [tilespmem:v21+s19+$0x0], $0xffff;
	v23 =	vmov s9  }
0x398: {  	v19 =	vadd.f32 v20, v19;
	v20 =	vshll.u32 v23, $0x4  }
0x399: {  	v23 =	vor.u32 v8, v20  }
0x39a: {  	v19 =	vadd.f32 v22, v19;
	v22 =	vor.u32 v10, v23  }
0x39b: {  	s18 =	simm.s32 $0x710;
	v20 =	vor.u32 v9, v20  }
0x39c: {  	v20 =	vor.u32 v10, v20;
	v19 =	vadd.f32 v21, v19;
	v21 =	vmov s18  }
0x39d: {  	v21 =	vshll.u32 v21, $0x4  }
0x39e: {  	[tilespmem:$0x1A980] =	vst v19;
	v24 =	vor.u32 v8, v21  }
0x39f: {  	v19 =	vld.idx.msk [tilespmem:v22+s19+$0x0], $0xffff;
	v22 =	vor.u32 v10, v24  }
0x3a0: {  	v21 =	vor.u32 v9, v21  }
0x3a1: {  	s12 =	simm.s32 $0x718;
	v23 =	vimm.f32 $0.0e+00;
	v20 =	vld.idx.msk [tilespmem:v20+s19+$0x0], $0xffff;
	v21 =	vor.u32 v10, v21  }
.LBB2_55:
0x3a2: {  	v24 =	vmov s12;
	p0 =	sne.s32 s12, $0x7C8;
	s12 =	sadd.s32 $0x8, s12  }
.Ltmp26:
0x3a3: {  	v24 =	vshll.u32 v24, $0x4;
	(pc) =	sbr.rel @p0 .LBB2_55-.Ltmp26, $4  }
0x3a4: {  	v23 =	vadd.f32 v19, v23;
	v25 =	vor.u32 v8, v24;
	v19 =	vld.idx.msk [tilespmem:v22+s19+$0x0], $0xffff  }
0x3a5: {  	v22 =	vor.u32 v10, v25  }
0x3a6: {  	v24 =	vor.u32 v9, v24;
	v23 =	vadd.f32 v20, v23;
	v20 =	vld.idx.msk [tilespmem:v21+s19+$0x0], $0xffff  }
0x3a7: {  	v21 =	vor.u32 v10, v24  }
0x3a8: {  	_ =	sdelay $0x3  }
0x3a9: {  	v22 =	vld.idx.msk [tilespmem:v22+s19+$0x0], $0xffff  }
0x3aa: {  	s9 =	simm.s32 $0x7D0;
	v19 =	vadd.f32 v19, v23  }
0x3ab: {  	v21 =	vld.idx.msk [tilespmem:v21+s19+$0x0], $0xffff;
	v23 =	vmov s9  }
0x3ac: {  	v19 =	vadd.f32 v20, v19;
	v20 =	vshll.u32 v23, $0x4  }
0x3ad: {  	v23 =	vor.u32 v8, v20  }
0x3ae: {  	v19 =	vadd.f32 v22, v19;
	v22 =	vor.u32 v10, v23  }
0x3af: {  	s18 =	simm.s32 $0x7D8;
	v20 =	vor.u32 v9, v20  }
0x3b0: {  	v20 =	vor.u32 v10, v20;
	v19 =	vadd.f32 v21, v19;
	v21 =	vmov s18  }
0x3b1: {  	v21 =	vshll.u32 v21, $0x4  }
0x3b2: {  	[tilespmem:$0x1A990] =	vst v19;
	v24 =	vor.u32 v8, v21  }
0x3b3: {  	v19 =	vld.idx.msk [tilespmem:v22+s19+$0x0], $0xffff;
	v22 =	vor.u32 v10, v24  }
0x3b4: {  	v21 =	vor.u32 v9, v21  }
0x3b5: {  	s12 =	simm.s32 $0x7E0;
	v23 =	vimm.f32 $0.0e+00;
	v20 =	vld.idx.msk [tilespmem:v20+s19+$0x0], $0xffff;
	v21 =	vor.u32 v10, v21  }
.LBB2_57:
0x3b6: {  	v24 =	vmov s12;
	p0 =	sne.s32 s12, $0x890;
	s12 =	sadd.s32 $0x8, s12  }
.Ltmp27:
0x3b7: {  	v24 =	vshll.u32 v24, $0x4;
	(pc) =	sbr.rel @p0 .LBB2_57-.Ltmp27, $4  }
0x3b8: {  	v23 =	vadd.f32 v19, v23;
	v25 =	vor.u32 v8, v24;
	v19 =	vld.idx.msk [tilespmem:v22+s19+$0x0], $0xffff  }
0x3b9: {  	v22 =	vor.u32 v10, v25  }
0x3ba: {  	v24 =	vor.u32 v9, v24;
	v23 =	vadd.f32 v20, v23;
	v20 =	vld.idx.msk [tilespmem:v21+s19+$0x0], $0xffff  }
0x3bb: {  	v21 =	vor.u32 v10, v24  }
0x3bc: {  	_ =	sdelay $0x3  }
0x3bd: {  	v22 =	vld.idx.msk [tilespmem:v22+s19+$0x0], $0xffff  }
0x3be: {  	s9 =	simm.s32 $0x898;
	v19 =	vadd.f32 v19, v23  }
0x3bf: {  	v21 =	vld.idx.msk [tilespmem:v21+s19+$0x0], $0xffff;
	v23 =	vmov s9  }
0x3c0: {  	v19 =	vadd.f32 v20, v19;
	v20 =	vshll.u32 v23, $0x4  }
0x3c1: {  	v23 =	vor.u32 v8, v20  }
0x3c2: {  	v19 =	vadd.f32 v22, v19;
	v22 =	vor.u32 v10, v23  }
0x3c3: {  	s18 =	simm.s32 $0x8A0;
	v20 =	vor.u32 v9, v20  }
0x3c4: {  	v20 =	vor.u32 v10, v20;
	v19 =	vadd.f32 v21, v19;
	v21 =	vmov s18  }
0x3c5: {  	v21 =	vshll.u32 v21, $0x4  }
0x3c6: {  	[tilespmem:$0x1A9A0] =	vst v19;
	v24 =	vor.u32 v8, v21  }
0x3c7: {  	v19 =	vld.idx.msk [tilespmem:v22+s19+$0x0], $0xffff;
	v22 =	vor.u32 v10, v24  }
0x3c8: {  	v21 =	vor.u32 v9, v21  }
0x3c9: {  	s12 =	simm.s32 $0x8A8;
	v23 =	vimm.f32 $0.0e+00;
	v20 =	vld.idx.msk [tilespmem:v20+s19+$0x0], $0xffff;
	v21 =	vor.u32 v10, v21  }
.LBB2_59:
0x3ca: {  	v24 =	vmov s12;
	p0 =	sne.s32 s12, $0x958;
	s12 =	sadd.s32 $0x8, s12  }
.Ltmp28:
0x3cb: {  	v24 =	vshll.u32 v24, $0x4;
	(pc) =	sbr.rel @p0 .LBB2_59-.Ltmp28, $4  }
0x3cc: {  	v23 =	vadd.f32 v19, v23;
	v25 =	vor.u32 v8, v24;
	v19 =	vld.idx.msk [tilespmem:v22+s19+$0x0], $0xffff  }
0x3cd: {  	v22 =	vor.u32 v10, v25  }
0x3ce: {  	v24 =	vor.u32 v9, v24;
	v23 =	vadd.f32 v20, v23;
	v20 =	vld.idx.msk [tilespmem:v21+s19+$0x0], $0xffff  }
0x3cf: {  	v21 =	vor.u32 v10, v24  }
0x3d0: {  	_ =	sdelay $0x3  }
0x3d1: {  	v22 =	vld.idx.msk [tilespmem:v22+s19+$0x0], $0xffff  }
0x3d2: {  	s9 =	simm.s32 $0x960;
	v19 =	vadd.f32 v19, v23  }
0x3d3: {  	v21 =	vld.idx.msk [tilespmem:v21+s19+$0x0], $0xffff;
	v23 =	vmov s9  }
0x3d4: {  	v19 =	vadd.f32 v20, v19;
	v20 =	vshll.u32 v23, $0x4  }
0x3d5: {  	v23 =	vor.u32 v8, v20  }
0x3d6: {  	v19 =	vadd.f32 v22, v19;
	v22 =	vor.u32 v10, v23  }
0x3d7: {  	s18 =	simm.s32 $0x968;
	v20 =	vor.u32 v9, v20  }
0x3d8: {  	v20 =	vor.u32 v10, v20;
	v19 =	vadd.f32 v21, v19;
	v21 =	vmov s18  }
0x3d9: {  	v21 =	vshll.u32 v21, $0x4  }
0x3da: {  	[tilespmem:$0x1A9B0] =	vst v19;
	v24 =	vor.u32 v8, v21  }
0x3db: {  	v19 =	vld.idx.msk [tilespmem:v22+s19+$0x0], $0xffff;
	v22 =	vor.u32 v10, v24  }
0x3dc: {  	v21 =	vor.u32 v9, v21  }
0x3dd: {  	s12 =	simm.s32 $0x970;
	v23 =	vimm.f32 $0.0e+00;
	v20 =	vld.idx.msk [tilespmem:v20+s19+$0x0], $0xffff;
	v21 =	vor.u32 v10, v21  }
.LBB2_61:
0x3de: {  	v24 =	vmov s12;
	p0 =	sne.s32 s12, $0xA20;
	s12 =	sadd.s32 $0x8, s12  }
.Ltmp29:
0x3df: {  	v24 =	vshll.u32 v24, $0x4;
	(pc) =	sbr.rel @p0 .LBB2_61-.Ltmp29, $4  }
0x3e0: {  	v23 =	vadd.f32 v19, v23;
	v25 =	vor.u32 v8, v24;
	v19 =	vld.idx.msk [tilespmem:v22+s19+$0x0], $0xffff  }
0x3e1: {  	v22 =	vor.u32 v10, v25  }
0x3e2: {  	v24 =	vor.u32 v9, v24;
	v23 =	vadd.f32 v20, v23;
	v20 =	vld.idx.msk [tilespmem:v21+s19+$0x0], $0xffff  }
0x3e3: {  	v21 =	vor.u32 v10, v24  }
0x3e4: {  	_ =	sdelay $0x3  }
0x3e5: {  	v22 =	vld.idx.msk [tilespmem:v22+s19+$0x0], $0xffff  }
0x3e6: {  	s9 =	simm.s32 $0xA28;
	v19 =	vadd.f32 v19, v23  }
0x3e7: {  	v21 =	vld.idx.msk [tilespmem:v21+s19+$0x0], $0xffff;
	v23 =	vmov s9  }
0x3e8: {  	v19 =	vadd.f32 v20, v19;
	v20 =	vshll.u32 v23, $0x4  }
0x3e9: {  	v23 =	vor.u32 v8, v20  }
0x3ea: {  	v19 =	vadd.f32 v22, v19;
	v22 =	vor.u32 v10, v23  }
0x3eb: {  	s18 =	simm.s32 $0xA30;
	v20 =	vor.u32 v9, v20  }
0x3ec: {  	v20 =	vor.u32 v10, v20;
	v19 =	vadd.f32 v21, v19;
	v21 =	vmov s18  }
0x3ed: {  	v21 =	vshll.u32 v21, $0x4  }
0x3ee: {  	[tilespmem:$0x1A9C0] =	vst v19;
	v24 =	vor.u32 v8, v21  }
0x3ef: {  	v19 =	vld.idx.msk [tilespmem:v22+s19+$0x0], $0xffff;
	v22 =	vor.u32 v10, v24  }
0x3f0: {  	v21 =	vor.u32 v9, v21  }
0x3f1: {  	s12 =	simm.s32 $0xA38;
	v23 =	vimm.f32 $0.0e+00;
	v20 =	vld.idx.msk [tilespmem:v20+s19+$0x0], $0xffff;
	v21 =	vor.u32 v10, v21  }
.LBB2_63:
0x3f2: {  	v24 =	vmov s12;
	p0 =	sne.s32 s12, $0xAE8;
	s12 =	sadd.s32 $0x8, s12  }
.Ltmp30:
0x3f3: {  	v24 =	vshll.u32 v24, $0x4;
	(pc) =	sbr.rel @p0 .LBB2_63-.Ltmp30, $4  }
0x3f4: {  	v23 =	vadd.f32 v19, v23;
	v25 =	vor.u32 v8, v24;
	v19 =	vld.idx.msk [tilespmem:v22+s19+$0x0], $0xffff  }
0x3f5: {  	v22 =	vor.u32 v10, v25  }
0x3f6: {  	v24 =	vor.u32 v9, v24;
	v23 =	vadd.f32 v20, v23;
	v20 =	vld.idx.msk [tilespmem:v21+s19+$0x0], $0xffff  }
0x3f7: {  	v21 =	vor.u32 v10, v24  }
0x3f8: {  	_ =	sdelay $0x3  }
0x3f9: {  	v22 =	vld.idx.msk [tilespmem:v22+s19+$0x0], $0xffff  }
0x3fa: {  	s9 =	simm.s32 $0xAF0;
	v19 =	vadd.f32 v19, v23  }
0x3fb: {  	v21 =	vld.idx.msk [tilespmem:v21+s19+$0x0], $0xffff;
	v23 =	vmov s9  }
0x3fc: {  	v19 =	vadd.f32 v20, v19;
	v20 =	vshll.u32 v23, $0x4  }
0x3fd: {  	v23 =	vor.u32 v8, v20  }
0x3fe: {  	v19 =	vadd.f32 v22, v19;
	v22 =	vor.u32 v10, v23  }
0x3ff: {  	s18 =	simm.s32 $0xAF8;
	v20 =	vor.u32 v9, v20  }
0x400: {  	v20 =	vor.u32 v10, v20;
	v19 =	vadd.f32 v21, v19;
	v21 =	vmov s18  }
0x401: {  	v21 =	vshll.u32 v21, $0x4  }
0x402: {  	[tilespmem:$0x1A9D0] =	vst v19;
	v24 =	vor.u32 v8, v21  }
0x403: {  	v19 =	vld.idx.msk [tilespmem:v22+s19+$0x0], $0xffff;
	v22 =	vor.u32 v10, v24  }
0x404: {  	v21 =	vor.u32 v9, v21  }
0x405: {  	s12 =	simm.s32 $0xB00;
	v23 =	vimm.f32 $0.0e+00;
	v20 =	vld.idx.msk [tilespmem:v20+s19+$0x0], $0xffff;
	v21 =	vor.u32 v10, v21  }
.LBB2_65:
0x406: {  	v24 =	vmov s12;
	p0 =	sne.s32 s12, $0xBB0;
	s12 =	sadd.s32 $0x8, s12  }
.Ltmp31:
0x407: {  	v24 =	vshll.u32 v24, $0x4;
	(pc) =	sbr.rel @p0 .LBB2_65-.Ltmp31, $4  }
0x408: {  	v23 =	vadd.f32 v19, v23;
	v25 =	vor.u32 v8, v24;
	v19 =	vld.idx.msk [tilespmem:v22+s19+$0x0], $0xffff  }
0x409: {  	v22 =	vor.u32 v10, v25  }
0x40a: {  	v24 =	vor.u32 v9, v24;
	v23 =	vadd.f32 v20, v23;
	v20 =	vld.idx.msk [tilespmem:v21+s19+$0x0], $0xffff  }
0x40b: {  	v21 =	vor.u32 v10, v24  }
0x40c: {  	_ =	sdelay $0x3  }
0x40d: {  	v22 =	vld.idx.msk [tilespmem:v22+s19+$0x0], $0xffff  }
0x40e: {  	s9 =	simm.s32 $0xBB8;
	v19 =	vadd.f32 v19, v23  }
0x40f: {  	v21 =	vld.idx.msk [tilespmem:v21+s19+$0x0], $0xffff;
	v23 =	vmov s9  }
0x410: {  	v19 =	vadd.f32 v20, v19;
	v20 =	vshll.u32 v23, $0x4  }
0x411: {  	v23 =	vor.u32 v8, v20  }
0x412: {  	v19 =	vadd.f32 v22, v19;
	v22 =	vor.u32 v10, v23  }
0x413: {  	s18 =	simm.s32 $0xBC0;
	v20 =	vor.u32 v9, v20  }
0x414: {  	v20 =	vor.u32 v10, v20;
	v19 =	vadd.f32 v21, v19;
	v21 =	vmov s18  }
0x415: {  	v21 =	vshll.u32 v21, $0x4  }
0x416: {  	[tilespmem:$0x1A9E0] =	vst v19;
	v24 =	vor.u32 v8, v21  }
0x417: {  	v19 =	vld.idx.msk [tilespmem:v22+s19+$0x0], $0xffff;
	v22 =	vor.u32 v9, v21;
	v21 =	vor.u32 v10, v24;
	_ =	sdelay $0x1  }
0x418: {  	s12 =	simm.s32 $0xBC8;
	v23 =	vimm.f32 $0.0e+00;
	v20 =	vld.idx.msk [tilespmem:v20+s19+$0x0], $0xffff;
	v22 =	vor.u32 v10, v22  }
.LBB2_67:
0x419: {  	v24 =	vmov s12;
	p0 =	sne.s32 s12, $0xC78;
	s12 =	sadd.s32 $0x8, s12  }
.Ltmp32:
0x41a: {  	v24 =	vshll.u32 v24, $0x4;
	(pc) =	sbr.rel @p0 .LBB2_67-.Ltmp32, $4  }
0x41b: {  	v23 =	vadd.f32 v19, v23;
	v25 =	vor.u32 v8, v24;
	v19 =	vld.idx.msk [tilespmem:v21+s19+$0x0], $0xffff  }
0x41c: {  	v21 =	vor.u32 v10, v25  }
0x41d: {  	v24 =	vor.u32 v9, v24;
	v23 =	vadd.f32 v20, v23;
	v20 =	vld.idx.msk [tilespmem:v22+s19+$0x0], $0xffff  }
0x41e: {  	v22 =	vor.u32 v10, v24  }
0x41f: {  	_ =	sdelay $0x3  }
0x420: {  	v21 =	vld.idx.msk [tilespmem:v21+s19+$0x0], $0xffff  }
0x421: {  	v19 =	vadd.f32 v19, v23  }
0x422: {  	v22 =	vld.idx.msk [tilespmem:v22+s19+$0x0], $0xffff  }
0x423: {  	v19 =	vadd.f32 v20, v19;
	_ =	sdelay $0x1  }
0x424: {  	v19 =	vadd.f32 v21, v19;
	_ =	sdelay $0x1  }
0x425: {  	v19 =	vadd.f32 v22, v19;
	_ =	sdelay $0x1  }
0x426: {  	[tilespmem:$0x1A9F0] =	vst v19  }
0x427: {  	v19 =	vld.idx.msk [tilespmem:v0+s31+$0x0], $0xffff  }
0x428: {  	v20 =	vld.idx.msk [tilespmem:v1+s31+$0x0], $0xffff;
	_ =	sdelay $0x1  }
0x429: {  	v56 =	vld.idx.msk [tilespmem:v2+s31+$0x0], $0xffff;
	_ =	sdelay $0x1  }
0x42a: {  	v57 =	vld.idx.msk [tilespmem:v3+s31+$0x0], $0xffff  }
0x42b: {  	v19 =	vadd.f32 v20, v19  }
0x42c: {  	v20 =	vld [tilespmem:$0x1AA40]  }
0x42d: {  	v19 =	vadd.f32 v56, v19;
	_ =	sdelay $0x1  }
0x42e: {  	v19 =	vadd.f32 v57, v19;
	_ =	sdelay $0x1  }
0x42f: {  	v19 =	vadd.f32 v20, v19;
	_ =	sdelay $0x1  }
0x430: {  	[tilespmem:$0x1AA00] =	vst v19  }
0x431: {  	v19 =	vld.idx.msk [tilespmem:v4+s31+$0x0], $0xffff  }
0x432: {  	v20 =	vld.idx.msk [tilespmem:v5+s31+$0x0], $0xffff;
	_ =	sdelay $0x1  }
0x433: {  	v58 =	vld.idx.msk [tilespmem:v6+s31+$0x0], $0xffff;
	_ =	sdelay $0x1  }
0x434: {  	v59 =	vld.idx.msk [tilespmem:v7+s31+$0x0], $0xffff  }
0x435: {  	v19 =	vadd.f32 v20, v19  }
0x436: {  	v20 =	vld [tilespmem:$0x1AA40]  }
0x437: {  	v19 =	vadd.f32 v58, v19;
	_ =	sdelay $0x1  }
0x438: {  	v19 =	vadd.f32 v59, v19;
	_ =	sdelay $0x1  }
0x439: {  	v19 =	vadd.f32 v20, v19;
	_ =	sdelay $0x1  }
0x43a: {  	[tilespmem:$0x1AA10] =	vst v19  }
0x43b: {  	v19 =	vld.idx.msk [tilespmem:v11+s31+$0x0], $0xffff  }
0x43c: {  	v20 =	vld.idx.msk [tilespmem:v12+s31+$0x0], $0xffff;
	_ =	sdelay $0x1  }
0x43d: {  	v60 =	vld.idx.msk [tilespmem:v13+s31+$0x0], $0xffff;
	_ =	sdelay $0x1  }
0x43e: {  	v61 =	vld.idx.msk [tilespmem:v14+s31+$0x0], $0xffff  }
0x43f: {  	v19 =	vadd.f32 v20, v19  }
0x440: {  	v20 =	vld [tilespmem:$0x1AA40]  }
0x441: {  	v19 =	vadd.f32 v60, v19;
	_ =	sdelay $0x1  }
0x442: {  	v19 =	vadd.f32 v61, v19;
	_ =	sdelay $0x1  }
0x443: {  	v19 =	vadd.f32 v20, v19;
	_ =	sdelay $0x1  }
0x444: {  	[tilespmem:$0x1AA20] =	vst v19  }
0x445: {  	v19 =	vld.idx.msk [tilespmem:v15+s31+$0x0], $0xffff  }
0x446: {  	v20 =	vld.idx.msk [tilespmem:v16+s31+$0x0], $0xffff;
	_ =	sdelay $0x1  }
0x447: {  	v62 =	vld.idx.msk [tilespmem:v17+s31+$0x0], $0xffff;
	_ =	sdelay $0x1  }
0x448: {  	v63 =	vld.idx.msk [tilespmem:v18+s31+$0x0], $0xffff  }
0x449: {  	v19 =	vadd.f32 v20, v19  }
0x44a: {  	v20 =	vld [tilespmem:$0x1AA40]  }
0x44b: {  	v19 =	vadd.f32 v62, v19;
	_ =	sdelay $0x1  }
0x44c: {  	v19 =	vadd.f32 v63, v19;
	_ =	sdelay $0x1  }
0x44d: {  	s7 =	sadd.s32 $0x1, s7;
	v19 =	vadd.f32 v20, v19  }
0x44e: {  	s6 =	sshrl.u32 s6, $0x1;
	s9 =	rddreg [dreg:$0x1];
	p0 =	sne.s32 s7, $0x10  }
.Ltmp33:
0x44f: {  	s6 =	sadd.s32 s9, s6;
	[tilespmem:$0x1AA30] =	vst v19;
	(pc) =	sbr.rel @p0 .LBB2_2-.Ltmp33, $4  }
0x450: {  	[hbm4b:s6+s2] =	stream.linear.scatter [tilespmem:s0], [sflag:$0x3], $0x40, $0x38;
	[tilespmem:$0x1AA50] =	vst v63  }
0x451: {  	_ =	swait.ge [sflag:s23], $0x40  }
0x452: {  	[sflag:s23] =	ssyncset.done $0x0  }
0x453: {  	[sflag:s23] =	ssyncadd.s32 $0xFFFFFFC0  }
0x454: {  	s7 =	rddreg [dreg:$0x7]  }
0x455: {  	s6 =	rddreg [dreg:$0x6];
	s7 =	sadd.s32 $0x1, s7  }
0x456: {  	p0 =	sne.s32 s7, s6  }
.Ltmp34:
0x457: {  	_ = 	snop;
	(pc) =	sbr.rel @p0 .LBB2_1-.Ltmp34, $1  }
0x458: {  	_ =	sdelay $0x3  }
0x459: {  	_ =	sfence.sel $0x180000  }
0x45a: {  	[bflag:$0x0] =	sbarrier.arrive $0xFFFF  }
0x45b: {  	_ =	strace $0x90000047  }
0x45c: {  	s0 =	stileid.u32;
	[bflag:$0x2] =	sbarrier.arrive $0xFFFF  }
0x45d: {  	p0 =	sne.s32 s0, $0x0;
	s0 =	rddreg [dreg:$0x2]  }
0x45e: {  	s0 =	sadd.s32 @!p0 $0x100000, s0  }
0x45f: {  	[sflag:s0] =	ssyncadd.tile.s32 @!p0 $0x1;
	_ =	shalt  }
.Lfunc_end2:
_tile_overlayer_lowered:
.L_overlay_start_2:
0x460: {  	(tag) =	ssettag $0x2  }
0x461: {  	s0 =	rddreg [dreg:$0x0];
	s2 =	stileid.u32  }
0x462: {  	s1 =	rddreg [dreg:$0x1];
	p0 =	sne.s32 s2, $0x0  }
0x463: {  	s3 =	rddreg [dreg:$0x2];
	[bflag:$0x3] =	sbarrier.arrive $0xFFFF;
	s2 =	simm.s32 @!p0 $0x1C03  }
0x464: {  	[timem:s3], [sflag:s2] =	dma.local @!p0 [hbm:s0], s1  }
0x465: {  	s0 =	simm.s32 @!p0 $0x3  }
0x466: {  	_ =	swait.ge @!p0 [sflag:s0], s1  }
0x467: {  	s1 =	ssub.s32 @!p0 $0x0, s1;
	[sflag:s0] =	ssyncset.done @!p0 $0x0  }
0x468: {  	[sflag:s0] =	ssyncadd.s32 @!p0 s1  }
0x469: {  	[bflag:$0x3] =	sbarrier.arrive $0xFFFF  }
0x46a: {  	_ =	shalt  }

</sc_bundles>
